<compile_context>
chip_gen: v7x
topology: tpu7x:2x2x1
jax: 0.10.2.dev20260603
libtpu: 0.0.44.dev20260713+nightly
codegen_flags: <defaults>
</compile_context>

<pallas_src>
import functools

import jax
import jax.numpy as jnp
from jax import lax
from jax.experimental import pallas as pl
from jax.experimental.pallas import tpu as pltpu
from jax.experimental.pallas import tpu_sc as plsc

_NUM_EMBEDDINGS = 1000000
_EMBED_DIM = 64
_BATCH = 16384

_NC = 2
_NS = 16
_NW = _NC * _NS
_L = 16
_NTILE = 7813
_TPW = 245
_RING = 5
_STAGE = 128
_CAP = _BATCH + _L
_HN = 272
_WN = _HN + 2 * _L


def _lane0(vec):
    return lax.squeeze(lax.slice(vec, (0,), (1,)), (0,))


def _lane15(vec):
    return lax.squeeze(lax.slice(vec, (_L - 1,), (_L,)), (0,))


def _extract(vec, onehot):
    return jnp.sum(jnp.where(onehot, vec, 0))


@functools.partial(
    pl.kernel,
    mesh=plsc.VectorSubcoreMesh(core_axis_name="c", subcore_axis_name="s"),
    compiler_params=pltpu.CompilerParams(needs_layout_passes=False),
    out_type=jax.ShapeDtypeStruct((_BATCH + _NW, 2 * _EMBED_DIM),
                                  jnp.float32),
    scratch_types=[
        pltpu.VMEM((_BATCH,), jnp.int32),
        pltpu.VMEM((_CAP,), jnp.int32),
        pltpu.VMEM((_CAP,), jnp.int32),
        pltpu.VMEM((_HN,), jnp.int32),
        pltpu.VMEM((_HN,), jnp.int32),
        pltpu.VMEM((_HN,), jnp.int32),
        pltpu.VMEM((_WN,), jnp.int32),
        pltpu.VMEM((_RING, _EMBED_DIM, 128), jnp.float32),
        pltpu.VMEM((_STAGE, 2 * _EMBED_DIM), jnp.float32),
        pltpu.VMEM((_STAGE,), jnp.int32),
        pltpu.SemaphoreType.DMA,
        pltpu.SemaphoreType.DMA,
        pltpu.SemaphoreType.DMA,
        pltpu.SemaphoreType.DMA,
        pltpu.SemaphoreType.DMA,
        pltpu.SemaphoreType.DMA,
    ],
)
def _sweep_gather(idx_hbm, tab_hbm, out_hbm, idx_v, raw_v, srt_v,
                  hist_v, starts_v, offs_v, wl_v, bufs_v, stage_v, bvec_v,
                  *sems):
    sem_f = sems[_RING]
    wid = lax.axis_index("s") * _NC + lax.axis_index("c")
    c_lo = (wid * (_NTILE - _TPW)) // (_NW - 1)
    iota = lax.iota(jnp.int32, _L)
    zeros = jnp.zeros((_L,), jnp.int32)
    lane0_m = iota == 0

    pltpu.sync_copy(idx_hbm, idx_v)
    dump = jnp.broadcast_to(_BATCH + wid, (_L,))
    for k in range(_STAGE // _L):
        bvec_v[pl.ds(k * _L, _L)] = dump
    for k in range(_HN // _L):
        hist_v[pl.ds(k * _L, _L)] = zeros

    def _sc_read(ref, pos):
        return _lane0(plsc.load_gather(ref, [jnp.broadcast_to(pos, (_L,))]))

    def _sc_write(ref, pos, val):
        plsc.store_scatter(ref, [jnp.broadcast_to(pos, (_L,))],
                           jnp.broadcast_to(val, (_L,)), mask=lane0_m)

    lo = c_lo * 128
    hi = (c_lo + _TPW) * 128

    ones = jnp.ones((_L,), jnp.int32)

    def _build(ch, cnt):
        v = idx_v[pl.ds(ch * _L, _L)]
        m = (v >= lo) & (v < hi)
        t = (v >> 7) - c_lo
        raw = (t << 21) | ((iota + ch * _L) << 7) | (v & 127)
        plsc.store_compressed(raw_v.at[pl.ds(cnt, _L)], raw, mask=m)
        plsc.addupdate_scatter(hist_v, [jnp.where(m, t, 0)], ones,
                               mask=m)
        return cnt + _lane0(plsc.all_reduce_population_count(m))

    cnt = lax.fori_loop(0, _BATCH // _L, _build, jnp.int32(0))

    def _prefix(k, carry):
        h = hist_v[pl.ds(k * _L, _L)]
        incl = plsc.cumsum(h) + carry
        excl = incl - h
        starts_v[pl.ds(k * _L, _L)] = excl
        offs_v[pl.ds(k * _L, _L)] = excl
        return _lane15(incl)

    lax.fori_loop(0, _HN // _L, _prefix, jnp.int32(0))

    def _wl(k, n):
        h = hist_v[pl.ds(k * _L, _L)]
        m = h > 0
        plsc.store_compressed(wl_v.at[pl.ds(n, _L)], iota + k * _L, mask=m)
        return n + _lane0(plsc.all_reduce_population_count(m))

    n_act = lax.fori_loop(0, _HN // _L, _wl, jnp.int32(0))
    n_grp = (n_act + _RING - 1) // _RING
    n_pad = n_grp * _RING
    last = _sc_read(wl_v, jnp.maximum(n_act - 1, 0))

    @pl.when(n_act > 0)
    def _():
        plsc.store_scatter(
            wl_v, [n_act + iota], jnp.broadcast_to(last, (_L,)))

    def _fetch(t, slot):
        c0 = pl.multiple_of(t * 128, 128)
        pltpu.async_copy(
            tab_hbm.at[:, pl.ds(c0, 128)], bufs_v.at[slot], sems[slot])

    def _flush():
        pltpu.async_copy(stage_v, out_hbm.at[bvec_v], sem_f).wait()

    @pl.when(n_act > 0)
    def _():
        for r in range(_RING):
            _fetch(_sc_read(wl_v, jnp.minimum(r, n_pad - 1)) + c_lo, r)

    def _place(q, carry):
        vq = raw_v[pl.ds(q * _L, _L)]
        tq = vq >> 21
        mt = iota + q * _L < cnt
        rank, _last = plsc.scan_count(tq, mask=mt)
        bases = plsc.load_gather(offs_v, [jnp.where(mt, tq, 0)])
        dest = bases + rank - 1
        plsc.store_scatter(srt_v, [jnp.where(mt, dest, 0)], vq, mask=mt)
        plsc.store_scatter(offs_v, [jnp.where(mt, tq, 0)], dest + 1,
                           mask=mt & _last)
        return carry

    lax.fori_loop(0, (cnt + _L - 1) // _L, _place, jnp.int32(0))

    def _grp(g, slot_cnt):
        sc = slot_cnt
        for r in range(_RING):
            pos = g * _RING + r
            pltpu.make_async_copy(
                tab_hbm.at[:, pl.ds(0, 128)], bufs_v.at[r], sems[r]
            ).wait()
            t = _sc_read(wl_v, pos)
            seg_s = _sc_read(starts_v, t)
            seg_e = _sc_read(offs_v, t)
            buf = bufs_v.at[r]

            def _cand(k, sc2):
                val = _sc_read(srt_v, k)
                col = jnp.broadcast_to(val & 127, (_L,))
                row = jnp.broadcast_to(sc2, (_L,))
                for j in range(_EMBED_DIM // _L):
                    vals = plsc.load_gather(buf, [iota + j * _L, col])
                    plsc.store_scatter(stage_v, [row, iota + j * _L], vals)
                plsc.store_scatter(bvec_v, [row],
                                   jnp.broadcast_to((val >> 7) & 16383, (_L,)),
                                   mask=lane0_m)
                sc3 = sc2 + 1

                def _full(_):
                    _flush()
                    return jnp.int32(0)

                return lax.cond(sc3 == _STAGE, _full, lambda x: x, sc3)

            sc = lax.fori_loop(seg_s, seg_e, _cand, sc)

            @pl.when(pos + _RING < n_pad)
            def _():
                _fetch(_sc_read(wl_v, pos + _RING) + c_lo, r)
        return sc

    slot_cnt = lax.fori_loop(0, n_grp, _grp, jnp.int32(0))
    lax.cond(slot_cnt > 0, lambda: _flush(), lambda: None)


def kernel(input, table):
    idx = input.astype(jnp.int32)
    out_p = _sweep_gather(idx, table.T)
    return out_p[:_BATCH, :_EMBED_DIM].reshape(_BATCH, 1, 8, 8)

# --- scband reference (transcript-rebuilt; emitter-appended) ---
"""Pipeline reference for scband-embedding-net-78786880078142 (READ-ONLY COPY).

The authoritative reference and input builder live on the scoring server;
editing this copy changes nothing except your own understanding.
"""

import jax, jax.numpy as jnp
import numpy as np

NUM_EMBEDDINGS = 1000000
SHAPE = (8, 8)
EMBED_DIM = SHAPE[0] * SHAPE[1]
BATCH = 16384


def setup_inputs(seed: int = 0) -> dict:
    key = jax.random.key(seed)
    k_idx, k_w = jax.random.split(key)
    indices = jax.random.randint(k_idx, (BATCH,), 0, NUM_EMBEDDINGS, dtype=jnp.int64 if jax.config.jax_enable_x64 else jnp.int32)
    # nn.Embedding default init: N(0, 1)
    table = jax.random.normal(k_w, (NUM_EMBEDDINGS, EMBED_DIM), dtype=jnp.float32)
    return {"input": indices, "table": table}


def reference(input, table) -> jnp.ndarray:
    # Embedding lookup (gather rows)
    x = jnp.take(table, input, axis=0)  # (batch, embed_dim)
    # Reshape to (batch, 1, H, W)
    output = x.reshape(-1, 1, SHAPE[0], SHAPE[1])
    return output

if __name__ == "__main__":
    import jax
    _d = setup_inputs()
    print(jax.jit(kernel)(*tuple(_d.values())))

</pallas_src>

<mosaic_0001>
#map = affine_map<(d0, d1) -> (0)>
#map1 = affine_map<(d0, d1) -> (0, 0)>
module attributes {stable_mosaic.version = 14 : i64} {
  func.func @_sweep_gather(%arg0: i32, %arg1: i32, %arg2: memref<16384xi32, #tpu.memory_space<hbm>>, %arg3: memref<64x1000000xf32, #tpu.memory_space<hbm>>, %arg4: memref<16416x128xf32, #tpu.memory_space<hbm>>, %arg5: memref<16384xi32, #tpu.memory_space<vmem>>, %arg6: memref<16400xi32, #tpu.memory_space<vmem>>, %arg7: memref<16400xi32, #tpu.memory_space<vmem>>, %arg8: memref<272xi32, #tpu.memory_space<vmem>>, %arg9: memref<272xi32, #tpu.memory_space<vmem>>, %arg10: memref<272xi32, #tpu.memory_space<vmem>>, %arg11: memref<304xi32, #tpu.memory_space<vmem>>, %arg12: memref<5x64x128xf32, #tpu.memory_space<vmem>>, %arg13: memref<128x128xf32, #tpu.memory_space<vmem>>, %arg14: memref<128xi32, #tpu.memory_space<vmem>>, %arg15: memref<!tpu.dma_semaphore, #tpu.memory_space<semaphore_mem>>, %arg16: memref<!tpu.dma_semaphore, #tpu.memory_space<semaphore_mem>>, %arg17: memref<!tpu.dma_semaphore, #tpu.memory_space<semaphore_mem>>, %arg18: memref<!tpu.dma_semaphore, #tpu.memory_space<semaphore_mem>>, %arg19: memref<!tpu.dma_semaphore, #tpu.memory_space<semaphore_mem>>, %arg20: memref<!tpu.dma_semaphore, #tpu.memory_space<semaphore_mem>>) attributes {dimension_semantics = [#tpu.dimension_semantics<core_parallel>, #tpu.dimension_semantics<subcore_parallel>], iteration_bounds = array<i64: 2, 16>, scalar_prefetch = 0 : i64, scratch_operands = 16 : i64, tpu.core_type = #tpu.core_type<sc_vector_subcore>, window_params = [{transform_indices = #map}, {transform_indices = #map1}, {transform_indices = #map1}]} {
    %mul3A = arith.constant 2 : i32
    %mul3A_0 = arith.muli %arg1, %mul3A : i32
    %add3A = arith.addi %mul3A_0, %arg0 : i32
    %mul3A_1 = arith.constant 7568 : i32
    %mul3A_2 = arith.muli %add3A, %mul3A_1 : i32
    %jit3A = arith.constant 31 : i32
    %div3A = arith.divsi %mul3A_2, %jit3A : i32
    %sign3A = arith.constant 0 : i32
    %sign3A_3 = arith.cmpi sgt, %mul3A_2, %sign3A : i32
    %sign3A_4 = arith.extui %sign3A_3 : i1 to i32
    %sign3A_5 = arith.constant 0 : i32
    %sign3A_6 = arith.cmpi slt, %mul3A_2, %sign3A_5 : i32
    %sign3A_7 = arith.extui %sign3A_6 : i1 to i32
    %sign3A_8 = arith.subi %sign3A_4, %sign3A_7 : i32
    %sign3A_9 = arith.constant 0 : i32
    %sign3A_10 = arith.cmpi sgt, %jit3A, %sign3A_9 : i32
    %sign3A_11 = arith.extui %sign3A_10 : i1 to i32
    %sign3A_12 = arith.constant 0 : i32
    %sign3A_13 = arith.cmpi slt, %jit3A, %sign3A_12 : i32
    %sign3A_14 = arith.extui %sign3A_13 : i1 to i32
    %sign3A_15 = arith.subi %sign3A_11, %sign3A_14 : i32
    %ne3A = arith.cmpi ne, %sign3A_8, %sign3A_15 : i32
    %rem3A = arith.remsi %mul3A_2, %jit3A : i32
    %ne3A_16 = arith.constant 0 : i32
    %ne3A_17 = arith.cmpi ne, %rem3A, %ne3A_16 : i32
    %and3A = arith.andi %ne3A, %ne3A_17 : i1
    %sub3A = arith.constant 1 : i32
    %sub3A_18 = arith.subi %div3A, %sub3A : i32
    %select_n3A = arith.select %and3A, %sub3A_18, %div3A : i32
    %iota3A = tpu.iota {dimensions = array<i32: 0>} : vector<16xi32>
    %broadcast_in_dim3A = arith.constant 0 : i32
    %broadcast_in_dim3A_19 = vector.broadcast %broadcast_in_dim3A : i32 to vector<16xi32>
    %eq3A = arith.constant 0 : i32
    %eq3A_20 = vector.broadcast %eq3A : i32 to vector<16xi32>
    %eq3A_21 = arith.cmpi eq, %iota3A, %eq3A_20 : vector<16xi32>
    "tpu.region"() ({
      %run_scoped3A = tpu.sem_alloc : memref<!tpu.dma_semaphore, #tpu.memory_space<semaphore_mem>>
      tpu.enqueue_dma source(%arg2 : memref<16384xi32, #tpu.memory_space<hbm>>) target(%arg5 : memref<16384xi32, #tpu.memory_space<vmem>>) target_semaphore(%run_scoped3A : memref<!tpu.dma_semaphore, #tpu.memory_space<semaphore_mem>>)
      tpu.wait_dma2 semaphore(%run_scoped3A : memref<!tpu.dma_semaphore, #tpu.memory_space<semaphore_mem>>) src(%arg2 : memref<16384xi32, #tpu.memory_space<hbm>>) dst(%arg5 : memref<16384xi32, #tpu.memory_space<vmem>>)
      tpu.yield
    }) : () -> ()
    %add3A_22 = arith.constant 16384 : i32
    %add3A_23 = arith.addi %add3A_22, %add3A : i32
    %broadcast_in_dim3A_24 = vector.broadcast %add3A_23 : i32 to vector<16xi32>
    %swap3A = arith.constant 0 : index
    %swap3A_25 = tpu.vector_load %arg14[%swap3A] {strides = array<i32>} : memref<128xi32, #tpu.memory_space<vmem>>, vector<16xi32>,
    tpu.vector_store %arg14[%swap3A], %broadcast_in_dim3A_24 {strides = array<i32>} : memref<128xi32, #tpu.memory_space<vmem>>, vector<16xi32>,
    %swap3A_26 = arith.constant 16 : index
    %swap3A_27 = tpu.vector_load %arg14[%swap3A_26] {strides = array<i32>} : memref<128xi32, #tpu.memory_space<vmem>>, vector<16xi32>,
    tpu.vector_store %arg14[%swap3A_26], %broadcast_in_dim3A_24 {strides = array<i32>} : memref<128xi32, #tpu.memory_space<vmem>>, vector<16xi32>,
    %swap3A_28 = arith.constant 32 : index
    %swap3A_29 = tpu.vector_load %arg14[%swap3A_28] {strides = array<i32>} : memref<128xi32, #tpu.memory_space<vmem>>, vector<16xi32>,
    tpu.vector_store %arg14[%swap3A_28], %broadcast_in_dim3A_24 {strides = array<i32>} : memref<128xi32, #tpu.memory_space<vmem>>, vector<16xi32>,
    %swap3A_30 = arith.constant 48 : index
    %swap3A_31 = tpu.vector_load %arg14[%swap3A_30] {strides = array<i32>} : memref<128xi32, #tpu.memory_space<vmem>>, vector<16xi32>,
    tpu.vector_store %arg14[%swap3A_30], %broadcast_in_dim3A_24 {strides = array<i32>} : memref<128xi32, #tpu.memory_space<vmem>>, vector<16xi32>,
    %swap3A_32 = arith.constant 64 : index
    %swap3A_33 = tpu.vector_load %arg14[%swap3A_32] {strides = array<i32>} : memref<128xi32, #tpu.memory_space<vmem>>, vector<16xi32>,
    tpu.vector_store %arg14[%swap3A_32], %broadcast_in_dim3A_24 {strides = array<i32>} : memref<128xi32, #tpu.memory_space<vmem>>, vector<16xi32>,
    %swap3A_34 = arith.constant 80 : index
    %swap3A_35 = tpu.vector_load %arg14[%swap3A_34] {strides = array<i32>} : memref<128xi32, #tpu.memory_space<vmem>>, vector<16xi32>,
    tpu.vector_store %arg14[%swap3A_34], %broadcast_in_dim3A_24 {strides = array<i32>} : memref<128xi32, #tpu.memory_space<vmem>>, vector<16xi32>,
    %swap3A_36 = arith.constant 96 : index
    %swap3A_37 = tpu.vector_load %arg14[%swap3A_36] {strides = array<i32>} : memref<128xi32, #tpu.memory_space<vmem>>, vector<16xi32>,
    tpu.vector_store %arg14[%swap3A_36], %broadcast_in_dim3A_24 {strides = array<i32>} : memref<128xi32, #tpu.memory_space<vmem>>, vector<16xi32>,
    %swap3A_38 = arith.constant 112 : index
    %swap3A_39 = tpu.vector_load %arg14[%swap3A_38] {strides = array<i32>} : memref<128xi32, #tpu.memory_space<vmem>>, vector<16xi32>,
    tpu.vector_store %arg14[%swap3A_38], %broadcast_in_dim3A_24 {strides = array<i32>} : memref<128xi32, #tpu.memory_space<vmem>>, vector<16xi32>,
    %swap3A_40 = arith.constant 0 : index
    %swap3A_41 = tpu.vector_load %arg8[%swap3A_40] {strides = array<i32>} : memref<272xi32, #tpu.memory_space<vmem>>, vector<16xi32>,
    tpu.vector_store %arg8[%swap3A_40], %broadcast_in_dim3A_19 {strides = array<i32>} : memref<272xi32, #tpu.memory_space<vmem>>, vector<16xi32>,
    %swap3A_42 = arith.constant 16 : index
    %swap3A_43 = tpu.vector_load %arg8[%swap3A_42] {strides = array<i32>} : memref<272xi32, #tpu.memory_space<vmem>>, vector<16xi32>,
    tpu.vector_store %arg8[%swap3A_42], %broadcast_in_dim3A_19 {strides = array<i32>} : memref<272xi32, #tpu.memory_space<vmem>>, vector<16xi32>,
    %swap3A_44 = arith.constant 32 : index
    %swap3A_45 = tpu.vector_load %arg8[%swap3A_44] {strides = array<i32>} : memref<272xi32, #tpu.memory_space<vmem>>, vector<16xi32>,
    tpu.vector_store %arg8[%swap3A_44], %broadcast_in_dim3A_19 {strides = array<i32>} : memref<272xi32, #tpu.memory_space<vmem>>, vector<16xi32>,
    %swap3A_46 = arith.constant 48 : index
    %swap3A_47 = tpu.vector_load %arg8[%swap3A_46] {strides = array<i32>} : memref<272xi32, #tpu.memory_space<vmem>>, vector<16xi32>,
    tpu.vector_store %arg8[%swap3A_46], %broadcast_in_dim3A_19 {strides = array<i32>} : memref<272xi32, #tpu.memory_space<vmem>>, vector<16xi32>,
    %swap3A_48 = arith.constant 64 : index
    %swap3A_49 = tpu.vector_load %arg8[%swap3A_48] {strides = array<i32>} : memref<272xi32, #tpu.memory_space<vmem>>, vector<16xi32>,
    tpu.vector_store %arg8[%swap3A_48], %broadcast_in_dim3A_19 {strides = array<i32>} : memref<272xi32, #tpu.memory_space<vmem>>, vector<16xi32>,
    %swap3A_50 = arith.constant 80 : index
    %swap3A_51 = tpu.vector_load %arg8[%swap3A_50] {strides = array<i32>} : memref<272xi32, #tpu.memory_space<vmem>>, vector<16xi32>,
    tpu.vector_store %arg8[%swap3A_50], %broadcast_in_dim3A_19 {strides = array<i32>} : memref<272xi32, #tpu.memory_space<vmem>>, vector<16xi32>,
    %swap3A_52 = arith.constant 96 : index
    %swap3A_53 = tpu.vector_load %arg8[%swap3A_52] {strides = array<i32>} : memref<272xi32, #tpu.memory_space<vmem>>, vector<16xi32>,
    tpu.vector_store %arg8[%swap3A_52], %broadcast_in_dim3A_19 {strides = array<i32>} : memref<272xi32, #tpu.memory_space<vmem>>, vector<16xi32>,
    %swap3A_54 = arith.constant 112 : index
    %swap3A_55 = tpu.vector_load %arg8[%swap3A_54] {strides = array<i32>} : memref<272xi32, #tpu.memory_space<vmem>>, vector<16xi32>,
    tpu.vector_store %arg8[%swap3A_54], %broadcast_in_dim3A_19 {strides = array<i32>} : memref<272xi32, #tpu.memory_space<vmem>>, vector<16xi32>,
    %swap3A_56 = arith.constant 128 : index
    %swap3A_57 = tpu.vector_load %arg8[%swap3A_56] {strides = array<i32>} : memref<272xi32, #tpu.memory_space<vmem>>, vector<16xi32>,
    tpu.vector_store %arg8[%swap3A_56], %broadcast_in_dim3A_19 {strides = array<i32>} : memref<272xi32, #tpu.memory_space<vmem>>, vector<16xi32>,
    %swap3A_58 = arith.constant 144 : index
    %swap3A_59 = tpu.vector_load %arg8[%swap3A_58] {strides = array<i32>} : memref<272xi32, #tpu.memory_space<vmem>>, vector<16xi32>,
    tpu.vector_store %arg8[%swap3A_58], %broadcast_in_dim3A_19 {strides = array<i32>} : memref<272xi32, #tpu.memory_space<vmem>>, vector<16xi32>,
    %swap3A_60 = arith.constant 160 : index
    %swap3A_61 = tpu.vector_load %arg8[%swap3A_60] {strides = array<i32>} : memref<272xi32, #tpu.memory_space<vmem>>, vector<16xi32>,
    tpu.vector_store %arg8[%swap3A_60], %broadcast_in_dim3A_19 {strides = array<i32>} : memref<272xi32, #tpu.memory_space<vmem>>, vector<16xi32>,
    %swap3A_62 = arith.constant 176 : index
    %swap3A_63 = tpu.vector_load %arg8[%swap3A_62] {strides = array<i32>} : memref<272xi32, #tpu.memory_space<vmem>>, vector<16xi32>,
    tpu.vector_store %arg8[%swap3A_62], %broadcast_in_dim3A_19 {strides = array<i32>} : memref<272xi32, #tpu.memory_space<vmem>>, vector<16xi32>,
    %swap3A_64 = arith.constant 192 : index
    %swap3A_65 = tpu.vector_load %arg8[%swap3A_64] {strides = array<i32>} : memref<272xi32, #tpu.memory_space<vmem>>, vector<16xi32>,
    tpu.vector_store %arg8[%swap3A_64], %broadcast_in_dim3A_19 {strides = array<i32>} : memref<272xi32, #tpu.memory_space<vmem>>, vector<16xi32>,
    %swap3A_66 = arith.constant 208 : index
    %swap3A_67 = tpu.vector_load %arg8[%swap3A_66] {strides = array<i32>} : memref<272xi32, #tpu.memory_space<vmem>>, vector<16xi32>,
    tpu.vector_store %arg8[%swap3A_66], %broadcast_in_dim3A_19 {strides = array<i32>} : memref<272xi32, #tpu.memory_space<vmem>>, vector<16xi32>,
    %swap3A_68 = arith.constant 224 : index
    %swap3A_69 = tpu.vector_load %arg8[%swap3A_68] {strides = array<i32>} : memref<272xi32, #tpu.memory_space<vmem>>, vector<16xi32>,
    tpu.vector_store %arg8[%swap3A_68], %broadcast_in_dim3A_19 {strides = array<i32>} : memref<272xi32, #tpu.memory_space<vmem>>, vector<16xi32>,
    %swap3A_70 = arith.constant 240 : index
    %swap3A_71 = tpu.vector_load %arg8[%swap3A_70] {strides = array<i32>} : memref<272xi32, #tpu.memory_space<vmem>>, vector<16xi32>,
    tpu.vector_store %arg8[%swap3A_70], %broadcast_in_dim3A_19 {strides = array<i32>} : memref<272xi32, #tpu.memory_space<vmem>>, vector<16xi32>,
    %swap3A_72 = arith.constant 256 : index
    %swap3A_73 = tpu.vector_load %arg8[%swap3A_72] {strides = array<i32>} : memref<272xi32, #tpu.memory_space<vmem>>, vector<16xi32>,
    tpu.vector_store %arg8[%swap3A_72], %broadcast_in_dim3A_19 {strides = array<i32>} : memref<272xi32, #tpu.memory_space<vmem>>, vector<16xi32>,
    %mul3A_74 = arith.constant 128 : i32
    %mul3A_75 = arith.muli %select_n3A, %mul3A_74 : i32
    %add3A_76 = arith.constant 245 : i32
    %add3A_77 = arith.addi %select_n3A, %add3A_76 : i32
    %mul3A_78 = arith.constant 128 : i32
    %mul3A_79 = arith.muli %add3A_77, %mul3A_78 : i32
    %broadcast_in_dim3A_80 = arith.constant 1 : i32
    %broadcast_in_dim3A_81 = vector.broadcast %broadcast_in_dim3A_80 : i32 to vector<16xi32>
    %scan3A = arith.constant 0 : i32
    %scan3A_82 = arith.constant 0 : i32
    %scan3A_83 = arith.constant 1024 : i32
    %scan3A_84 = arith.addi %scan3A_82, %scan3A_83 : i32
    %scan3A_85 = arith.constant 1 : i32
    %scan3A_86 = scf.for %scan3A_197 = %scan3A_82 to %scan3A_84 step %scan3A_85 iter_args(%scan3A_198 = %scan3A) -> (i32)  : i32 {
      %mul3A_199 = arith.constant 16 : i32
      %mul3A_200 = arith.muli %scan3A_197, %mul3A_199 : i32
      %get3A = arith.index_cast %mul3A_200 : i32 to index
      %get3A_201 = tpu.vector_load %arg5[%get3A] {strides = array<i32>} : memref<16384xi32, #tpu.memory_space<vmem>>, vector<16xi32>,
      %ge3A = vector.broadcast %mul3A_75 : i32 to vector<16xi32>
      %ge3A_202 = arith.cmpi sge, %get3A_201, %ge3A : vector<16xi32>
      %lt3A = vector.broadcast %mul3A_79 : i32 to vector<16xi32>
      %lt3A_203 = arith.cmpi slt, %get3A_201, %lt3A : vector<16xi32>
      %and3A_204 = arith.andi %ge3A_202, %lt3A_203 : vector<16xi1>
      %shift_right_arithmetic3A = arith.constant 7 : i32
      %shift_right_arithmetic3A_205 = vector.broadcast %shift_right_arithmetic3A : i32 to vector<16xi32>
      %shift_right_arithmetic3A_206 = arith.shrsi %get3A_201, %shift_right_arithmetic3A_205 : vector<16xi32>
      %sub3A_207 = vector.broadcast %select_n3A : i32 to vector<16xi32>
      %sub3A_208 = arith.subi %shift_right_arithmetic3A_206, %sub3A_207 : vector<16xi32>
      %shift_left3A = arith.constant 21 : i32
      %shift_left3A_209 = vector.broadcast %shift_left3A : i32 to vector<16xi32>
      %shift_left3A_210 = arith.shli %sub3A_208, %shift_left3A_209 : vector<16xi32>
      %mul3A_211 = arith.constant 16 : i32
      %mul3A_212 = arith.muli %scan3A_197, %mul3A_211 : i32
      %add3A_213 = vector.broadcast %mul3A_212 : i32 to vector<16xi32>
      %add3A_214 = arith.addi %iota3A, %add3A_213 : vector<16xi32>
      %shift_left3A_215 = arith.constant 7 : i32
      %shift_left3A_216 = vector.broadcast %shift_left3A_215 : i32 to vector<16xi32>
      %shift_left3A_217 = arith.shli %add3A_214, %shift_left3A_216 : vector<16xi32>
      %or3A = arith.ori %shift_left3A_210, %shift_left3A_217 : vector<16xi32>
      %and3A_218 = arith.constant 127 : i32
      %and3A_219 = vector.broadcast %and3A_218 : i32 to vector<16xi32>
      %and3A_220 = arith.andi %get3A_201, %and3A_219 : vector<16xi32>
      %or3A_221 = arith.ori %or3A, %and3A_220 : vector<16xi32>
      %swap3A_222 = arith.index_cast %scan3A_198 : i32 to index
      %swap3A_223 = tpu.vector_load %arg6[%swap3A_222] masked %and3A_204 {strides = array<i32>} : memref<16400xi32, #tpu.memory_space<vmem>>, vector<16xi32>, vector<16xi1>
      tpu.vector_store %arg6[%swap3A_222], %or3A_221 masked %and3A_204 {strides = array<i32>} : memref<16400xi32, #tpu.memory_space<vmem>>, vector<16xi32>, vector<16xi1>
      %jit3A_224 = arith.constant 0 : i32
      %broadcast_in_dim3A_225 = vector.broadcast %jit3A_224 : i32 to vector<16xi32>
      %select_n3A_226 = arith.select %and3A_204, %sub3A_208, %broadcast_in_dim3A_225 : vector<16xi1>, vector<16xi32>
      tpu.vector_store_idx %arg8[%select_n3A_226], %broadcast_in_dim3A_81 masked %and3A_204 {add = true} : memref<272xi32, #tpu.memory_space<vmem>>[vector<16xi32>], vector<16xi32>, vector<16xi1>
      %all_reduce_population_count3A = tpu.all_reduce %and3A_204 {dim = 0 : i64, kind = #tpu.reduction_kind<sum>} : vector<16xi1> -> vector<16xi32>
      %slice3A_227 = vector.extract_strided_slice %all_reduce_population_count3A {offsets = [0], sizes = [1], strides = [1]} : vector<16xi32> to vector<1xi32>
      %squeeze3A_228 = vector.extract %slice3A_227[0] : i32 from vector<1xi32>
      %add3A_229 = arith.addi %scan3A_198, %squeeze3A_228 : i32
      scf.yield %add3A_229 : i32
    }
    %scan3A_87 = arith.constant 1024 : i32
    %scan3A_88 = arith.constant 0 : i32
    %scan3A_89 = arith.constant 0 : i32
    %scan3A_90 = arith.constant 17 : i32
    %scan3A_91 = arith.addi %scan3A_89, %scan3A_90 : i32
    %scan3A_92 = arith.constant 1 : i32
    %scan3A_93 = scf.for %scan3A_197 = %scan3A_89 to %scan3A_91 step %scan3A_92 iter_args(%scan3A_198 = %scan3A_88) -> (i32)  : i32 {
      %mul3A_199 = arith.constant 16 : i32
      %mul3A_200 = arith.muli %scan3A_197, %mul3A_199 : i32
      %get3A = arith.index_cast %mul3A_200 : i32 to index
      %get3A_201 = tpu.vector_load %arg8[%get3A] {strides = array<i32>} : memref<272xi32, #tpu.memory_space<vmem>>, vector<16xi32>,
      %broadcast_in_dim3A_202 = arith.constant true
      %broadcast_in_dim3A_203 = vector.broadcast %broadcast_in_dim3A_202 : i1 to vector<16xi1>
      %masked_cumsum3A = tpu.scan <sum>, %get3A_201 masked %broadcast_in_dim3A_203 : vector<16xi32>, vector<16xi1> -> vector<16xi32>
      %add3A_204 = vector.broadcast %scan3A_198 : i32 to vector<16xi32>
      %add3A_205 = arith.addi %masked_cumsum3A, %add3A_204 : vector<16xi32>
      %sub3A_206 = arith.subi %add3A_205, %get3A_201 : vector<16xi32>
      %mul3A_207 = arith.constant 16 : i32
      %mul3A_208 = arith.muli %scan3A_197, %mul3A_207 : i32
      %swap3A_209 = arith.index_cast %mul3A_208 : i32 to index
      %swap3A_210 = tpu.vector_load %arg9[%swap3A_209] {strides = array<i32>} : memref<272xi32, #tpu.memory_space<vmem>>, vector<16xi32>,
      tpu.vector_store %arg9[%swap3A_209], %sub3A_206 {strides = array<i32>} : memref<272xi32, #tpu.memory_space<vmem>>, vector<16xi32>,
      %mul3A_211 = arith.constant 16 : i32
      %mul3A_212 = arith.muli %scan3A_197, %mul3A_211 : i32
      %swap3A_213 = arith.index_cast %mul3A_212 : i32 to index
      %swap3A_214 = tpu.vector_load %arg10[%swap3A_213] {strides = array<i32>} : memref<272xi32, #tpu.memory_space<vmem>>, vector<16xi32>,
      tpu.vector_store %arg10[%swap3A_213], %sub3A_206 {strides = array<i32>} : memref<272xi32, #tpu.memory_space<vmem>>, vector<16xi32>,
      %slice3A_215 = vector.extract_strided_slice %add3A_205 {offsets = [15], sizes = [1], strides = [1]} : vector<16xi32> to vector<1xi32>
      %squeeze3A_216 = vector.extract %slice3A_215[0] : i32 from vector<1xi32>
      scf.yield %squeeze3A_216 : i32
    }
    %scan3A_94 = arith.constant 17 : i32
    %scan3A_95 = arith.constant 0 : i32
    %scan3A_96 = arith.constant 0 : i32
    %scan3A_97 = arith.constant 17 : i32
    %scan3A_98 = arith.addi %scan3A_96, %scan3A_97 : i32
    %scan3A_99 = arith.constant 1 : i32
    %scan3A_100 = scf.for %scan3A_197 = %scan3A_96 to %scan3A_98 step %scan3A_99 iter_args(%scan3A_198 = %scan3A_95) -> (i32)  : i32 {
      %mul3A_199 = arith.constant 16 : i32
      %mul3A_200 = arith.muli %scan3A_197, %mul3A_199 : i32
      %get3A = arith.index_cast %mul3A_200 : i32 to index
      %get3A_201 = tpu.vector_load %arg8[%get3A] {strides = array<i32>} : memref<272xi32, #tpu.memory_space<vmem>>, vector<16xi32>,
      %gt3A_202 = arith.constant 0 : i32
      %gt3A_203 = vector.broadcast %gt3A_202 : i32 to vector<16xi32>
      %gt3A_204 = arith.cmpi sgt, %get3A_201, %gt3A_203 : vector<16xi32>
      %mul3A_205 = arith.constant 16 : i32
      %mul3A_206 = arith.muli %scan3A_197, %mul3A_205 : i32
      %add3A_207 = vector.broadcast %mul3A_206 : i32 to vector<16xi32>
      %add3A_208 = arith.addi %iota3A, %add3A_207 : vector<16xi32>
      %swap3A_209 = arith.index_cast %scan3A_198 : i32 to index
      %swap3A_210 = tpu.vector_load %arg11[%swap3A_209] masked %gt3A_204 {strides = array<i32>} : memref<304xi32, #tpu.memory_space<vmem>>, vector<16xi32>, vector<16xi1>
      tpu.vector_store %arg11[%swap3A_209], %add3A_208 masked %gt3A_204 {strides = array<i32>} : memref<304xi32, #tpu.memory_space<vmem>>, vector<16xi32>, vector<16xi1>
      %all_reduce_population_count3A = tpu.all_reduce %gt3A_204 {dim = 0 : i64, kind = #tpu.reduction_kind<sum>} : vector<16xi1> -> vector<16xi32>
      %slice3A_211 = vector.extract_strided_slice %all_reduce_population_count3A {offsets = [0], sizes = [1], strides = [1]} : vector<16xi32> to vector<1xi32>
      %squeeze3A_212 = vector.extract %slice3A_211[0] : i32 from vector<1xi32>
      %add3A_213 = arith.addi %scan3A_198, %squeeze3A_212 : i32
      scf.yield %add3A_213 : i32
    }
    %scan3A_101 = arith.constant 17 : i32
    %add3A_102 = arith.constant 5 : i32
    %add3A_103 = arith.addi %scan3A_100, %add3A_102 : i32
    %sub3A_104 = arith.constant 1 : i32
    %sub3A_105 = arith.subi %add3A_103, %sub3A_104 : i32
    %jit3A_106 = arith.constant 5 : i32
    %div3A_107 = arith.divsi %sub3A_105, %jit3A_106 : i32
    %sign3A_108 = arith.constant 0 : i32
    %sign3A_109 = arith.cmpi sgt, %sub3A_105, %sign3A_108 : i32
    %sign3A_110 = arith.extui %sign3A_109 : i1 to i32
    %sign3A_111 = arith.constant 0 : i32
    %sign3A_112 = arith.cmpi slt, %sub3A_105, %sign3A_111 : i32
    %sign3A_113 = arith.extui %sign3A_112 : i1 to i32
    %sign3A_114 = arith.subi %sign3A_110, %sign3A_113 : i32
    %sign3A_115 = arith.constant 0 : i32
    %sign3A_116 = arith.cmpi sgt, %jit3A_106, %sign3A_115 : i32
    %sign3A_117 = arith.extui %sign3A_116 : i1 to i32
    %sign3A_118 = arith.constant 0 : i32
    %sign3A_119 = arith.cmpi slt, %jit3A_106, %sign3A_118 : i32
    %sign3A_120 = arith.extui %sign3A_119 : i1 to i32
    %sign3A_121 = arith.subi %sign3A_117, %sign3A_120 : i32
    %ne3A_122 = arith.cmpi ne, %sign3A_114, %sign3A_121 : i32
    %rem3A_123 = arith.remsi %sub3A_105, %jit3A_106 : i32
    %ne3A_124 = arith.constant 0 : i32
    %ne3A_125 = arith.cmpi ne, %rem3A_123, %ne3A_124 : i32
    %and3A_126 = arith.andi %ne3A_122, %ne3A_125 : i1
    %sub3A_127 = arith.constant 1 : i32
    %sub3A_128 = arith.subi %div3A_107, %sub3A_127 : i32
    %select_n3A_129 = arith.select %and3A_126, %sub3A_128, %div3A_107 : i32
    %mul3A_130 = arith.constant 5 : i32
    %mul3A_131 = arith.muli %select_n3A_129, %mul3A_130 : i32
    %sub3A_132 = arith.constant 1 : i32
    %sub3A_133 = arith.subi %scan3A_100, %sub3A_132 : i32
    %max3A = arith.constant 0 : i32
    %max3A_134 = arith.maxsi %sub3A_133, %max3A : i32
    %broadcast_in_dim3A_135 = vector.broadcast %max3A_134 : i32 to vector<16xi32>
    %gather3A = tpu.vector_load_idx %arg11[%broadcast_in_dim3A_135] : memref<304xi32, #tpu.memory_space<vmem>>[vector<16xi32>], vector<16xi32>,
    %slice3A = vector.extract_strided_slice %gather3A {offsets = [0], sizes = [1], strides = [1]} : vector<16xi32> to vector<1xi32>
    %squeeze3A = vector.extract %slice3A[0] : i32 from vector<1xi32>
    %gt3A = arith.constant 0 : i32
    %gt3A_136 = arith.cmpi sgt, %scan3A_100, %gt3A : i32
    %convert_element_type3A = arith.extui %gt3A_136 : i1 to i32
    %cond3A = arith.constant 0 : i32
    %cond3A_137 = arith.cmpi ne, %convert_element_type3A, %cond3A : i32
    scf.if %cond3A_137 {
      %add3A_197 = vector.broadcast %scan3A_100 : i32 to vector<16xi32>
      %add3A_198 = arith.addi %add3A_197, %iota3A : vector<16xi32>
      %broadcast_in_dim3A_199 = vector.broadcast %squeeze3A : i32 to vector<16xi32>
      tpu.vector_store_idx %arg11[%add3A_198], %broadcast_in_dim3A_199 : memref<304xi32, #tpu.memory_space<vmem>>[vector<16xi32>], vector<16xi32>,
    } else {
    }
    %gt3A_138 = arith.constant 0 : i32
    %gt3A_139 = arith.cmpi sgt, %scan3A_100, %gt3A_138 : i32
    %convert_element_type3A_140 = arith.extui %gt3A_139 : i1 to i32
    %cond3A_141 = arith.constant 0 : i32
    %cond3A_142 = arith.cmpi ne, %convert_element_type3A_140, %cond3A_141 : i32
    scf.if %cond3A_142 {
      %sub3A_197 = arith.constant 1 : i32
      %sub3A_198 = arith.subi %mul3A_131, %sub3A_197 : i32
      %min3A = arith.constant 0 : i32
      %min3A_199 = arith.minsi %min3A, %sub3A_198 : i32
      %broadcast_in_dim3A_200 = vector.broadcast %min3A_199 : i32 to vector<16xi32>
      %gather3A_201 = tpu.vector_load_idx %arg11[%broadcast_in_dim3A_200] : memref<304xi32, #tpu.memory_space<vmem>>[vector<16xi32>], vector<16xi32>,
      %slice3A_202 = vector.extract_strided_slice %gather3A_201 {offsets = [0], sizes = [1], strides = [1]} : vector<16xi32> to vector<1xi32>
      %squeeze3A_203 = vector.extract %slice3A_202[0] : i32 from vector<1xi32>
      %add3A_204 = arith.addi %squeeze3A_203, %select_n3A : i32
      %mul3A_205 = arith.constant 128 : i32
      %mul3A_206 = arith.muli %add3A_204, %mul3A_205 : i32
      %multiple_of3A = tpu.assume_multiple %mul3A_206, 128 : i32
      %dma_start3A = arith.constant 0 : i32
      %dma_start3A_207 = arith.constant 0 : i32
      %dma_start3A_208 = arith.constant 0 : i32
      %dma_start3A_209 = tpu.memref_slice %arg12[%dma_start3A, %dma_start3A_207, %dma_start3A_208] : memref<5x64x128xf32, #tpu.memory_space<vmem>> -> memref<1x64x128xf32, #tpu.memory_space<vmem>>
      %dma_start3A_210 = tpu.memref_squeeze %dma_start3A_209 : memref<1x64x128xf32, #tpu.memory_space<vmem>> -> memref<64x128xf32, #tpu.memory_space<vmem>>
      %dma_start3A_211 = arith.constant 0 : i32
      %dma_start3A_212 = tpu.memref_slice %arg3[%dma_start3A_211, %multiple_of3A] : memref<64x1000000xf32, #tpu.memory_space<hbm>> -> memref<64x128xf32, #tpu.memory_space<hbm>>
      %dma_start3A_213 = arith.constant 0 : i32
      %dma_start3A_214 = arith.constant 0 : i32
      %dma_start3A_215 = tpu.memref_slice %arg12[%dma_start3A, %dma_start3A_213, %dma_start3A_214] : memref<5x64x128xf32, #tpu.memory_space<vmem>> -> memref<1x64x128xf32, #tpu.memory_space<vmem>>
      %dma_start3A_216 = tpu.memref_squeeze %dma_start3A_215 : memref<1x64x128xf32, #tpu.memory_space<vmem>> -> memref<64x128xf32, #tpu.memory_space<vmem>>
      %dma_start3A_217 = arith.constant 0 : i32
      %dma_start3A_218 = tpu.memref_slice %arg3[%dma_start3A_217, %multiple_of3A] : memref<64x1000000xf32, #tpu.memory_space<hbm>> -> memref<64x128xf32, #tpu.memory_space<hbm>>
      tpu.enqueue_dma source(%dma_start3A_218 : memref<64x128xf32, #tpu.memory_space<hbm>>) target(%dma_start3A_216 : memref<64x128xf32, #tpu.memory_space<vmem>>) target_semaphore(%arg15 : memref<!tpu.dma_semaphore, #tpu.memory_space<semaphore_mem>>)
      %sub3A_219 = arith.constant 1 : i32
      %sub3A_220 = arith.subi %mul3A_131, %sub3A_219 : i32
      %min3A_221 = arith.constant 1 : i32
      %min3A_222 = arith.minsi %min3A_221, %sub3A_220 : i32
      %broadcast_in_dim3A_223 = vector.broadcast %min3A_222 : i32 to vector<16xi32>
      %gather3A_224 = tpu.vector_load_idx %arg11[%broadcast_in_dim3A_223] : memref<304xi32, #tpu.memory_space<vmem>>[vector<16xi32>], vector<16xi32>,
      %slice3A_225 = vector.extract_strided_slice %gather3A_224 {offsets = [0], sizes = [1], strides = [1]} : vector<16xi32> to vector<1xi32>
      %squeeze3A_226 = vector.extract %slice3A_225[0] : i32 from vector<1xi32>
      %add3A_227 = arith.addi %squeeze3A_226, %select_n3A : i32
      %mul3A_228 = arith.constant 128 : i32
      %mul3A_229 = arith.muli %add3A_227, %mul3A_228 : i32
      %multiple_of3A_230 = tpu.assume_multiple %mul3A_229, 128 : i32
      %dma_start3A_231 = arith.constant 1 : i32
      %dma_start3A_232 = arith.constant 0 : i32
      %dma_start3A_233 = arith.constant 0 : i32
      %dma_start3A_234 = tpu.memref_slice %arg12[%dma_start3A_231, %dma_start3A_232, %dma_start3A_233] : memref<5x64x128xf32, #tpu.memory_space<vmem>> -> memref<1x64x128xf32, #tpu.memory_space<vmem>>
      %dma_start3A_235 = tpu.memref_squeeze %dma_start3A_234 : memref<1x64x128xf32, #tpu.memory_space<vmem>> -> memref<64x128xf32, #tpu.memory_space<vmem>>
      %dma_start3A_236 = arith.constant 0 : i32
      %dma_start3A_237 = tpu.memref_slice %arg3[%dma_start3A_236, %multiple_of3A_230] : memref<64x1000000xf32, #tpu.memory_space<hbm>> -> memref<64x128xf32, #tpu.memory_space<hbm>>
      %dma_start3A_238 = arith.constant 0 : i32
      %dma_start3A_239 = arith.constant 0 : i32
      %dma_start3A_240 = tpu.memref_slice %arg12[%dma_start3A_231, %dma_start3A_238, %dma_start3A_239] : memref<5x64x128xf32, #tpu.memory_space<vmem>> -> memref<1x64x128xf32, #tpu.memory_space<vmem>>
      %dma_start3A_241 = tpu.memref_squeeze %dma_start3A_240 : memref<1x64x128xf32, #tpu.memory_space<vmem>> -> memref<64x128xf32, #tpu.memory_space<vmem>>
      %dma_start3A_242 = arith.constant 0 : i32
      %dma_start3A_243 = tpu.memref_slice %arg3[%dma_start3A_242, %multiple_of3A_230] : memref<64x1000000xf32, #tpu.memory_space<hbm>> -> memref<64x128xf32, #tpu.memory_space<hbm>>
      tpu.enqueue_dma source(%dma_start3A_243 : memref<64x128xf32, #tpu.memory_space<hbm>>) target(%dma_start3A_241 : memref<64x128xf32, #tpu.memory_space<vmem>>) target_semaphore(%arg16 : memref<!tpu.dma_semaphore, #tpu.memory_space<semaphore_mem>>)
      %sub3A_244 = arith.constant 1 : i32
      %sub3A_245 = arith.subi %mul3A_131, %sub3A_244 : i32
      %min3A_246 = arith.constant 2 : i32
      %min3A_247 = arith.minsi %min3A_246, %sub3A_245 : i32
      %broadcast_in_dim3A_248 = vector.broadcast %min3A_247 : i32 to vector<16xi32>
      %gather3A_249 = tpu.vector_load_idx %arg11[%broadcast_in_dim3A_248] : memref<304xi32, #tpu.memory_space<vmem>>[vector<16xi32>], vector<16xi32>,
      %slice3A_250 = vector.extract_strided_slice %gather3A_249 {offsets = [0], sizes = [1], strides = [1]} : vector<16xi32> to vector<1xi32>
      %squeeze3A_251 = vector.extract %slice3A_250[0] : i32 from vector<1xi32>
      %add3A_252 = arith.addi %squeeze3A_251, %select_n3A : i32
      %mul3A_253 = arith.constant 128 : i32
      %mul3A_254 = arith.muli %add3A_252, %mul3A_253 : i32
      %multiple_of3A_255 = tpu.assume_multiple %mul3A_254, 128 : i32
      %dma_start3A_256 = arith.constant 2 : i32
      %dma_start3A_257 = arith.constant 0 : i32
      %dma_start3A_258 = arith.constant 0 : i32
      %dma_start3A_259 = tpu.memref_slice %arg12[%dma_start3A_256, %dma_start3A_257, %dma_start3A_258] : memref<5x64x128xf32, #tpu.memory_space<vmem>> -> memref<1x64x128xf32, #tpu.memory_space<vmem>>
      %dma_start3A_260 = tpu.memref_squeeze %dma_start3A_259 : memref<1x64x128xf32, #tpu.memory_space<vmem>> -> memref<64x128xf32, #tpu.memory_space<vmem>>
      %dma_start3A_261 = arith.constant 0 : i32
      %dma_start3A_262 = tpu.memref_slice %arg3[%dma_start3A_261, %multiple_of3A_255] : memref<64x1000000xf32, #tpu.memory_space<hbm>> -> memref<64x128xf32, #tpu.memory_space<hbm>>
      %dma_start3A_263 = arith.constant 0 : i32
      %dma_start3A_264 = arith.constant 0 : i32
      %dma_start3A_265 = tpu.memref_slice %arg12[%dma_start3A_256, %dma_start3A_263, %dma_start3A_264] : memref<5x64x128xf32, #tpu.memory_space<vmem>> -> memref<1x64x128xf32, #tpu.memory_space<vmem>>
      %dma_start3A_266 = tpu.memref_squeeze %dma_start3A_265 : memref<1x64x128xf32, #tpu.memory_space<vmem>> -> memref<64x128xf32, #tpu.memory_space<vmem>>
      %dma_start3A_267 = arith.constant 0 : i32
      %dma_start3A_268 = tpu.memref_slice %arg3[%dma_start3A_267, %multiple_of3A_255] : memref<64x1000000xf32, #tpu.memory_space<hbm>> -> memref<64x128xf32, #tpu.memory_space<hbm>>
      tpu.enqueue_dma source(%dma_start3A_268 : memref<64x128xf32, #tpu.memory_space<hbm>>) target(%dma_start3A_266 : memref<64x128xf32, #tpu.memory_space<vmem>>) target_semaphore(%arg17 : memref<!tpu.dma_semaphore, #tpu.memory_space<semaphore_mem>>)
      %sub3A_269 = arith.constant 1 : i32
      %sub3A_270 = arith.subi %mul3A_131, %sub3A_269 : i32
      %min3A_271 = arith.constant 3 : i32
      %min3A_272 = arith.minsi %min3A_271, %sub3A_270 : i32
      %broadcast_in_dim3A_273 = vector.broadcast %min3A_272 : i32 to vector<16xi32>
      %gather3A_274 = tpu.vector_load_idx %arg11[%broadcast_in_dim3A_273] : memref<304xi32, #tpu.memory_space<vmem>>[vector<16xi32>], vector<16xi32>,
      %slice3A_275 = vector.extract_strided_slice %gather3A_274 {offsets = [0], sizes = [1], strides = [1]} : vector<16xi32> to vector<1xi32>
      %squeeze3A_276 = vector.extract %slice3A_275[0] : i32 from vector<1xi32>
      %add3A_277 = arith.addi %squeeze3A_276, %select_n3A : i32
      %mul3A_278 = arith.constant 128 : i32
      %mul3A_279 = arith.muli %add3A_277, %mul3A_278 : i32
      %multiple_of3A_280 = tpu.assume_multiple %mul3A_279, 128 : i32
      %dma_start3A_281 = arith.constant 3 : i32
      %dma_start3A_282 = arith.constant 0 : i32
      %dma_start3A_283 = arith.constant 0 : i32
      %dma_start3A_284 = tpu.memref_slice %arg12[%dma_start3A_281, %dma_start3A_282, %dma_start3A_283] : memref<5x64x128xf32, #tpu.memory_space<vmem>> -> memref<1x64x128xf32, #tpu.memory_space<vmem>>
      %dma_start3A_285 = tpu.memref_squeeze %dma_start3A_284 : memref<1x64x128xf32, #tpu.memory_space<vmem>> -> memref<64x128xf32, #tpu.memory_space<vmem>>
      %dma_start3A_286 = arith.constant 0 : i32
      %dma_start3A_287 = tpu.memref_slice %arg3[%dma_start3A_286, %multiple_of3A_280] : memref<64x1000000xf32, #tpu.memory_space<hbm>> -> memref<64x128xf32, #tpu.memory_space<hbm>>
      %dma_start3A_288 = arith.constant 0 : i32
      %dma_start3A_289 = arith.constant 0 : i32
      %dma_start3A_290 = tpu.memref_slice %arg12[%dma_start3A_281, %dma_start3A_288, %dma_start3A_289] : memref<5x64x128xf32, #tpu.memory_space<vmem>> -> memref<1x64x128xf32, #tpu.memory_space<vmem>>
      %dma_start3A_291 = tpu.memref_squeeze %dma_start3A_290 : memref<1x64x128xf32, #tpu.memory_space<vmem>> -> memref<64x128xf32, #tpu.memory_space<vmem>>
      %dma_start3A_292 = arith.constant 0 : i32
      %dma_start3A_293 = tpu.memref_slice %arg3[%dma_start3A_292, %multiple_of3A_280] : memref<64x1000000xf32, #tpu.memory_space<hbm>> -> memref<64x128xf32, #tpu.memory_space<hbm>>
      tpu.enqueue_dma source(%dma_start3A_293 : memref<64x128xf32, #tpu.memory_space<hbm>>) target(%dma_start3A_291 : memref<64x128xf32, #tpu.memory_space<vmem>>) target_semaphore(%arg18 : memref<!tpu.dma_semaphore, #tpu.memory_space<semaphore_mem>>)
      %sub3A_294 = arith.constant 1 : i32
      %sub3A_295 = arith.subi %mul3A_131, %sub3A_294 : i32
      %min3A_296 = arith.constant 4 : i32
      %min3A_297 = arith.minsi %min3A_296, %sub3A_295 : i32
      %broadcast_in_dim3A_298 = vector.broadcast %min3A_297 : i32 to vector<16xi32>
      %gather3A_299 = tpu.vector_load_idx %arg11[%broadcast_in_dim3A_298] : memref<304xi32, #tpu.memory_space<vmem>>[vector<16xi32>], vector<16xi32>,
      %slice3A_300 = vector.extract_strided_slice %gather3A_299 {offsets = [0], sizes = [1], strides = [1]} : vector<16xi32> to vector<1xi32>
      %squeeze3A_301 = vector.extract %slice3A_300[0] : i32 from vector<1xi32>
      %add3A_302 = arith.addi %squeeze3A_301, %select_n3A : i32
      %mul3A_303 = arith.constant 128 : i32
      %mul3A_304 = arith.muli %add3A_302, %mul3A_303 : i32
      %multiple_of3A_305 = tpu.assume_multiple %mul3A_304, 128 : i32
      %dma_start3A_306 = arith.constant 4 : i32
      %dma_start3A_307 = arith.constant 0 : i32
      %dma_start3A_308 = arith.constant 0 : i32
      %dma_start3A_309 = tpu.memref_slice %arg12[%dma_start3A_306, %dma_start3A_307, %dma_start3A_308] : memref<5x64x128xf32, #tpu.memory_space<vmem>> -> memref<1x64x128xf32, #tpu.memory_space<vmem>>
      %dma_start3A_310 = tpu.memref_squeeze %dma_start3A_309 : memref<1x64x128xf32, #tpu.memory_space<vmem>> -> memref<64x128xf32, #tpu.memory_space<vmem>>
      %dma_start3A_311 = arith.constant 0 : i32
      %dma_start3A_312 = tpu.memref_slice %arg3[%dma_start3A_311, %multiple_of3A_305] : memref<64x1000000xf32, #tpu.memory_space<hbm>> -> memref<64x128xf32, #tpu.memory_space<hbm>>
      %dma_start3A_313 = arith.constant 0 : i32
      %dma_start3A_314 = arith.constant 0 : i32
      %dma_start3A_315 = tpu.memref_slice %arg12[%dma_start3A_306, %dma_start3A_313, %dma_start3A_314] : memref<5x64x128xf32, #tpu.memory_space<vmem>> -> memref<1x64x128xf32, #tpu.memory_space<vmem>>
      %dma_start3A_316 = tpu.memref_squeeze %dma_start3A_315 : memref<1x64x128xf32, #tpu.memory_space<vmem>> -> memref<64x128xf32, #tpu.memory_space<vmem>>
      %dma_start3A_317 = arith.constant 0 : i32
      %dma_start3A_318 = tpu.memref_slice %arg3[%dma_start3A_317, %multiple_of3A_305] : memref<64x1000000xf32, #tpu.memory_space<hbm>> -> memref<64x128xf32, #tpu.memory_space<hbm>>
      tpu.enqueue_dma source(%dma_start3A_318 : memref<64x128xf32, #tpu.memory_space<hbm>>) target(%dma_start3A_316 : memref<64x128xf32, #tpu.memory_space<vmem>>) target_semaphore(%arg19 : memref<!tpu.dma_semaphore, #tpu.memory_space<semaphore_mem>>)
    } else {
    }
    %add3A_143 = arith.constant 16 : i32
    %add3A_144 = arith.addi %scan3A_86, %add3A_143 : i32
    %sub3A_145 = arith.constant 1 : i32
    %sub3A_146 = arith.subi %add3A_144, %sub3A_145 : i32
    %jit3A_147 = arith.constant 16 : i32
    %div3A_148 = arith.divsi %sub3A_146, %jit3A_147 : i32
    %sign3A_149 = arith.constant 0 : i32
    %sign3A_150 = arith.cmpi sgt, %sub3A_146, %sign3A_149 : i32
    %sign3A_151 = arith.extui %sign3A_150 : i1 to i32
    %sign3A_152 = arith.constant 0 : i32
    %sign3A_153 = arith.cmpi slt, %sub3A_146, %sign3A_152 : i32
    %sign3A_154 = arith.extui %sign3A_153 : i1 to i32
    %sign3A_155 = arith.subi %sign3A_151, %sign3A_154 : i32
    %sign3A_156 = arith.constant 0 : i32
    %sign3A_157 = arith.cmpi sgt, %jit3A_147, %sign3A_156 : i32
    %sign3A_158 = arith.extui %sign3A_157 : i1 to i32
    %sign3A_159 = arith.constant 0 : i32
    %sign3A_160 = arith.cmpi slt, %jit3A_147, %sign3A_159 : i32
    %sign3A_161 = arith.extui %sign3A_160 : i1 to i32
    %sign3A_162 = arith.subi %sign3A_158, %sign3A_161 : i32
    %ne3A_163 = arith.cmpi ne, %sign3A_155, %sign3A_162 : i32
    %rem3A_164 = arith.remsi %sub3A_146, %jit3A_147 : i32
    %ne3A_165 = arith.constant 0 : i32
    %ne3A_166 = arith.cmpi ne, %rem3A_164, %ne3A_165 : i32
    %and3A_167 = arith.andi %ne3A_163, %ne3A_166 : i1
    %sub3A_168 = arith.constant 1 : i32
    %sub3A_169 = arith.subi %div3A_148, %sub3A_168 : i32
    %select_n3A_170 = arith.select %and3A_167, %sub3A_169, %div3A_148 : i32
    %while3A = arith.constant 0 : i32
    %while3A_171 = arith.constant 0 : i32
    %while3A_172 = arith.subi %select_n3A_170, %while3A_171 : i32
    %while3A_173 = arith.addi %while3A_171, %while3A_172 : i32
    %while3A_174 = arith.constant 1 : i32
    %while3A_175 = arith.divsi %while3A_172, %while3A_174 : i32
    %while3A_176 = arith.muli %while3A_175, %while3A_174 : i32
    %while3A_177 = arith.addi %while3A_171, %while3A_176 : i32
    %while3A_178 = arith.constant 1 : i32
    scf.for %while3A_197 = %while3A_171 to %while3A_177 step %while3A_178  : i32 {
      %mul3A_198 = arith.constant 16 : i32
      %mul3A_199 = arith.muli %while3A_197, %mul3A_198 : i32
      %get3A = arith.index_cast %mul3A_199 : i32 to index
      %get3A_200 = tpu.vector_load %arg6[%get3A] {strides = array<i32>} : memref<16400xi32, #tpu.memory_space<vmem>>, vector<16xi32>,
      %shift_right_arithmetic3A = arith.constant 21 : i32
      %shift_right_arithmetic3A_201 = vector.broadcast %shift_right_arithmetic3A : i32 to vector<16xi32>
      %shift_right_arithmetic3A_202 = arith.shrsi %get3A_200, %shift_right_arithmetic3A_201 : vector<16xi32>
      %mul3A_203 = arith.constant 16 : i32
      %mul3A_204 = arith.muli %while3A_197, %mul3A_203 : i32
      %add3A_205 = vector.broadcast %mul3A_204 : i32 to vector<16xi32>
      %add3A_206 = arith.addi %iota3A, %add3A_205 : vector<16xi32>
      %lt3A = vector.broadcast %scan3A_86 : i32 to vector<16xi32>
      %lt3A_207 = arith.cmpi slt, %add3A_206, %lt3A : vector<16xi32>
      %unique3A, %unique3A_208 = tpu.scan_count mask(%lt3A_207 : vector<16xi1>) value(%shift_right_arithmetic3A_202 : vector<16xi32>) : vector<16xi1>, vector<16xi32>
      %jit3A_209 = arith.constant 0 : i32
      %broadcast_in_dim3A_210 = vector.broadcast %jit3A_209 : i32 to vector<16xi32>
      %select_n3A_211 = arith.select %lt3A_207, %shift_right_arithmetic3A_202, %broadcast_in_dim3A_210 : vector<16xi1>, vector<16xi32>
      %gather3A_212 = tpu.vector_load_idx %arg10[%select_n3A_211] : memref<272xi32, #tpu.memory_space<vmem>>[vector<16xi32>], vector<16xi32>,
      %add3A_213 = arith.addi %gather3A_212, %unique3A_208 : vector<16xi32>
      %sub3A_214 = arith.constant 1 : i32
      %sub3A_215 = vector.broadcast %sub3A_214 : i32 to vector<16xi32>
      %sub3A_216 = arith.subi %add3A_213, %sub3A_215 : vector<16xi32>
      %jit3A_217 = arith.constant 0 : i32
      %broadcast_in_dim3A_218 = vector.broadcast %jit3A_217 : i32 to vector<16xi32>
      %select_n3A_219 = arith.select %lt3A_207, %sub3A_216, %broadcast_in_dim3A_218 : vector<16xi1>, vector<16xi32>
      tpu.vector_store_idx %arg7[%select_n3A_219], %get3A_200 masked %lt3A_207 : memref<16400xi32, #tpu.memory_space<vmem>>[vector<16xi32>], vector<16xi32>, vector<16xi1>
      %jit3A_220 = arith.constant 0 : i32
      %broadcast_in_dim3A_221 = vector.broadcast %jit3A_220 : i32 to vector<16xi32>
      %select_n3A_222 = arith.select %lt3A_207, %shift_right_arithmetic3A_202, %broadcast_in_dim3A_221 : vector<16xi1>, vector<16xi32>
      %add3A_223 = arith.constant 1 : i32
      %add3A_224 = vector.broadcast %add3A_223 : i32 to vector<16xi32>
      %add3A_225 = arith.addi %sub3A_216, %add3A_224 : vector<16xi32>
      %and3A_226 = arith.andi %lt3A_207, %unique3A : vector<16xi1>
      tpu.vector_store_idx %arg10[%select_n3A_222], %add3A_225 masked %and3A_226 : memref<272xi32, #tpu.memory_space<vmem>>[vector<16xi32>], vector<16xi32>, vector<16xi1>
    }
    %while3A_179 = arith.constant 1 : i32
    scf.for %while3A_197 = %while3A_177 to %while3A_173 step %while3A_179  : i32 {
      %mul3A_198 = arith.constant 16 : i32
      %mul3A_199 = arith.muli %while3A_197, %mul3A_198 : i32
      %get3A = arith.index_cast %mul3A_199 : i32 to index
      %get3A_200 = tpu.vector_load %arg6[%get3A] {strides = array<i32>} : memref<16400xi32, #tpu.memory_space<vmem>>, vector<16xi32>,
      %shift_right_arithmetic3A = arith.constant 21 : i32
      %shift_right_arithmetic3A_201 = vector.broadcast %shift_right_arithmetic3A : i32 to vector<16xi32>
      %shift_right_arithmetic3A_202 = arith.shrsi %get3A_200, %shift_right_arithmetic3A_201 : vector<16xi32>
      %mul3A_203 = arith.constant 16 : i32
      %mul3A_204 = arith.muli %while3A_197, %mul3A_203 : i32
      %add3A_205 = vector.broadcast %mul3A_204 : i32 to vector<16xi32>
      %add3A_206 = arith.addi %iota3A, %add3A_205 : vector<16xi32>
      %lt3A = vector.broadcast %scan3A_86 : i32 to vector<16xi32>
      %lt3A_207 = arith.cmpi slt, %add3A_206, %lt3A : vector<16xi32>
      %unique3A, %unique3A_208 = tpu.scan_count mask(%lt3A_207 : vector<16xi1>) value(%shift_right_arithmetic3A_202 : vector<16xi32>) : vector<16xi1>, vector<16xi32>
      %jit3A_209 = arith.constant 0 : i32
      %broadcast_in_dim3A_210 = vector.broadcast %jit3A_209 : i32 to vector<16xi32>
      %select_n3A_211 = arith.select %lt3A_207, %shift_right_arithmetic3A_202, %broadcast_in_dim3A_210 : vector<16xi1>, vector<16xi32>
      %gather3A_212 = tpu.vector_load_idx %arg10[%select_n3A_211] : memref<272xi32, #tpu.memory_space<vmem>>[vector<16xi32>], vector<16xi32>,
      %add3A_213 = arith.addi %gather3A_212, %unique3A_208 : vector<16xi32>
      %sub3A_214 = arith.constant 1 : i32
      %sub3A_215 = vector.broadcast %sub3A_214 : i32 to vector<16xi32>
      %sub3A_216 = arith.subi %add3A_213, %sub3A_215 : vector<16xi32>
      %jit3A_217 = arith.constant 0 : i32
      %broadcast_in_dim3A_218 = vector.broadcast %jit3A_217 : i32 to vector<16xi32>
      %select_n3A_219 = arith.select %lt3A_207, %sub3A_216, %broadcast_in_dim3A_218 : vector<16xi1>, vector<16xi32>
      tpu.vector_store_idx %arg7[%select_n3A_219], %get3A_200 masked %lt3A_207 : memref<16400xi32, #tpu.memory_space<vmem>>[vector<16xi32>], vector<16xi32>, vector<16xi1>
      %jit3A_220 = arith.constant 0 : i32
      %broadcast_in_dim3A_221 = vector.broadcast %jit3A_220 : i32 to vector<16xi32>
      %select_n3A_222 = arith.select %lt3A_207, %shift_right_arithmetic3A_202, %broadcast_in_dim3A_221 : vector<16xi1>, vector<16xi32>
      %add3A_223 = arith.constant 1 : i32
      %add3A_224 = vector.broadcast %add3A_223 : i32 to vector<16xi32>
      %add3A_225 = arith.addi %sub3A_216, %add3A_224 : vector<16xi32>
      %and3A_226 = arith.andi %lt3A_207, %unique3A : vector<16xi1>
      tpu.vector_store_idx %arg10[%select_n3A_222], %add3A_225 masked %and3A_226 : memref<272xi32, #tpu.memory_space<vmem>>[vector<16xi32>], vector<16xi32>, vector<16xi1>
    }
    %while3A_180 = arith.constant 0 : i32
    %while3A_181 = arith.constant 0 : i32
    %while3A_182 = arith.subi %select_n3A_129, %while3A_180 : i32
    %while3A_183 = arith.addi %while3A_180, %while3A_182 : i32
    %while3A_184 = arith.constant 1 : i32
    %while3A_185 = arith.divsi %while3A_182, %while3A_184 : i32
    %while3A_186 = arith.muli %while3A_185, %while3A_184 : i32
    %while3A_187 = arith.addi %while3A_180, %while3A_186 : i32
    %while3A_188 = arith.constant 1 : i32
    %while3A_189 = scf.for %while3A_197 = %while3A_180 to %while3A_187 step %while3A_188 iter_args(%while3A_198 = %while3A_181) -> (i32)  : i32 {
      %mul3A_199 = arith.constant 5 : i32
      %mul3A_200 = arith.muli %while3A_197, %mul3A_199 : i32
      %add3A_201 = arith.constant 0 : i32
      %add3A_202 = arith.addi %mul3A_200, %add3A_201 : i32
      %dma_wait3A = arith.constant 0 : i32
      %dma_wait3A_203 = arith.constant 0 : i32
      %dma_wait3A_204 = arith.constant 0 : i32
      %dma_wait3A_205 = tpu.memref_slice %arg12[%dma_wait3A, %dma_wait3A_203, %dma_wait3A_204] : memref<5x64x128xf32, #tpu.memory_space<vmem>> -> memref<1x64x128xf32, #tpu.memory_space<vmem>>
      %dma_wait3A_206 = tpu.memref_squeeze %dma_wait3A_205 : memref<1x64x128xf32, #tpu.memory_space<vmem>> -> memref<64x128xf32, #tpu.memory_space<vmem>>
      %dma_wait3A_207 = arith.constant 0 : i32
      %dma_wait3A_208 = arith.constant 0 : i32
      %dma_wait3A_209 = tpu.memref_slice %arg3[%dma_wait3A_207, %dma_wait3A_208] : memref<64x1000000xf32, #tpu.memory_space<hbm>> -> memref<64x128xf32, #tpu.memory_space<hbm>>
      %dma_wait3A_210 = arith.constant 0 : i32
      %dma_wait3A_211 = arith.constant 0 : i32
      %dma_wait3A_212 = tpu.memref_slice %arg12[%dma_wait3A, %dma_wait3A_210, %dma_wait3A_211] : memref<5x64x128xf32, #tpu.memory_space<vmem>> -> memref<1x64x128xf32, #tpu.memory_space<vmem>>
      %dma_wait3A_213 = tpu.memref_squeeze %dma_wait3A_212 : memref<1x64x128xf32, #tpu.memory_space<vmem>> -> memref<64x128xf32, #tpu.memory_space<vmem>>
      %dma_wait3A_214 = arith.constant 0 : i32
      %dma_wait3A_215 = arith.constant 0 : i32
      %dma_wait3A_216 = tpu.memref_slice %arg3[%dma_wait3A_214, %dma_wait3A_215] : memref<64x1000000xf32, #tpu.memory_space<hbm>> -> memref<64x128xf32, #tpu.memory_space<hbm>>
      tpu.wait_dma2 semaphore(%arg15 : memref<!tpu.dma_semaphore, #tpu.memory_space<semaphore_mem>>) src(%dma_wait3A_216 : memref<64x128xf32, #tpu.memory_space<hbm>>) dst(%dma_wait3A_213 : memref<64x128xf32, #tpu.memory_space<vmem>>)
      %broadcast_in_dim3A_217 = vector.broadcast %add3A_202 : i32 to vector<16xi32>
      %gather3A_218 = tpu.vector_load_idx %arg11[%broadcast_in_dim3A_217] : memref<304xi32, #tpu.memory_space<vmem>>[vector<16xi32>], vector<16xi32>,
      %slice3A_219 = vector.extract_strided_slice %gather3A_218 {offsets = [0], sizes = [1], strides = [1]} : vector<16xi32> to vector<1xi32>
      %squeeze3A_220 = vector.extract %slice3A_219[0] : i32 from vector<1xi32>
      %broadcast_in_dim3A_221 = vector.broadcast %squeeze3A_220 : i32 to vector<16xi32>
      %gather3A_222 = tpu.vector_load_idx %arg9[%broadcast_in_dim3A_221] : memref<272xi32, #tpu.memory_space<vmem>>[vector<16xi32>], vector<16xi32>,
      %slice3A_223 = vector.extract_strided_slice %gather3A_222 {offsets = [0], sizes = [1], strides = [1]} : vector<16xi32> to vector<1xi32>
      %squeeze3A_224 = vector.extract %slice3A_223[0] : i32 from vector<1xi32>
      %broadcast_in_dim3A_225 = vector.broadcast %squeeze3A_220 : i32 to vector<16xi32>
      %gather3A_226 = tpu.vector_load_idx %arg10[%broadcast_in_dim3A_225] : memref<272xi32, #tpu.memory_space<vmem>>[vector<16xi32>], vector<16xi32>,
      %slice3A_227 = vector.extract_strided_slice %gather3A_226 {offsets = [0], sizes = [1], strides = [1]} : vector<16xi32> to vector<1xi32>
      %squeeze3A_228 = vector.extract %slice3A_227[0] : i32 from vector<1xi32>
      %while3A_229 = arith.constant 0 : i32
      %while3A_230 = arith.subi %squeeze3A_228, %squeeze3A_224 : i32
      %while3A_231 = arith.addi %squeeze3A_224, %while3A_230 : i32
      %while3A_232 = arith.constant 1 : i32
      %while3A_233 = arith.divsi %while3A_230, %while3A_232 : i32
      %while3A_234 = arith.muli %while3A_233, %while3A_232 : i32
      %while3A_235 = arith.addi %squeeze3A_224, %while3A_234 : i32
      %while3A_236 = arith.constant 1 : i32
      %while3A_237 = scf.for %while3A_437 = %squeeze3A_224 to %while3A_235 step %while3A_236 iter_args(%while3A_438 = %while3A_198) -> (i32)  : i32 {
        %broadcast_in_dim3A_439 = vector.broadcast %while3A_437 : i32 to vector<16xi32>
        %gather3A_440 = tpu.vector_load_idx %arg7[%broadcast_in_dim3A_439] : memref<16400xi32, #tpu.memory_space<vmem>>[vector<16xi32>], vector<16xi32>,
        %slice3A_441 = vector.extract_strided_slice %gather3A_440 {offsets = [0], sizes = [1], strides = [1]} : vector<16xi32> to vector<1xi32>
        %squeeze3A_442 = vector.extract %slice3A_441[0] : i32 from vector<1xi32>
        %and3A_443 = arith.constant 127 : i32
        %and3A_444 = arith.andi %squeeze3A_442, %and3A_443 : i32
        %broadcast_in_dim3A_445 = vector.broadcast %and3A_444 : i32 to vector<16xi32>
        %broadcast_in_dim3A_446 = vector.broadcast %while3A_438 : i32 to vector<16xi32>
        %add3A_447 = arith.constant 0 : i32
        %add3A_448 = vector.broadcast %add3A_447 : i32 to vector<16xi32>
        %add3A_449 = arith.addi %iota3A, %add3A_448 : vector<16xi32>
        %gather3A_450 = arith.constant 0 : i32
        %gather3A_451 = arith.constant 0 : i32
        %gather3A_452 = tpu.memref_slice %arg12[%while3A_229, %gather3A_450, %gather3A_451] : memref<5x64x128xf32, #tpu.memory_space<vmem>> -> memref<1x64x128xf32, #tpu.memory_space<vmem>>
        %gather3A_453 = tpu.memref_squeeze %gather3A_452 : memref<1x64x128xf32, #tpu.memory_space<vmem>> -> memref<64x128xf32, #tpu.memory_space<vmem>>
        %gather3A_454 = tpu.vector_load_idx %gather3A_453[%add3A_449, %broadcast_in_dim3A_445] : memref<64x128xf32, #tpu.memory_space<vmem>>[vector<16xi32>, vector<16xi32>], vector<16xf32>,
        %add3A_455 = arith.constant 0 : i32
        %add3A_456 = vector.broadcast %add3A_455 : i32 to vector<16xi32>
        %add3A_457 = arith.addi %iota3A, %add3A_456 : vector<16xi32>
        tpu.vector_store_idx %arg13[%broadcast_in_dim3A_446, %add3A_457], %gather3A_454 : memref<128x128xf32, #tpu.memory_space<vmem>>[vector<16xi32>, vector<16xi32>], vector<16xf32>,
        %add3A_458 = arith.constant 16 : i32
        %add3A_459 = vector.broadcast %add3A_458 : i32 to vector<16xi32>
        %add3A_460 = arith.addi %iota3A, %add3A_459 : vector<16xi32>
        %gather3A_461 = arith.constant 0 : i32
        %gather3A_462 = arith.constant 0 : i32
        %gather3A_463 = tpu.memref_slice %arg12[%while3A_229, %gather3A_461, %gather3A_462] : memref<5x64x128xf32, #tpu.memory_space<vmem>> -> memref<1x64x128xf32, #tpu.memory_space<vmem>>
        %gather3A_464 = tpu.memref_squeeze %gather3A_463 : memref<1x64x128xf32, #tpu.memory_space<vmem>> -> memref<64x128xf32, #tpu.memory_space<vmem>>
        %gather3A_465 = tpu.vector_load_idx %gather3A_464[%add3A_460, %broadcast_in_dim3A_445] : memref<64x128xf32, #tpu.memory_space<vmem>>[vector<16xi32>, vector<16xi32>], vector<16xf32>,
        %add3A_466 = arith.constant 16 : i32
        %add3A_467 = vector.broadcast %add3A_466 : i32 to vector<16xi32>
        %add3A_468 = arith.addi %iota3A, %add3A_467 : vector<16xi32>
        tpu.vector_store_idx %arg13[%broadcast_in_dim3A_446, %add3A_468], %gather3A_465 : memref<128x128xf32, #tpu.memory_space<vmem>>[vector<16xi32>, vector<16xi32>], vector<16xf32>,
        %add3A_469 = arith.constant 32 : i32
        %add3A_470 = vector.broadcast %add3A_469 : i32 to vector<16xi32>
        %add3A_471 = arith.addi %iota3A, %add3A_470 : vector<16xi32>
        %gather3A_472 = arith.constant 0 : i32
        %gather3A_473 = arith.constant 0 : i32
        %gather3A_474 = tpu.memref_slice %arg12[%while3A_229, %gather3A_472, %gather3A_473] : memref<5x64x128xf32, #tpu.memory_space<vmem>> -> memref<1x64x128xf32, #tpu.memory_space<vmem>>
        %gather3A_475 = tpu.memref_squeeze %gather3A_474 : memref<1x64x128xf32, #tpu.memory_space<vmem>> -> memref<64x128xf32, #tpu.memory_space<vmem>>
        %gather3A_476 = tpu.vector_load_idx %gather3A_475[%add3A_471, %broadcast_in_dim3A_445] : memref<64x128xf32, #tpu.memory_space<vmem>>[vector<16xi32>, vector<16xi32>], vector<16xf32>,
        %add3A_477 = arith.constant 32 : i32
        %add3A_478 = vector.broadcast %add3A_477 : i32 to vector<16xi32>
        %add3A_479 = arith.addi %iota3A, %add3A_478 : vector<16xi32>
        tpu.vector_store_idx %arg13[%broadcast_in_dim3A_446, %add3A_479], %gather3A_476 : memref<128x128xf32, #tpu.memory_space<vmem>>[vector<16xi32>, vector<16xi32>], vector<16xf32>,
        %add3A_480 = arith.constant 48 : i32
        %add3A_481 = vector.broadcast %add3A_480 : i32 to vector<16xi32>
        %add3A_482 = arith.addi %iota3A, %add3A_481 : vector<16xi32>
        %gather3A_483 = arith.constant 0 : i32
        %gather3A_484 = arith.constant 0 : i32
        %gather3A_485 = tpu.memref_slice %arg12[%while3A_229, %gather3A_483, %gather3A_484] : memref<5x64x128xf32, #tpu.memory_space<vmem>> -> memref<1x64x128xf32, #tpu.memory_space<vmem>>
        %gather3A_486 = tpu.memref_squeeze %gather3A_485 : memref<1x64x128xf32, #tpu.memory_space<vmem>> -> memref<64x128xf32, #tpu.memory_space<vmem>>
        %gather3A_487 = tpu.vector_load_idx %gather3A_486[%add3A_482, %broadcast_in_dim3A_445] : memref<64x128xf32, #tpu.memory_space<vmem>>[vector<16xi32>, vector<16xi32>], vector<16xf32>,
        %add3A_488 = arith.constant 48 : i32
        %add3A_489 = vector.broadcast %add3A_488 : i32 to vector<16xi32>
        %add3A_490 = arith.addi %iota3A, %add3A_489 : vector<16xi32>
        tpu.vector_store_idx %arg13[%broadcast_in_dim3A_446, %add3A_490], %gather3A_487 : memref<128x128xf32, #tpu.memory_space<vmem>>[vector<16xi32>, vector<16xi32>], vector<16xf32>,
        %shift_right_arithmetic3A = arith.constant 7 : i32
        %shift_right_arithmetic3A_491 = arith.shrsi %squeeze3A_442, %shift_right_arithmetic3A : i32
        %and3A_492 = arith.constant 16383 : i32
        %and3A_493 = arith.andi %shift_right_arithmetic3A_491, %and3A_492 : i32
        %broadcast_in_dim3A_494 = vector.broadcast %and3A_493 : i32 to vector<16xi32>
        tpu.vector_store_idx %arg14[%broadcast_in_dim3A_446], %broadcast_in_dim3A_494 masked %eq3A_21 : memref<128xi32, #tpu.memory_space<vmem>>[vector<16xi32>], vector<16xi32>, vector<16xi1>
        %add3A_495 = arith.constant 1 : i32
        %add3A_496 = arith.addi %while3A_438, %add3A_495 : i32
        %eq3A_497 = arith.constant 128 : i32
        %eq3A_498 = arith.cmpi eq, %add3A_496, %eq3A_497 : i32
        %convert_element_type3A_499 = arith.extui %eq3A_498 : i1 to i32
        %cond3A_500 = arith.constant 0 : i32
        %cond3A_501 = arith.cmpi ne, %convert_element_type3A_499, %cond3A_500 : i32
        %cond3A_502 = scf.if %cond3A_501 -> (i32) {
          %dma_start3A = arith.constant 0 : i32
          %dma_start3A_503 = arith.constant 0 : i32
          %dma_start3A_504 = tpu.memref_slice %arg4[%dma_start3A, %dma_start3A_503] : memref<16416x128xf32, #tpu.memory_space<hbm>> -> memref<16416x128xf32, #tpu.memory_space<hbm>>
          tpu.enqueue_indirect_dma source(%arg13 : memref<128x128xf32, #tpu.memory_space<vmem>>) target(%dma_start3A_504 : memref<16416x128xf32, #tpu.memory_space<hbm>>) offsets(%arg14 : memref<128xi32, #tpu.memory_space<vmem>>) semaphore(%arg20 : memref<!tpu.dma_semaphore, #tpu.memory_space<semaphore_mem>>)
          %dma_wait3A_505 = arith.constant 0 : i32
          %dma_wait3A_506 = arith.constant 0 : i32
          %dma_wait3A_507 = tpu.memref_slice %arg4[%dma_wait3A_505, %dma_wait3A_506] : memref<16416x128xf32, #tpu.memory_space<hbm>> -> memref<16416x128xf32, #tpu.memory_space<hbm>>
          tpu.wait_indirect_dma semaphore(%arg20 : memref<!tpu.dma_semaphore, #tpu.memory_space<semaphore_mem>>) src(%arg13 : memref<128x128xf32, #tpu.memory_space<vmem>>) dst(%dma_wait3A_507 : memref<16416x128xf32, #tpu.memory_space<hbm>>)
          %cond3A_508 = arith.constant 0 : i32
          scf.yield %cond3A_508 : i32
        } else {
          scf.yield %add3A_496 : i32
        }
        scf.yield %cond3A_502 : i32
      }
      %while3A_238 = arith.constant 1 : i32
      %while3A_239 = scf.for %while3A_437 = %while3A_235 to %while3A_231 step %while3A_238 iter_args(%while3A_438 = %while3A_237) -> (i32)  : i32 {
        %broadcast_in_dim3A_439 = vector.broadcast %while3A_437 : i32 to vector<16xi32>
        %gather3A_440 = tpu.vector_load_idx %arg7[%broadcast_in_dim3A_439] : memref<16400xi32, #tpu.memory_space<vmem>>[vector<16xi32>], vector<16xi32>,
        %slice3A_441 = vector.extract_strided_slice %gather3A_440 {offsets = [0], sizes = [1], strides = [1]} : vector<16xi32> to vector<1xi32>
        %squeeze3A_442 = vector.extract %slice3A_441[0] : i32 from vector<1xi32>
        %and3A_443 = arith.constant 127 : i32
        %and3A_444 = arith.andi %squeeze3A_442, %and3A_443 : i32
        %broadcast_in_dim3A_445 = vector.broadcast %and3A_444 : i32 to vector<16xi32>
        %broadcast_in_dim3A_446 = vector.broadcast %while3A_438 : i32 to vector<16xi32>
        %add3A_447 = arith.constant 0 : i32
        %add3A_448 = vector.broadcast %add3A_447 : i32 to vector<16xi32>
        %add3A_449 = arith.addi %iota3A, %add3A_448 : vector<16xi32>
        %gather3A_450 = arith.constant 0 : i32
        %gather3A_451 = arith.constant 0 : i32
        %gather3A_452 = tpu.memref_slice %arg12[%while3A_229, %gather3A_450, %gather3A_451] : memref<5x64x128xf32, #tpu.memory_space<vmem>> -> memref<1x64x128xf32, #tpu.memory_space<vmem>>
        %gather3A_453 = tpu.memref_squeeze %gather3A_452 : memref<1x64x128xf32, #tpu.memory_space<vmem>> -> memref<64x128xf32, #tpu.memory_space<vmem>>
        %gather3A_454 = tpu.vector_load_idx %gather3A_453[%add3A_449, %broadcast_in_dim3A_445] : memref<64x128xf32, #tpu.memory_space<vmem>>[vector<16xi32>, vector<16xi32>], vector<16xf32>,
        %add3A_455 = arith.constant 0 : i32
        %add3A_456 = vector.broadcast %add3A_455 : i32 to vector<16xi32>
        %add3A_457 = arith.addi %iota3A, %add3A_456 : vector<16xi32>
        tpu.vector_store_idx %arg13[%broadcast_in_dim3A_446, %add3A_457], %gather3A_454 : memref<128x128xf32, #tpu.memory_space<vmem>>[vector<16xi32>, vector<16xi32>], vector<16xf32>,
        %add3A_458 = arith.constant 16 : i32
        %add3A_459 = vector.broadcast %add3A_458 : i32 to vector<16xi32>
        %add3A_460 = arith.addi %iota3A, %add3A_459 : vector<16xi32>
        %gather3A_461 = arith.constant 0 : i32
        %gather3A_462 = arith.constant 0 : i32
        %gather3A_463 = tpu.memref_slice %arg12[%while3A_229, %gather3A_461, %gather3A_462] : memref<5x64x128xf32, #tpu.memory_space<vmem>> -> memref<1x64x128xf32, #tpu.memory_space<vmem>>
        %gather3A_464 = tpu.memref_squeeze %gather3A_463 : memref<1x64x128xf32, #tpu.memory_space<vmem>> -> memref<64x128xf32, #tpu.memory_space<vmem>>
        %gather3A_465 = tpu.vector_load_idx %gather3A_464[%add3A_460, %broadcast_in_dim3A_445] : memref<64x128xf32, #tpu.memory_space<vmem>>[vector<16xi32>, vector<16xi32>], vector<16xf32>,
        %add3A_466 = arith.constant 16 : i32
        %add3A_467 = vector.broadcast %add3A_466 : i32 to vector<16xi32>
        %add3A_468 = arith.addi %iota3A, %add3A_467 : vector<16xi32>
        tpu.vector_store_idx %arg13[%broadcast_in_dim3A_446, %add3A_468], %gather3A_465 : memref<128x128xf32, #tpu.memory_space<vmem>>[vector<16xi32>, vector<16xi32>], vector<16xf32>,
        %add3A_469 = arith.constant 32 : i32
        %add3A_470 = vector.broadcast %add3A_469 : i32 to vector<16xi32>
        %add3A_471 = arith.addi %iota3A, %add3A_470 : vector<16xi32>
        %gather3A_472 = arith.constant 0 : i32
        %gather3A_473 = arith.constant 0 : i32
        %gather3A_474 = tpu.memref_slice %arg12[%while3A_229, %gather3A_472, %gather3A_473] : memref<5x64x128xf32, #tpu.memory_space<vmem>> -> memref<1x64x128xf32, #tpu.memory_space<vmem>>
        %gather3A_475 = tpu.memref_squeeze %gather3A_474 : memref<1x64x128xf32, #tpu.memory_space<vmem>> -> memref<64x128xf32, #tpu.memory_space<vmem>>
        %gather3A_476 = tpu.vector_load_idx %gather3A_475[%add3A_471, %broadcast_in_dim3A_445] : memref<64x128xf32, #tpu.memory_space<vmem>>[vector<16xi32>, vector<16xi32>], vector<16xf32>,
        %add3A_477 = arith.constant 32 : i32
        %add3A_478 = vector.broadcast %add3A_477 : i32 to vector<16xi32>
        %add3A_479 = arith.addi %iota3A, %add3A_478 : vector<16xi32>
        tpu.vector_store_idx %arg13[%broadcast_in_dim3A_446, %add3A_479], %gather3A_476 : memref<128x128xf32, #tpu.memory_space<vmem>>[vector<16xi32>, vector<16xi32>], vector<16xf32>,
        %add3A_480 = arith.constant 48 : i32
        %add3A_481 = vector.broadcast %add3A_480 : i32 to vector<16xi32>
        %add3A_482 = arith.addi %iota3A, %add3A_481 : vector<16xi32>
        %gather3A_483 = arith.constant 0 : i32
        %gather3A_484 = arith.constant 0 : i32
        %gather3A_485 = tpu.memref_slice %arg12[%while3A_229, %gather3A_483, %gather3A_484] : memref<5x64x128xf32, #tpu.memory_space<vmem>> -> memref<1x64x128xf32, #tpu.memory_space<vmem>>
        %gather3A_486 = tpu.memref_squeeze %gather3A_485 : memref<1x64x128xf32, #tpu.memory_space<vmem>> -> memref<64x128xf32, #tpu.memory_space<vmem>>
        %gather3A_487 = tpu.vector_load_idx %gather3A_486[%add3A_482, %broadcast_in_dim3A_445] : memref<64x128xf32, #tpu.memory_space<vmem>>[vector<16xi32>, vector<16xi32>], vector<16xf32>,
        %add3A_488 = arith.constant 48 : i32
        %add3A_489 = vector.broadcast %add3A_488 : i32 to vector<16xi32>
        %add3A_490 = arith.addi %iota3A, %add3A_489 : vector<16xi32>
        tpu.vector_store_idx %arg13[%broadcast_in_dim3A_446, %add3A_490], %gather3A_487 : memref<128x128xf32, #tpu.memory_space<vmem>>[vector<16xi32>, vector<16xi32>], vector<16xf32>,
        %shift_right_arithmetic3A = arith.constant 7 : i32
        %shift_right_arithmetic3A_491 = arith.shrsi %squeeze3A_442, %shift_right_arithmetic3A : i32
        %and3A_492 = arith.constant 16383 : i32
        %and3A_493 = arith.andi %shift_right_arithmetic3A_491, %and3A_492 : i32
        %broadcast_in_dim3A_494 = vector.broadcast %and3A_493 : i32 to vector<16xi32>
        tpu.vector_store_idx %arg14[%broadcast_in_dim3A_446], %broadcast_in_dim3A_494 masked %eq3A_21 : memref<128xi32, #tpu.memory_space<vmem>>[vector<16xi32>], vector<16xi32>, vector<16xi1>
        %add3A_495 = arith.constant 1 : i32
        %add3A_496 = arith.addi %while3A_438, %add3A_495 : i32
        %eq3A_497 = arith.constant 128 : i32
        %eq3A_498 = arith.cmpi eq, %add3A_496, %eq3A_497 : i32
        %convert_element_type3A_499 = arith.extui %eq3A_498 : i1 to i32
        %cond3A_500 = arith.constant 0 : i32
        %cond3A_501 = arith.cmpi ne, %convert_element_type3A_499, %cond3A_500 : i32
        %cond3A_502 = scf.if %cond3A_501 -> (i32) {
          %dma_start3A = arith.constant 0 : i32
          %dma_start3A_503 = arith.constant 0 : i32
          %dma_start3A_504 = tpu.memref_slice %arg4[%dma_start3A, %dma_start3A_503] : memref<16416x128xf32, #tpu.memory_space<hbm>> -> memref<16416x128xf32, #tpu.memory_space<hbm>>
          tpu.enqueue_indirect_dma source(%arg13 : memref<128x128xf32, #tpu.memory_space<vmem>>) target(%dma_start3A_504 : memref<16416x128xf32, #tpu.memory_space<hbm>>) offsets(%arg14 : memref<128xi32, #tpu.memory_space<vmem>>) semaphore(%arg20 : memref<!tpu.dma_semaphore, #tpu.memory_space<semaphore_mem>>)
          %dma_wait3A_505 = arith.constant 0 : i32
          %dma_wait3A_506 = arith.constant 0 : i32
          %dma_wait3A_507 = tpu.memref_slice %arg4[%dma_wait3A_505, %dma_wait3A_506] : memref<16416x128xf32, #tpu.memory_space<hbm>> -> memref<16416x128xf32, #tpu.memory_space<hbm>>
          tpu.wait_indirect_dma semaphore(%arg20 : memref<!tpu.dma_semaphore, #tpu.memory_space<semaphore_mem>>) src(%arg13 : memref<128x128xf32, #tpu.memory_space<vmem>>) dst(%dma_wait3A_507 : memref<16416x128xf32, #tpu.memory_space<hbm>>)
          %cond3A_508 = arith.constant 0 : i32
          scf.yield %cond3A_508 : i32
        } else {
          scf.yield %add3A_496 : i32
        }
        scf.yield %cond3A_502 : i32
      }
      %add3A_240 = arith.constant 5 : i32
      %add3A_241 = arith.addi %add3A_202, %add3A_240 : i32
      %lt3A = arith.cmpi slt, %add3A_241, %mul3A_131 : i32
      %convert_element_type3A_242 = arith.extui %lt3A : i1 to i32
      %cond3A_243 = arith.constant 0 : i32
      %cond3A_244 = arith.cmpi ne, %convert_element_type3A_242, %cond3A_243 : i32
      scf.if %cond3A_244 {
        %add3A_437 = arith.constant 5 : i32
        %add3A_438 = arith.addi %add3A_202, %add3A_437 : i32
        %broadcast_in_dim3A_439 = vector.broadcast %add3A_438 : i32 to vector<16xi32>
        %gather3A_440 = tpu.vector_load_idx %arg11[%broadcast_in_dim3A_439] : memref<304xi32, #tpu.memory_space<vmem>>[vector<16xi32>], vector<16xi32>,
        %slice3A_441 = vector.extract_strided_slice %gather3A_440 {offsets = [0], sizes = [1], strides = [1]} : vector<16xi32> to vector<1xi32>
        %squeeze3A_442 = vector.extract %slice3A_441[0] : i32 from vector<1xi32>
        %add3A_443 = arith.addi %squeeze3A_442, %select_n3A : i32
        %mul3A_444 = arith.constant 128 : i32
        %mul3A_445 = arith.muli %add3A_443, %mul3A_444 : i32
        %multiple_of3A = tpu.assume_multiple %mul3A_445, 128 : i32
        %dma_start3A = arith.constant 0 : i32
        %dma_start3A_446 = arith.constant 0 : i32
        %dma_start3A_447 = arith.constant 0 : i32
        %dma_start3A_448 = tpu.memref_slice %arg12[%dma_start3A, %dma_start3A_446, %dma_start3A_447] : memref<5x64x128xf32, #tpu.memory_space<vmem>> -> memref<1x64x128xf32, #tpu.memory_space<vmem>>
        %dma_start3A_449 = tpu.memref_squeeze %dma_start3A_448 : memref<1x64x128xf32, #tpu.memory_space<vmem>> -> memref<64x128xf32, #tpu.memory_space<vmem>>
        %dma_start3A_450 = arith.constant 0 : i32
        %dma_start3A_451 = tpu.memref_slice %arg3[%dma_start3A_450, %multiple_of3A] : memref<64x1000000xf32, #tpu.memory_space<hbm>> -> memref<64x128xf32, #tpu.memory_space<hbm>>
        %dma_start3A_452 = arith.constant 0 : i32
        %dma_start3A_453 = arith.constant 0 : i32
        %dma_start3A_454 = tpu.memref_slice %arg12[%dma_start3A, %dma_start3A_452, %dma_start3A_453] : memref<5x64x128xf32, #tpu.memory_space<vmem>> -> memref<1x64x128xf32, #tpu.memory_space<vmem>>
        %dma_start3A_455 = tpu.memref_squeeze %dma_start3A_454 : memref<1x64x128xf32, #tpu.memory_space<vmem>> -> memref<64x128xf32, #tpu.memory_space<vmem>>
        %dma_start3A_456 = arith.constant 0 : i32
        %dma_start3A_457 = tpu.memref_slice %arg3[%dma_start3A_456, %multiple_of3A] : memref<64x1000000xf32, #tpu.memory_space<hbm>> -> memref<64x128xf32, #tpu.memory_space<hbm>>
        tpu.enqueue_dma source(%dma_start3A_457 : memref<64x128xf32, #tpu.memory_space<hbm>>) target(%dma_start3A_455 : memref<64x128xf32, #tpu.memory_space<vmem>>) target_semaphore(%arg15 : memref<!tpu.dma_semaphore, #tpu.memory_space<semaphore_mem>>)
      } else {
      }
      %mul3A_245 = arith.constant 5 : i32
      %mul3A_246 = arith.muli %while3A_197, %mul3A_245 : i32
      %add3A_247 = arith.constant 1 : i32
      %add3A_248 = arith.addi %mul3A_246, %add3A_247 : i32
      %dma_wait3A_249 = arith.constant 1 : i32
      %dma_wait3A_250 = arith.constant 0 : i32
      %dma_wait3A_251 = arith.constant 0 : i32
      %dma_wait3A_252 = tpu.memref_slice %arg12[%dma_wait3A_249, %dma_wait3A_250, %dma_wait3A_251] : memref<5x64x128xf32, #tpu.memory_space<vmem>> -> memref<1x64x128xf32, #tpu.memory_space<vmem>>
      %dma_wait3A_253 = tpu.memref_squeeze %dma_wait3A_252 : memref<1x64x128xf32, #tpu.memory_space<vmem>> -> memref<64x128xf32, #tpu.memory_space<vmem>>
      %dma_wait3A_254 = arith.constant 0 : i32
      %dma_wait3A_255 = arith.constant 0 : i32
      %dma_wait3A_256 = tpu.memref_slice %arg3[%dma_wait3A_254, %dma_wait3A_255] : memref<64x1000000xf32, #tpu.memory_space<hbm>> -> memref<64x128xf32, #tpu.memory_space<hbm>>
      %dma_wait3A_257 = arith.constant 0 : i32
      %dma_wait3A_258 = arith.constant 0 : i32
      %dma_wait3A_259 = tpu.memref_slice %arg12[%dma_wait3A_249, %dma_wait3A_257, %dma_wait3A_258] : memref<5x64x128xf32, #tpu.memory_space<vmem>> -> memref<1x64x128xf32, #tpu.memory_space<vmem>>
      %dma_wait3A_260 = tpu.memref_squeeze %dma_wait3A_259 : memref<1x64x128xf32, #tpu.memory_space<vmem>> -> memref<64x128xf32, #tpu.memory_space<vmem>>
      %dma_wait3A_261 = arith.constant 0 : i32
      %dma_wait3A_262 = arith.constant 0 : i32
      %dma_wait3A_263 = tpu.memref_slice %arg3[%dma_wait3A_261, %dma_wait3A_262] : memref<64x1000000xf32, #tpu.memory_space<hbm>> -> memref<64x128xf32, #tpu.memory_space<hbm>>
      tpu.wait_dma2 semaphore(%arg16 : memref<!tpu.dma_semaphore, #tpu.memory_space<semaphore_mem>>) src(%dma_wait3A_263 : memref<64x128xf32, #tpu.memory_space<hbm>>) dst(%dma_wait3A_260 : memref<64x128xf32, #tpu.memory_space<vmem>>)
      %broadcast_in_dim3A_264 = vector.broadcast %add3A_248 : i32 to vector<16xi32>
      %gather3A_265 = tpu.vector_load_idx %arg11[%broadcast_in_dim3A_264] : memref<304xi32, #tpu.memory_space<vmem>>[vector<16xi32>], vector<16xi32>,
      %slice3A_266 = vector.extract_strided_slice %gather3A_265 {offsets = [0], sizes = [1], strides = [1]} : vector<16xi32> to vector<1xi32>
      %squeeze3A_267 = vector.extract %slice3A_266[0] : i32 from vector<1xi32>
      %broadcast_in_dim3A_268 = vector.broadcast %squeeze3A_267 : i32 to vector<16xi32>
      %gather3A_269 = tpu.vector_load_idx %arg9[%broadcast_in_dim3A_268] : memref<272xi32, #tpu.memory_space<vmem>>[vector<16xi32>], vector<16xi32>,
      %slice3A_270 = vector.extract_strided_slice %gather3A_269 {offsets = [0], sizes = [1], strides = [1]} : vector<16xi32> to vector<1xi32>
      %squeeze3A_271 = vector.extract %slice3A_270[0] : i32 from vector<1xi32>
      %broadcast_in_dim3A_272 = vector.broadcast %squeeze3A_267 : i32 to vector<16xi32>
      %gather3A_273 = tpu.vector_load_idx %arg10[%broadcast_in_dim3A_272] : memref<272xi32, #tpu.memory_space<vmem>>[vector<16xi32>], vector<16xi32>,
      %slice3A_274 = vector.extract_strided_slice %gather3A_273 {offsets = [0], sizes = [1], strides = [1]} : vector<16xi32> to vector<1xi32>
      %squeeze3A_275 = vector.extract %slice3A_274[0] : i32 from vector<1xi32>
      %while3A_276 = arith.constant 1 : i32
      %while3A_277 = arith.subi %squeeze3A_275, %squeeze3A_271 : i32
      %while3A_278 = arith.addi %squeeze3A_271, %while3A_277 : i32
      %while3A_279 = arith.constant 1 : i32
      %while3A_280 = arith.divsi %while3A_277, %while3A_279 : i32
      %while3A_281 = arith.muli %while3A_280, %while3A_279 : i32
      %while3A_282 = arith.addi %squeeze3A_271, %while3A_281 : i32
      %while3A_283 = arith.constant 1 : i32
      %while3A_284 = scf.for %while3A_437 = %squeeze3A_271 to %while3A_282 step %while3A_283 iter_args(%while3A_438 = %while3A_239) -> (i32)  : i32 {
        %broadcast_in_dim3A_439 = vector.broadcast %while3A_437 : i32 to vector<16xi32>
        %gather3A_440 = tpu.vector_load_idx %arg7[%broadcast_in_dim3A_439] : memref<16400xi32, #tpu.memory_space<vmem>>[vector<16xi32>], vector<16xi32>,
        %slice3A_441 = vector.extract_strided_slice %gather3A_440 {offsets = [0], sizes = [1], strides = [1]} : vector<16xi32> to vector<1xi32>
        %squeeze3A_442 = vector.extract %slice3A_441[0] : i32 from vector<1xi32>
        %and3A_443 = arith.constant 127 : i32
        %and3A_444 = arith.andi %squeeze3A_442, %and3A_443 : i32
        %broadcast_in_dim3A_445 = vector.broadcast %and3A_444 : i32 to vector<16xi32>
        %broadcast_in_dim3A_446 = vector.broadcast %while3A_438 : i32 to vector<16xi32>
        %add3A_447 = arith.constant 0 : i32
        %add3A_448 = vector.broadcast %add3A_447 : i32 to vector<16xi32>
        %add3A_449 = arith.addi %iota3A, %add3A_448 : vector<16xi32>
        %gather3A_450 = arith.constant 0 : i32
        %gather3A_451 = arith.constant 0 : i32
        %gather3A_452 = tpu.memref_slice %arg12[%while3A_276, %gather3A_450, %gather3A_451] : memref<5x64x128xf32, #tpu.memory_space<vmem>> -> memref<1x64x128xf32, #tpu.memory_space<vmem>>
        %gather3A_453 = tpu.memref_squeeze %gather3A_452 : memref<1x64x128xf32, #tpu.memory_space<vmem>> -> memref<64x128xf32, #tpu.memory_space<vmem>>
        %gather3A_454 = tpu.vector_load_idx %gather3A_453[%add3A_449, %broadcast_in_dim3A_445] : memref<64x128xf32, #tpu.memory_space<vmem>>[vector<16xi32>, vector<16xi32>], vector<16xf32>,
        %add3A_455 = arith.constant 0 : i32
        %add3A_456 = vector.broadcast %add3A_455 : i32 to vector<16xi32>
        %add3A_457 = arith.addi %iota3A, %add3A_456 : vector<16xi32>
        tpu.vector_store_idx %arg13[%broadcast_in_dim3A_446, %add3A_457], %gather3A_454 : memref<128x128xf32, #tpu.memory_space<vmem>>[vector<16xi32>, vector<16xi32>], vector<16xf32>,
        %add3A_458 = arith.constant 16 : i32
        %add3A_459 = vector.broadcast %add3A_458 : i32 to vector<16xi32>
        %add3A_460 = arith.addi %iota3A, %add3A_459 : vector<16xi32>
        %gather3A_461 = arith.constant 0 : i32
        %gather3A_462 = arith.constant 0 : i32
        %gather3A_463 = tpu.memref_slice %arg12[%while3A_276, %gather3A_461, %gather3A_462] : memref<5x64x128xf32, #tpu.memory_space<vmem>> -> memref<1x64x128xf32, #tpu.memory_space<vmem>>
        %gather3A_464 = tpu.memref_squeeze %gather3A_463 : memref<1x64x128xf32, #tpu.memory_space<vmem>> -> memref<64x128xf32, #tpu.memory_space<vmem>>
        %gather3A_465 = tpu.vector_load_idx %gather3A_464[%add3A_460, %broadcast_in_dim3A_445] : memref<64x128xf32, #tpu.memory_space<vmem>>[vector<16xi32>, vector<16xi32>], vector<16xf32>,
        %add3A_466 = arith.constant 16 : i32
        %add3A_467 = vector.broadcast %add3A_466 : i32 to vector<16xi32>
        %add3A_468 = arith.addi %iota3A, %add3A_467 : vector<16xi32>
        tpu.vector_store_idx %arg13[%broadcast_in_dim3A_446, %add3A_468], %gather3A_465 : memref<128x128xf32, #tpu.memory_space<vmem>>[vector<16xi32>, vector<16xi32>], vector<16xf32>,
        %add3A_469 = arith.constant 32 : i32
        %add3A_470 = vector.broadcast %add3A_469 : i32 to vector<16xi32>
        %add3A_471 = arith.addi %iota3A, %add3A_470 : vector<16xi32>
        %gather3A_472 = arith.constant 0 : i32
        %gather3A_473 = arith.constant 0 : i32
        %gather3A_474 = tpu.memref_slice %arg12[%while3A_276, %gather3A_472, %gather3A_473] : memref<5x64x128xf32, #tpu.memory_space<vmem>> -> memref<1x64x128xf32, #tpu.memory_space<vmem>>
        %gather3A_475 = tpu.memref_squeeze %gather3A_474 : memref<1x64x128xf32, #tpu.memory_space<vmem>> -> memref<64x128xf32, #tpu.memory_space<vmem>>
        %gather3A_476 = tpu.vector_load_idx %gather3A_475[%add3A_471, %broadcast_in_dim3A_445] : memref<64x128xf32, #tpu.memory_space<vmem>>[vector<16xi32>, vector<16xi32>], vector<16xf32>,
        %add3A_477 = arith.constant 32 : i32
        %add3A_478 = vector.broadcast %add3A_477 : i32 to vector<16xi32>
        %add3A_479 = arith.addi %iota3A, %add3A_478 : vector<16xi32>
        tpu.vector_store_idx %arg13[%broadcast_in_dim3A_446, %add3A_479], %gather3A_476 : memref<128x128xf32, #tpu.memory_space<vmem>>[vector<16xi32>, vector<16xi32>], vector<16xf32>,
        %add3A_480 = arith.constant 48 : i32
        %add3A_481 = vector.broadcast %add3A_480 : i32 to vector<16xi32>
        %add3A_482 = arith.addi %iota3A, %add3A_481 : vector<16xi32>
        %gather3A_483 = arith.constant 0 : i32
        %gather3A_484 = arith.constant 0 : i32
        %gather3A_485 = tpu.memref_slice %arg12[%while3A_276, %gather3A_483, %gather3A_484] : memref<5x64x128xf32, #tpu.memory_space<vmem>> -> memref<1x64x128xf32, #tpu.memory_space<vmem>>
        %gather3A_486 = tpu.memref_squeeze %gather3A_485 : memref<1x64x128xf32, #tpu.memory_space<vmem>> -> memref<64x128xf32, #tpu.memory_space<vmem>>
        %gather3A_487 = tpu.vector_load_idx %gather3A_486[%add3A_482, %broadcast_in_dim3A_445] : memref<64x128xf32, #tpu.memory_space<vmem>>[vector<16xi32>, vector<16xi32>], vector<16xf32>,
        %add3A_488 = arith.constant 48 : i32
        %add3A_489 = vector.broadcast %add3A_488 : i32 to vector<16xi32>
        %add3A_490 = arith.addi %iota3A, %add3A_489 : vector<16xi32>
        tpu.vector_store_idx %arg13[%broadcast_in_dim3A_446, %add3A_490], %gather3A_487 : memref<128x128xf32, #tpu.memory_space<vmem>>[vector<16xi32>, vector<16xi32>], vector<16xf32>,
        %shift_right_arithmetic3A = arith.constant 7 : i32
        %shift_right_arithmetic3A_491 = arith.shrsi %squeeze3A_442, %shift_right_arithmetic3A : i32
        %and3A_492 = arith.constant 16383 : i32
        %and3A_493 = arith.andi %shift_right_arithmetic3A_491, %and3A_492 : i32
        %broadcast_in_dim3A_494 = vector.broadcast %and3A_493 : i32 to vector<16xi32>
        tpu.vector_store_idx %arg14[%broadcast_in_dim3A_446], %broadcast_in_dim3A_494 masked %eq3A_21 : memref<128xi32, #tpu.memory_space<vmem>>[vector<16xi32>], vector<16xi32>, vector<16xi1>
        %add3A_495 = arith.constant 1 : i32
        %add3A_496 = arith.addi %while3A_438, %add3A_495 : i32
        %eq3A_497 = arith.constant 128 : i32
        %eq3A_498 = arith.cmpi eq, %add3A_496, %eq3A_497 : i32
        %convert_element_type3A_499 = arith.extui %eq3A_498 : i1 to i32
        %cond3A_500 = arith.constant 0 : i32
        %cond3A_501 = arith.cmpi ne, %convert_element_type3A_499, %cond3A_500 : i32
        %cond3A_502 = scf.if %cond3A_501 -> (i32) {
          %dma_start3A = arith.constant 0 : i32
          %dma_start3A_503 = arith.constant 0 : i32
          %dma_start3A_504 = tpu.memref_slice %arg4[%dma_start3A, %dma_start3A_503] : memref<16416x128xf32, #tpu.memory_space<hbm>> -> memref<16416x128xf32, #tpu.memory_space<hbm>>
          tpu.enqueue_indirect_dma source(%arg13 : memref<128x128xf32, #tpu.memory_space<vmem>>) target(%dma_start3A_504 : memref<16416x128xf32, #tpu.memory_space<hbm>>) offsets(%arg14 : memref<128xi32, #tpu.memory_space<vmem>>) semaphore(%arg20 : memref<!tpu.dma_semaphore, #tpu.memory_space<semaphore_mem>>)
          %dma_wait3A_505 = arith.constant 0 : i32
          %dma_wait3A_506 = arith.constant 0 : i32
          %dma_wait3A_507 = tpu.memref_slice %arg4[%dma_wait3A_505, %dma_wait3A_506] : memref<16416x128xf32, #tpu.memory_space<hbm>> -> memref<16416x128xf32, #tpu.memory_space<hbm>>
          tpu.wait_indirect_dma semaphore(%arg20 : memref<!tpu.dma_semaphore, #tpu.memory_space<semaphore_mem>>) src(%arg13 : memref<128x128xf32, #tpu.memory_space<vmem>>) dst(%dma_wait3A_507 : memref<16416x128xf32, #tpu.memory_space<hbm>>)
          %cond3A_508 = arith.constant 0 : i32
          scf.yield %cond3A_508 : i32
        } else {
          scf.yield %add3A_496 : i32
        }
        scf.yield %cond3A_502 : i32
      }
      %while3A_285 = arith.constant 1 : i32
      %while3A_286 = scf.for %while3A_437 = %while3A_282 to %while3A_278 step %while3A_285 iter_args(%while3A_438 = %while3A_284) -> (i32)  : i32 {
        %broadcast_in_dim3A_439 = vector.broadcast %while3A_437 : i32 to vector<16xi32>
        %gather3A_440 = tpu.vector_load_idx %arg7[%broadcast_in_dim3A_439] : memref<16400xi32, #tpu.memory_space<vmem>>[vector<16xi32>], vector<16xi32>,
        %slice3A_441 = vector.extract_strided_slice %gather3A_440 {offsets = [0], sizes = [1], strides = [1]} : vector<16xi32> to vector<1xi32>
        %squeeze3A_442 = vector.extract %slice3A_441[0] : i32 from vector<1xi32>
        %and3A_443 = arith.constant 127 : i32
        %and3A_444 = arith.andi %squeeze3A_442, %and3A_443 : i32
        %broadcast_in_dim3A_445 = vector.broadcast %and3A_444 : i32 to vector<16xi32>
        %broadcast_in_dim3A_446 = vector.broadcast %while3A_438 : i32 to vector<16xi32>
        %add3A_447 = arith.constant 0 : i32
        %add3A_448 = vector.broadcast %add3A_447 : i32 to vector<16xi32>
        %add3A_449 = arith.addi %iota3A, %add3A_448 : vector<16xi32>
        %gather3A_450 = arith.constant 0 : i32
        %gather3A_451 = arith.constant 0 : i32
        %gather3A_452 = tpu.memref_slice %arg12[%while3A_276, %gather3A_450, %gather3A_451] : memref<5x64x128xf32, #tpu.memory_space<vmem>> -> memref<1x64x128xf32, #tpu.memory_space<vmem>>
        %gather3A_453 = tpu.memref_squeeze %gather3A_452 : memref<1x64x128xf32, #tpu.memory_space<vmem>> -> memref<64x128xf32, #tpu.memory_space<vmem>>
        %gather3A_454 = tpu.vector_load_idx %gather3A_453[%add3A_449, %broadcast_in_dim3A_445] : memref<64x128xf32, #tpu.memory_space<vmem>>[vector<16xi32>, vector<16xi32>], vector<16xf32>,
        %add3A_455 = arith.constant 0 : i32
        %add3A_456 = vector.broadcast %add3A_455 : i32 to vector<16xi32>
        %add3A_457 = arith.addi %iota3A, %add3A_456 : vector<16xi32>
        tpu.vector_store_idx %arg13[%broadcast_in_dim3A_446, %add3A_457], %gather3A_454 : memref<128x128xf32, #tpu.memory_space<vmem>>[vector<16xi32>, vector<16xi32>], vector<16xf32>,
        %add3A_458 = arith.constant 16 : i32
        %add3A_459 = vector.broadcast %add3A_458 : i32 to vector<16xi32>
        %add3A_460 = arith.addi %iota3A, %add3A_459 : vector<16xi32>
        %gather3A_461 = arith.constant 0 : i32
        %gather3A_462 = arith.constant 0 : i32
        %gather3A_463 = tpu.memref_slice %arg12[%while3A_276, %gather3A_461, %gather3A_462] : memref<5x64x128xf32, #tpu.memory_space<vmem>> -> memref<1x64x128xf32, #tpu.memory_space<vmem>>
        %gather3A_464 = tpu.memref_squeeze %gather3A_463 : memref<1x64x128xf32, #tpu.memory_space<vmem>> -> memref<64x128xf32, #tpu.memory_space<vmem>>
        %gather3A_465 = tpu.vector_load_idx %gather3A_464[%add3A_460, %broadcast_in_dim3A_445] : memref<64x128xf32, #tpu.memory_space<vmem>>[vector<16xi32>, vector<16xi32>], vector<16xf32>,
        %add3A_466 = arith.constant 16 : i32
        %add3A_467 = vector.broadcast %add3A_466 : i32 to vector<16xi32>
        %add3A_468 = arith.addi %iota3A, %add3A_467 : vector<16xi32>
        tpu.vector_store_idx %arg13[%broadcast_in_dim3A_446, %add3A_468], %gather3A_465 : memref<128x128xf32, #tpu.memory_space<vmem>>[vector<16xi32>, vector<16xi32>], vector<16xf32>,
        %add3A_469 = arith.constant 32 : i32
        %add3A_470 = vector.broadcast %add3A_469 : i32 to vector<16xi32>
        %add3A_471 = arith.addi %iota3A, %add3A_470 : vector<16xi32>
        %gather3A_472 = arith.constant 0 : i32
        %gather3A_473 = arith.constant 0 : i32
        %gather3A_474 = tpu.memref_slice %arg12[%while3A_276, %gather3A_472, %gather3A_473] : memref<5x64x128xf32, #tpu.memory_space<vmem>> -> memref<1x64x128xf32, #tpu.memory_space<vmem>>
        %gather3A_475 = tpu.memref_squeeze %gather3A_474 : memref<1x64x128xf32, #tpu.memory_space<vmem>> -> memref<64x128xf32, #tpu.memory_space<vmem>>
        %gather3A_476 = tpu.vector_load_idx %gather3A_475[%add3A_471, %broadcast_in_dim3A_445] : memref<64x128xf32, #tpu.memory_space<vmem>>[vector<16xi32>, vector<16xi32>], vector<16xf32>,
        %add3A_477 = arith.constant 32 : i32
        %add3A_478 = vector.broadcast %add3A_477 : i32 to vector<16xi32>
        %add3A_479 = arith.addi %iota3A, %add3A_478 : vector<16xi32>
        tpu.vector_store_idx %arg13[%broadcast_in_dim3A_446, %add3A_479], %gather3A_476 : memref<128x128xf32, #tpu.memory_space<vmem>>[vector<16xi32>, vector<16xi32>], vector<16xf32>,
        %add3A_480 = arith.constant 48 : i32
        %add3A_481 = vector.broadcast %add3A_480 : i32 to vector<16xi32>
        %add3A_482 = arith.addi %iota3A, %add3A_481 : vector<16xi32>
        %gather3A_483 = arith.constant 0 : i32
        %gather3A_484 = arith.constant 0 : i32
        %gather3A_485 = tpu.memref_slice %arg12[%while3A_276, %gather3A_483, %gather3A_484] : memref<5x64x128xf32, #tpu.memory_space<vmem>> -> memref<1x64x128xf32, #tpu.memory_space<vmem>>
        %gather3A_486 = tpu.memref_squeeze %gather3A_485 : memref<1x64x128xf32, #tpu.memory_space<vmem>> -> memref<64x128xf32, #tpu.memory_space<vmem>>
        %gather3A_487 = tpu.vector_load_idx %gather3A_486[%add3A_482, %broadcast_in_dim3A_445] : memref<64x128xf32, #tpu.memory_space<vmem>>[vector<16xi32>, vector<16xi32>], vector<16xf32>,
        %add3A_488 = arith.constant 48 : i32
        %add3A_489 = vector.broadcast %add3A_488 : i32 to vector<16xi32>
        %add3A_490 = arith.addi %iota3A, %add3A_489 : vector<16xi32>
        tpu.vector_store_idx %arg13[%broadcast_in_dim3A_446, %add3A_490], %gather3A_487 : memref<128x128xf32, #tpu.memory_space<vmem>>[vector<16xi32>, vector<16xi32>], vector<16xf32>,
        %shift_right_arithmetic3A = arith.constant 7 : i32
        %shift_right_arithmetic3A_491 = arith.shrsi %squeeze3A_442, %shift_right_arithmetic3A : i32
        %and3A_492 = arith.constant 16383 : i32
        %and3A_493 = arith.andi %shift_right_arithmetic3A_491, %and3A_492 : i32
        %broadcast_in_dim3A_494 = vector.broadcast %and3A_493 : i32 to vector<16xi32>
        tpu.vector_store_idx %arg14[%broadcast_in_dim3A_446], %broadcast_in_dim3A_494 masked %eq3A_21 : memref<128xi32, #tpu.memory_space<vmem>>[vector<16xi32>], vector<16xi32>, vector<16xi1>
        %add3A_495 = arith.constant 1 : i32
        %add3A_496 = arith.addi %while3A_438, %add3A_495 : i32
        %eq3A_497 = arith.constant 128 : i32
        %eq3A_498 = arith.cmpi eq, %add3A_496, %eq3A_497 : i32
        %convert_element_type3A_499 = arith.extui %eq3A_498 : i1 to i32
        %cond3A_500 = arith.constant 0 : i32
        %cond3A_501 = arith.cmpi ne, %convert_element_type3A_499, %cond3A_500 : i32
        %cond3A_502 = scf.if %cond3A_501 -> (i32) {
          %dma_start3A = arith.constant 0 : i32
          %dma_start3A_503 = arith.constant 0 : i32
          %dma_start3A_504 = tpu.memref_slice %arg4[%dma_start3A, %dma_start3A_503] : memref<16416x128xf32, #tpu.memory_space<hbm>> -> memref<16416x128xf32, #tpu.memory_space<hbm>>
          tpu.enqueue_indirect_dma source(%arg13 : memref<128x128xf32, #tpu.memory_space<vmem>>) target(%dma_start3A_504 : memref<16416x128xf32, #tpu.memory_space<hbm>>) offsets(%arg14 : memref<128xi32, #tpu.memory_space<vmem>>) semaphore(%arg20 : memref<!tpu.dma_semaphore, #tpu.memory_space<semaphore_mem>>)
          %dma_wait3A_505 = arith.constant 0 : i32
          %dma_wait3A_506 = arith.constant 0 : i32
          %dma_wait3A_507 = tpu.memref_slice %arg4[%dma_wait3A_505, %dma_wait3A_506] : memref<16416x128xf32, #tpu.memory_space<hbm>> -> memref<16416x128xf32, #tpu.memory_space<hbm>>
          tpu.wait_indirect_dma semaphore(%arg20 : memref<!tpu.dma_semaphore, #tpu.memory_space<semaphore_mem>>) src(%arg13 : memref<128x128xf32, #tpu.memory_space<vmem>>) dst(%dma_wait3A_507 : memref<16416x128xf32, #tpu.memory_space<hbm>>)
          %cond3A_508 = arith.constant 0 : i32
          scf.yield %cond3A_508 : i32
        } else {
          scf.yield %add3A_496 : i32
        }
        scf.yield %cond3A_502 : i32
      }
      %add3A_287 = arith.constant 5 : i32
      %add3A_288 = arith.addi %add3A_248, %add3A_287 : i32
      %lt3A_289 = arith.cmpi slt, %add3A_288, %mul3A_131 : i32
      %convert_element_type3A_290 = arith.extui %lt3A_289 : i1 to i32
      %cond3A_291 = arith.constant 0 : i32
      %cond3A_292 = arith.cmpi ne, %convert_element_type3A_290, %cond3A_291 : i32
      scf.if %cond3A_292 {
        %add3A_437 = arith.constant 5 : i32
        %add3A_438 = arith.addi %add3A_248, %add3A_437 : i32
        %broadcast_in_dim3A_439 = vector.broadcast %add3A_438 : i32 to vector<16xi32>
        %gather3A_440 = tpu.vector_load_idx %arg11[%broadcast_in_dim3A_439] : memref<304xi32, #tpu.memory_space<vmem>>[vector<16xi32>], vector<16xi32>,
        %slice3A_441 = vector.extract_strided_slice %gather3A_440 {offsets = [0], sizes = [1], strides = [1]} : vector<16xi32> to vector<1xi32>
        %squeeze3A_442 = vector.extract %slice3A_441[0] : i32 from vector<1xi32>
        %add3A_443 = arith.addi %squeeze3A_442, %select_n3A : i32
        %mul3A_444 = arith.constant 128 : i32
        %mul3A_445 = arith.muli %add3A_443, %mul3A_444 : i32
        %multiple_of3A = tpu.assume_multiple %mul3A_445, 128 : i32
        %dma_start3A = arith.constant 1 : i32
        %dma_start3A_446 = arith.constant 0 : i32
        %dma_start3A_447 = arith.constant 0 : i32
        %dma_start3A_448 = tpu.memref_slice %arg12[%dma_start3A, %dma_start3A_446, %dma_start3A_447] : memref<5x64x128xf32, #tpu.memory_space<vmem>> -> memref<1x64x128xf32, #tpu.memory_space<vmem>>
        %dma_start3A_449 = tpu.memref_squeeze %dma_start3A_448 : memref<1x64x128xf32, #tpu.memory_space<vmem>> -> memref<64x128xf32, #tpu.memory_space<vmem>>
        %dma_start3A_450 = arith.constant 0 : i32
        %dma_start3A_451 = tpu.memref_slice %arg3[%dma_start3A_450, %multiple_of3A] : memref<64x1000000xf32, #tpu.memory_space<hbm>> -> memref<64x128xf32, #tpu.memory_space<hbm>>
        %dma_start3A_452 = arith.constant 0 : i32
        %dma_start3A_453 = arith.constant 0 : i32
        %dma_start3A_454 = tpu.memref_slice %arg12[%dma_start3A, %dma_start3A_452, %dma_start3A_453] : memref<5x64x128xf32, #tpu.memory_space<vmem>> -> memref<1x64x128xf32, #tpu.memory_space<vmem>>
        %dma_start3A_455 = tpu.memref_squeeze %dma_start3A_454 : memref<1x64x128xf32, #tpu.memory_space<vmem>> -> memref<64x128xf32, #tpu.memory_space<vmem>>
        %dma_start3A_456 = arith.constant 0 : i32
        %dma_start3A_457 = tpu.memref_slice %arg3[%dma_start3A_456, %multiple_of3A] : memref<64x1000000xf32, #tpu.memory_space<hbm>> -> memref<64x128xf32, #tpu.memory_space<hbm>>
        tpu.enqueue_dma source(%dma_start3A_457 : memref<64x128xf32, #tpu.memory_space<hbm>>) target(%dma_start3A_455 : memref<64x128xf32, #tpu.memory_space<vmem>>) target_semaphore(%arg16 : memref<!tpu.dma_semaphore, #tpu.memory_space<semaphore_mem>>)
      } else {
      }
      %mul3A_293 = arith.constant 5 : i32
      %mul3A_294 = arith.muli %while3A_197, %mul3A_293 : i32
      %add3A_295 = arith.constant 2 : i32
      %add3A_296 = arith.addi %mul3A_294, %add3A_295 : i32
      %dma_wait3A_297 = arith.constant 2 : i32
      %dma_wait3A_298 = arith.constant 0 : i32
      %dma_wait3A_299 = arith.constant 0 : i32
      %dma_wait3A_300 = tpu.memref_slice %arg12[%dma_wait3A_297, %dma_wait3A_298, %dma_wait3A_299] : memref<5x64x128xf32, #tpu.memory_space<vmem>> -> memref<1x64x128xf32, #tpu.memory_space<vmem>>
      %dma_wait3A_301 = tpu.memref_squeeze %dma_wait3A_300 : memref<1x64x128xf32, #tpu.memory_space<vmem>> -> memref<64x128xf32, #tpu.memory_space<vmem>>
      %dma_wait3A_302 = arith.constant 0 : i32
      %dma_wait3A_303 = arith.constant 0 : i32
      %dma_wait3A_304 = tpu.memref_slice %arg3[%dma_wait3A_302, %dma_wait3A_303] : memref<64x1000000xf32, #tpu.memory_space<hbm>> -> memref<64x128xf32, #tpu.memory_space<hbm>>
      %dma_wait3A_305 = arith.constant 0 : i32
      %dma_wait3A_306 = arith.constant 0 : i32
      %dma_wait3A_307 = tpu.memref_slice %arg12[%dma_wait3A_297, %dma_wait3A_305, %dma_wait3A_306] : memref<5x64x128xf32, #tpu.memory_space<vmem>> -> memref<1x64x128xf32, #tpu.memory_space<vmem>>
      %dma_wait3A_308 = tpu.memref_squeeze %dma_wait3A_307 : memref<1x64x128xf32, #tpu.memory_space<vmem>> -> memref<64x128xf32, #tpu.memory_space<vmem>>
      %dma_wait3A_309 = arith.constant 0 : i32
      %dma_wait3A_310 = arith.constant 0 : i32
      %dma_wait3A_311 = tpu.memref_slice %arg3[%dma_wait3A_309, %dma_wait3A_310] : memref<64x1000000xf32, #tpu.memory_space<hbm>> -> memref<64x128xf32, #tpu.memory_space<hbm>>
      tpu.wait_dma2 semaphore(%arg17 : memref<!tpu.dma_semaphore, #tpu.memory_space<semaphore_mem>>) src(%dma_wait3A_311 : memref<64x128xf32, #tpu.memory_space<hbm>>) dst(%dma_wait3A_308 : memref<64x128xf32, #tpu.memory_space<vmem>>)
      %broadcast_in_dim3A_312 = vector.broadcast %add3A_296 : i32 to vector<16xi32>
      %gather3A_313 = tpu.vector_load_idx %arg11[%broadcast_in_dim3A_312] : memref<304xi32, #tpu.memory_space<vmem>>[vector<16xi32>], vector<16xi32>,
      %slice3A_314 = vector.extract_strided_slice %gather3A_313 {offsets = [0], sizes = [1], strides = [1]} : vector<16xi32> to vector<1xi32>
      %squeeze3A_315 = vector.extract %slice3A_314[0] : i32 from vector<1xi32>
      %broadcast_in_dim3A_316 = vector.broadcast %squeeze3A_315 : i32 to vector<16xi32>
      %gather3A_317 = tpu.vector_load_idx %arg9[%broadcast_in_dim3A_316] : memref<272xi32, #tpu.memory_space<vmem>>[vector<16xi32>], vector<16xi32>,
      %slice3A_318 = vector.extract_strided_slice %gather3A_317 {offsets = [0], sizes = [1], strides = [1]} : vector<16xi32> to vector<1xi32>
      %squeeze3A_319 = vector.extract %slice3A_318[0] : i32 from vector<1xi32>
      %broadcast_in_dim3A_320 = vector.broadcast %squeeze3A_315 : i32 to vector<16xi32>
      %gather3A_321 = tpu.vector_load_idx %arg10[%broadcast_in_dim3A_320] : memref<272xi32, #tpu.memory_space<vmem>>[vector<16xi32>], vector<16xi32>,
      %slice3A_322 = vector.extract_strided_slice %gather3A_321 {offsets = [0], sizes = [1], strides = [1]} : vector<16xi32> to vector<1xi32>
      %squeeze3A_323 = vector.extract %slice3A_322[0] : i32 from vector<1xi32>
      %while3A_324 = arith.constant 2 : i32
      %while3A_325 = arith.subi %squeeze3A_323, %squeeze3A_319 : i32
      %while3A_326 = arith.addi %squeeze3A_319, %while3A_325 : i32
      %while3A_327 = arith.constant 1 : i32
      %while3A_328 = arith.divsi %while3A_325, %while3A_327 : i32
      %while3A_329 = arith.muli %while3A_328, %while3A_327 : i32
      %while3A_330 = arith.addi %squeeze3A_319, %while3A_329 : i32
      %while3A_331 = arith.constant 1 : i32
      %while3A_332 = scf.for %while3A_437 = %squeeze3A_319 to %while3A_330 step %while3A_331 iter_args(%while3A_438 = %while3A_286) -> (i32)  : i32 {
        %broadcast_in_dim3A_439 = vector.broadcast %while3A_437 : i32 to vector<16xi32>
        %gather3A_440 = tpu.vector_load_idx %arg7[%broadcast_in_dim3A_439] : memref<16400xi32, #tpu.memory_space<vmem>>[vector<16xi32>], vector<16xi32>,
        %slice3A_441 = vector.extract_strided_slice %gather3A_440 {offsets = [0], sizes = [1], strides = [1]} : vector<16xi32> to vector<1xi32>
        %squeeze3A_442 = vector.extract %slice3A_441[0] : i32 from vector<1xi32>
        %and3A_443 = arith.constant 127 : i32
        %and3A_444 = arith.andi %squeeze3A_442, %and3A_443 : i32
        %broadcast_in_dim3A_445 = vector.broadcast %and3A_444 : i32 to vector<16xi32>
        %broadcast_in_dim3A_446 = vector.broadcast %while3A_438 : i32 to vector<16xi32>
        %add3A_447 = arith.constant 0 : i32
        %add3A_448 = vector.broadcast %add3A_447 : i32 to vector<16xi32>
        %add3A_449 = arith.addi %iota3A, %add3A_448 : vector<16xi32>
        %gather3A_450 = arith.constant 0 : i32
        %gather3A_451 = arith.constant 0 : i32
        %gather3A_452 = tpu.memref_slice %arg12[%while3A_324, %gather3A_450, %gather3A_451] : memref<5x64x128xf32, #tpu.memory_space<vmem>> -> memref<1x64x128xf32, #tpu.memory_space<vmem>>
        %gather3A_453 = tpu.memref_squeeze %gather3A_452 : memref<1x64x128xf32, #tpu.memory_space<vmem>> -> memref<64x128xf32, #tpu.memory_space<vmem>>
        %gather3A_454 = tpu.vector_load_idx %gather3A_453[%add3A_449, %broadcast_in_dim3A_445] : memref<64x128xf32, #tpu.memory_space<vmem>>[vector<16xi32>, vector<16xi32>], vector<16xf32>,
        %add3A_455 = arith.constant 0 : i32
        %add3A_456 = vector.broadcast %add3A_455 : i32 to vector<16xi32>
        %add3A_457 = arith.addi %iota3A, %add3A_456 : vector<16xi32>
        tpu.vector_store_idx %arg13[%broadcast_in_dim3A_446, %add3A_457], %gather3A_454 : memref<128x128xf32, #tpu.memory_space<vmem>>[vector<16xi32>, vector<16xi32>], vector<16xf32>,
        %add3A_458 = arith.constant 16 : i32
        %add3A_459 = vector.broadcast %add3A_458 : i32 to vector<16xi32>
        %add3A_460 = arith.addi %iota3A, %add3A_459 : vector<16xi32>
        %gather3A_461 = arith.constant 0 : i32
        %gather3A_462 = arith.constant 0 : i32
        %gather3A_463 = tpu.memref_slice %arg12[%while3A_324, %gather3A_461, %gather3A_462] : memref<5x64x128xf32, #tpu.memory_space<vmem>> -> memref<1x64x128xf32, #tpu.memory_space<vmem>>
        %gather3A_464 = tpu.memref_squeeze %gather3A_463 : memref<1x64x128xf32, #tpu.memory_space<vmem>> -> memref<64x128xf32, #tpu.memory_space<vmem>>
        %gather3A_465 = tpu.vector_load_idx %gather3A_464[%add3A_460, %broadcast_in_dim3A_445] : memref<64x128xf32, #tpu.memory_space<vmem>>[vector<16xi32>, vector<16xi32>], vector<16xf32>,
        %add3A_466 = arith.constant 16 : i32
        %add3A_467 = vector.broadcast %add3A_466 : i32 to vector<16xi32>
        %add3A_468 = arith.addi %iota3A, %add3A_467 : vector<16xi32>
        tpu.vector_store_idx %arg13[%broadcast_in_dim3A_446, %add3A_468], %gather3A_465 : memref<128x128xf32, #tpu.memory_space<vmem>>[vector<16xi32>, vector<16xi32>], vector<16xf32>,
        %add3A_469 = arith.constant 32 : i32
        %add3A_470 = vector.broadcast %add3A_469 : i32 to vector<16xi32>
        %add3A_471 = arith.addi %iota3A, %add3A_470 : vector<16xi32>
        %gather3A_472 = arith.constant 0 : i32
        %gather3A_473 = arith.constant 0 : i32
        %gather3A_474 = tpu.memref_slice %arg12[%while3A_324, %gather3A_472, %gather3A_473] : memref<5x64x128xf32, #tpu.memory_space<vmem>> -> memref<1x64x128xf32, #tpu.memory_space<vmem>>
        %gather3A_475 = tpu.memref_squeeze %gather3A_474 : memref<1x64x128xf32, #tpu.memory_space<vmem>> -> memref<64x128xf32, #tpu.memory_space<vmem>>
        %gather3A_476 = tpu.vector_load_idx %gather3A_475[%add3A_471, %broadcast_in_dim3A_445] : memref<64x128xf32, #tpu.memory_space<vmem>>[vector<16xi32>, vector<16xi32>], vector<16xf32>,
        %add3A_477 = arith.constant 32 : i32
        %add3A_478 = vector.broadcast %add3A_477 : i32 to vector<16xi32>
        %add3A_479 = arith.addi %iota3A, %add3A_478 : vector<16xi32>
        tpu.vector_store_idx %arg13[%broadcast_in_dim3A_446, %add3A_479], %gather3A_476 : memref<128x128xf32, #tpu.memory_space<vmem>>[vector<16xi32>, vector<16xi32>], vector<16xf32>,
        %add3A_480 = arith.constant 48 : i32
        %add3A_481 = vector.broadcast %add3A_480 : i32 to vector<16xi32>
        %add3A_482 = arith.addi %iota3A, %add3A_481 : vector<16xi32>
        %gather3A_483 = arith.constant 0 : i32
        %gather3A_484 = arith.constant 0 : i32
        %gather3A_485 = tpu.memref_slice %arg12[%while3A_324, %gather3A_483, %gather3A_484] : memref<5x64x128xf32, #tpu.memory_space<vmem>> -> memref<1x64x128xf32, #tpu.memory_space<vmem>>
        %gather3A_486 = tpu.memref_squeeze %gather3A_485 : memref<1x64x128xf32, #tpu.memory_space<vmem>> -> memref<64x128xf32, #tpu.memory_space<vmem>>
        %gather3A_487 = tpu.vector_load_idx %gather3A_486[%add3A_482, %broadcast_in_dim3A_445] : memref<64x128xf32, #tpu.memory_space<vmem>>[vector<16xi32>, vector<16xi32>], vector<16xf32>,
        %add3A_488 = arith.constant 48 : i32
        %add3A_489 = vector.broadcast %add3A_488 : i32 to vector<16xi32>
        %add3A_490 = arith.addi %iota3A, %add3A_489 : vector<16xi32>
        tpu.vector_store_idx %arg13[%broadcast_in_dim3A_446, %add3A_490], %gather3A_487 : memref<128x128xf32, #tpu.memory_space<vmem>>[vector<16xi32>, vector<16xi32>], vector<16xf32>,
        %shift_right_arithmetic3A = arith.constant 7 : i32
        %shift_right_arithmetic3A_491 = arith.shrsi %squeeze3A_442, %shift_right_arithmetic3A : i32
        %and3A_492 = arith.constant 16383 : i32
        %and3A_493 = arith.andi %shift_right_arithmetic3A_491, %and3A_492 : i32
        %broadcast_in_dim3A_494 = vector.broadcast %and3A_493 : i32 to vector<16xi32>
        tpu.vector_store_idx %arg14[%broadcast_in_dim3A_446], %broadcast_in_dim3A_494 masked %eq3A_21 : memref<128xi32, #tpu.memory_space<vmem>>[vector<16xi32>], vector<16xi32>, vector<16xi1>
        %add3A_495 = arith.constant 1 : i32
        %add3A_496 = arith.addi %while3A_438, %add3A_495 : i32
        %eq3A_497 = arith.constant 128 : i32
        %eq3A_498 = arith.cmpi eq, %add3A_496, %eq3A_497 : i32
        %convert_element_type3A_499 = arith.extui %eq3A_498 : i1 to i32
        %cond3A_500 = arith.constant 0 : i32
        %cond3A_501 = arith.cmpi ne, %convert_element_type3A_499, %cond3A_500 : i32
        %cond3A_502 = scf.if %cond3A_501 -> (i32) {
          %dma_start3A = arith.constant 0 : i32
          %dma_start3A_503 = arith.constant 0 : i32
          %dma_start3A_504 = tpu.memref_slice %arg4[%dma_start3A, %dma_start3A_503] : memref<16416x128xf32, #tpu.memory_space<hbm>> -> memref<16416x128xf32, #tpu.memory_space<hbm>>
          tpu.enqueue_indirect_dma source(%arg13 : memref<128x128xf32, #tpu.memory_space<vmem>>) target(%dma_start3A_504 : memref<16416x128xf32, #tpu.memory_space<hbm>>) offsets(%arg14 : memref<128xi32, #tpu.memory_space<vmem>>) semaphore(%arg20 : memref<!tpu.dma_semaphore, #tpu.memory_space<semaphore_mem>>)
          %dma_wait3A_505 = arith.constant 0 : i32
          %dma_wait3A_506 = arith.constant 0 : i32
          %dma_wait3A_507 = tpu.memref_slice %arg4[%dma_wait3A_505, %dma_wait3A_506] : memref<16416x128xf32, #tpu.memory_space<hbm>> -> memref<16416x128xf32, #tpu.memory_space<hbm>>
          tpu.wait_indirect_dma semaphore(%arg20 : memref<!tpu.dma_semaphore, #tpu.memory_space<semaphore_mem>>) src(%arg13 : memref<128x128xf32, #tpu.memory_space<vmem>>) dst(%dma_wait3A_507 : memref<16416x128xf32, #tpu.memory_space<hbm>>)
          %cond3A_508 = arith.constant 0 : i32
          scf.yield %cond3A_508 : i32
        } else {
          scf.yield %add3A_496 : i32
        }
        scf.yield %cond3A_502 : i32
      }
      %while3A_333 = arith.constant 1 : i32
      %while3A_334 = scf.for %while3A_437 = %while3A_330 to %while3A_326 step %while3A_333 iter_args(%while3A_438 = %while3A_332) -> (i32)  : i32 {
        %broadcast_in_dim3A_439 = vector.broadcast %while3A_437 : i32 to vector<16xi32>
        %gather3A_440 = tpu.vector_load_idx %arg7[%broadcast_in_dim3A_439] : memref<16400xi32, #tpu.memory_space<vmem>>[vector<16xi32>], vector<16xi32>,
        %slice3A_441 = vector.extract_strided_slice %gather3A_440 {offsets = [0], sizes = [1], strides = [1]} : vector<16xi32> to vector<1xi32>
        %squeeze3A_442 = vector.extract %slice3A_441[0] : i32 from vector<1xi32>
        %and3A_443 = arith.constant 127 : i32
        %and3A_444 = arith.andi %squeeze3A_442, %and3A_443 : i32
        %broadcast_in_dim3A_445 = vector.broadcast %and3A_444 : i32 to vector<16xi32>
        %broadcast_in_dim3A_446 = vector.broadcast %while3A_438 : i32 to vector<16xi32>
        %add3A_447 = arith.constant 0 : i32
        %add3A_448 = vector.broadcast %add3A_447 : i32 to vector<16xi32>
        %add3A_449 = arith.addi %iota3A, %add3A_448 : vector<16xi32>
        %gather3A_450 = arith.constant 0 : i32
        %gather3A_451 = arith.constant 0 : i32
        %gather3A_452 = tpu.memref_slice %arg12[%while3A_324, %gather3A_450, %gather3A_451] : memref<5x64x128xf32, #tpu.memory_space<vmem>> -> memref<1x64x128xf32, #tpu.memory_space<vmem>>
        %gather3A_453 = tpu.memref_squeeze %gather3A_452 : memref<1x64x128xf32, #tpu.memory_space<vmem>> -> memref<64x128xf32, #tpu.memory_space<vmem>>
        %gather3A_454 = tpu.vector_load_idx %gather3A_453[%add3A_449, %broadcast_in_dim3A_445] : memref<64x128xf32, #tpu.memory_space<vmem>>[vector<16xi32>, vector<16xi32>], vector<16xf32>,
        %add3A_455 = arith.constant 0 : i32
        %add3A_456 = vector.broadcast %add3A_455 : i32 to vector<16xi32>
        %add3A_457 = arith.addi %iota3A, %add3A_456 : vector<16xi32>
        tpu.vector_store_idx %arg13[%broadcast_in_dim3A_446, %add3A_457], %gather3A_454 : memref<128x128xf32, #tpu.memory_space<vmem>>[vector<16xi32>, vector<16xi32>], vector<16xf32>,
        %add3A_458 = arith.constant 16 : i32
        %add3A_459 = vector.broadcast %add3A_458 : i32 to vector<16xi32>
        %add3A_460 = arith.addi %iota3A, %add3A_459 : vector<16xi32>
        %gather3A_461 = arith.constant 0 : i32
        %gather3A_462 = arith.constant 0 : i32
        %gather3A_463 = tpu.memref_slice %arg12[%while3A_324, %gather3A_461, %gather3A_462] : memref<5x64x128xf32, #tpu.memory_space<vmem>> -> memref<1x64x128xf32, #tpu.memory_space<vmem>>
        %gather3A_464 = tpu.memref_squeeze %gather3A_463 : memref<1x64x128xf32, #tpu.memory_space<vmem>> -> memref<64x128xf32, #tpu.memory_space<vmem>>
        %gather3A_465 = tpu.vector_load_idx %gather3A_464[%add3A_460, %broadcast_in_dim3A_445] : memref<64x128xf32, #tpu.memory_space<vmem>>[vector<16xi32>, vector<16xi32>], vector<16xf32>,
        %add3A_466 = arith.constant 16 : i32
        %add3A_467 = vector.broadcast %add3A_466 : i32 to vector<16xi32>
        %add3A_468 = arith.addi %iota3A, %add3A_467 : vector<16xi32>
        tpu.vector_store_idx %arg13[%broadcast_in_dim3A_446, %add3A_468], %gather3A_465 : memref<128x128xf32, #tpu.memory_space<vmem>>[vector<16xi32>, vector<16xi32>], vector<16xf32>,
        %add3A_469 = arith.constant 32 : i32
        %add3A_470 = vector.broadcast %add3A_469 : i32 to vector<16xi32>
        %add3A_471 = arith.addi %iota3A, %add3A_470 : vector<16xi32>
        %gather3A_472 = arith.constant 0 : i32
        %gather3A_473 = arith.constant 0 : i32
        %gather3A_474 = tpu.memref_slice %arg12[%while3A_324, %gather3A_472, %gather3A_473] : memref<5x64x128xf32, #tpu.memory_space<vmem>> -> memref<1x64x128xf32, #tpu.memory_space<vmem>>
        %gather3A_475 = tpu.memref_squeeze %gather3A_474 : memref<1x64x128xf32, #tpu.memory_space<vmem>> -> memref<64x128xf32, #tpu.memory_space<vmem>>
        %gather3A_476 = tpu.vector_load_idx %gather3A_475[%add3A_471, %broadcast_in_dim3A_445] : memref<64x128xf32, #tpu.memory_space<vmem>>[vector<16xi32>, vector<16xi32>], vector<16xf32>,
        %add3A_477 = arith.constant 32 : i32
        %add3A_478 = vector.broadcast %add3A_477 : i32 to vector<16xi32>
        %add3A_479 = arith.addi %iota3A, %add3A_478 : vector<16xi32>
        tpu.vector_store_idx %arg13[%broadcast_in_dim3A_446, %add3A_479], %gather3A_476 : memref<128x128xf32, #tpu.memory_space<vmem>>[vector<16xi32>, vector<16xi32>], vector<16xf32>,
        %add3A_480 = arith.constant 48 : i32
        %add3A_481 = vector.broadcast %add3A_480 : i32 to vector<16xi32>
        %add3A_482 = arith.addi %iota3A, %add3A_481 : vector<16xi32>
        %gather3A_483 = arith.constant 0 : i32
        %gather3A_484 = arith.constant 0 : i32
        %gather3A_485 = tpu.memref_slice %arg12[%while3A_324, %gather3A_483, %gather3A_484] : memref<5x64x128xf32, #tpu.memory_space<vmem>> -> memref<1x64x128xf32, #tpu.memory_space<vmem>>
        %gather3A_486 = tpu.memref_squeeze %gather3A_485 : memref<1x64x128xf32, #tpu.memory_space<vmem>> -> memref<64x128xf32, #tpu.memory_space<vmem>>
        %gather3A_487 = tpu.vector_load_idx %gather3A_486[%add3A_482, %broadcast_in_dim3A_445] : memref<64x128xf32, #tpu.memory_space<vmem>>[vector<16xi32>, vector<16xi32>], vector<16xf32>,
        %add3A_488 = arith.constant 48 : i32
        %add3A_489 = vector.broadcast %add3A_488 : i32 to vector<16xi32>
        %add3A_490 = arith.addi %iota3A, %add3A_489 : vector<16xi32>
        tpu.vector_store_idx %arg13[%broadcast_in_dim3A_446, %add3A_490], %gather3A_487 : memref<128x128xf32, #tpu.memory_space<vmem>>[vector<16xi32>, vector<16xi32>], vector<16xf32>,
        %shift_right_arithmetic3A = arith.constant 7 : i32
        %shift_right_arithmetic3A_491 = arith.shrsi %squeeze3A_442, %shift_right_arithmetic3A : i32
        %and3A_492 = arith.constant 16383 : i32
        %and3A_493 = arith.andi %shift_right_arithmetic3A_491, %and3A_492 : i32
        %broadcast_in_dim3A_494 = vector.broadcast %and3A_493 : i32 to vector<16xi32>
        tpu.vector_store_idx %arg14[%broadcast_in_dim3A_446], %broadcast_in_dim3A_494 masked %eq3A_21 : memref<128xi32, #tpu.memory_space<vmem>>[vector<16xi32>], vector<16xi32>, vector<16xi1>
        %add3A_495 = arith.constant 1 : i32
        %add3A_496 = arith.addi %while3A_438, %add3A_495 : i32
        %eq3A_497 = arith.constant 128 : i32
        %eq3A_498 = arith.cmpi eq, %add3A_496, %eq3A_497 : i32
        %convert_element_type3A_499 = arith.extui %eq3A_498 : i1 to i32
        %cond3A_500 = arith.constant 0 : i32
        %cond3A_501 = arith.cmpi ne, %convert_element_type3A_499, %cond3A_500 : i32
        %cond3A_502 = scf.if %cond3A_501 -> (i32) {
          %dma_start3A = arith.constant 0 : i32
          %dma_start3A_503 = arith.constant 0 : i32
          %dma_start3A_504 = tpu.memref_slice %arg4[%dma_start3A, %dma_start3A_503] : memref<16416x128xf32, #tpu.memory_space<hbm>> -> memref<16416x128xf32, #tpu.memory_space<hbm>>
          tpu.enqueue_indirect_dma source(%arg13 : memref<128x128xf32, #tpu.memory_space<vmem>>) target(%dma_start3A_504 : memref<16416x128xf32, #tpu.memory_space<hbm>>) offsets(%arg14 : memref<128xi32, #tpu.memory_space<vmem>>) semaphore(%arg20 : memref<!tpu.dma_semaphore, #tpu.memory_space<semaphore_mem>>)
          %dma_wait3A_505 = arith.constant 0 : i32
          %dma_wait3A_506 = arith.constant 0 : i32
          %dma_wait3A_507 = tpu.memref_slice %arg4[%dma_wait3A_505, %dma_wait3A_506] : memref<16416x128xf32, #tpu.memory_space<hbm>> -> memref<16416x128xf32, #tpu.memory_space<hbm>>
          tpu.wait_indirect_dma semaphore(%arg20 : memref<!tpu.dma_semaphore, #tpu.memory_space<semaphore_mem>>) src(%arg13 : memref<128x128xf32, #tpu.memory_space<vmem>>) dst(%dma_wait3A_507 : memref<16416x128xf32, #tpu.memory_space<hbm>>)
          %cond3A_508 = arith.constant 0 : i32
          scf.yield %cond3A_508 : i32
        } else {
          scf.yield %add3A_496 : i32
        }
        scf.yield %cond3A_502 : i32
      }
      %add3A_335 = arith.constant 5 : i32
      %add3A_336 = arith.addi %add3A_296, %add3A_335 : i32
      %lt3A_337 = arith.cmpi slt, %add3A_336, %mul3A_131 : i32
      %convert_element_type3A_338 = arith.extui %lt3A_337 : i1 to i32
      %cond3A_339 = arith.constant 0 : i32
      %cond3A_340 = arith.cmpi ne, %convert_element_type3A_338, %cond3A_339 : i32
      scf.if %cond3A_340 {
        %add3A_437 = arith.constant 5 : i32
        %add3A_438 = arith.addi %add3A_296, %add3A_437 : i32
        %broadcast_in_dim3A_439 = vector.broadcast %add3A_438 : i32 to vector<16xi32>
        %gather3A_440 = tpu.vector_load_idx %arg11[%broadcast_in_dim3A_439] : memref<304xi32, #tpu.memory_space<vmem>>[vector<16xi32>], vector<16xi32>,
        %slice3A_441 = vector.extract_strided_slice %gather3A_440 {offsets = [0], sizes = [1], strides = [1]} : vector<16xi32> to vector<1xi32>
        %squeeze3A_442 = vector.extract %slice3A_441[0] : i32 from vector<1xi32>
        %add3A_443 = arith.addi %squeeze3A_442, %select_n3A : i32
        %mul3A_444 = arith.constant 128 : i32
        %mul3A_445 = arith.muli %add3A_443, %mul3A_444 : i32
        %multiple_of3A = tpu.assume_multiple %mul3A_445, 128 : i32
        %dma_start3A = arith.constant 2 : i32
        %dma_start3A_446 = arith.constant 0 : i32
        %dma_start3A_447 = arith.constant 0 : i32
        %dma_start3A_448 = tpu.memref_slice %arg12[%dma_start3A, %dma_start3A_446, %dma_start3A_447] : memref<5x64x128xf32, #tpu.memory_space<vmem>> -> memref<1x64x128xf32, #tpu.memory_space<vmem>>
        %dma_start3A_449 = tpu.memref_squeeze %dma_start3A_448 : memref<1x64x128xf32, #tpu.memory_space<vmem>> -> memref<64x128xf32, #tpu.memory_space<vmem>>
        %dma_start3A_450 = arith.constant 0 : i32
        %dma_start3A_451 = tpu.memref_slice %arg3[%dma_start3A_450, %multiple_of3A] : memref<64x1000000xf32, #tpu.memory_space<hbm>> -> memref<64x128xf32, #tpu.memory_space<hbm>>
        %dma_start3A_452 = arith.constant 0 : i32
        %dma_start3A_453 = arith.constant 0 : i32
        %dma_start3A_454 = tpu.memref_slice %arg12[%dma_start3A, %dma_start3A_452, %dma_start3A_453] : memref<5x64x128xf32, #tpu.memory_space<vmem>> -> memref<1x64x128xf32, #tpu.memory_space<vmem>>
        %dma_start3A_455 = tpu.memref_squeeze %dma_start3A_454 : memref<1x64x128xf32, #tpu.memory_space<vmem>> -> memref<64x128xf32, #tpu.memory_space<vmem>>
        %dma_start3A_456 = arith.constant 0 : i32
        %dma_start3A_457 = tpu.memref_slice %arg3[%dma_start3A_456, %multiple_of3A] : memref<64x1000000xf32, #tpu.memory_space<hbm>> -> memref<64x128xf32, #tpu.memory_space<hbm>>
        tpu.enqueue_dma source(%dma_start3A_457 : memref<64x128xf32, #tpu.memory_space<hbm>>) target(%dma_start3A_455 : memref<64x128xf32, #tpu.memory_space<vmem>>) target_semaphore(%arg17 : memref<!tpu.dma_semaphore, #tpu.memory_space<semaphore_mem>>)
      } else {
      }
      %mul3A_341 = arith.constant 5 : i32
      %mul3A_342 = arith.muli %while3A_197, %mul3A_341 : i32
      %add3A_343 = arith.constant 3 : i32
      %add3A_344 = arith.addi %mul3A_342, %add3A_343 : i32
      %dma_wait3A_345 = arith.constant 3 : i32
      %dma_wait3A_346 = arith.constant 0 : i32
      %dma_wait3A_347 = arith.constant 0 : i32
      %dma_wait3A_348 = tpu.memref_slice %arg12[%dma_wait3A_345, %dma_wait3A_346, %dma_wait3A_347] : memref<5x64x128xf32, #tpu.memory_space<vmem>> -> memref<1x64x128xf32, #tpu.memory_space<vmem>>
      %dma_wait3A_349 = tpu.memref_squeeze %dma_wait3A_348 : memref<1x64x128xf32, #tpu.memory_space<vmem>> -> memref<64x128xf32, #tpu.memory_space<vmem>>
      %dma_wait3A_350 = arith.constant 0 : i32
      %dma_wait3A_351 = arith.constant 0 : i32
      %dma_wait3A_352 = tpu.memref_slice %arg3[%dma_wait3A_350, %dma_wait3A_351] : memref<64x1000000xf32, #tpu.memory_space<hbm>> -> memref<64x128xf32, #tpu.memory_space<hbm>>
      %dma_wait3A_353 = arith.constant 0 : i32
      %dma_wait3A_354 = arith.constant 0 : i32
      %dma_wait3A_355 = tpu.memref_slice %arg12[%dma_wait3A_345, %dma_wait3A_353, %dma_wait3A_354] : memref<5x64x128xf32, #tpu.memory_space<vmem>> -> memref<1x64x128xf32, #tpu.memory_space<vmem>>
      %dma_wait3A_356 = tpu.memref_squeeze %dma_wait3A_355 : memref<1x64x128xf32, #tpu.memory_space<vmem>> -> memref<64x128xf32, #tpu.memory_space<vmem>>
      %dma_wait3A_357 = arith.constant 0 : i32
      %dma_wait3A_358 = arith.constant 0 : i32
      %dma_wait3A_359 = tpu.memref_slice %arg3[%dma_wait3A_357, %dma_wait3A_358] : memref<64x1000000xf32, #tpu.memory_space<hbm>> -> memref<64x128xf32, #tpu.memory_space<hbm>>
      tpu.wait_dma2 semaphore(%arg18 : memref<!tpu.dma_semaphore, #tpu.memory_space<semaphore_mem>>) src(%dma_wait3A_359 : memref<64x128xf32, #tpu.memory_space<hbm>>) dst(%dma_wait3A_356 : memref<64x128xf32, #tpu.memory_space<vmem>>)
      %broadcast_in_dim3A_360 = vector.broadcast %add3A_344 : i32 to vector<16xi32>
      %gather3A_361 = tpu.vector_load_idx %arg11[%broadcast_in_dim3A_360] : memref<304xi32, #tpu.memory_space<vmem>>[vector<16xi32>], vector<16xi32>,
      %slice3A_362 = vector.extract_strided_slice %gather3A_361 {offsets = [0], sizes = [1], strides = [1]} : vector<16xi32> to vector<1xi32>
      %squeeze3A_363 = vector.extract %slice3A_362[0] : i32 from vector<1xi32>
      %broadcast_in_dim3A_364 = vector.broadcast %squeeze3A_363 : i32 to vector<16xi32>
      %gather3A_365 = tpu.vector_load_idx %arg9[%broadcast_in_dim3A_364] : memref<272xi32, #tpu.memory_space<vmem>>[vector<16xi32>], vector<16xi32>,
      %slice3A_366 = vector.extract_strided_slice %gather3A_365 {offsets = [0], sizes = [1], strides = [1]} : vector<16xi32> to vector<1xi32>
      %squeeze3A_367 = vector.extract %slice3A_366[0] : i32 from vector<1xi32>
      %broadcast_in_dim3A_368 = vector.broadcast %squeeze3A_363 : i32 to vector<16xi32>
      %gather3A_369 = tpu.vector_load_idx %arg10[%broadcast_in_dim3A_368] : memref<272xi32, #tpu.memory_space<vmem>>[vector<16xi32>], vector<16xi32>,
      %slice3A_370 = vector.extract_strided_slice %gather3A_369 {offsets = [0], sizes = [1], strides = [1]} : vector<16xi32> to vector<1xi32>
      %squeeze3A_371 = vector.extract %slice3A_370[0] : i32 from vector<1xi32>
      %while3A_372 = arith.constant 3 : i32
      %while3A_373 = arith.subi %squeeze3A_371, %squeeze3A_367 : i32
      %while3A_374 = arith.addi %squeeze3A_367, %while3A_373 : i32
      %while3A_375 = arith.constant 1 : i32
      %while3A_376 = arith.divsi %while3A_373, %while3A_375 : i32
      %while3A_377 = arith.muli %while3A_376, %while3A_375 : i32
      %while3A_378 = arith.addi %squeeze3A_367, %while3A_377 : i32
      %while3A_379 = arith.constant 1 : i32
      %while3A_380 = scf.for %while3A_437 = %squeeze3A_367 to %while3A_378 step %while3A_379 iter_args(%while3A_438 = %while3A_334) -> (i32)  : i32 {
        %broadcast_in_dim3A_439 = vector.broadcast %while3A_437 : i32 to vector<16xi32>
        %gather3A_440 = tpu.vector_load_idx %arg7[%broadcast_in_dim3A_439] : memref<16400xi32, #tpu.memory_space<vmem>>[vector<16xi32>], vector<16xi32>,
        %slice3A_441 = vector.extract_strided_slice %gather3A_440 {offsets = [0], sizes = [1], strides = [1]} : vector<16xi32> to vector<1xi32>
        %squeeze3A_442 = vector.extract %slice3A_441[0] : i32 from vector<1xi32>
        %and3A_443 = arith.constant 127 : i32
        %and3A_444 = arith.andi %squeeze3A_442, %and3A_443 : i32
        %broadcast_in_dim3A_445 = vector.broadcast %and3A_444 : i32 to vector<16xi32>
        %broadcast_in_dim3A_446 = vector.broadcast %while3A_438 : i32 to vector<16xi32>
        %add3A_447 = arith.constant 0 : i32
        %add3A_448 = vector.broadcast %add3A_447 : i32 to vector<16xi32>
        %add3A_449 = arith.addi %iota3A, %add3A_448 : vector<16xi32>
        %gather3A_450 = arith.constant 0 : i32
        %gather3A_451 = arith.constant 0 : i32
        %gather3A_452 = tpu.memref_slice %arg12[%while3A_372, %gather3A_450, %gather3A_451] : memref<5x64x128xf32, #tpu.memory_space<vmem>> -> memref<1x64x128xf32, #tpu.memory_space<vmem>>
        %gather3A_453 = tpu.memref_squeeze %gather3A_452 : memref<1x64x128xf32, #tpu.memory_space<vmem>> -> memref<64x128xf32, #tpu.memory_space<vmem>>
        %gather3A_454 = tpu.vector_load_idx %gather3A_453[%add3A_449, %broadcast_in_dim3A_445] : memref<64x128xf32, #tpu.memory_space<vmem>>[vector<16xi32>, vector<16xi32>], vector<16xf32>,
        %add3A_455 = arith.constant 0 : i32
        %add3A_456 = vector.broadcast %add3A_455 : i32 to vector<16xi32>
        %add3A_457 = arith.addi %iota3A, %add3A_456 : vector<16xi32>
        tpu.vector_store_idx %arg13[%broadcast_in_dim3A_446, %add3A_457], %gather3A_454 : memref<128x128xf32, #tpu.memory_space<vmem>>[vector<16xi32>, vector<16xi32>], vector<16xf32>,
        %add3A_458 = arith.constant 16 : i32
        %add3A_459 = vector.broadcast %add3A_458 : i32 to vector<16xi32>
        %add3A_460 = arith.addi %iota3A, %add3A_459 : vector<16xi32>
        %gather3A_461 = arith.constant 0 : i32
        %gather3A_462 = arith.constant 0 : i32
        %gather3A_463 = tpu.memref_slice %arg12[%while3A_372, %gather3A_461, %gather3A_462] : memref<5x64x128xf32, #tpu.memory_space<vmem>> -> memref<1x64x128xf32, #tpu.memory_space<vmem>>
        %gather3A_464 = tpu.memref_squeeze %gather3A_463 : memref<1x64x128xf32, #tpu.memory_space<vmem>> -> memref<64x128xf32, #tpu.memory_space<vmem>>
        %gather3A_465 = tpu.vector_load_idx %gather3A_464[%add3A_460, %broadcast_in_dim3A_445] : memref<64x128xf32, #tpu.memory_space<vmem>>[vector<16xi32>, vector<16xi32>], vector<16xf32>,
        %add3A_466 = arith.constant 16 : i32
        %add3A_467 = vector.broadcast %add3A_466 : i32 to vector<16xi32>
        %add3A_468 = arith.addi %iota3A, %add3A_467 : vector<16xi32>
        tpu.vector_store_idx %arg13[%broadcast_in_dim3A_446, %add3A_468], %gather3A_465 : memref<128x128xf32, #tpu.memory_space<vmem>>[vector<16xi32>, vector<16xi32>], vector<16xf32>,
        %add3A_469 = arith.constant 32 : i32
        %add3A_470 = vector.broadcast %add3A_469 : i32 to vector<16xi32>
        %add3A_471 = arith.addi %iota3A, %add3A_470 : vector<16xi32>
        %gather3A_472 = arith.constant 0 : i32
        %gather3A_473 = arith.constant 0 : i32
        %gather3A_474 = tpu.memref_slice %arg12[%while3A_372, %gather3A_472, %gather3A_473] : memref<5x64x128xf32, #tpu.memory_space<vmem>> -> memref<1x64x128xf32, #tpu.memory_space<vmem>>
        %gather3A_475 = tpu.memref_squeeze %gather3A_474 : memref<1x64x128xf32, #tpu.memory_space<vmem>> -> memref<64x128xf32, #tpu.memory_space<vmem>>
        %gather3A_476 = tpu.vector_load_idx %gather3A_475[%add3A_471, %broadcast_in_dim3A_445] : memref<64x128xf32, #tpu.memory_space<vmem>>[vector<16xi32>, vector<16xi32>], vector<16xf32>,
        %add3A_477 = arith.constant 32 : i32
        %add3A_478 = vector.broadcast %add3A_477 : i32 to vector<16xi32>
        %add3A_479 = arith.addi %iota3A, %add3A_478 : vector<16xi32>
        tpu.vector_store_idx %arg13[%broadcast_in_dim3A_446, %add3A_479], %gather3A_476 : memref<128x128xf32, #tpu.memory_space<vmem>>[vector<16xi32>, vector<16xi32>], vector<16xf32>,
        %add3A_480 = arith.constant 48 : i32
        %add3A_481 = vector.broadcast %add3A_480 : i32 to vector<16xi32>
        %add3A_482 = arith.addi %iota3A, %add3A_481 : vector<16xi32>
        %gather3A_483 = arith.constant 0 : i32
        %gather3A_484 = arith.constant 0 : i32
        %gather3A_485 = tpu.memref_slice %arg12[%while3A_372, %gather3A_483, %gather3A_484] : memref<5x64x128xf32, #tpu.memory_space<vmem>> -> memref<1x64x128xf32, #tpu.memory_space<vmem>>
        %gather3A_486 = tpu.memref_squeeze %gather3A_485 : memref<1x64x128xf32, #tpu.memory_space<vmem>> -> memref<64x128xf32, #tpu.memory_space<vmem>>
        %gather3A_487 = tpu.vector_load_idx %gather3A_486[%add3A_482, %broadcast_in_dim3A_445] : memref<64x128xf32, #tpu.memory_space<vmem>>[vector<16xi32>, vector<16xi32>], vector<16xf32>,
        %add3A_488 = arith.constant 48 : i32
        %add3A_489 = vector.broadcast %add3A_488 : i32 to vector<16xi32>
        %add3A_490 = arith.addi %iota3A, %add3A_489 : vector<16xi32>
        tpu.vector_store_idx %arg13[%broadcast_in_dim3A_446, %add3A_490], %gather3A_487 : memref<128x128xf32, #tpu.memory_space<vmem>>[vector<16xi32>, vector<16xi32>], vector<16xf32>,
        %shift_right_arithmetic3A = arith.constant 7 : i32
        %shift_right_arithmetic3A_491 = arith.shrsi %squeeze3A_442, %shift_right_arithmetic3A : i32
        %and3A_492 = arith.constant 16383 : i32
        %and3A_493 = arith.andi %shift_right_arithmetic3A_491, %and3A_492 : i32
        %broadcast_in_dim3A_494 = vector.broadcast %and3A_493 : i32 to vector<16xi32>
        tpu.vector_store_idx %arg14[%broadcast_in_dim3A_446], %broadcast_in_dim3A_494 masked %eq3A_21 : memref<128xi32, #tpu.memory_space<vmem>>[vector<16xi32>], vector<16xi32>, vector<16xi1>
        %add3A_495 = arith.constant 1 : i32
        %add3A_496 = arith.addi %while3A_438, %add3A_495 : i32
        %eq3A_497 = arith.constant 128 : i32
        %eq3A_498 = arith.cmpi eq, %add3A_496, %eq3A_497 : i32
        %convert_element_type3A_499 = arith.extui %eq3A_498 : i1 to i32
        %cond3A_500 = arith.constant 0 : i32
        %cond3A_501 = arith.cmpi ne, %convert_element_type3A_499, %cond3A_500 : i32
        %cond3A_502 = scf.if %cond3A_501 -> (i32) {
          %dma_start3A = arith.constant 0 : i32
          %dma_start3A_503 = arith.constant 0 : i32
          %dma_start3A_504 = tpu.memref_slice %arg4[%dma_start3A, %dma_start3A_503] : memref<16416x128xf32, #tpu.memory_space<hbm>> -> memref<16416x128xf32, #tpu.memory_space<hbm>>
          tpu.enqueue_indirect_dma source(%arg13 : memref<128x128xf32, #tpu.memory_space<vmem>>) target(%dma_start3A_504 : memref<16416x128xf32, #tpu.memory_space<hbm>>) offsets(%arg14 : memref<128xi32, #tpu.memory_space<vmem>>) semaphore(%arg20 : memref<!tpu.dma_semaphore, #tpu.memory_space<semaphore_mem>>)
          %dma_wait3A_505 = arith.constant 0 : i32
          %dma_wait3A_506 = arith.constant 0 : i32
          %dma_wait3A_507 = tpu.memref_slice %arg4[%dma_wait3A_505, %dma_wait3A_506] : memref<16416x128xf32, #tpu.memory_space<hbm>> -> memref<16416x128xf32, #tpu.memory_space<hbm>>
          tpu.wait_indirect_dma semaphore(%arg20 : memref<!tpu.dma_semaphore, #tpu.memory_space<semaphore_mem>>) src(%arg13 : memref<128x128xf32, #tpu.memory_space<vmem>>) dst(%dma_wait3A_507 : memref<16416x128xf32, #tpu.memory_space<hbm>>)
          %cond3A_508 = arith.constant 0 : i32
          scf.yield %cond3A_508 : i32
        } else {
          scf.yield %add3A_496 : i32
        }
        scf.yield %cond3A_502 : i32
      }
      %while3A_381 = arith.constant 1 : i32
      %while3A_382 = scf.for %while3A_437 = %while3A_378 to %while3A_374 step %while3A_381 iter_args(%while3A_438 = %while3A_380) -> (i32)  : i32 {
        %broadcast_in_dim3A_439 = vector.broadcast %while3A_437 : i32 to vector<16xi32>
        %gather3A_440 = tpu.vector_load_idx %arg7[%broadcast_in_dim3A_439] : memref<16400xi32, #tpu.memory_space<vmem>>[vector<16xi32>], vector<16xi32>,
        %slice3A_441 = vector.extract_strided_slice %gather3A_440 {offsets = [0], sizes = [1], strides = [1]} : vector<16xi32> to vector<1xi32>
        %squeeze3A_442 = vector.extract %slice3A_441[0] : i32 from vector<1xi32>
        %and3A_443 = arith.constant 127 : i32
        %and3A_444 = arith.andi %squeeze3A_442, %and3A_443 : i32
        %broadcast_in_dim3A_445 = vector.broadcast %and3A_444 : i32 to vector<16xi32>
        %broadcast_in_dim3A_446 = vector.broadcast %while3A_438 : i32 to vector<16xi32>
        %add3A_447 = arith.constant 0 : i32
        %add3A_448 = vector.broadcast %add3A_447 : i32 to vector<16xi32>
        %add3A_449 = arith.addi %iota3A, %add3A_448 : vector<16xi32>
        %gather3A_450 = arith.constant 0 : i32
        %gather3A_451 = arith.constant 0 : i32
        %gather3A_452 = tpu.memref_slice %arg12[%while3A_372, %gather3A_450, %gather3A_451] : memref<5x64x128xf32, #tpu.memory_space<vmem>> -> memref<1x64x128xf32, #tpu.memory_space<vmem>>
        %gather3A_453 = tpu.memref_squeeze %gather3A_452 : memref<1x64x128xf32, #tpu.memory_space<vmem>> -> memref<64x128xf32, #tpu.memory_space<vmem>>
        %gather3A_454 = tpu.vector_load_idx %gather3A_453[%add3A_449, %broadcast_in_dim3A_445] : memref<64x128xf32, #tpu.memory_space<vmem>>[vector<16xi32>, vector<16xi32>], vector<16xf32>,
        %add3A_455 = arith.constant 0 : i32
        %add3A_456 = vector.broadcast %add3A_455 : i32 to vector<16xi32>
        %add3A_457 = arith.addi %iota3A, %add3A_456 : vector<16xi32>
        tpu.vector_store_idx %arg13[%broadcast_in_dim3A_446, %add3A_457], %gather3A_454 : memref<128x128xf32, #tpu.memory_space<vmem>>[vector<16xi32>, vector<16xi32>], vector<16xf32>,
        %add3A_458 = arith.constant 16 : i32
        %add3A_459 = vector.broadcast %add3A_458 : i32 to vector<16xi32>
        %add3A_460 = arith.addi %iota3A, %add3A_459 : vector<16xi32>
        %gather3A_461 = arith.constant 0 : i32
        %gather3A_462 = arith.constant 0 : i32
        %gather3A_463 = tpu.memref_slice %arg12[%while3A_372, %gather3A_461, %gather3A_462] : memref<5x64x128xf32, #tpu.memory_space<vmem>> -> memref<1x64x128xf32, #tpu.memory_space<vmem>>
        %gather3A_464 = tpu.memref_squeeze %gather3A_463 : memref<1x64x128xf32, #tpu.memory_space<vmem>> -> memref<64x128xf32, #tpu.memory_space<vmem>>
        %gather3A_465 = tpu.vector_load_idx %gather3A_464[%add3A_460, %broadcast_in_dim3A_445] : memref<64x128xf32, #tpu.memory_space<vmem>>[vector<16xi32>, vector<16xi32>], vector<16xf32>,
        %add3A_466 = arith.constant 16 : i32
        %add3A_467 = vector.broadcast %add3A_466 : i32 to vector<16xi32>
        %add3A_468 = arith.addi %iota3A, %add3A_467 : vector<16xi32>
        tpu.vector_store_idx %arg13[%broadcast_in_dim3A_446, %add3A_468], %gather3A_465 : memref<128x128xf32, #tpu.memory_space<vmem>>[vector<16xi32>, vector<16xi32>], vector<16xf32>,
        %add3A_469 = arith.constant 32 : i32
        %add3A_470 = vector.broadcast %add3A_469 : i32 to vector<16xi32>
        %add3A_471 = arith.addi %iota3A, %add3A_470 : vector<16xi32>
        %gather3A_472 = arith.constant 0 : i32
        %gather3A_473 = arith.constant 0 : i32
        %gather3A_474 = tpu.memref_slice %arg12[%while3A_372, %gather3A_472, %gather3A_473] : memref<5x64x128xf32, #tpu.memory_space<vmem>> -> memref<1x64x128xf32, #tpu.memory_space<vmem>>
        %gather3A_475 = tpu.memref_squeeze %gather3A_474 : memref<1x64x128xf32, #tpu.memory_space<vmem>> -> memref<64x128xf32, #tpu.memory_space<vmem>>
        %gather3A_476 = tpu.vector_load_idx %gather3A_475[%add3A_471, %broadcast_in_dim3A_445] : memref<64x128xf32, #tpu.memory_space<vmem>>[vector<16xi32>, vector<16xi32>], vector<16xf32>,
        %add3A_477 = arith.constant 32 : i32
        %add3A_478 = vector.broadcast %add3A_477 : i32 to vector<16xi32>
        %add3A_479 = arith.addi %iota3A, %add3A_478 : vector<16xi32>
        tpu.vector_store_idx %arg13[%broadcast_in_dim3A_446, %add3A_479], %gather3A_476 : memref<128x128xf32, #tpu.memory_space<vmem>>[vector<16xi32>, vector<16xi32>], vector<16xf32>,
        %add3A_480 = arith.constant 48 : i32
        %add3A_481 = vector.broadcast %add3A_480 : i32 to vector<16xi32>
        %add3A_482 = arith.addi %iota3A, %add3A_481 : vector<16xi32>
        %gather3A_483 = arith.constant 0 : i32
        %gather3A_484 = arith.constant 0 : i32
        %gather3A_485 = tpu.memref_slice %arg12[%while3A_372, %gather3A_483, %gather3A_484] : memref<5x64x128xf32, #tpu.memory_space<vmem>> -> memref<1x64x128xf32, #tpu.memory_space<vmem>>
        %gather3A_486 = tpu.memref_squeeze %gather3A_485 : memref<1x64x128xf32, #tpu.memory_space<vmem>> -> memref<64x128xf32, #tpu.memory_space<vmem>>
        %gather3A_487 = tpu.vector_load_idx %gather3A_486[%add3A_482, %broadcast_in_dim3A_445] : memref<64x128xf32, #tpu.memory_space<vmem>>[vector<16xi32>, vector<16xi32>], vector<16xf32>,
        %add3A_488 = arith.constant 48 : i32
        %add3A_489 = vector.broadcast %add3A_488 : i32 to vector<16xi32>
        %add3A_490 = arith.addi %iota3A, %add3A_489 : vector<16xi32>
        tpu.vector_store_idx %arg13[%broadcast_in_dim3A_446, %add3A_490], %gather3A_487 : memref<128x128xf32, #tpu.memory_space<vmem>>[vector<16xi32>, vector<16xi32>], vector<16xf32>,
        %shift_right_arithmetic3A = arith.constant 7 : i32
        %shift_right_arithmetic3A_491 = arith.shrsi %squeeze3A_442, %shift_right_arithmetic3A : i32
        %and3A_492 = arith.constant 16383 : i32
        %and3A_493 = arith.andi %shift_right_arithmetic3A_491, %and3A_492 : i32
        %broadcast_in_dim3A_494 = vector.broadcast %and3A_493 : i32 to vector<16xi32>
        tpu.vector_store_idx %arg14[%broadcast_in_dim3A_446], %broadcast_in_dim3A_494 masked %eq3A_21 : memref<128xi32, #tpu.memory_space<vmem>>[vector<16xi32>], vector<16xi32>, vector<16xi1>
        %add3A_495 = arith.constant 1 : i32
        %add3A_496 = arith.addi %while3A_438, %add3A_495 : i32
        %eq3A_497 = arith.constant 128 : i32
        %eq3A_498 = arith.cmpi eq, %add3A_496, %eq3A_497 : i32
        %convert_element_type3A_499 = arith.extui %eq3A_498 : i1 to i32
        %cond3A_500 = arith.constant 0 : i32
        %cond3A_501 = arith.cmpi ne, %convert_element_type3A_499, %cond3A_500 : i32
        %cond3A_502 = scf.if %cond3A_501 -> (i32) {
          %dma_start3A = arith.constant 0 : i32
          %dma_start3A_503 = arith.constant 0 : i32
          %dma_start3A_504 = tpu.memref_slice %arg4[%dma_start3A, %dma_start3A_503] : memref<16416x128xf32, #tpu.memory_space<hbm>> -> memref<16416x128xf32, #tpu.memory_space<hbm>>
          tpu.enqueue_indirect_dma source(%arg13 : memref<128x128xf32, #tpu.memory_space<vmem>>) target(%dma_start3A_504 : memref<16416x128xf32, #tpu.memory_space<hbm>>) offsets(%arg14 : memref<128xi32, #tpu.memory_space<vmem>>) semaphore(%arg20 : memref<!tpu.dma_semaphore, #tpu.memory_space<semaphore_mem>>)
          %dma_wait3A_505 = arith.constant 0 : i32
          %dma_wait3A_506 = arith.constant 0 : i32
          %dma_wait3A_507 = tpu.memref_slice %arg4[%dma_wait3A_505, %dma_wait3A_506] : memref<16416x128xf32, #tpu.memory_space<hbm>> -> memref<16416x128xf32, #tpu.memory_space<hbm>>
          tpu.wait_indirect_dma semaphore(%arg20 : memref<!tpu.dma_semaphore, #tpu.memory_space<semaphore_mem>>) src(%arg13 : memref<128x128xf32, #tpu.memory_space<vmem>>) dst(%dma_wait3A_507 : memref<16416x128xf32, #tpu.memory_space<hbm>>)
          %cond3A_508 = arith.constant 0 : i32
          scf.yield %cond3A_508 : i32
        } else {
          scf.yield %add3A_496 : i32
        }
        scf.yield %cond3A_502 : i32
      }
      %add3A_383 = arith.constant 5 : i32
      %add3A_384 = arith.addi %add3A_344, %add3A_383 : i32
      %lt3A_385 = arith.cmpi slt, %add3A_384, %mul3A_131 : i32
      %convert_element_type3A_386 = arith.extui %lt3A_385 : i1 to i32
      %cond3A_387 = arith.constant 0 : i32
      %cond3A_388 = arith.cmpi ne, %convert_element_type3A_386, %cond3A_387 : i32
      scf.if %cond3A_388 {
        %add3A_437 = arith.constant 5 : i32
        %add3A_438 = arith.addi %add3A_344, %add3A_437 : i32
        %broadcast_in_dim3A_439 = vector.broadcast %add3A_438 : i32 to vector<16xi32>
        %gather3A_440 = tpu.vector_load_idx %arg11[%broadcast_in_dim3A_439] : memref<304xi32, #tpu.memory_space<vmem>>[vector<16xi32>], vector<16xi32>,
        %slice3A_441 = vector.extract_strided_slice %gather3A_440 {offsets = [0], sizes = [1], strides = [1]} : vector<16xi32> to vector<1xi32>
        %squeeze3A_442 = vector.extract %slice3A_441[0] : i32 from vector<1xi32>
        %add3A_443 = arith.addi %squeeze3A_442, %select_n3A : i32
        %mul3A_444 = arith.constant 128 : i32
        %mul3A_445 = arith.muli %add3A_443, %mul3A_444 : i32
        %multiple_of3A = tpu.assume_multiple %mul3A_445, 128 : i32
        %dma_start3A = arith.constant 3 : i32
        %dma_start3A_446 = arith.constant 0 : i32
        %dma_start3A_447 = arith.constant 0 : i32
        %dma_start3A_448 = tpu.memref_slice %arg12[%dma_start3A, %dma_start3A_446, %dma_start3A_447] : memref<5x64x128xf32, #tpu.memory_space<vmem>> -> memref<1x64x128xf32, #tpu.memory_space<vmem>>
        %dma_start3A_449 = tpu.memref_squeeze %dma_start3A_448 : memref<1x64x128xf32, #tpu.memory_space<vmem>> -> memref<64x128xf32, #tpu.memory_space<vmem>>
        %dma_start3A_450 = arith.constant 0 : i32
        %dma_start3A_451 = tpu.memref_slice %arg3[%dma_start3A_450, %multiple_of3A] : memref<64x1000000xf32, #tpu.memory_space<hbm>> -> memref<64x128xf32, #tpu.memory_space<hbm>>
        %dma_start3A_452 = arith.constant 0 : i32
        %dma_start3A_453 = arith.constant 0 : i32
        %dma_start3A_454 = tpu.memref_slice %arg12[%dma_start3A, %dma_start3A_452, %dma_start3A_453] : memref<5x64x128xf32, #tpu.memory_space<vmem>> -> memref<1x64x128xf32, #tpu.memory_space<vmem>>
        %dma_start3A_455 = tpu.memref_squeeze %dma_start3A_454 : memref<1x64x128xf32, #tpu.memory_space<vmem>> -> memref<64x128xf32, #tpu.memory_space<vmem>>
        %dma_start3A_456 = arith.constant 0 : i32
        %dma_start3A_457 = tpu.memref_slice %arg3[%dma_start3A_456, %multiple_of3A] : memref<64x1000000xf32, #tpu.memory_space<hbm>> -> memref<64x128xf32, #tpu.memory_space<hbm>>
        tpu.enqueue_dma source(%dma_start3A_457 : memref<64x128xf32, #tpu.memory_space<hbm>>) target(%dma_start3A_455 : memref<64x128xf32, #tpu.memory_space<vmem>>) target_semaphore(%arg18 : memref<!tpu.dma_semaphore, #tpu.memory_space<semaphore_mem>>)
      } else {
      }
      %mul3A_389 = arith.constant 5 : i32
      %mul3A_390 = arith.muli %while3A_197, %mul3A_389 : i32
      %add3A_391 = arith.constant 4 : i32
      %add3A_392 = arith.addi %mul3A_390, %add3A_391 : i32
      %dma_wait3A_393 = arith.constant 4 : i32
      %dma_wait3A_394 = arith.constant 0 : i32
      %dma_wait3A_395 = arith.constant 0 : i32
      %dma_wait3A_396 = tpu.memref_slice %arg12[%dma_wait3A_393, %dma_wait3A_394, %dma_wait3A_395] : memref<5x64x128xf32, #tpu.memory_space<vmem>> -> memref<1x64x128xf32, #tpu.memory_space<vmem>>
      %dma_wait3A_397 = tpu.memref_squeeze %dma_wait3A_396 : memref<1x64x128xf32, #tpu.memory_space<vmem>> -> memref<64x128xf32, #tpu.memory_space<vmem>>
      %dma_wait3A_398 = arith.constant 0 : i32
      %dma_wait3A_399 = arith.constant 0 : i32
      %dma_wait3A_400 = tpu.memref_slice %arg3[%dma_wait3A_398, %dma_wait3A_399] : memref<64x1000000xf32, #tpu.memory_space<hbm>> -> memref<64x128xf32, #tpu.memory_space<hbm>>
      %dma_wait3A_401 = arith.constant 0 : i32
      %dma_wait3A_402 = arith.constant 0 : i32
      %dma_wait3A_403 = tpu.memref_slice %arg12[%dma_wait3A_393, %dma_wait3A_401, %dma_wait3A_402] : memref<5x64x128xf32, #tpu.memory_space<vmem>> -> memref<1x64x128xf32, #tpu.memory_space<vmem>>
      %dma_wait3A_404 = tpu.memref_squeeze %dma_wait3A_403 : memref<1x64x128xf32, #tpu.memory_space<vmem>> -> memref<64x128xf32, #tpu.memory_space<vmem>>
      %dma_wait3A_405 = arith.constant 0 : i32
      %dma_wait3A_406 = arith.constant 0 : i32
      %dma_wait3A_407 = tpu.memref_slice %arg3[%dma_wait3A_405, %dma_wait3A_406] : memref<64x1000000xf32, #tpu.memory_space<hbm>> -> memref<64x128xf32, #tpu.memory_space<hbm>>
      tpu.wait_dma2 semaphore(%arg19 : memref<!tpu.dma_semaphore, #tpu.memory_space<semaphore_mem>>) src(%dma_wait3A_407 : memref<64x128xf32, #tpu.memory_space<hbm>>) dst(%dma_wait3A_404 : memref<64x128xf32, #tpu.memory_space<vmem>>)
      %broadcast_in_dim3A_408 = vector.broadcast %add3A_392 : i32 to vector<16xi32>
      %gather3A_409 = tpu.vector_load_idx %arg11[%broadcast_in_dim3A_408] : memref<304xi32, #tpu.memory_space<vmem>>[vector<16xi32>], vector<16xi32>,
      %slice3A_410 = vector.extract_strided_slice %gather3A_409 {offsets = [0], sizes = [1], strides = [1]} : vector<16xi32> to vector<1xi32>
      %squeeze3A_411 = vector.extract %slice3A_410[0] : i32 from vector<1xi32>
      %broadcast_in_dim3A_412 = vector.broadcast %squeeze3A_411 : i32 to vector<16xi32>
      %gather3A_413 = tpu.vector_load_idx %arg9[%broadcast_in_dim3A_412] : memref<272xi32, #tpu.memory_space<vmem>>[vector<16xi32>], vector<16xi32>,
      %slice3A_414 = vector.extract_strided_slice %gather3A_413 {offsets = [0], sizes = [1], strides = [1]} : vector<16xi32> to vector<1xi32>
      %squeeze3A_415 = vector.extract %slice3A_414[0] : i32 from vector<1xi32>
      %broadcast_in_dim3A_416 = vector.broadcast %squeeze3A_411 : i32 to vector<16xi32>
      %gather3A_417 = tpu.vector_load_idx %arg10[%broadcast_in_dim3A_416] : memref<272xi32, #tpu.memory_space<vmem>>[vector<16xi32>], vector<16xi32>,
      %slice3A_418 = vector.extract_strided_slice %gather3A_417 {offsets = [0], sizes = [1], strides = [1]} : vector<16xi32> to vector<1xi32>
      %squeeze3A_419 = vector.extract %slice3A_418[0] : i32 from vector<1xi32>
      %while3A_420 = arith.constant 4 : i32
      %while3A_421 = arith.subi %squeeze3A_419, %squeeze3A_415 : i32
      %while3A_422 = arith.addi %squeeze3A_415, %while3A_421 : i32
      %while3A_423 = arith.constant 1 : i32
      %while3A_424 = arith.divsi %while3A_421, %while3A_423 : i32
      %while3A_425 = arith.muli %while3A_424, %while3A_423 : i32
      %while3A_426 = arith.addi %squeeze3A_415, %while3A_425 : i32
      %while3A_427 = arith.constant 1 : i32
      %while3A_428 = scf.for %while3A_437 = %squeeze3A_415 to %while3A_426 step %while3A_427 iter_args(%while3A_438 = %while3A_382) -> (i32)  : i32 {
        %broadcast_in_dim3A_439 = vector.broadcast %while3A_437 : i32 to vector<16xi32>
        %gather3A_440 = tpu.vector_load_idx %arg7[%broadcast_in_dim3A_439] : memref<16400xi32, #tpu.memory_space<vmem>>[vector<16xi32>], vector<16xi32>,
        %slice3A_441 = vector.extract_strided_slice %gather3A_440 {offsets = [0], sizes = [1], strides = [1]} : vector<16xi32> to vector<1xi32>
        %squeeze3A_442 = vector.extract %slice3A_441[0] : i32 from vector<1xi32>
        %and3A_443 = arith.constant 127 : i32
        %and3A_444 = arith.andi %squeeze3A_442, %and3A_443 : i32
        %broadcast_in_dim3A_445 = vector.broadcast %and3A_444 : i32 to vector<16xi32>
        %broadcast_in_dim3A_446 = vector.broadcast %while3A_438 : i32 to vector<16xi32>
        %add3A_447 = arith.constant 0 : i32
        %add3A_448 = vector.broadcast %add3A_447 : i32 to vector<16xi32>
        %add3A_449 = arith.addi %iota3A, %add3A_448 : vector<16xi32>
        %gather3A_450 = arith.constant 0 : i32
        %gather3A_451 = arith.constant 0 : i32
        %gather3A_452 = tpu.memref_slice %arg12[%while3A_420, %gather3A_450, %gather3A_451] : memref<5x64x128xf32, #tpu.memory_space<vmem>> -> memref<1x64x128xf32, #tpu.memory_space<vmem>>
        %gather3A_453 = tpu.memref_squeeze %gather3A_452 : memref<1x64x128xf32, #tpu.memory_space<vmem>> -> memref<64x128xf32, #tpu.memory_space<vmem>>
        %gather3A_454 = tpu.vector_load_idx %gather3A_453[%add3A_449, %broadcast_in_dim3A_445] : memref<64x128xf32, #tpu.memory_space<vmem>>[vector<16xi32>, vector<16xi32>], vector<16xf32>,
        %add3A_455 = arith.constant 0 : i32
        %add3A_456 = vector.broadcast %add3A_455 : i32 to vector<16xi32>
        %add3A_457 = arith.addi %iota3A, %add3A_456 : vector<16xi32>
        tpu.vector_store_idx %arg13[%broadcast_in_dim3A_446, %add3A_457], %gather3A_454 : memref<128x128xf32, #tpu.memory_space<vmem>>[vector<16xi32>, vector<16xi32>], vector<16xf32>,
        %add3A_458 = arith.constant 16 : i32
        %add3A_459 = vector.broadcast %add3A_458 : i32 to vector<16xi32>
        %add3A_460 = arith.addi %iota3A, %add3A_459 : vector<16xi32>
        %gather3A_461 = arith.constant 0 : i32
        %gather3A_462 = arith.constant 0 : i32
        %gather3A_463 = tpu.memref_slice %arg12[%while3A_420, %gather3A_461, %gather3A_462] : memref<5x64x128xf32, #tpu.memory_space<vmem>> -> memref<1x64x128xf32, #tpu.memory_space<vmem>>
        %gather3A_464 = tpu.memref_squeeze %gather3A_463 : memref<1x64x128xf32, #tpu.memory_space<vmem>> -> memref<64x128xf32, #tpu.memory_space<vmem>>
        %gather3A_465 = tpu.vector_load_idx %gather3A_464[%add3A_460, %broadcast_in_dim3A_445] : memref<64x128xf32, #tpu.memory_space<vmem>>[vector<16xi32>, vector<16xi32>], vector<16xf32>,
        %add3A_466 = arith.constant 16 : i32
        %add3A_467 = vector.broadcast %add3A_466 : i32 to vector<16xi32>
        %add3A_468 = arith.addi %iota3A, %add3A_467 : vector<16xi32>
        tpu.vector_store_idx %arg13[%broadcast_in_dim3A_446, %add3A_468], %gather3A_465 : memref<128x128xf32, #tpu.memory_space<vmem>>[vector<16xi32>, vector<16xi32>], vector<16xf32>,
        %add3A_469 = arith.constant 32 : i32
        %add3A_470 = vector.broadcast %add3A_469 : i32 to vector<16xi32>
        %add3A_471 = arith.addi %iota3A, %add3A_470 : vector<16xi32>
        %gather3A_472 = arith.constant 0 : i32
        %gather3A_473 = arith.constant 0 : i32
        %gather3A_474 = tpu.memref_slice %arg12[%while3A_420, %gather3A_472, %gather3A_473] : memref<5x64x128xf32, #tpu.memory_space<vmem>> -> memref<1x64x128xf32, #tpu.memory_space<vmem>>
        %gather3A_475 = tpu.memref_squeeze %gather3A_474 : memref<1x64x128xf32, #tpu.memory_space<vmem>> -> memref<64x128xf32, #tpu.memory_space<vmem>>
        %gather3A_476 = tpu.vector_load_idx %gather3A_475[%add3A_471, %broadcast_in_dim3A_445] : memref<64x128xf32, #tpu.memory_space<vmem>>[vector<16xi32>, vector<16xi32>], vector<16xf32>,
        %add3A_477 = arith.constant 32 : i32
        %add3A_478 = vector.broadcast %add3A_477 : i32 to vector<16xi32>
        %add3A_479 = arith.addi %iota3A, %add3A_478 : vector<16xi32>
        tpu.vector_store_idx %arg13[%broadcast_in_dim3A_446, %add3A_479], %gather3A_476 : memref<128x128xf32, #tpu.memory_space<vmem>>[vector<16xi32>, vector<16xi32>], vector<16xf32>,
        %add3A_480 = arith.constant 48 : i32
        %add3A_481 = vector.broadcast %add3A_480 : i32 to vector<16xi32>
        %add3A_482 = arith.addi %iota3A, %add3A_481 : vector<16xi32>
        %gather3A_483 = arith.constant 0 : i32
        %gather3A_484 = arith.constant 0 : i32
        %gather3A_485 = tpu.memref_slice %arg12[%while3A_420, %gather3A_483, %gather3A_484] : memref<5x64x128xf32, #tpu.memory_space<vmem>> -> memref<1x64x128xf32, #tpu.memory_space<vmem>>
        %gather3A_486 = tpu.memref_squeeze %gather3A_485 : memref<1x64x128xf32, #tpu.memory_space<vmem>> -> memref<64x128xf32, #tpu.memory_space<vmem>>
        %gather3A_487 = tpu.vector_load_idx %gather3A_486[%add3A_482, %broadcast_in_dim3A_445] : memref<64x128xf32, #tpu.memory_space<vmem>>[vector<16xi32>, vector<16xi32>], vector<16xf32>,
        %add3A_488 = arith.constant 48 : i32
        %add3A_489 = vector.broadcast %add3A_488 : i32 to vector<16xi32>
        %add3A_490 = arith.addi %iota3A, %add3A_489 : vector<16xi32>
        tpu.vector_store_idx %arg13[%broadcast_in_dim3A_446, %add3A_490], %gather3A_487 : memref<128x128xf32, #tpu.memory_space<vmem>>[vector<16xi32>, vector<16xi32>], vector<16xf32>,
        %shift_right_arithmetic3A = arith.constant 7 : i32
        %shift_right_arithmetic3A_491 = arith.shrsi %squeeze3A_442, %shift_right_arithmetic3A : i32
        %and3A_492 = arith.constant 16383 : i32
        %and3A_493 = arith.andi %shift_right_arithmetic3A_491, %and3A_492 : i32
        %broadcast_in_dim3A_494 = vector.broadcast %and3A_493 : i32 to vector<16xi32>
        tpu.vector_store_idx %arg14[%broadcast_in_dim3A_446], %broadcast_in_dim3A_494 masked %eq3A_21 : memref<128xi32, #tpu.memory_space<vmem>>[vector<16xi32>], vector<16xi32>, vector<16xi1>
        %add3A_495 = arith.constant 1 : i32
        %add3A_496 = arith.addi %while3A_438, %add3A_495 : i32
        %eq3A_497 = arith.constant 128 : i32
        %eq3A_498 = arith.cmpi eq, %add3A_496, %eq3A_497 : i32
        %convert_element_type3A_499 = arith.extui %eq3A_498 : i1 to i32
        %cond3A_500 = arith.constant 0 : i32
        %cond3A_501 = arith.cmpi ne, %convert_element_type3A_499, %cond3A_500 : i32
        %cond3A_502 = scf.if %cond3A_501 -> (i32) {
          %dma_start3A = arith.constant 0 : i32
          %dma_start3A_503 = arith.constant 0 : i32
          %dma_start3A_504 = tpu.memref_slice %arg4[%dma_start3A, %dma_start3A_503] : memref<16416x128xf32, #tpu.memory_space<hbm>> -> memref<16416x128xf32, #tpu.memory_space<hbm>>
          tpu.enqueue_indirect_dma source(%arg13 : memref<128x128xf32, #tpu.memory_space<vmem>>) target(%dma_start3A_504 : memref<16416x128xf32, #tpu.memory_space<hbm>>) offsets(%arg14 : memref<128xi32, #tpu.memory_space<vmem>>) semaphore(%arg20 : memref<!tpu.dma_semaphore, #tpu.memory_space<semaphore_mem>>)
          %dma_wait3A_505 = arith.constant 0 : i32
          %dma_wait3A_506 = arith.constant 0 : i32
          %dma_wait3A_507 = tpu.memref_slice %arg4[%dma_wait3A_505, %dma_wait3A_506] : memref<16416x128xf32, #tpu.memory_space<hbm>> -> memref<16416x128xf32, #tpu.memory_space<hbm>>
          tpu.wait_indirect_dma semaphore(%arg20 : memref<!tpu.dma_semaphore, #tpu.memory_space<semaphore_mem>>) src(%arg13 : memref<128x128xf32, #tpu.memory_space<vmem>>) dst(%dma_wait3A_507 : memref<16416x128xf32, #tpu.memory_space<hbm>>)
          %cond3A_508 = arith.constant 0 : i32
          scf.yield %cond3A_508 : i32
        } else {
          scf.yield %add3A_496 : i32
        }
        scf.yield %cond3A_502 : i32
      }
      %while3A_429 = arith.constant 1 : i32
      %while3A_430 = scf.for %while3A_437 = %while3A_426 to %while3A_422 step %while3A_429 iter_args(%while3A_438 = %while3A_428) -> (i32)  : i32 {
        %broadcast_in_dim3A_439 = vector.broadcast %while3A_437 : i32 to vector<16xi32>
        %gather3A_440 = tpu.vector_load_idx %arg7[%broadcast_in_dim3A_439] : memref<16400xi32, #tpu.memory_space<vmem>>[vector<16xi32>], vector<16xi32>,
        %slice3A_441 = vector.extract_strided_slice %gather3A_440 {offsets = [0], sizes = [1], strides = [1]} : vector<16xi32> to vector<1xi32>
        %squeeze3A_442 = vector.extract %slice3A_441[0] : i32 from vector<1xi32>
        %and3A_443 = arith.constant 127 : i32
        %and3A_444 = arith.andi %squeeze3A_442, %and3A_443 : i32
        %broadcast_in_dim3A_445 = vector.broadcast %and3A_444 : i32 to vector<16xi32>
        %broadcast_in_dim3A_446 = vector.broadcast %while3A_438 : i32 to vector<16xi32>
        %add3A_447 = arith.constant 0 : i32
        %add3A_448 = vector.broadcast %add3A_447 : i32 to vector<16xi32>
        %add3A_449 = arith.addi %iota3A, %add3A_448 : vector<16xi32>
        %gather3A_450 = arith.constant 0 : i32
        %gather3A_451 = arith.constant 0 : i32
        %gather3A_452 = tpu.memref_slice %arg12[%while3A_420, %gather3A_450, %gather3A_451] : memref<5x64x128xf32, #tpu.memory_space<vmem>> -> memref<1x64x128xf32, #tpu.memory_space<vmem>>
        %gather3A_453 = tpu.memref_squeeze %gather3A_452 : memref<1x64x128xf32, #tpu.memory_space<vmem>> -> memref<64x128xf32, #tpu.memory_space<vmem>>
        %gather3A_454 = tpu.vector_load_idx %gather3A_453[%add3A_449, %broadcast_in_dim3A_445] : memref<64x128xf32, #tpu.memory_space<vmem>>[vector<16xi32>, vector<16xi32>], vector<16xf32>,
        %add3A_455 = arith.constant 0 : i32
        %add3A_456 = vector.broadcast %add3A_455 : i32 to vector<16xi32>
        %add3A_457 = arith.addi %iota3A, %add3A_456 : vector<16xi32>
        tpu.vector_store_idx %arg13[%broadcast_in_dim3A_446, %add3A_457], %gather3A_454 : memref<128x128xf32, #tpu.memory_space<vmem>>[vector<16xi32>, vector<16xi32>], vector<16xf32>,
        %add3A_458 = arith.constant 16 : i32
        %add3A_459 = vector.broadcast %add3A_458 : i32 to vector<16xi32>
        %add3A_460 = arith.addi %iota3A, %add3A_459 : vector<16xi32>
        %gather3A_461 = arith.constant 0 : i32
        %gather3A_462 = arith.constant 0 : i32
        %gather3A_463 = tpu.memref_slice %arg12[%while3A_420, %gather3A_461, %gather3A_462] : memref<5x64x128xf32, #tpu.memory_space<vmem>> -> memref<1x64x128xf32, #tpu.memory_space<vmem>>
        %gather3A_464 = tpu.memref_squeeze %gather3A_463 : memref<1x64x128xf32, #tpu.memory_space<vmem>> -> memref<64x128xf32, #tpu.memory_space<vmem>>
        %gather3A_465 = tpu.vector_load_idx %gather3A_464[%add3A_460, %broadcast_in_dim3A_445] : memref<64x128xf32, #tpu.memory_space<vmem>>[vector<16xi32>, vector<16xi32>], vector<16xf32>,
        %add3A_466 = arith.constant 16 : i32
        %add3A_467 = vector.broadcast %add3A_466 : i32 to vector<16xi32>
        %add3A_468 = arith.addi %iota3A, %add3A_467 : vector<16xi32>
        tpu.vector_store_idx %arg13[%broadcast_in_dim3A_446, %add3A_468], %gather3A_465 : memref<128x128xf32, #tpu.memory_space<vmem>>[vector<16xi32>, vector<16xi32>], vector<16xf32>,
        %add3A_469 = arith.constant 32 : i32
        %add3A_470 = vector.broadcast %add3A_469 : i32 to vector<16xi32>
        %add3A_471 = arith.addi %iota3A, %add3A_470 : vector<16xi32>
        %gather3A_472 = arith.constant 0 : i32
        %gather3A_473 = arith.constant 0 : i32
        %gather3A_474 = tpu.memref_slice %arg12[%while3A_420, %gather3A_472, %gather3A_473] : memref<5x64x128xf32, #tpu.memory_space<vmem>> -> memref<1x64x128xf32, #tpu.memory_space<vmem>>
        %gather3A_475 = tpu.memref_squeeze %gather3A_474 : memref<1x64x128xf32, #tpu.memory_space<vmem>> -> memref<64x128xf32, #tpu.memory_space<vmem>>
        %gather3A_476 = tpu.vector_load_idx %gather3A_475[%add3A_471, %broadcast_in_dim3A_445] : memref<64x128xf32, #tpu.memory_space<vmem>>[vector<16xi32>, vector<16xi32>], vector<16xf32>,
        %add3A_477 = arith.constant 32 : i32
        %add3A_478 = vector.broadcast %add3A_477 : i32 to vector<16xi32>
        %add3A_479 = arith.addi %iota3A, %add3A_478 : vector<16xi32>
        tpu.vector_store_idx %arg13[%broadcast_in_dim3A_446, %add3A_479], %gather3A_476 : memref<128x128xf32, #tpu.memory_space<vmem>>[vector<16xi32>, vector<16xi32>], vector<16xf32>,
        %add3A_480 = arith.constant 48 : i32
        %add3A_481 = vector.broadcast %add3A_480 : i32 to vector<16xi32>
        %add3A_482 = arith.addi %iota3A, %add3A_481 : vector<16xi32>
        %gather3A_483 = arith.constant 0 : i32
        %gather3A_484 = arith.constant 0 : i32
        %gather3A_485 = tpu.memref_slice %arg12[%while3A_420, %gather3A_483, %gather3A_484] : memref<5x64x128xf32, #tpu.memory_space<vmem>> -> memref<1x64x128xf32, #tpu.memory_space<vmem>>
        %gather3A_486 = tpu.memref_squeeze %gather3A_485 : memref<1x64x128xf32, #tpu.memory_space<vmem>> -> memref<64x128xf32, #tpu.memory_space<vmem>>
        %gather3A_487 = tpu.vector_load_idx %gather3A_486[%add3A_482, %broadcast_in_dim3A_445] : memref<64x128xf32, #tpu.memory_space<vmem>>[vector<16xi32>, vector<16xi32>], vector<16xf32>,
        %add3A_488 = arith.constant 48 : i32
        %add3A_489 = vector.broadcast %add3A_488 : i32 to vector<16xi32>
        %add3A_490 = arith.addi %iota3A, %add3A_489 : vector<16xi32>
        tpu.vector_store_idx %arg13[%broadcast_in_dim3A_446, %add3A_490], %gather3A_487 : memref<128x128xf32, #tpu.memory_space<vmem>>[vector<16xi32>, vector<16xi32>], vector<16xf32>,
        %shift_right_arithmetic3A = arith.constant 7 : i32
        %shift_right_arithmetic3A_491 = arith.shrsi %squeeze3A_442, %shift_right_arithmetic3A : i32
        %and3A_492 = arith.constant 16383 : i32
        %and3A_493 = arith.andi %shift_right_arithmetic3A_491, %and3A_492 : i32
        %broadcast_in_dim3A_494 = vector.broadcast %and3A_493 : i32 to vector<16xi32>
        tpu.vector_store_idx %arg14[%broadcast_in_dim3A_446], %broadcast_in_dim3A_494 masked %eq3A_21 : memref<128xi32, #tpu.memory_space<vmem>>[vector<16xi32>], vector<16xi32>, vector<16xi1>
        %add3A_495 = arith.constant 1 : i32
        %add3A_496 = arith.addi %while3A_438, %add3A_495 : i32
        %eq3A_497 = arith.constant 128 : i32
        %eq3A_498 = arith.cmpi eq, %add3A_496, %eq3A_497 : i32
        %convert_element_type3A_499 = arith.extui %eq3A_498 : i1 to i32
        %cond3A_500 = arith.constant 0 : i32
        %cond3A_501 = arith.cmpi ne, %convert_element_type3A_499, %cond3A_500 : i32
        %cond3A_502 = scf.if %cond3A_501 -> (i32) {
          %dma_start3A = arith.constant 0 : i32
          %dma_start3A_503 = arith.constant 0 : i32
          %dma_start3A_504 = tpu.memref_slice %arg4[%dma_start3A, %dma_start3A_503] : memref<16416x128xf32, #tpu.memory_space<hbm>> -> memref<16416x128xf32, #tpu.memory_space<hbm>>
          tpu.enqueue_indirect_dma source(%arg13 : memref<128x128xf32, #tpu.memory_space<vmem>>) target(%dma_start3A_504 : memref<16416x128xf32, #tpu.memory_space<hbm>>) offsets(%arg14 : memref<128xi32, #tpu.memory_space<vmem>>) semaphore(%arg20 : memref<!tpu.dma_semaphore, #tpu.memory_space<semaphore_mem>>)
          %dma_wait3A_505 = arith.constant 0 : i32
          %dma_wait3A_506 = arith.constant 0 : i32
          %dma_wait3A_507 = tpu.memref_slice %arg4[%dma_wait3A_505, %dma_wait3A_506] : memref<16416x128xf32, #tpu.memory_space<hbm>> -> memref<16416x128xf32, #tpu.memory_space<hbm>>
          tpu.wait_indirect_dma semaphore(%arg20 : memref<!tpu.dma_semaphore, #tpu.memory_space<semaphore_mem>>) src(%arg13 : memref<128x128xf32, #tpu.memory_space<vmem>>) dst(%dma_wait3A_507 : memref<16416x128xf32, #tpu.memory_space<hbm>>)
          %cond3A_508 = arith.constant 0 : i32
          scf.yield %cond3A_508 : i32
        } else {
          scf.yield %add3A_496 : i32
        }
        scf.yield %cond3A_502 : i32
      }
      %add3A_431 = arith.constant 5 : i32
      %add3A_432 = arith.addi %add3A_392, %add3A_431 : i32
      %lt3A_433 = arith.cmpi slt, %add3A_432, %mul3A_131 : i32
      %convert_element_type3A_434 = arith.extui %lt3A_433 : i1 to i32
      %cond3A_435 = arith.constant 0 : i32
      %cond3A_436 = arith.cmpi ne, %convert_element_type3A_434, %cond3A_435 : i32
      scf.if %cond3A_436 {
        %add3A_437 = arith.constant 5 : i32
        %add3A_438 = arith.addi %add3A_392, %add3A_437 : i32
        %broadcast_in_dim3A_439 = vector.broadcast %add3A_438 : i32 to vector<16xi32>
        %gather3A_440 = tpu.vector_load_idx %arg11[%broadcast_in_dim3A_439] : memref<304xi32, #tpu.memory_space<vmem>>[vector<16xi32>], vector<16xi32>,
        %slice3A_441 = vector.extract_strided_slice %gather3A_440 {offsets = [0], sizes = [1], strides = [1]} : vector<16xi32> to vector<1xi32>
        %squeeze3A_442 = vector.extract %slice3A_441[0] : i32 from vector<1xi32>
        %add3A_443 = arith.addi %squeeze3A_442, %select_n3A : i32
        %mul3A_444 = arith.constant 128 : i32
        %mul3A_445 = arith.muli %add3A_443, %mul3A_444 : i32
        %multiple_of3A = tpu.assume_multiple %mul3A_445, 128 : i32
        %dma_start3A = arith.constant 4 : i32
        %dma_start3A_446 = arith.constant 0 : i32
        %dma_start3A_447 = arith.constant 0 : i32
        %dma_start3A_448 = tpu.memref_slice %arg12[%dma_start3A, %dma_start3A_446, %dma_start3A_447] : memref<5x64x128xf32, #tpu.memory_space<vmem>> -> memref<1x64x128xf32, #tpu.memory_space<vmem>>
        %dma_start3A_449 = tpu.memref_squeeze %dma_start3A_448 : memref<1x64x128xf32, #tpu.memory_space<vmem>> -> memref<64x128xf32, #tpu.memory_space<vmem>>
        %dma_start3A_450 = arith.constant 0 : i32
        %dma_start3A_451 = tpu.memref_slice %arg3[%dma_start3A_450, %multiple_of3A] : memref<64x1000000xf32, #tpu.memory_space<hbm>> -> memref<64x128xf32, #tpu.memory_space<hbm>>
        %dma_start3A_452 = arith.constant 0 : i32
        %dma_start3A_453 = arith.constant 0 : i32
        %dma_start3A_454 = tpu.memref_slice %arg12[%dma_start3A, %dma_start3A_452, %dma_start3A_453] : memref<5x64x128xf32, #tpu.memory_space<vmem>> -> memref<1x64x128xf32, #tpu.memory_space<vmem>>
        %dma_start3A_455 = tpu.memref_squeeze %dma_start3A_454 : memref<1x64x128xf32, #tpu.memory_space<vmem>> -> memref<64x128xf32, #tpu.memory_space<vmem>>
        %dma_start3A_456 = arith.constant 0 : i32
        %dma_start3A_457 = tpu.memref_slice %arg3[%dma_start3A_456, %multiple_of3A] : memref<64x1000000xf32, #tpu.memory_space<hbm>> -> memref<64x128xf32, #tpu.memory_space<hbm>>
        tpu.enqueue_dma source(%dma_start3A_457 : memref<64x128xf32, #tpu.memory_space<hbm>>) target(%dma_start3A_455 : memref<64x128xf32, #tpu.memory_space<vmem>>) target_semaphore(%arg19 : memref<!tpu.dma_semaphore, #tpu.memory_space<semaphore_mem>>)
      } else {
      }
      scf.yield %while3A_430 : i32
    }
    %while3A_190 = arith.constant 1 : i32
    %while3A_191 = scf.for %while3A_197 = %while3A_187 to %while3A_183 step %while3A_190 iter_args(%while3A_198 = %while3A_189) -> (i32)  : i32 {
      %mul3A_199 = arith.constant 5 : i32
      %mul3A_200 = arith.muli %while3A_197, %mul3A_199 : i32
      %add3A_201 = arith.constant 0 : i32
      %add3A_202 = arith.addi %mul3A_200, %add3A_201 : i32
      %dma_wait3A = arith.constant 0 : i32
      %dma_wait3A_203 = arith.constant 0 : i32
      %dma_wait3A_204 = arith.constant 0 : i32
      %dma_wait3A_205 = tpu.memref_slice %arg12[%dma_wait3A, %dma_wait3A_203, %dma_wait3A_204] : memref<5x64x128xf32, #tpu.memory_space<vmem>> -> memref<1x64x128xf32, #tpu.memory_space<vmem>>
      %dma_wait3A_206 = tpu.memref_squeeze %dma_wait3A_205 : memref<1x64x128xf32, #tpu.memory_space<vmem>> -> memref<64x128xf32, #tpu.memory_space<vmem>>
      %dma_wait3A_207 = arith.constant 0 : i32
      %dma_wait3A_208 = arith.constant 0 : i32
      %dma_wait3A_209 = tpu.memref_slice %arg3[%dma_wait3A_207, %dma_wait3A_208] : memref<64x1000000xf32, #tpu.memory_space<hbm>> -> memref<64x128xf32, #tpu.memory_space<hbm>>
      %dma_wait3A_210 = arith.constant 0 : i32
      %dma_wait3A_211 = arith.constant 0 : i32
      %dma_wait3A_212 = tpu.memref_slice %arg12[%dma_wait3A, %dma_wait3A_210, %dma_wait3A_211] : memref<5x64x128xf32, #tpu.memory_space<vmem>> -> memref<1x64x128xf32, #tpu.memory_space<vmem>>
      %dma_wait3A_213 = tpu.memref_squeeze %dma_wait3A_212 : memref<1x64x128xf32, #tpu.memory_space<vmem>> -> memref<64x128xf32, #tpu.memory_space<vmem>>
      %dma_wait3A_214 = arith.constant 0 : i32
      %dma_wait3A_215 = arith.constant 0 : i32
      %dma_wait3A_216 = tpu.memref_slice %arg3[%dma_wait3A_214, %dma_wait3A_215] : memref<64x1000000xf32, #tpu.memory_space<hbm>> -> memref<64x128xf32, #tpu.memory_space<hbm>>
      tpu.wait_dma2 semaphore(%arg15 : memref<!tpu.dma_semaphore, #tpu.memory_space<semaphore_mem>>) src(%dma_wait3A_216 : memref<64x128xf32, #tpu.memory_space<hbm>>) dst(%dma_wait3A_213 : memref<64x128xf32, #tpu.memory_space<vmem>>)
      %broadcast_in_dim3A_217 = vector.broadcast %add3A_202 : i32 to vector<16xi32>
      %gather3A_218 = tpu.vector_load_idx %arg11[%broadcast_in_dim3A_217] : memref<304xi32, #tpu.memory_space<vmem>>[vector<16xi32>], vector<16xi32>,
      %slice3A_219 = vector.extract_strided_slice %gather3A_218 {offsets = [0], sizes = [1], strides = [1]} : vector<16xi32> to vector<1xi32>
      %squeeze3A_220 = vector.extract %slice3A_219[0] : i32 from vector<1xi32>
      %broadcast_in_dim3A_221 = vector.broadcast %squeeze3A_220 : i32 to vector<16xi32>
      %gather3A_222 = tpu.vector_load_idx %arg9[%broadcast_in_dim3A_221] : memref<272xi32, #tpu.memory_space<vmem>>[vector<16xi32>], vector<16xi32>,
      %slice3A_223 = vector.extract_strided_slice %gather3A_222 {offsets = [0], sizes = [1], strides = [1]} : vector<16xi32> to vector<1xi32>
      %squeeze3A_224 = vector.extract %slice3A_223[0] : i32 from vector<1xi32>
      %broadcast_in_dim3A_225 = vector.broadcast %squeeze3A_220 : i32 to vector<16xi32>
      %gather3A_226 = tpu.vector_load_idx %arg10[%broadcast_in_dim3A_225] : memref<272xi32, #tpu.memory_space<vmem>>[vector<16xi32>], vector<16xi32>,
      %slice3A_227 = vector.extract_strided_slice %gather3A_226 {offsets = [0], sizes = [1], strides = [1]} : vector<16xi32> to vector<1xi32>
      %squeeze3A_228 = vector.extract %slice3A_227[0] : i32 from vector<1xi32>
      %while3A_229 = arith.constant 0 : i32
      %while3A_230 = arith.subi %squeeze3A_228, %squeeze3A_224 : i32
      %while3A_231 = arith.addi %squeeze3A_224, %while3A_230 : i32
      %while3A_232 = arith.constant 1 : i32
      %while3A_233 = arith.divsi %while3A_230, %while3A_232 : i32
      %while3A_234 = arith.muli %while3A_233, %while3A_232 : i32
      %while3A_235 = arith.addi %squeeze3A_224, %while3A_234 : i32
      %while3A_236 = arith.constant 1 : i32
      %while3A_237 = scf.for %while3A_437 = %squeeze3A_224 to %while3A_235 step %while3A_236 iter_args(%while3A_438 = %while3A_198) -> (i32)  : i32 {
        %broadcast_in_dim3A_439 = vector.broadcast %while3A_437 : i32 to vector<16xi32>
        %gather3A_440 = tpu.vector_load_idx %arg7[%broadcast_in_dim3A_439] : memref<16400xi32, #tpu.memory_space<vmem>>[vector<16xi32>], vector<16xi32>,
        %slice3A_441 = vector.extract_strided_slice %gather3A_440 {offsets = [0], sizes = [1], strides = [1]} : vector<16xi32> to vector<1xi32>
        %squeeze3A_442 = vector.extract %slice3A_441[0] : i32 from vector<1xi32>
        %and3A_443 = arith.constant 127 : i32
        %and3A_444 = arith.andi %squeeze3A_442, %and3A_443 : i32
        %broadcast_in_dim3A_445 = vector.broadcast %and3A_444 : i32 to vector<16xi32>
        %broadcast_in_dim3A_446 = vector.broadcast %while3A_438 : i32 to vector<16xi32>
        %add3A_447 = arith.constant 0 : i32
        %add3A_448 = vector.broadcast %add3A_447 : i32 to vector<16xi32>
        %add3A_449 = arith.addi %iota3A, %add3A_448 : vector<16xi32>
        %gather3A_450 = arith.constant 0 : i32
        %gather3A_451 = arith.constant 0 : i32
        %gather3A_452 = tpu.memref_slice %arg12[%while3A_229, %gather3A_450, %gather3A_451] : memref<5x64x128xf32, #tpu.memory_space<vmem>> -> memref<1x64x128xf32, #tpu.memory_space<vmem>>
        %gather3A_453 = tpu.memref_squeeze %gather3A_452 : memref<1x64x128xf32, #tpu.memory_space<vmem>> -> memref<64x128xf32, #tpu.memory_space<vmem>>
        %gather3A_454 = tpu.vector_load_idx %gather3A_453[%add3A_449, %broadcast_in_dim3A_445] : memref<64x128xf32, #tpu.memory_space<vmem>>[vector<16xi32>, vector<16xi32>], vector<16xf32>,
        %add3A_455 = arith.constant 0 : i32
        %add3A_456 = vector.broadcast %add3A_455 : i32 to vector<16xi32>
        %add3A_457 = arith.addi %iota3A, %add3A_456 : vector<16xi32>
        tpu.vector_store_idx %arg13[%broadcast_in_dim3A_446, %add3A_457], %gather3A_454 : memref<128x128xf32, #tpu.memory_space<vmem>>[vector<16xi32>, vector<16xi32>], vector<16xf32>,
        %add3A_458 = arith.constant 16 : i32
        %add3A_459 = vector.broadcast %add3A_458 : i32 to vector<16xi32>
        %add3A_460 = arith.addi %iota3A, %add3A_459 : vector<16xi32>
        %gather3A_461 = arith.constant 0 : i32
        %gather3A_462 = arith.constant 0 : i32
        %gather3A_463 = tpu.memref_slice %arg12[%while3A_229, %gather3A_461, %gather3A_462] : memref<5x64x128xf32, #tpu.memory_space<vmem>> -> memref<1x64x128xf32, #tpu.memory_space<vmem>>
        %gather3A_464 = tpu.memref_squeeze %gather3A_463 : memref<1x64x128xf32, #tpu.memory_space<vmem>> -> memref<64x128xf32, #tpu.memory_space<vmem>>
        %gather3A_465 = tpu.vector_load_idx %gather3A_464[%add3A_460, %broadcast_in_dim3A_445] : memref<64x128xf32, #tpu.memory_space<vmem>>[vector<16xi32>, vector<16xi32>], vector<16xf32>,
        %add3A_466 = arith.constant 16 : i32
        %add3A_467 = vector.broadcast %add3A_466 : i32 to vector<16xi32>
        %add3A_468 = arith.addi %iota3A, %add3A_467 : vector<16xi32>
        tpu.vector_store_idx %arg13[%broadcast_in_dim3A_446, %add3A_468], %gather3A_465 : memref<128x128xf32, #tpu.memory_space<vmem>>[vector<16xi32>, vector<16xi32>], vector<16xf32>,
        %add3A_469 = arith.constant 32 : i32
        %add3A_470 = vector.broadcast %add3A_469 : i32 to vector<16xi32>
        %add3A_471 = arith.addi %iota3A, %add3A_470 : vector<16xi32>
        %gather3A_472 = arith.constant 0 : i32
        %gather3A_473 = arith.constant 0 : i32
        %gather3A_474 = tpu.memref_slice %arg12[%while3A_229, %gather3A_472, %gather3A_473] : memref<5x64x128xf32, #tpu.memory_space<vmem>> -> memref<1x64x128xf32, #tpu.memory_space<vmem>>
        %gather3A_475 = tpu.memref_squeeze %gather3A_474 : memref<1x64x128xf32, #tpu.memory_space<vmem>> -> memref<64x128xf32, #tpu.memory_space<vmem>>
        %gather3A_476 = tpu.vector_load_idx %gather3A_475[%add3A_471, %broadcast_in_dim3A_445] : memref<64x128xf32, #tpu.memory_space<vmem>>[vector<16xi32>, vector<16xi32>], vector<16xf32>,
        %add3A_477 = arith.constant 32 : i32
        %add3A_478 = vector.broadcast %add3A_477 : i32 to vector<16xi32>
        %add3A_479 = arith.addi %iota3A, %add3A_478 : vector<16xi32>
        tpu.vector_store_idx %arg13[%broadcast_in_dim3A_446, %add3A_479], %gather3A_476 : memref<128x128xf32, #tpu.memory_space<vmem>>[vector<16xi32>, vector<16xi32>], vector<16xf32>,
        %add3A_480 = arith.constant 48 : i32
        %add3A_481 = vector.broadcast %add3A_480 : i32 to vector<16xi32>
        %add3A_482 = arith.addi %iota3A, %add3A_481 : vector<16xi32>
        %gather3A_483 = arith.constant 0 : i32
        %gather3A_484 = arith.constant 0 : i32
        %gather3A_485 = tpu.memref_slice %arg12[%while3A_229, %gather3A_483, %gather3A_484] : memref<5x64x128xf32, #tpu.memory_space<vmem>> -> memref<1x64x128xf32, #tpu.memory_space<vmem>>
        %gather3A_486 = tpu.memref_squeeze %gather3A_485 : memref<1x64x128xf32, #tpu.memory_space<vmem>> -> memref<64x128xf32, #tpu.memory_space<vmem>>
        %gather3A_487 = tpu.vector_load_idx %gather3A_486[%add3A_482, %broadcast_in_dim3A_445] : memref<64x128xf32, #tpu.memory_space<vmem>>[vector<16xi32>, vector<16xi32>], vector<16xf32>,
        %add3A_488 = arith.constant 48 : i32
        %add3A_489 = vector.broadcast %add3A_488 : i32 to vector<16xi32>
        %add3A_490 = arith.addi %iota3A, %add3A_489 : vector<16xi32>
        tpu.vector_store_idx %arg13[%broadcast_in_dim3A_446, %add3A_490], %gather3A_487 : memref<128x128xf32, #tpu.memory_space<vmem>>[vector<16xi32>, vector<16xi32>], vector<16xf32>,
        %shift_right_arithmetic3A = arith.constant 7 : i32
        %shift_right_arithmetic3A_491 = arith.shrsi %squeeze3A_442, %shift_right_arithmetic3A : i32
        %and3A_492 = arith.constant 16383 : i32
        %and3A_493 = arith.andi %shift_right_arithmetic3A_491, %and3A_492 : i32
        %broadcast_in_dim3A_494 = vector.broadcast %and3A_493 : i32 to vector<16xi32>
        tpu.vector_store_idx %arg14[%broadcast_in_dim3A_446], %broadcast_in_dim3A_494 masked %eq3A_21 : memref<128xi32, #tpu.memory_space<vmem>>[vector<16xi32>], vector<16xi32>, vector<16xi1>
        %add3A_495 = arith.constant 1 : i32
        %add3A_496 = arith.addi %while3A_438, %add3A_495 : i32
        %eq3A_497 = arith.constant 128 : i32
        %eq3A_498 = arith.cmpi eq, %add3A_496, %eq3A_497 : i32
        %convert_element_type3A_499 = arith.extui %eq3A_498 : i1 to i32
        %cond3A_500 = arith.constant 0 : i32
        %cond3A_501 = arith.cmpi ne, %convert_element_type3A_499, %cond3A_500 : i32
        %cond3A_502 = scf.if %cond3A_501 -> (i32) {
          %dma_start3A = arith.constant 0 : i32
          %dma_start3A_503 = arith.constant 0 : i32
          %dma_start3A_504 = tpu.memref_slice %arg4[%dma_start3A, %dma_start3A_503] : memref<16416x128xf32, #tpu.memory_space<hbm>> -> memref<16416x128xf32, #tpu.memory_space<hbm>>
          tpu.enqueue_indirect_dma source(%arg13 : memref<128x128xf32, #tpu.memory_space<vmem>>) target(%dma_start3A_504 : memref<16416x128xf32, #tpu.memory_space<hbm>>) offsets(%arg14 : memref<128xi32, #tpu.memory_space<vmem>>) semaphore(%arg20 : memref<!tpu.dma_semaphore, #tpu.memory_space<semaphore_mem>>)
          %dma_wait3A_505 = arith.constant 0 : i32
          %dma_wait3A_506 = arith.constant 0 : i32
          %dma_wait3A_507 = tpu.memref_slice %arg4[%dma_wait3A_505, %dma_wait3A_506] : memref<16416x128xf32, #tpu.memory_space<hbm>> -> memref<16416x128xf32, #tpu.memory_space<hbm>>
          tpu.wait_indirect_dma semaphore(%arg20 : memref<!tpu.dma_semaphore, #tpu.memory_space<semaphore_mem>>) src(%arg13 : memref<128x128xf32, #tpu.memory_space<vmem>>) dst(%dma_wait3A_507 : memref<16416x128xf32, #tpu.memory_space<hbm>>)
          %cond3A_508 = arith.constant 0 : i32
          scf.yield %cond3A_508 : i32
        } else {
          scf.yield %add3A_496 : i32
        }
        scf.yield %cond3A_502 : i32
      }
      %while3A_238 = arith.constant 1 : i32
      %while3A_239 = scf.for %while3A_437 = %while3A_235 to %while3A_231 step %while3A_238 iter_args(%while3A_438 = %while3A_237) -> (i32)  : i32 {
        %broadcast_in_dim3A_439 = vector.broadcast %while3A_437 : i32 to vector<16xi32>
        %gather3A_440 = tpu.vector_load_idx %arg7[%broadcast_in_dim3A_439] : memref<16400xi32, #tpu.memory_space<vmem>>[vector<16xi32>], vector<16xi32>,
        %slice3A_441 = vector.extract_strided_slice %gather3A_440 {offsets = [0], sizes = [1], strides = [1]} : vector<16xi32> to vector<1xi32>
        %squeeze3A_442 = vector.extract %slice3A_441[0] : i32 from vector<1xi32>
        %and3A_443 = arith.constant 127 : i32
        %and3A_444 = arith.andi %squeeze3A_442, %and3A_443 : i32
        %broadcast_in_dim3A_445 = vector.broadcast %and3A_444 : i32 to vector<16xi32>
        %broadcast_in_dim3A_446 = vector.broadcast %while3A_438 : i32 to vector<16xi32>
        %add3A_447 = arith.constant 0 : i32
        %add3A_448 = vector.broadcast %add3A_447 : i32 to vector<16xi32>
        %add3A_449 = arith.addi %iota3A, %add3A_448 : vector<16xi32>
        %gather3A_450 = arith.constant 0 : i32
        %gather3A_451 = arith.constant 0 : i32
        %gather3A_452 = tpu.memref_slice %arg12[%while3A_229, %gather3A_450, %gather3A_451] : memref<5x64x128xf32, #tpu.memory_space<vmem>> -> memref<1x64x128xf32, #tpu.memory_space<vmem>>
        %gather3A_453 = tpu.memref_squeeze %gather3A_452 : memref<1x64x128xf32, #tpu.memory_space<vmem>> -> memref<64x128xf32, #tpu.memory_space<vmem>>
        %gather3A_454 = tpu.vector_load_idx %gather3A_453[%add3A_449, %broadcast_in_dim3A_445] : memref<64x128xf32, #tpu.memory_space<vmem>>[vector<16xi32>, vector<16xi32>], vector<16xf32>,
        %add3A_455 = arith.constant 0 : i32
        %add3A_456 = vector.broadcast %add3A_455 : i32 to vector<16xi32>
        %add3A_457 = arith.addi %iota3A, %add3A_456 : vector<16xi32>
        tpu.vector_store_idx %arg13[%broadcast_in_dim3A_446, %add3A_457], %gather3A_454 : memref<128x128xf32, #tpu.memory_space<vmem>>[vector<16xi32>, vector<16xi32>], vector<16xf32>,
        %add3A_458 = arith.constant 16 : i32
        %add3A_459 = vector.broadcast %add3A_458 : i32 to vector<16xi32>
        %add3A_460 = arith.addi %iota3A, %add3A_459 : vector<16xi32>
        %gather3A_461 = arith.constant 0 : i32
        %gather3A_462 = arith.constant 0 : i32
        %gather3A_463 = tpu.memref_slice %arg12[%while3A_229, %gather3A_461, %gather3A_462] : memref<5x64x128xf32, #tpu.memory_space<vmem>> -> memref<1x64x128xf32, #tpu.memory_space<vmem>>
        %gather3A_464 = tpu.memref_squeeze %gather3A_463 : memref<1x64x128xf32, #tpu.memory_space<vmem>> -> memref<64x128xf32, #tpu.memory_space<vmem>>
        %gather3A_465 = tpu.vector_load_idx %gather3A_464[%add3A_460, %broadcast_in_dim3A_445] : memref<64x128xf32, #tpu.memory_space<vmem>>[vector<16xi32>, vector<16xi32>], vector<16xf32>,
        %add3A_466 = arith.constant 16 : i32
        %add3A_467 = vector.broadcast %add3A_466 : i32 to vector<16xi32>
        %add3A_468 = arith.addi %iota3A, %add3A_467 : vector<16xi32>
        tpu.vector_store_idx %arg13[%broadcast_in_dim3A_446, %add3A_468], %gather3A_465 : memref<128x128xf32, #tpu.memory_space<vmem>>[vector<16xi32>, vector<16xi32>], vector<16xf32>,
        %add3A_469 = arith.constant 32 : i32
        %add3A_470 = vector.broadcast %add3A_469 : i32 to vector<16xi32>
        %add3A_471 = arith.addi %iota3A, %add3A_470 : vector<16xi32>
        %gather3A_472 = arith.constant 0 : i32
        %gather3A_473 = arith.constant 0 : i32
        %gather3A_474 = tpu.memref_slice %arg12[%while3A_229, %gather3A_472, %gather3A_473] : memref<5x64x128xf32, #tpu.memory_space<vmem>> -> memref<1x64x128xf32, #tpu.memory_space<vmem>>
        %gather3A_475 = tpu.memref_squeeze %gather3A_474 : memref<1x64x128xf32, #tpu.memory_space<vmem>> -> memref<64x128xf32, #tpu.memory_space<vmem>>
        %gather3A_476 = tpu.vector_load_idx %gather3A_475[%add3A_471, %broadcast_in_dim3A_445] : memref<64x128xf32, #tpu.memory_space<vmem>>[vector<16xi32>, vector<16xi32>], vector<16xf32>,
        %add3A_477 = arith.constant 32 : i32
        %add3A_478 = vector.broadcast %add3A_477 : i32 to vector<16xi32>
        %add3A_479 = arith.addi %iota3A, %add3A_478 : vector<16xi32>
        tpu.vector_store_idx %arg13[%broadcast_in_dim3A_446, %add3A_479], %gather3A_476 : memref<128x128xf32, #tpu.memory_space<vmem>>[vector<16xi32>, vector<16xi32>], vector<16xf32>,
        %add3A_480 = arith.constant 48 : i32
        %add3A_481 = vector.broadcast %add3A_480 : i32 to vector<16xi32>
        %add3A_482 = arith.addi %iota3A, %add3A_481 : vector<16xi32>
        %gather3A_483 = arith.constant 0 : i32
        %gather3A_484 = arith.constant 0 : i32
        %gather3A_485 = tpu.memref_slice %arg12[%while3A_229, %gather3A_483, %gather3A_484] : memref<5x64x128xf32, #tpu.memory_space<vmem>> -> memref<1x64x128xf32, #tpu.memory_space<vmem>>
        %gather3A_486 = tpu.memref_squeeze %gather3A_485 : memref<1x64x128xf32, #tpu.memory_space<vmem>> -> memref<64x128xf32, #tpu.memory_space<vmem>>
        %gather3A_487 = tpu.vector_load_idx %gather3A_486[%add3A_482, %broadcast_in_dim3A_445] : memref<64x128xf32, #tpu.memory_space<vmem>>[vector<16xi32>, vector<16xi32>], vector<16xf32>,
        %add3A_488 = arith.constant 48 : i32
        %add3A_489 = vector.broadcast %add3A_488 : i32 to vector<16xi32>
        %add3A_490 = arith.addi %iota3A, %add3A_489 : vector<16xi32>
        tpu.vector_store_idx %arg13[%broadcast_in_dim3A_446, %add3A_490], %gather3A_487 : memref<128x128xf32, #tpu.memory_space<vmem>>[vector<16xi32>, vector<16xi32>], vector<16xf32>,
        %shift_right_arithmetic3A = arith.constant 7 : i32
        %shift_right_arithmetic3A_491 = arith.shrsi %squeeze3A_442, %shift_right_arithmetic3A : i32
        %and3A_492 = arith.constant 16383 : i32
        %and3A_493 = arith.andi %shift_right_arithmetic3A_491, %and3A_492 : i32
        %broadcast_in_dim3A_494 = vector.broadcast %and3A_493 : i32 to vector<16xi32>
        tpu.vector_store_idx %arg14[%broadcast_in_dim3A_446], %broadcast_in_dim3A_494 masked %eq3A_21 : memref<128xi32, #tpu.memory_space<vmem>>[vector<16xi32>], vector<16xi32>, vector<16xi1>
        %add3A_495 = arith.constant 1 : i32
        %add3A_496 = arith.addi %while3A_438, %add3A_495 : i32
        %eq3A_497 = arith.constant 128 : i32
        %eq3A_498 = arith.cmpi eq, %add3A_496, %eq3A_497 : i32
        %convert_element_type3A_499 = arith.extui %eq3A_498 : i1 to i32
        %cond3A_500 = arith.constant 0 : i32
        %cond3A_501 = arith.cmpi ne, %convert_element_type3A_499, %cond3A_500 : i32
        %cond3A_502 = scf.if %cond3A_501 -> (i32) {
          %dma_start3A = arith.constant 0 : i32
          %dma_start3A_503 = arith.constant 0 : i32
          %dma_start3A_504 = tpu.memref_slice %arg4[%dma_start3A, %dma_start3A_503] : memref<16416x128xf32, #tpu.memory_space<hbm>> -> memref<16416x128xf32, #tpu.memory_space<hbm>>
          tpu.enqueue_indirect_dma source(%arg13 : memref<128x128xf32, #tpu.memory_space<vmem>>) target(%dma_start3A_504 : memref<16416x128xf32, #tpu.memory_space<hbm>>) offsets(%arg14 : memref<128xi32, #tpu.memory_space<vmem>>) semaphore(%arg20 : memref<!tpu.dma_semaphore, #tpu.memory_space<semaphore_mem>>)
          %dma_wait3A_505 = arith.constant 0 : i32
          %dma_wait3A_506 = arith.constant 0 : i32
          %dma_wait3A_507 = tpu.memref_slice %arg4[%dma_wait3A_505, %dma_wait3A_506] : memref<16416x128xf32, #tpu.memory_space<hbm>> -> memref<16416x128xf32, #tpu.memory_space<hbm>>
          tpu.wait_indirect_dma semaphore(%arg20 : memref<!tpu.dma_semaphore, #tpu.memory_space<semaphore_mem>>) src(%arg13 : memref<128x128xf32, #tpu.memory_space<vmem>>) dst(%dma_wait3A_507 : memref<16416x128xf32, #tpu.memory_space<hbm>>)
          %cond3A_508 = arith.constant 0 : i32
          scf.yield %cond3A_508 : i32
        } else {
          scf.yield %add3A_496 : i32
        }
        scf.yield %cond3A_502 : i32
      }
      %add3A_240 = arith.constant 5 : i32
      %add3A_241 = arith.addi %add3A_202, %add3A_240 : i32
      %lt3A = arith.cmpi slt, %add3A_241, %mul3A_131 : i32
      %convert_element_type3A_242 = arith.extui %lt3A : i1 to i32
      %cond3A_243 = arith.constant 0 : i32
      %cond3A_244 = arith.cmpi ne, %convert_element_type3A_242, %cond3A_243 : i32
      scf.if %cond3A_244 {
        %add3A_437 = arith.constant 5 : i32
        %add3A_438 = arith.addi %add3A_202, %add3A_437 : i32
        %broadcast_in_dim3A_439 = vector.broadcast %add3A_438 : i32 to vector<16xi32>
        %gather3A_440 = tpu.vector_load_idx %arg11[%broadcast_in_dim3A_439] : memref<304xi32, #tpu.memory_space<vmem>>[vector<16xi32>], vector<16xi32>,
        %slice3A_441 = vector.extract_strided_slice %gather3A_440 {offsets = [0], sizes = [1], strides = [1]} : vector<16xi32> to vector<1xi32>
        %squeeze3A_442 = vector.extract %slice3A_441[0] : i32 from vector<1xi32>
        %add3A_443 = arith.addi %squeeze3A_442, %select_n3A : i32
        %mul3A_444 = arith.constant 128 : i32
        %mul3A_445 = arith.muli %add3A_443, %mul3A_444 : i32
        %multiple_of3A = tpu.assume_multiple %mul3A_445, 128 : i32
        %dma_start3A = arith.constant 0 : i32
        %dma_start3A_446 = arith.constant 0 : i32
        %dma_start3A_447 = arith.constant 0 : i32
        %dma_start3A_448 = tpu.memref_slice %arg12[%dma_start3A, %dma_start3A_446, %dma_start3A_447] : memref<5x64x128xf32, #tpu.memory_space<vmem>> -> memref<1x64x128xf32, #tpu.memory_space<vmem>>
        %dma_start3A_449 = tpu.memref_squeeze %dma_start3A_448 : memref<1x64x128xf32, #tpu.memory_space<vmem>> -> memref<64x128xf32, #tpu.memory_space<vmem>>
        %dma_start3A_450 = arith.constant 0 : i32
        %dma_start3A_451 = tpu.memref_slice %arg3[%dma_start3A_450, %multiple_of3A] : memref<64x1000000xf32, #tpu.memory_space<hbm>> -> memref<64x128xf32, #tpu.memory_space<hbm>>
        %dma_start3A_452 = arith.constant 0 : i32
        %dma_start3A_453 = arith.constant 0 : i32
        %dma_start3A_454 = tpu.memref_slice %arg12[%dma_start3A, %dma_start3A_452, %dma_start3A_453] : memref<5x64x128xf32, #tpu.memory_space<vmem>> -> memref<1x64x128xf32, #tpu.memory_space<vmem>>
        %dma_start3A_455 = tpu.memref_squeeze %dma_start3A_454 : memref<1x64x128xf32, #tpu.memory_space<vmem>> -> memref<64x128xf32, #tpu.memory_space<vmem>>
        %dma_start3A_456 = arith.constant 0 : i32
        %dma_start3A_457 = tpu.memref_slice %arg3[%dma_start3A_456, %multiple_of3A] : memref<64x1000000xf32, #tpu.memory_space<hbm>> -> memref<64x128xf32, #tpu.memory_space<hbm>>
        tpu.enqueue_dma source(%dma_start3A_457 : memref<64x128xf32, #tpu.memory_space<hbm>>) target(%dma_start3A_455 : memref<64x128xf32, #tpu.memory_space<vmem>>) target_semaphore(%arg15 : memref<!tpu.dma_semaphore, #tpu.memory_space<semaphore_mem>>)
      } else {
      }
      %mul3A_245 = arith.constant 5 : i32
      %mul3A_246 = arith.muli %while3A_197, %mul3A_245 : i32
      %add3A_247 = arith.constant 1 : i32
      %add3A_248 = arith.addi %mul3A_246, %add3A_247 : i32
      %dma_wait3A_249 = arith.constant 1 : i32
      %dma_wait3A_250 = arith.constant 0 : i32
      %dma_wait3A_251 = arith.constant 0 : i32
      %dma_wait3A_252 = tpu.memref_slice %arg12[%dma_wait3A_249, %dma_wait3A_250, %dma_wait3A_251] : memref<5x64x128xf32, #tpu.memory_space<vmem>> -> memref<1x64x128xf32, #tpu.memory_space<vmem>>
      %dma_wait3A_253 = tpu.memref_squeeze %dma_wait3A_252 : memref<1x64x128xf32, #tpu.memory_space<vmem>> -> memref<64x128xf32, #tpu.memory_space<vmem>>
      %dma_wait3A_254 = arith.constant 0 : i32
      %dma_wait3A_255 = arith.constant 0 : i32
      %dma_wait3A_256 = tpu.memref_slice %arg3[%dma_wait3A_254, %dma_wait3A_255] : memref<64x1000000xf32, #tpu.memory_space<hbm>> -> memref<64x128xf32, #tpu.memory_space<hbm>>
      %dma_wait3A_257 = arith.constant 0 : i32
      %dma_wait3A_258 = arith.constant 0 : i32
      %dma_wait3A_259 = tpu.memref_slice %arg12[%dma_wait3A_249, %dma_wait3A_257, %dma_wait3A_258] : memref<5x64x128xf32, #tpu.memory_space<vmem>> -> memref<1x64x128xf32, #tpu.memory_space<vmem>>
      %dma_wait3A_260 = tpu.memref_squeeze %dma_wait3A_259 : memref<1x64x128xf32, #tpu.memory_space<vmem>> -> memref<64x128xf32, #tpu.memory_space<vmem>>
      %dma_wait3A_261 = arith.constant 0 : i32
      %dma_wait3A_262 = arith.constant 0 : i32
      %dma_wait3A_263 = tpu.memref_slice %arg3[%dma_wait3A_261, %dma_wait3A_262] : memref<64x1000000xf32, #tpu.memory_space<hbm>> -> memref<64x128xf32, #tpu.memory_space<hbm>>
      tpu.wait_dma2 semaphore(%arg16 : memref<!tpu.dma_semaphore, #tpu.memory_space<semaphore_mem>>) src(%dma_wait3A_263 : memref<64x128xf32, #tpu.memory_space<hbm>>) dst(%dma_wait3A_260 : memref<64x128xf32, #tpu.memory_space<vmem>>)
      %broadcast_in_dim3A_264 = vector.broadcast %add3A_248 : i32 to vector<16xi32>
      %gather3A_265 = tpu.vector_load_idx %arg11[%broadcast_in_dim3A_264] : memref<304xi32, #tpu.memory_space<vmem>>[vector<16xi32>], vector<16xi32>,
      %slice3A_266 = vector.extract_strided_slice %gather3A_265 {offsets = [0], sizes = [1], strides = [1]} : vector<16xi32> to vector<1xi32>
      %squeeze3A_267 = vector.extract %slice3A_266[0] : i32 from vector<1xi32>
      %broadcast_in_dim3A_268 = vector.broadcast %squeeze3A_267 : i32 to vector<16xi32>
      %gather3A_269 = tpu.vector_load_idx %arg9[%broadcast_in_dim3A_268] : memref<272xi32, #tpu.memory_space<vmem>>[vector<16xi32>], vector<16xi32>,
      %slice3A_270 = vector.extract_strided_slice %gather3A_269 {offsets = [0], sizes = [1], strides = [1]} : vector<16xi32> to vector<1xi32>
      %squeeze3A_271 = vector.extract %slice3A_270[0] : i32 from vector<1xi32>
      %broadcast_in_dim3A_272 = vector.broadcast %squeeze3A_267 : i32 to vector<16xi32>
      %gather3A_273 = tpu.vector_load_idx %arg10[%broadcast_in_dim3A_272] : memref<272xi32, #tpu.memory_space<vmem>>[vector<16xi32>], vector<16xi32>,
      %slice3A_274 = vector.extract_strided_slice %gather3A_273 {offsets = [0], sizes = [1], strides = [1]} : vector<16xi32> to vector<1xi32>
      %squeeze3A_275 = vector.extract %slice3A_274[0] : i32 from vector<1xi32>
      %while3A_276 = arith.constant 1 : i32
      %while3A_277 = arith.subi %squeeze3A_275, %squeeze3A_271 : i32
      %while3A_278 = arith.addi %squeeze3A_271, %while3A_277 : i32
      %while3A_279 = arith.constant 1 : i32
      %while3A_280 = arith.divsi %while3A_277, %while3A_279 : i32
      %while3A_281 = arith.muli %while3A_280, %while3A_279 : i32
      %while3A_282 = arith.addi %squeeze3A_271, %while3A_281 : i32
      %while3A_283 = arith.constant 1 : i32
      %while3A_284 = scf.for %while3A_437 = %squeeze3A_271 to %while3A_282 step %while3A_283 iter_args(%while3A_438 = %while3A_239) -> (i32)  : i32 {
        %broadcast_in_dim3A_439 = vector.broadcast %while3A_437 : i32 to vector<16xi32>
        %gather3A_440 = tpu.vector_load_idx %arg7[%broadcast_in_dim3A_439] : memref<16400xi32, #tpu.memory_space<vmem>>[vector<16xi32>], vector<16xi32>,
        %slice3A_441 = vector.extract_strided_slice %gather3A_440 {offsets = [0], sizes = [1], strides = [1]} : vector<16xi32> to vector<1xi32>
        %squeeze3A_442 = vector.extract %slice3A_441[0] : i32 from vector<1xi32>
        %and3A_443 = arith.constant 127 : i32
        %and3A_444 = arith.andi %squeeze3A_442, %and3A_443 : i32
        %broadcast_in_dim3A_445 = vector.broadcast %and3A_444 : i32 to vector<16xi32>
        %broadcast_in_dim3A_446 = vector.broadcast %while3A_438 : i32 to vector<16xi32>
        %add3A_447 = arith.constant 0 : i32
        %add3A_448 = vector.broadcast %add3A_447 : i32 to vector<16xi32>
        %add3A_449 = arith.addi %iota3A, %add3A_448 : vector<16xi32>
        %gather3A_450 = arith.constant 0 : i32
        %gather3A_451 = arith.constant 0 : i32
        %gather3A_452 = tpu.memref_slice %arg12[%while3A_276, %gather3A_450, %gather3A_451] : memref<5x64x128xf32, #tpu.memory_space<vmem>> -> memref<1x64x128xf32, #tpu.memory_space<vmem>>
        %gather3A_453 = tpu.memref_squeeze %gather3A_452 : memref<1x64x128xf32, #tpu.memory_space<vmem>> -> memref<64x128xf32, #tpu.memory_space<vmem>>
        %gather3A_454 = tpu.vector_load_idx %gather3A_453[%add3A_449, %broadcast_in_dim3A_445] : memref<64x128xf32, #tpu.memory_space<vmem>>[vector<16xi32>, vector<16xi32>], vector<16xf32>,
        %add3A_455 = arith.constant 0 : i32
        %add3A_456 = vector.broadcast %add3A_455 : i32 to vector<16xi32>
        %add3A_457 = arith.addi %iota3A, %add3A_456 : vector<16xi32>
        tpu.vector_store_idx %arg13[%broadcast_in_dim3A_446, %add3A_457], %gather3A_454 : memref<128x128xf32, #tpu.memory_space<vmem>>[vector<16xi32>, vector<16xi32>], vector<16xf32>,
        %add3A_458 = arith.constant 16 : i32
        %add3A_459 = vector.broadcast %add3A_458 : i32 to vector<16xi32>
        %add3A_460 = arith.addi %iota3A, %add3A_459 : vector<16xi32>
        %gather3A_461 = arith.constant 0 : i32
        %gather3A_462 = arith.constant 0 : i32
        %gather3A_463 = tpu.memref_slice %arg12[%while3A_276, %gather3A_461, %gather3A_462] : memref<5x64x128xf32, #tpu.memory_space<vmem>> -> memref<1x64x128xf32, #tpu.memory_space<vmem>>
        %gather3A_464 = tpu.memref_squeeze %gather3A_463 : memref<1x64x128xf32, #tpu.memory_space<vmem>> -> memref<64x128xf32, #tpu.memory_space<vmem>>
        %gather3A_465 = tpu.vector_load_idx %gather3A_464[%add3A_460, %broadcast_in_dim3A_445] : memref<64x128xf32, #tpu.memory_space<vmem>>[vector<16xi32>, vector<16xi32>], vector<16xf32>,
        %add3A_466 = arith.constant 16 : i32
        %add3A_467 = vector.broadcast %add3A_466 : i32 to vector<16xi32>
        %add3A_468 = arith.addi %iota3A, %add3A_467 : vector<16xi32>
        tpu.vector_store_idx %arg13[%broadcast_in_dim3A_446, %add3A_468], %gather3A_465 : memref<128x128xf32, #tpu.memory_space<vmem>>[vector<16xi32>, vector<16xi32>], vector<16xf32>,
        %add3A_469 = arith.constant 32 : i32
        %add3A_470 = vector.broadcast %add3A_469 : i32 to vector<16xi32>
        %add3A_471 = arith.addi %iota3A, %add3A_470 : vector<16xi32>
        %gather3A_472 = arith.constant 0 : i32
        %gather3A_473 = arith.constant 0 : i32
        %gather3A_474 = tpu.memref_slice %arg12[%while3A_276, %gather3A_472, %gather3A_473] : memref<5x64x128xf32, #tpu.memory_space<vmem>> -> memref<1x64x128xf32, #tpu.memory_space<vmem>>
        %gather3A_475 = tpu.memref_squeeze %gather3A_474 : memref<1x64x128xf32, #tpu.memory_space<vmem>> -> memref<64x128xf32, #tpu.memory_space<vmem>>
        %gather3A_476 = tpu.vector_load_idx %gather3A_475[%add3A_471, %broadcast_in_dim3A_445] : memref<64x128xf32, #tpu.memory_space<vmem>>[vector<16xi32>, vector<16xi32>], vector<16xf32>,
        %add3A_477 = arith.constant 32 : i32
        %add3A_478 = vector.broadcast %add3A_477 : i32 to vector<16xi32>
        %add3A_479 = arith.addi %iota3A, %add3A_478 : vector<16xi32>
        tpu.vector_store_idx %arg13[%broadcast_in_dim3A_446, %add3A_479], %gather3A_476 : memref<128x128xf32, #tpu.memory_space<vmem>>[vector<16xi32>, vector<16xi32>], vector<16xf32>,
        %add3A_480 = arith.constant 48 : i32
        %add3A_481 = vector.broadcast %add3A_480 : i32 to vector<16xi32>
        %add3A_482 = arith.addi %iota3A, %add3A_481 : vector<16xi32>
        %gather3A_483 = arith.constant 0 : i32
        %gather3A_484 = arith.constant 0 : i32
        %gather3A_485 = tpu.memref_slice %arg12[%while3A_276, %gather3A_483, %gather3A_484] : memref<5x64x128xf32, #tpu.memory_space<vmem>> -> memref<1x64x128xf32, #tpu.memory_space<vmem>>
        %gather3A_486 = tpu.memref_squeeze %gather3A_485 : memref<1x64x128xf32, #tpu.memory_space<vmem>> -> memref<64x128xf32, #tpu.memory_space<vmem>>
        %gather3A_487 = tpu.vector_load_idx %gather3A_486[%add3A_482, %broadcast_in_dim3A_445] : memref<64x128xf32, #tpu.memory_space<vmem>>[vector<16xi32>, vector<16xi32>], vector<16xf32>,
        %add3A_488 = arith.constant 48 : i32
        %add3A_489 = vector.broadcast %add3A_488 : i32 to vector<16xi32>
        %add3A_490 = arith.addi %iota3A, %add3A_489 : vector<16xi32>
        tpu.vector_store_idx %arg13[%broadcast_in_dim3A_446, %add3A_490], %gather3A_487 : memref<128x128xf32, #tpu.memory_space<vmem>>[vector<16xi32>, vector<16xi32>], vector<16xf32>,
        %shift_right_arithmetic3A = arith.constant 7 : i32
        %shift_right_arithmetic3A_491 = arith.shrsi %squeeze3A_442, %shift_right_arithmetic3A : i32
        %and3A_492 = arith.constant 16383 : i32
        %and3A_493 = arith.andi %shift_right_arithmetic3A_491, %and3A_492 : i32
        %broadcast_in_dim3A_494 = vector.broadcast %and3A_493 : i32 to vector<16xi32>
        tpu.vector_store_idx %arg14[%broadcast_in_dim3A_446], %broadcast_in_dim3A_494 masked %eq3A_21 : memref<128xi32, #tpu.memory_space<vmem>>[vector<16xi32>], vector<16xi32>, vector<16xi1>
        %add3A_495 = arith.constant 1 : i32
        %add3A_496 = arith.addi %while3A_438, %add3A_495 : i32
        %eq3A_497 = arith.constant 128 : i32
        %eq3A_498 = arith.cmpi eq, %add3A_496, %eq3A_497 : i32
        %convert_element_type3A_499 = arith.extui %eq3A_498 : i1 to i32
        %cond3A_500 = arith.constant 0 : i32
        %cond3A_501 = arith.cmpi ne, %convert_element_type3A_499, %cond3A_500 : i32
        %cond3A_502 = scf.if %cond3A_501 -> (i32) {
          %dma_start3A = arith.constant 0 : i32
          %dma_start3A_503 = arith.constant 0 : i32
          %dma_start3A_504 = tpu.memref_slice %arg4[%dma_start3A, %dma_start3A_503] : memref<16416x128xf32, #tpu.memory_space<hbm>> -> memref<16416x128xf32, #tpu.memory_space<hbm>>
          tpu.enqueue_indirect_dma source(%arg13 : memref<128x128xf32, #tpu.memory_space<vmem>>) target(%dma_start3A_504 : memref<16416x128xf32, #tpu.memory_space<hbm>>) offsets(%arg14 : memref<128xi32, #tpu.memory_space<vmem>>) semaphore(%arg20 : memref<!tpu.dma_semaphore, #tpu.memory_space<semaphore_mem>>)
          %dma_wait3A_505 = arith.constant 0 : i32
          %dma_wait3A_506 = arith.constant 0 : i32
          %dma_wait3A_507 = tpu.memref_slice %arg4[%dma_wait3A_505, %dma_wait3A_506] : memref<16416x128xf32, #tpu.memory_space<hbm>> -> memref<16416x128xf32, #tpu.memory_space<hbm>>
          tpu.wait_indirect_dma semaphore(%arg20 : memref<!tpu.dma_semaphore, #tpu.memory_space<semaphore_mem>>) src(%arg13 : memref<128x128xf32, #tpu.memory_space<vmem>>) dst(%dma_wait3A_507 : memref<16416x128xf32, #tpu.memory_space<hbm>>)
          %cond3A_508 = arith.constant 0 : i32
          scf.yield %cond3A_508 : i32
        } else {
          scf.yield %add3A_496 : i32
        }
        scf.yield %cond3A_502 : i32
      }
      %while3A_285 = arith.constant 1 : i32
      %while3A_286 = scf.for %while3A_437 = %while3A_282 to %while3A_278 step %while3A_285 iter_args(%while3A_438 = %while3A_284) -> (i32)  : i32 {
        %broadcast_in_dim3A_439 = vector.broadcast %while3A_437 : i32 to vector<16xi32>
        %gather3A_440 = tpu.vector_load_idx %arg7[%broadcast_in_dim3A_439] : memref<16400xi32, #tpu.memory_space<vmem>>[vector<16xi32>], vector<16xi32>,
        %slice3A_441 = vector.extract_strided_slice %gather3A_440 {offsets = [0], sizes = [1], strides = [1]} : vector<16xi32> to vector<1xi32>
        %squeeze3A_442 = vector.extract %slice3A_441[0] : i32 from vector<1xi32>
        %and3A_443 = arith.constant 127 : i32
        %and3A_444 = arith.andi %squeeze3A_442, %and3A_443 : i32
        %broadcast_in_dim3A_445 = vector.broadcast %and3A_444 : i32 to vector<16xi32>
        %broadcast_in_dim3A_446 = vector.broadcast %while3A_438 : i32 to vector<16xi32>
        %add3A_447 = arith.constant 0 : i32
        %add3A_448 = vector.broadcast %add3A_447 : i32 to vector<16xi32>
        %add3A_449 = arith.addi %iota3A, %add3A_448 : vector<16xi32>
        %gather3A_450 = arith.constant 0 : i32
        %gather3A_451 = arith.constant 0 : i32
        %gather3A_452 = tpu.memref_slice %arg12[%while3A_276, %gather3A_450, %gather3A_451] : memref<5x64x128xf32, #tpu.memory_space<vmem>> -> memref<1x64x128xf32, #tpu.memory_space<vmem>>
        %gather3A_453 = tpu.memref_squeeze %gather3A_452 : memref<1x64x128xf32, #tpu.memory_space<vmem>> -> memref<64x128xf32, #tpu.memory_space<vmem>>
        %gather3A_454 = tpu.vector_load_idx %gather3A_453[%add3A_449, %broadcast_in_dim3A_445] : memref<64x128xf32, #tpu.memory_space<vmem>>[vector<16xi32>, vector<16xi32>], vector<16xf32>,
        %add3A_455 = arith.constant 0 : i32
        %add3A_456 = vector.broadcast %add3A_455 : i32 to vector<16xi32>
        %add3A_457 = arith.addi %iota3A, %add3A_456 : vector<16xi32>
        tpu.vector_store_idx %arg13[%broadcast_in_dim3A_446, %add3A_457], %gather3A_454 : memref<128x128xf32, #tpu.memory_space<vmem>>[vector<16xi32>, vector<16xi32>], vector<16xf32>,
        %add3A_458 = arith.constant 16 : i32
        %add3A_459 = vector.broadcast %add3A_458 : i32 to vector<16xi32>
        %add3A_460 = arith.addi %iota3A, %add3A_459 : vector<16xi32>
        %gather3A_461 = arith.constant 0 : i32
        %gather3A_462 = arith.constant 0 : i32
        %gather3A_463 = tpu.memref_slice %arg12[%while3A_276, %gather3A_461, %gather3A_462] : memref<5x64x128xf32, #tpu.memory_space<vmem>> -> memref<1x64x128xf32, #tpu.memory_space<vmem>>
        %gather3A_464 = tpu.memref_squeeze %gather3A_463 : memref<1x64x128xf32, #tpu.memory_space<vmem>> -> memref<64x128xf32, #tpu.memory_space<vmem>>
        %gather3A_465 = tpu.vector_load_idx %gather3A_464[%add3A_460, %broadcast_in_dim3A_445] : memref<64x128xf32, #tpu.memory_space<vmem>>[vector<16xi32>, vector<16xi32>], vector<16xf32>,
        %add3A_466 = arith.constant 16 : i32
        %add3A_467 = vector.broadcast %add3A_466 : i32 to vector<16xi32>
        %add3A_468 = arith.addi %iota3A, %add3A_467 : vector<16xi32>
        tpu.vector_store_idx %arg13[%broadcast_in_dim3A_446, %add3A_468], %gather3A_465 : memref<128x128xf32, #tpu.memory_space<vmem>>[vector<16xi32>, vector<16xi32>], vector<16xf32>,
        %add3A_469 = arith.constant 32 : i32
        %add3A_470 = vector.broadcast %add3A_469 : i32 to vector<16xi32>
        %add3A_471 = arith.addi %iota3A, %add3A_470 : vector<16xi32>
        %gather3A_472 = arith.constant 0 : i32
        %gather3A_473 = arith.constant 0 : i32
        %gather3A_474 = tpu.memref_slice %arg12[%while3A_276, %gather3A_472, %gather3A_473] : memref<5x64x128xf32, #tpu.memory_space<vmem>> -> memref<1x64x128xf32, #tpu.memory_space<vmem>>
        %gather3A_475 = tpu.memref_squeeze %gather3A_474 : memref<1x64x128xf32, #tpu.memory_space<vmem>> -> memref<64x128xf32, #tpu.memory_space<vmem>>
        %gather3A_476 = tpu.vector_load_idx %gather3A_475[%add3A_471, %broadcast_in_dim3A_445] : memref<64x128xf32, #tpu.memory_space<vmem>>[vector<16xi32>, vector<16xi32>], vector<16xf32>,
        %add3A_477 = arith.constant 32 : i32
        %add3A_478 = vector.broadcast %add3A_477 : i32 to vector<16xi32>
        %add3A_479 = arith.addi %iota3A, %add3A_478 : vector<16xi32>
        tpu.vector_store_idx %arg13[%broadcast_in_dim3A_446, %add3A_479], %gather3A_476 : memref<128x128xf32, #tpu.memory_space<vmem>>[vector<16xi32>, vector<16xi32>], vector<16xf32>,
        %add3A_480 = arith.constant 48 : i32
        %add3A_481 = vector.broadcast %add3A_480 : i32 to vector<16xi32>
        %add3A_482 = arith.addi %iota3A, %add3A_481 : vector<16xi32>
        %gather3A_483 = arith.constant 0 : i32
        %gather3A_484 = arith.constant 0 : i32
        %gather3A_485 = tpu.memref_slice %arg12[%while3A_276, %gather3A_483, %gather3A_484] : memref<5x64x128xf32, #tpu.memory_space<vmem>> -> memref<1x64x128xf32, #tpu.memory_space<vmem>>
        %gather3A_486 = tpu.memref_squeeze %gather3A_485 : memref<1x64x128xf32, #tpu.memory_space<vmem>> -> memref<64x128xf32, #tpu.memory_space<vmem>>
        %gather3A_487 = tpu.vector_load_idx %gather3A_486[%add3A_482, %broadcast_in_dim3A_445] : memref<64x128xf32, #tpu.memory_space<vmem>>[vector<16xi32>, vector<16xi32>], vector<16xf32>,
        %add3A_488 = arith.constant 48 : i32
        %add3A_489 = vector.broadcast %add3A_488 : i32 to vector<16xi32>
        %add3A_490 = arith.addi %iota3A, %add3A_489 : vector<16xi32>
        tpu.vector_store_idx %arg13[%broadcast_in_dim3A_446, %add3A_490], %gather3A_487 : memref<128x128xf32, #tpu.memory_space<vmem>>[vector<16xi32>, vector<16xi32>], vector<16xf32>,
        %shift_right_arithmetic3A = arith.constant 7 : i32
        %shift_right_arithmetic3A_491 = arith.shrsi %squeeze3A_442, %shift_right_arithmetic3A : i32
        %and3A_492 = arith.constant 16383 : i32
        %and3A_493 = arith.andi %shift_right_arithmetic3A_491, %and3A_492 : i32
        %broadcast_in_dim3A_494 = vector.broadcast %and3A_493 : i32 to vector<16xi32>
        tpu.vector_store_idx %arg14[%broadcast_in_dim3A_446], %broadcast_in_dim3A_494 masked %eq3A_21 : memref<128xi32, #tpu.memory_space<vmem>>[vector<16xi32>], vector<16xi32>, vector<16xi1>
        %add3A_495 = arith.constant 1 : i32
        %add3A_496 = arith.addi %while3A_438, %add3A_495 : i32
        %eq3A_497 = arith.constant 128 : i32
        %eq3A_498 = arith.cmpi eq, %add3A_496, %eq3A_497 : i32
        %convert_element_type3A_499 = arith.extui %eq3A_498 : i1 to i32
        %cond3A_500 = arith.constant 0 : i32
        %cond3A_501 = arith.cmpi ne, %convert_element_type3A_499, %cond3A_500 : i32
        %cond3A_502 = scf.if %cond3A_501 -> (i32) {
          %dma_start3A = arith.constant 0 : i32
          %dma_start3A_503 = arith.constant 0 : i32
          %dma_start3A_504 = tpu.memref_slice %arg4[%dma_start3A, %dma_start3A_503] : memref<16416x128xf32, #tpu.memory_space<hbm>> -> memref<16416x128xf32, #tpu.memory_space<hbm>>
          tpu.enqueue_indirect_dma source(%arg13 : memref<128x128xf32, #tpu.memory_space<vmem>>) target(%dma_start3A_504 : memref<16416x128xf32, #tpu.memory_space<hbm>>) offsets(%arg14 : memref<128xi32, #tpu.memory_space<vmem>>) semaphore(%arg20 : memref<!tpu.dma_semaphore, #tpu.memory_space<semaphore_mem>>)
          %dma_wait3A_505 = arith.constant 0 : i32
          %dma_wait3A_506 = arith.constant 0 : i32
          %dma_wait3A_507 = tpu.memref_slice %arg4[%dma_wait3A_505, %dma_wait3A_506] : memref<16416x128xf32, #tpu.memory_space<hbm>> -> memref<16416x128xf32, #tpu.memory_space<hbm>>
          tpu.wait_indirect_dma semaphore(%arg20 : memref<!tpu.dma_semaphore, #tpu.memory_space<semaphore_mem>>) src(%arg13 : memref<128x128xf32, #tpu.memory_space<vmem>>) dst(%dma_wait3A_507 : memref<16416x128xf32, #tpu.memory_space<hbm>>)
          %cond3A_508 = arith.constant 0 : i32
          scf.yield %cond3A_508 : i32
        } else {
          scf.yield %add3A_496 : i32
        }
        scf.yield %cond3A_502 : i32
      }
      %add3A_287 = arith.constant 5 : i32
      %add3A_288 = arith.addi %add3A_248, %add3A_287 : i32
      %lt3A_289 = arith.cmpi slt, %add3A_288, %mul3A_131 : i32
      %convert_element_type3A_290 = arith.extui %lt3A_289 : i1 to i32
      %cond3A_291 = arith.constant 0 : i32
      %cond3A_292 = arith.cmpi ne, %convert_element_type3A_290, %cond3A_291 : i32
      scf.if %cond3A_292 {
        %add3A_437 = arith.constant 5 : i32
        %add3A_438 = arith.addi %add3A_248, %add3A_437 : i32
        %broadcast_in_dim3A_439 = vector.broadcast %add3A_438 : i32 to vector<16xi32>
        %gather3A_440 = tpu.vector_load_idx %arg11[%broadcast_in_dim3A_439] : memref<304xi32, #tpu.memory_space<vmem>>[vector<16xi32>], vector<16xi32>,
        %slice3A_441 = vector.extract_strided_slice %gather3A_440 {offsets = [0], sizes = [1], strides = [1]} : vector<16xi32> to vector<1xi32>
        %squeeze3A_442 = vector.extract %slice3A_441[0] : i32 from vector<1xi32>
        %add3A_443 = arith.addi %squeeze3A_442, %select_n3A : i32
        %mul3A_444 = arith.constant 128 : i32
        %mul3A_445 = arith.muli %add3A_443, %mul3A_444 : i32
        %multiple_of3A = tpu.assume_multiple %mul3A_445, 128 : i32
        %dma_start3A = arith.constant 1 : i32
        %dma_start3A_446 = arith.constant 0 : i32
        %dma_start3A_447 = arith.constant 0 : i32
        %dma_start3A_448 = tpu.memref_slice %arg12[%dma_start3A, %dma_start3A_446, %dma_start3A_447] : memref<5x64x128xf32, #tpu.memory_space<vmem>> -> memref<1x64x128xf32, #tpu.memory_space<vmem>>
        %dma_start3A_449 = tpu.memref_squeeze %dma_start3A_448 : memref<1x64x128xf32, #tpu.memory_space<vmem>> -> memref<64x128xf32, #tpu.memory_space<vmem>>
        %dma_start3A_450 = arith.constant 0 : i32
        %dma_start3A_451 = tpu.memref_slice %arg3[%dma_start3A_450, %multiple_of3A] : memref<64x1000000xf32, #tpu.memory_space<hbm>> -> memref<64x128xf32, #tpu.memory_space<hbm>>
        %dma_start3A_452 = arith.constant 0 : i32
        %dma_start3A_453 = arith.constant 0 : i32
        %dma_start3A_454 = tpu.memref_slice %arg12[%dma_start3A, %dma_start3A_452, %dma_start3A_453] : memref<5x64x128xf32, #tpu.memory_space<vmem>> -> memref<1x64x128xf32, #tpu.memory_space<vmem>>
        %dma_start3A_455 = tpu.memref_squeeze %dma_start3A_454 : memref<1x64x128xf32, #tpu.memory_space<vmem>> -> memref<64x128xf32, #tpu.memory_space<vmem>>
        %dma_start3A_456 = arith.constant 0 : i32
        %dma_start3A_457 = tpu.memref_slice %arg3[%dma_start3A_456, %multiple_of3A] : memref<64x1000000xf32, #tpu.memory_space<hbm>> -> memref<64x128xf32, #tpu.memory_space<hbm>>
        tpu.enqueue_dma source(%dma_start3A_457 : memref<64x128xf32, #tpu.memory_space<hbm>>) target(%dma_start3A_455 : memref<64x128xf32, #tpu.memory_space<vmem>>) target_semaphore(%arg16 : memref<!tpu.dma_semaphore, #tpu.memory_space<semaphore_mem>>)
      } else {
      }
      %mul3A_293 = arith.constant 5 : i32
      %mul3A_294 = arith.muli %while3A_197, %mul3A_293 : i32
      %add3A_295 = arith.constant 2 : i32
      %add3A_296 = arith.addi %mul3A_294, %add3A_295 : i32
      %dma_wait3A_297 = arith.constant 2 : i32
      %dma_wait3A_298 = arith.constant 0 : i32
      %dma_wait3A_299 = arith.constant 0 : i32
      %dma_wait3A_300 = tpu.memref_slice %arg12[%dma_wait3A_297, %dma_wait3A_298, %dma_wait3A_299] : memref<5x64x128xf32, #tpu.memory_space<vmem>> -> memref<1x64x128xf32, #tpu.memory_space<vmem>>
      %dma_wait3A_301 = tpu.memref_squeeze %dma_wait3A_300 : memref<1x64x128xf32, #tpu.memory_space<vmem>> -> memref<64x128xf32, #tpu.memory_space<vmem>>
      %dma_wait3A_302 = arith.constant 0 : i32
      %dma_wait3A_303 = arith.constant 0 : i32
      %dma_wait3A_304 = tpu.memref_slice %arg3[%dma_wait3A_302, %dma_wait3A_303] : memref<64x1000000xf32, #tpu.memory_space<hbm>> -> memref<64x128xf32, #tpu.memory_space<hbm>>
      %dma_wait3A_305 = arith.constant 0 : i32
      %dma_wait3A_306 = arith.constant 0 : i32
      %dma_wait3A_307 = tpu.memref_slice %arg12[%dma_wait3A_297, %dma_wait3A_305, %dma_wait3A_306] : memref<5x64x128xf32, #tpu.memory_space<vmem>> -> memref<1x64x128xf32, #tpu.memory_space<vmem>>
      %dma_wait3A_308 = tpu.memref_squeeze %dma_wait3A_307 : memref<1x64x128xf32, #tpu.memory_space<vmem>> -> memref<64x128xf32, #tpu.memory_space<vmem>>
      %dma_wait3A_309 = arith.constant 0 : i32
      %dma_wait3A_310 = arith.constant 0 : i32
      %dma_wait3A_311 = tpu.memref_slice %arg3[%dma_wait3A_309, %dma_wait3A_310] : memref<64x1000000xf32, #tpu.memory_space<hbm>> -> memref<64x128xf32, #tpu.memory_space<hbm>>
      tpu.wait_dma2 semaphore(%arg17 : memref<!tpu.dma_semaphore, #tpu.memory_space<semaphore_mem>>) src(%dma_wait3A_311 : memref<64x128xf32, #tpu.memory_space<hbm>>) dst(%dma_wait3A_308 : memref<64x128xf32, #tpu.memory_space<vmem>>)
      %broadcast_in_dim3A_312 = vector.broadcast %add3A_296 : i32 to vector<16xi32>
      %gather3A_313 = tpu.vector_load_idx %arg11[%broadcast_in_dim3A_312] : memref<304xi32, #tpu.memory_space<vmem>>[vector<16xi32>], vector<16xi32>,
      %slice3A_314 = vector.extract_strided_slice %gather3A_313 {offsets = [0], sizes = [1], strides = [1]} : vector<16xi32> to vector<1xi32>
      %squeeze3A_315 = vector.extract %slice3A_314[0] : i32 from vector<1xi32>
      %broadcast_in_dim3A_316 = vector.broadcast %squeeze3A_315 : i32 to vector<16xi32>
      %gather3A_317 = tpu.vector_load_idx %arg9[%broadcast_in_dim3A_316] : memref<272xi32, #tpu.memory_space<vmem>>[vector<16xi32>], vector<16xi32>,
      %slice3A_318 = vector.extract_strided_slice %gather3A_317 {offsets = [0], sizes = [1], strides = [1]} : vector<16xi32> to vector<1xi32>
      %squeeze3A_319 = vector.extract %slice3A_318[0] : i32 from vector<1xi32>
      %broadcast_in_dim3A_320 = vector.broadcast %squeeze3A_315 : i32 to vector<16xi32>
      %gather3A_321 = tpu.vector_load_idx %arg10[%broadcast_in_dim3A_320] : memref<272xi32, #tpu.memory_space<vmem>>[vector<16xi32>], vector<16xi32>,
      %slice3A_322 = vector.extract_strided_slice %gather3A_321 {offsets = [0], sizes = [1], strides = [1]} : vector<16xi32> to vector<1xi32>
      %squeeze3A_323 = vector.extract %slice3A_322[0] : i32 from vector<1xi32>
      %while3A_324 = arith.constant 2 : i32
      %while3A_325 = arith.subi %squeeze3A_323, %squeeze3A_319 : i32
      %while3A_326 = arith.addi %squeeze3A_319, %while3A_325 : i32
      %while3A_327 = arith.constant 1 : i32
      %while3A_328 = arith.divsi %while3A_325, %while3A_327 : i32
      %while3A_329 = arith.muli %while3A_328, %while3A_327 : i32
      %while3A_330 = arith.addi %squeeze3A_319, %while3A_329 : i32
      %while3A_331 = arith.constant 1 : i32
      %while3A_332 = scf.for %while3A_437 = %squeeze3A_319 to %while3A_330 step %while3A_331 iter_args(%while3A_438 = %while3A_286) -> (i32)  : i32 {
        %broadcast_in_dim3A_439 = vector.broadcast %while3A_437 : i32 to vector<16xi32>
        %gather3A_440 = tpu.vector_load_idx %arg7[%broadcast_in_dim3A_439] : memref<16400xi32, #tpu.memory_space<vmem>>[vector<16xi32>], vector<16xi32>,
        %slice3A_441 = vector.extract_strided_slice %gather3A_440 {offsets = [0], sizes = [1], strides = [1]} : vector<16xi32> to vector<1xi32>
        %squeeze3A_442 = vector.extract %slice3A_441[0] : i32 from vector<1xi32>
        %and3A_443 = arith.constant 127 : i32
        %and3A_444 = arith.andi %squeeze3A_442, %and3A_443 : i32
        %broadcast_in_dim3A_445 = vector.broadcast %and3A_444 : i32 to vector<16xi32>
        %broadcast_in_dim3A_446 = vector.broadcast %while3A_438 : i32 to vector<16xi32>
        %add3A_447 = arith.constant 0 : i32
        %add3A_448 = vector.broadcast %add3A_447 : i32 to vector<16xi32>
        %add3A_449 = arith.addi %iota3A, %add3A_448 : vector<16xi32>
        %gather3A_450 = arith.constant 0 : i32
        %gather3A_451 = arith.constant 0 : i32
        %gather3A_452 = tpu.memref_slice %arg12[%while3A_324, %gather3A_450, %gather3A_451] : memref<5x64x128xf32, #tpu.memory_space<vmem>> -> memref<1x64x128xf32, #tpu.memory_space<vmem>>
        %gather3A_453 = tpu.memref_squeeze %gather3A_452 : memref<1x64x128xf32, #tpu.memory_space<vmem>> -> memref<64x128xf32, #tpu.memory_space<vmem>>
        %gather3A_454 = tpu.vector_load_idx %gather3A_453[%add3A_449, %broadcast_in_dim3A_445] : memref<64x128xf32, #tpu.memory_space<vmem>>[vector<16xi32>, vector<16xi32>], vector<16xf32>,
        %add3A_455 = arith.constant 0 : i32
        %add3A_456 = vector.broadcast %add3A_455 : i32 to vector<16xi32>
        %add3A_457 = arith.addi %iota3A, %add3A_456 : vector<16xi32>
        tpu.vector_store_idx %arg13[%broadcast_in_dim3A_446, %add3A_457], %gather3A_454 : memref<128x128xf32, #tpu.memory_space<vmem>>[vector<16xi32>, vector<16xi32>], vector<16xf32>,
        %add3A_458 = arith.constant 16 : i32
        %add3A_459 = vector.broadcast %add3A_458 : i32 to vector<16xi32>
        %add3A_460 = arith.addi %iota3A, %add3A_459 : vector<16xi32>
        %gather3A_461 = arith.constant 0 : i32
        %gather3A_462 = arith.constant 0 : i32
        %gather3A_463 = tpu.memref_slice %arg12[%while3A_324, %gather3A_461, %gather3A_462] : memref<5x64x128xf32, #tpu.memory_space<vmem>> -> memref<1x64x128xf32, #tpu.memory_space<vmem>>
        %gather3A_464 = tpu.memref_squeeze %gather3A_463 : memref<1x64x128xf32, #tpu.memory_space<vmem>> -> memref<64x128xf32, #tpu.memory_space<vmem>>
        %gather3A_465 = tpu.vector_load_idx %gather3A_464[%add3A_460, %broadcast_in_dim3A_445] : memref<64x128xf32, #tpu.memory_space<vmem>>[vector<16xi32>, vector<16xi32>], vector<16xf32>,
        %add3A_466 = arith.constant 16 : i32
        %add3A_467 = vector.broadcast %add3A_466 : i32 to vector<16xi32>
        %add3A_468 = arith.addi %iota3A, %add3A_467 : vector<16xi32>
        tpu.vector_store_idx %arg13[%broadcast_in_dim3A_446, %add3A_468], %gather3A_465 : memref<128x128xf32, #tpu.memory_space<vmem>>[vector<16xi32>, vector<16xi32>], vector<16xf32>,
        %add3A_469 = arith.constant 32 : i32
        %add3A_470 = vector.broadcast %add3A_469 : i32 to vector<16xi32>
        %add3A_471 = arith.addi %iota3A, %add3A_470 : vector<16xi32>
        %gather3A_472 = arith.constant 0 : i32
        %gather3A_473 = arith.constant 0 : i32
        %gather3A_474 = tpu.memref_slice %arg12[%while3A_324, %gather3A_472, %gather3A_473] : memref<5x64x128xf32, #tpu.memory_space<vmem>> -> memref<1x64x128xf32, #tpu.memory_space<vmem>>
        %gather3A_475 = tpu.memref_squeeze %gather3A_474 : memref<1x64x128xf32, #tpu.memory_space<vmem>> -> memref<64x128xf32, #tpu.memory_space<vmem>>
        %gather3A_476 = tpu.vector_load_idx %gather3A_475[%add3A_471, %broadcast_in_dim3A_445] : memref<64x128xf32, #tpu.memory_space<vmem>>[vector<16xi32>, vector<16xi32>], vector<16xf32>,
        %add3A_477 = arith.constant 32 : i32
        %add3A_478 = vector.broadcast %add3A_477 : i32 to vector<16xi32>
        %add3A_479 = arith.addi %iota3A, %add3A_478 : vector<16xi32>
        tpu.vector_store_idx %arg13[%broadcast_in_dim3A_446, %add3A_479], %gather3A_476 : memref<128x128xf32, #tpu.memory_space<vmem>>[vector<16xi32>, vector<16xi32>], vector<16xf32>,
        %add3A_480 = arith.constant 48 : i32
        %add3A_481 = vector.broadcast %add3A_480 : i32 to vector<16xi32>
        %add3A_482 = arith.addi %iota3A, %add3A_481 : vector<16xi32>
        %gather3A_483 = arith.constant 0 : i32
        %gather3A_484 = arith.constant 0 : i32
        %gather3A_485 = tpu.memref_slice %arg12[%while3A_324, %gather3A_483, %gather3A_484] : memref<5x64x128xf32, #tpu.memory_space<vmem>> -> memref<1x64x128xf32, #tpu.memory_space<vmem>>
        %gather3A_486 = tpu.memref_squeeze %gather3A_485 : memref<1x64x128xf32, #tpu.memory_space<vmem>> -> memref<64x128xf32, #tpu.memory_space<vmem>>
        %gather3A_487 = tpu.vector_load_idx %gather3A_486[%add3A_482, %broadcast_in_dim3A_445] : memref<64x128xf32, #tpu.memory_space<vmem>>[vector<16xi32>, vector<16xi32>], vector<16xf32>,
        %add3A_488 = arith.constant 48 : i32
        %add3A_489 = vector.broadcast %add3A_488 : i32 to vector<16xi32>
        %add3A_490 = arith.addi %iota3A, %add3A_489 : vector<16xi32>
        tpu.vector_store_idx %arg13[%broadcast_in_dim3A_446, %add3A_490], %gather3A_487 : memref<128x128xf32, #tpu.memory_space<vmem>>[vector<16xi32>, vector<16xi32>], vector<16xf32>,
        %shift_right_arithmetic3A = arith.constant 7 : i32
        %shift_right_arithmetic3A_491 = arith.shrsi %squeeze3A_442, %shift_right_arithmetic3A : i32
        %and3A_492 = arith.constant 16383 : i32
        %and3A_493 = arith.andi %shift_right_arithmetic3A_491, %and3A_492 : i32
        %broadcast_in_dim3A_494 = vector.broadcast %and3A_493 : i32 to vector<16xi32>
        tpu.vector_store_idx %arg14[%broadcast_in_dim3A_446], %broadcast_in_dim3A_494 masked %eq3A_21 : memref<128xi32, #tpu.memory_space<vmem>>[vector<16xi32>], vector<16xi32>, vector<16xi1>
        %add3A_495 = arith.constant 1 : i32
        %add3A_496 = arith.addi %while3A_438, %add3A_495 : i32
        %eq3A_497 = arith.constant 128 : i32
        %eq3A_498 = arith.cmpi eq, %add3A_496, %eq3A_497 : i32
        %convert_element_type3A_499 = arith.extui %eq3A_498 : i1 to i32
        %cond3A_500 = arith.constant 0 : i32
        %cond3A_501 = arith.cmpi ne, %convert_element_type3A_499, %cond3A_500 : i32
        %cond3A_502 = scf.if %cond3A_501 -> (i32) {
          %dma_start3A = arith.constant 0 : i32
          %dma_start3A_503 = arith.constant 0 : i32
          %dma_start3A_504 = tpu.memref_slice %arg4[%dma_start3A, %dma_start3A_503] : memref<16416x128xf32, #tpu.memory_space<hbm>> -> memref<16416x128xf32, #tpu.memory_space<hbm>>
          tpu.enqueue_indirect_dma source(%arg13 : memref<128x128xf32, #tpu.memory_space<vmem>>) target(%dma_start3A_504 : memref<16416x128xf32, #tpu.memory_space<hbm>>) offsets(%arg14 : memref<128xi32, #tpu.memory_space<vmem>>) semaphore(%arg20 : memref<!tpu.dma_semaphore, #tpu.memory_space<semaphore_mem>>)
          %dma_wait3A_505 = arith.constant 0 : i32
          %dma_wait3A_506 = arith.constant 0 : i32
          %dma_wait3A_507 = tpu.memref_slice %arg4[%dma_wait3A_505, %dma_wait3A_506] : memref<16416x128xf32, #tpu.memory_space<hbm>> -> memref<16416x128xf32, #tpu.memory_space<hbm>>
          tpu.wait_indirect_dma semaphore(%arg20 : memref<!tpu.dma_semaphore, #tpu.memory_space<semaphore_mem>>) src(%arg13 : memref<128x128xf32, #tpu.memory_space<vmem>>) dst(%dma_wait3A_507 : memref<16416x128xf32, #tpu.memory_space<hbm>>)
          %cond3A_508 = arith.constant 0 : i32
          scf.yield %cond3A_508 : i32
        } else {
          scf.yield %add3A_496 : i32
        }
        scf.yield %cond3A_502 : i32
      }
      %while3A_333 = arith.constant 1 : i32
      %while3A_334 = scf.for %while3A_437 = %while3A_330 to %while3A_326 step %while3A_333 iter_args(%while3A_438 = %while3A_332) -> (i32)  : i32 {
        %broadcast_in_dim3A_439 = vector.broadcast %while3A_437 : i32 to vector<16xi32>
        %gather3A_440 = tpu.vector_load_idx %arg7[%broadcast_in_dim3A_439] : memref<16400xi32, #tpu.memory_space<vmem>>[vector<16xi32>], vector<16xi32>,
        %slice3A_441 = vector.extract_strided_slice %gather3A_440 {offsets = [0], sizes = [1], strides = [1]} : vector<16xi32> to vector<1xi32>
        %squeeze3A_442 = vector.extract %slice3A_441[0] : i32 from vector<1xi32>
        %and3A_443 = arith.constant 127 : i32
        %and3A_444 = arith.andi %squeeze3A_442, %and3A_443 : i32
        %broadcast_in_dim3A_445 = vector.broadcast %and3A_444 : i32 to vector<16xi32>
        %broadcast_in_dim3A_446 = vector.broadcast %while3A_438 : i32 to vector<16xi32>
        %add3A_447 = arith.constant 0 : i32
        %add3A_448 = vector.broadcast %add3A_447 : i32 to vector<16xi32>
        %add3A_449 = arith.addi %iota3A, %add3A_448 : vector<16xi32>
        %gather3A_450 = arith.constant 0 : i32
        %gather3A_451 = arith.constant 0 : i32
        %gather3A_452 = tpu.memref_slice %arg12[%while3A_324, %gather3A_450, %gather3A_451] : memref<5x64x128xf32, #tpu.memory_space<vmem>> -> memref<1x64x128xf32, #tpu.memory_space<vmem>>
        %gather3A_453 = tpu.memref_squeeze %gather3A_452 : memref<1x64x128xf32, #tpu.memory_space<vmem>> -> memref<64x128xf32, #tpu.memory_space<vmem>>
        %gather3A_454 = tpu.vector_load_idx %gather3A_453[%add3A_449, %broadcast_in_dim3A_445] : memref<64x128xf32, #tpu.memory_space<vmem>>[vector<16xi32>, vector<16xi32>], vector<16xf32>,
        %add3A_455 = arith.constant 0 : i32
        %add3A_456 = vector.broadcast %add3A_455 : i32 to vector<16xi32>
        %add3A_457 = arith.addi %iota3A, %add3A_456 : vector<16xi32>
        tpu.vector_store_idx %arg13[%broadcast_in_dim3A_446, %add3A_457], %gather3A_454 : memref<128x128xf32, #tpu.memory_space<vmem>>[vector<16xi32>, vector<16xi32>], vector<16xf32>,
        %add3A_458 = arith.constant 16 : i32
        %add3A_459 = vector.broadcast %add3A_458 : i32 to vector<16xi32>
        %add3A_460 = arith.addi %iota3A, %add3A_459 : vector<16xi32>
        %gather3A_461 = arith.constant 0 : i32
        %gather3A_462 = arith.constant 0 : i32
        %gather3A_463 = tpu.memref_slice %arg12[%while3A_324, %gather3A_461, %gather3A_462] : memref<5x64x128xf32, #tpu.memory_space<vmem>> -> memref<1x64x128xf32, #tpu.memory_space<vmem>>
        %gather3A_464 = tpu.memref_squeeze %gather3A_463 : memref<1x64x128xf32, #tpu.memory_space<vmem>> -> memref<64x128xf32, #tpu.memory_space<vmem>>
        %gather3A_465 = tpu.vector_load_idx %gather3A_464[%add3A_460, %broadcast_in_dim3A_445] : memref<64x128xf32, #tpu.memory_space<vmem>>[vector<16xi32>, vector<16xi32>], vector<16xf32>,
        %add3A_466 = arith.constant 16 : i32
        %add3A_467 = vector.broadcast %add3A_466 : i32 to vector<16xi32>
        %add3A_468 = arith.addi %iota3A, %add3A_467 : vector<16xi32>
        tpu.vector_store_idx %arg13[%broadcast_in_dim3A_446, %add3A_468], %gather3A_465 : memref<128x128xf32, #tpu.memory_space<vmem>>[vector<16xi32>, vector<16xi32>], vector<16xf32>,
        %add3A_469 = arith.constant 32 : i32
        %add3A_470 = vector.broadcast %add3A_469 : i32 to vector<16xi32>
        %add3A_471 = arith.addi %iota3A, %add3A_470 : vector<16xi32>
        %gather3A_472 = arith.constant 0 : i32
        %gather3A_473 = arith.constant 0 : i32
        %gather3A_474 = tpu.memref_slice %arg12[%while3A_324, %gather3A_472, %gather3A_473] : memref<5x64x128xf32, #tpu.memory_space<vmem>> -> memref<1x64x128xf32, #tpu.memory_space<vmem>>
        %gather3A_475 = tpu.memref_squeeze %gather3A_474 : memref<1x64x128xf32, #tpu.memory_space<vmem>> -> memref<64x128xf32, #tpu.memory_space<vmem>>
        %gather3A_476 = tpu.vector_load_idx %gather3A_475[%add3A_471, %broadcast_in_dim3A_445] : memref<64x128xf32, #tpu.memory_space<vmem>>[vector<16xi32>, vector<16xi32>], vector<16xf32>,
        %add3A_477 = arith.constant 32 : i32
        %add3A_478 = vector.broadcast %add3A_477 : i32 to vector<16xi32>
        %add3A_479 = arith.addi %iota3A, %add3A_478 : vector<16xi32>
        tpu.vector_store_idx %arg13[%broadcast_in_dim3A_446, %add3A_479], %gather3A_476 : memref<128x128xf32, #tpu.memory_space<vmem>>[vector<16xi32>, vector<16xi32>], vector<16xf32>,
        %add3A_480 = arith.constant 48 : i32
        %add3A_481 = vector.broadcast %add3A_480 : i32 to vector<16xi32>
        %add3A_482 = arith.addi %iota3A, %add3A_481 : vector<16xi32>
        %gather3A_483 = arith.constant 0 : i32
        %gather3A_484 = arith.constant 0 : i32
        %gather3A_485 = tpu.memref_slice %arg12[%while3A_324, %gather3A_483, %gather3A_484] : memref<5x64x128xf32, #tpu.memory_space<vmem>> -> memref<1x64x128xf32, #tpu.memory_space<vmem>>
        %gather3A_486 = tpu.memref_squeeze %gather3A_485 : memref<1x64x128xf32, #tpu.memory_space<vmem>> -> memref<64x128xf32, #tpu.memory_space<vmem>>
        %gather3A_487 = tpu.vector_load_idx %gather3A_486[%add3A_482, %broadcast_in_dim3A_445] : memref<64x128xf32, #tpu.memory_space<vmem>>[vector<16xi32>, vector<16xi32>], vector<16xf32>,
        %add3A_488 = arith.constant 48 : i32
        %add3A_489 = vector.broadcast %add3A_488 : i32 to vector<16xi32>
        %add3A_490 = arith.addi %iota3A, %add3A_489 : vector<16xi32>
        tpu.vector_store_idx %arg13[%broadcast_in_dim3A_446, %add3A_490], %gather3A_487 : memref<128x128xf32, #tpu.memory_space<vmem>>[vector<16xi32>, vector<16xi32>], vector<16xf32>,
        %shift_right_arithmetic3A = arith.constant 7 : i32
        %shift_right_arithmetic3A_491 = arith.shrsi %squeeze3A_442, %shift_right_arithmetic3A : i32
        %and3A_492 = arith.constant 16383 : i32
        %and3A_493 = arith.andi %shift_right_arithmetic3A_491, %and3A_492 : i32
        %broadcast_in_dim3A_494 = vector.broadcast %and3A_493 : i32 to vector<16xi32>
        tpu.vector_store_idx %arg14[%broadcast_in_dim3A_446], %broadcast_in_dim3A_494 masked %eq3A_21 : memref<128xi32, #tpu.memory_space<vmem>>[vector<16xi32>], vector<16xi32>, vector<16xi1>
        %add3A_495 = arith.constant 1 : i32
        %add3A_496 = arith.addi %while3A_438, %add3A_495 : i32
        %eq3A_497 = arith.constant 128 : i32
        %eq3A_498 = arith.cmpi eq, %add3A_496, %eq3A_497 : i32
        %convert_element_type3A_499 = arith.extui %eq3A_498 : i1 to i32
        %cond3A_500 = arith.constant 0 : i32
        %cond3A_501 = arith.cmpi ne, %convert_element_type3A_499, %cond3A_500 : i32
        %cond3A_502 = scf.if %cond3A_501 -> (i32) {
          %dma_start3A = arith.constant 0 : i32
          %dma_start3A_503 = arith.constant 0 : i32
          %dma_start3A_504 = tpu.memref_slice %arg4[%dma_start3A, %dma_start3A_503] : memref<16416x128xf32, #tpu.memory_space<hbm>> -> memref<16416x128xf32, #tpu.memory_space<hbm>>
          tpu.enqueue_indirect_dma source(%arg13 : memref<128x128xf32, #tpu.memory_space<vmem>>) target(%dma_start3A_504 : memref<16416x128xf32, #tpu.memory_space<hbm>>) offsets(%arg14 : memref<128xi32, #tpu.memory_space<vmem>>) semaphore(%arg20 : memref<!tpu.dma_semaphore, #tpu.memory_space<semaphore_mem>>)
          %dma_wait3A_505 = arith.constant 0 : i32
          %dma_wait3A_506 = arith.constant 0 : i32
          %dma_wait3A_507 = tpu.memref_slice %arg4[%dma_wait3A_505, %dma_wait3A_506] : memref<16416x128xf32, #tpu.memory_space<hbm>> -> memref<16416x128xf32, #tpu.memory_space<hbm>>
          tpu.wait_indirect_dma semaphore(%arg20 : memref<!tpu.dma_semaphore, #tpu.memory_space<semaphore_mem>>) src(%arg13 : memref<128x128xf32, #tpu.memory_space<vmem>>) dst(%dma_wait3A_507 : memref<16416x128xf32, #tpu.memory_space<hbm>>)
          %cond3A_508 = arith.constant 0 : i32
          scf.yield %cond3A_508 : i32
        } else {
          scf.yield %add3A_496 : i32
        }
        scf.yield %cond3A_502 : i32
      }
      %add3A_335 = arith.constant 5 : i32
      %add3A_336 = arith.addi %add3A_296, %add3A_335 : i32
      %lt3A_337 = arith.cmpi slt, %add3A_336, %mul3A_131 : i32
      %convert_element_type3A_338 = arith.extui %lt3A_337 : i1 to i32
      %cond3A_339 = arith.constant 0 : i32
      %cond3A_340 = arith.cmpi ne, %convert_element_type3A_338, %cond3A_339 : i32
      scf.if %cond3A_340 {
        %add3A_437 = arith.constant 5 : i32
        %add3A_438 = arith.addi %add3A_296, %add3A_437 : i32
        %broadcast_in_dim3A_439 = vector.broadcast %add3A_438 : i32 to vector<16xi32>
        %gather3A_440 = tpu.vector_load_idx %arg11[%broadcast_in_dim3A_439] : memref<304xi32, #tpu.memory_space<vmem>>[vector<16xi32>], vector<16xi32>,
        %slice3A_441 = vector.extract_strided_slice %gather3A_440 {offsets = [0], sizes = [1], strides = [1]} : vector<16xi32> to vector<1xi32>
        %squeeze3A_442 = vector.extract %slice3A_441[0] : i32 from vector<1xi32>
        %add3A_443 = arith.addi %squeeze3A_442, %select_n3A : i32
        %mul3A_444 = arith.constant 128 : i32
        %mul3A_445 = arith.muli %add3A_443, %mul3A_444 : i32
        %multiple_of3A = tpu.assume_multiple %mul3A_445, 128 : i32
        %dma_start3A = arith.constant 2 : i32
        %dma_start3A_446 = arith.constant 0 : i32
        %dma_start3A_447 = arith.constant 0 : i32
        %dma_start3A_448 = tpu.memref_slice %arg12[%dma_start3A, %dma_start3A_446, %dma_start3A_447] : memref<5x64x128xf32, #tpu.memory_space<vmem>> -> memref<1x64x128xf32, #tpu.memory_space<vmem>>
        %dma_start3A_449 = tpu.memref_squeeze %dma_start3A_448 : memref<1x64x128xf32, #tpu.memory_space<vmem>> -> memref<64x128xf32, #tpu.memory_space<vmem>>
        %dma_start3A_450 = arith.constant 0 : i32
        %dma_start3A_451 = tpu.memref_slice %arg3[%dma_start3A_450, %multiple_of3A] : memref<64x1000000xf32, #tpu.memory_space<hbm>> -> memref<64x128xf32, #tpu.memory_space<hbm>>
        %dma_start3A_452 = arith.constant 0 : i32
        %dma_start3A_453 = arith.constant 0 : i32
        %dma_start3A_454 = tpu.memref_slice %arg12[%dma_start3A, %dma_start3A_452, %dma_start3A_453] : memref<5x64x128xf32, #tpu.memory_space<vmem>> -> memref<1x64x128xf32, #tpu.memory_space<vmem>>
        %dma_start3A_455 = tpu.memref_squeeze %dma_start3A_454 : memref<1x64x128xf32, #tpu.memory_space<vmem>> -> memref<64x128xf32, #tpu.memory_space<vmem>>
        %dma_start3A_456 = arith.constant 0 : i32
        %dma_start3A_457 = tpu.memref_slice %arg3[%dma_start3A_456, %multiple_of3A] : memref<64x1000000xf32, #tpu.memory_space<hbm>> -> memref<64x128xf32, #tpu.memory_space<hbm>>
        tpu.enqueue_dma source(%dma_start3A_457 : memref<64x128xf32, #tpu.memory_space<hbm>>) target(%dma_start3A_455 : memref<64x128xf32, #tpu.memory_space<vmem>>) target_semaphore(%arg17 : memref<!tpu.dma_semaphore, #tpu.memory_space<semaphore_mem>>)
      } else {
      }
      %mul3A_341 = arith.constant 5 : i32
      %mul3A_342 = arith.muli %while3A_197, %mul3A_341 : i32
      %add3A_343 = arith.constant 3 : i32
      %add3A_344 = arith.addi %mul3A_342, %add3A_343 : i32
      %dma_wait3A_345 = arith.constant 3 : i32
      %dma_wait3A_346 = arith.constant 0 : i32
      %dma_wait3A_347 = arith.constant 0 : i32
      %dma_wait3A_348 = tpu.memref_slice %arg12[%dma_wait3A_345, %dma_wait3A_346, %dma_wait3A_347] : memref<5x64x128xf32, #tpu.memory_space<vmem>> -> memref<1x64x128xf32, #tpu.memory_space<vmem>>
      %dma_wait3A_349 = tpu.memref_squeeze %dma_wait3A_348 : memref<1x64x128xf32, #tpu.memory_space<vmem>> -> memref<64x128xf32, #tpu.memory_space<vmem>>
      %dma_wait3A_350 = arith.constant 0 : i32
      %dma_wait3A_351 = arith.constant 0 : i32
      %dma_wait3A_352 = tpu.memref_slice %arg3[%dma_wait3A_350, %dma_wait3A_351] : memref<64x1000000xf32, #tpu.memory_space<hbm>> -> memref<64x128xf32, #tpu.memory_space<hbm>>
      %dma_wait3A_353 = arith.constant 0 : i32
      %dma_wait3A_354 = arith.constant 0 : i32
      %dma_wait3A_355 = tpu.memref_slice %arg12[%dma_wait3A_345, %dma_wait3A_353, %dma_wait3A_354] : memref<5x64x128xf32, #tpu.memory_space<vmem>> -> memref<1x64x128xf32, #tpu.memory_space<vmem>>
      %dma_wait3A_356 = tpu.memref_squeeze %dma_wait3A_355 : memref<1x64x128xf32, #tpu.memory_space<vmem>> -> memref<64x128xf32, #tpu.memory_space<vmem>>
      %dma_wait3A_357 = arith.constant 0 : i32
      %dma_wait3A_358 = arith.constant 0 : i32
      %dma_wait3A_359 = tpu.memref_slice %arg3[%dma_wait3A_357, %dma_wait3A_358] : memref<64x1000000xf32, #tpu.memory_space<hbm>> -> memref<64x128xf32, #tpu.memory_space<hbm>>
      tpu.wait_dma2 semaphore(%arg18 : memref<!tpu.dma_semaphore, #tpu.memory_space<semaphore_mem>>) src(%dma_wait3A_359 : memref<64x128xf32, #tpu.memory_space<hbm>>) dst(%dma_wait3A_356 : memref<64x128xf32, #tpu.memory_space<vmem>>)
      %broadcast_in_dim3A_360 = vector.broadcast %add3A_344 : i32 to vector<16xi32>
      %gather3A_361 = tpu.vector_load_idx %arg11[%broadcast_in_dim3A_360] : memref<304xi32, #tpu.memory_space<vmem>>[vector<16xi32>], vector<16xi32>,
      %slice3A_362 = vector.extract_strided_slice %gather3A_361 {offsets = [0], sizes = [1], strides = [1]} : vector<16xi32> to vector<1xi32>
      %squeeze3A_363 = vector.extract %slice3A_362[0] : i32 from vector<1xi32>
      %broadcast_in_dim3A_364 = vector.broadcast %squeeze3A_363 : i32 to vector<16xi32>
      %gather3A_365 = tpu.vector_load_idx %arg9[%broadcast_in_dim3A_364] : memref<272xi32, #tpu.memory_space<vmem>>[vector<16xi32>], vector<16xi32>,
      %slice3A_366 = vector.extract_strided_slice %gather3A_365 {offsets = [0], sizes = [1], strides = [1]} : vector<16xi32> to vector<1xi32>
      %squeeze3A_367 = vector.extract %slice3A_366[0] : i32 from vector<1xi32>
      %broadcast_in_dim3A_368 = vector.broadcast %squeeze3A_363 : i32 to vector<16xi32>
      %gather3A_369 = tpu.vector_load_idx %arg10[%broadcast_in_dim3A_368] : memref<272xi32, #tpu.memory_space<vmem>>[vector<16xi32>], vector<16xi32>,
      %slice3A_370 = vector.extract_strided_slice %gather3A_369 {offsets = [0], sizes = [1], strides = [1]} : vector<16xi32> to vector<1xi32>
      %squeeze3A_371 = vector.extract %slice3A_370[0] : i32 from vector<1xi32>
      %while3A_372 = arith.constant 3 : i32
      %while3A_373 = arith.subi %squeeze3A_371, %squeeze3A_367 : i32
      %while3A_374 = arith.addi %squeeze3A_367, %while3A_373 : i32
      %while3A_375 = arith.constant 1 : i32
      %while3A_376 = arith.divsi %while3A_373, %while3A_375 : i32
      %while3A_377 = arith.muli %while3A_376, %while3A_375 : i32
      %while3A_378 = arith.addi %squeeze3A_367, %while3A_377 : i32
      %while3A_379 = arith.constant 1 : i32
      %while3A_380 = scf.for %while3A_437 = %squeeze3A_367 to %while3A_378 step %while3A_379 iter_args(%while3A_438 = %while3A_334) -> (i32)  : i32 {
        %broadcast_in_dim3A_439 = vector.broadcast %while3A_437 : i32 to vector<16xi32>
        %gather3A_440 = tpu.vector_load_idx %arg7[%broadcast_in_dim3A_439] : memref<16400xi32, #tpu.memory_space<vmem>>[vector<16xi32>], vector<16xi32>,
        %slice3A_441 = vector.extract_strided_slice %gather3A_440 {offsets = [0], sizes = [1], strides = [1]} : vector<16xi32> to vector<1xi32>
        %squeeze3A_442 = vector.extract %slice3A_441[0] : i32 from vector<1xi32>
        %and3A_443 = arith.constant 127 : i32
        %and3A_444 = arith.andi %squeeze3A_442, %and3A_443 : i32
        %broadcast_in_dim3A_445 = vector.broadcast %and3A_444 : i32 to vector<16xi32>
        %broadcast_in_dim3A_446 = vector.broadcast %while3A_438 : i32 to vector<16xi32>
        %add3A_447 = arith.constant 0 : i32
        %add3A_448 = vector.broadcast %add3A_447 : i32 to vector<16xi32>
        %add3A_449 = arith.addi %iota3A, %add3A_448 : vector<16xi32>
        %gather3A_450 = arith.constant 0 : i32
        %gather3A_451 = arith.constant 0 : i32
        %gather3A_452 = tpu.memref_slice %arg12[%while3A_372, %gather3A_450, %gather3A_451] : memref<5x64x128xf32, #tpu.memory_space<vmem>> -> memref<1x64x128xf32, #tpu.memory_space<vmem>>
        %gather3A_453 = tpu.memref_squeeze %gather3A_452 : memref<1x64x128xf32, #tpu.memory_space<vmem>> -> memref<64x128xf32, #tpu.memory_space<vmem>>
        %gather3A_454 = tpu.vector_load_idx %gather3A_453[%add3A_449, %broadcast_in_dim3A_445] : memref<64x128xf32, #tpu.memory_space<vmem>>[vector<16xi32>, vector<16xi32>], vector<16xf32>,
        %add3A_455 = arith.constant 0 : i32
        %add3A_456 = vector.broadcast %add3A_455 : i32 to vector<16xi32>
        %add3A_457 = arith.addi %iota3A, %add3A_456 : vector<16xi32>
        tpu.vector_store_idx %arg13[%broadcast_in_dim3A_446, %add3A_457], %gather3A_454 : memref<128x128xf32, #tpu.memory_space<vmem>>[vector<16xi32>, vector<16xi32>], vector<16xf32>,
        %add3A_458 = arith.constant 16 : i32
        %add3A_459 = vector.broadcast %add3A_458 : i32 to vector<16xi32>
        %add3A_460 = arith.addi %iota3A, %add3A_459 : vector<16xi32>
        %gather3A_461 = arith.constant 0 : i32
        %gather3A_462 = arith.constant 0 : i32
        %gather3A_463 = tpu.memref_slice %arg12[%while3A_372, %gather3A_461, %gather3A_462] : memref<5x64x128xf32, #tpu.memory_space<vmem>> -> memref<1x64x128xf32, #tpu.memory_space<vmem>>
        %gather3A_464 = tpu.memref_squeeze %gather3A_463 : memref<1x64x128xf32, #tpu.memory_space<vmem>> -> memref<64x128xf32, #tpu.memory_space<vmem>>
        %gather3A_465 = tpu.vector_load_idx %gather3A_464[%add3A_460, %broadcast_in_dim3A_445] : memref<64x128xf32, #tpu.memory_space<vmem>>[vector<16xi32>, vector<16xi32>], vector<16xf32>,
        %add3A_466 = arith.constant 16 : i32
        %add3A_467 = vector.broadcast %add3A_466 : i32 to vector<16xi32>
        %add3A_468 = arith.addi %iota3A, %add3A_467 : vector<16xi32>
        tpu.vector_store_idx %arg13[%broadcast_in_dim3A_446, %add3A_468], %gather3A_465 : memref<128x128xf32, #tpu.memory_space<vmem>>[vector<16xi32>, vector<16xi32>], vector<16xf32>,
        %add3A_469 = arith.constant 32 : i32
        %add3A_470 = vector.broadcast %add3A_469 : i32 to vector<16xi32>
        %add3A_471 = arith.addi %iota3A, %add3A_470 : vector<16xi32>
        %gather3A_472 = arith.constant 0 : i32
        %gather3A_473 = arith.constant 0 : i32
        %gather3A_474 = tpu.memref_slice %arg12[%while3A_372, %gather3A_472, %gather3A_473] : memref<5x64x128xf32, #tpu.memory_space<vmem>> -> memref<1x64x128xf32, #tpu.memory_space<vmem>>
        %gather3A_475 = tpu.memref_squeeze %gather3A_474 : memref<1x64x128xf32, #tpu.memory_space<vmem>> -> memref<64x128xf32, #tpu.memory_space<vmem>>
        %gather3A_476 = tpu.vector_load_idx %gather3A_475[%add3A_471, %broadcast_in_dim3A_445] : memref<64x128xf32, #tpu.memory_space<vmem>>[vector<16xi32>, vector<16xi32>], vector<16xf32>,
        %add3A_477 = arith.constant 32 : i32
        %add3A_478 = vector.broadcast %add3A_477 : i32 to vector<16xi32>
        %add3A_479 = arith.addi %iota3A, %add3A_478 : vector<16xi32>
        tpu.vector_store_idx %arg13[%broadcast_in_dim3A_446, %add3A_479], %gather3A_476 : memref<128x128xf32, #tpu.memory_space<vmem>>[vector<16xi32>, vector<16xi32>], vector<16xf32>,
        %add3A_480 = arith.constant 48 : i32
        %add3A_481 = vector.broadcast %add3A_480 : i32 to vector<16xi32>
        %add3A_482 = arith.addi %iota3A, %add3A_481 : vector<16xi32>
        %gather3A_483 = arith.constant 0 : i32
        %gather3A_484 = arith.constant 0 : i32
        %gather3A_485 = tpu.memref_slice %arg12[%while3A_372, %gather3A_483, %gather3A_484] : memref<5x64x128xf32, #tpu.memory_space<vmem>> -> memref<1x64x128xf32, #tpu.memory_space<vmem>>
        %gather3A_486 = tpu.memref_squeeze %gather3A_485 : memref<1x64x128xf32, #tpu.memory_space<vmem>> -> memref<64x128xf32, #tpu.memory_space<vmem>>
        %gather3A_487 = tpu.vector_load_idx %gather3A_486[%add3A_482, %broadcast_in_dim3A_445] : memref<64x128xf32, #tpu.memory_space<vmem>>[vector<16xi32>, vector<16xi32>], vector<16xf32>,
        %add3A_488 = arith.constant 48 : i32
        %add3A_489 = vector.broadcast %add3A_488 : i32 to vector<16xi32>
        %add3A_490 = arith.addi %iota3A, %add3A_489 : vector<16xi32>
        tpu.vector_store_idx %arg13[%broadcast_in_dim3A_446, %add3A_490], %gather3A_487 : memref<128x128xf32, #tpu.memory_space<vmem>>[vector<16xi32>, vector<16xi32>], vector<16xf32>,
        %shift_right_arithmetic3A = arith.constant 7 : i32
        %shift_right_arithmetic3A_491 = arith.shrsi %squeeze3A_442, %shift_right_arithmetic3A : i32
        %and3A_492 = arith.constant 16383 : i32
        %and3A_493 = arith.andi %shift_right_arithmetic3A_491, %and3A_492 : i32
        %broadcast_in_dim3A_494 = vector.broadcast %and3A_493 : i32 to vector<16xi32>
        tpu.vector_store_idx %arg14[%broadcast_in_dim3A_446], %broadcast_in_dim3A_494 masked %eq3A_21 : memref<128xi32, #tpu.memory_space<vmem>>[vector<16xi32>], vector<16xi32>, vector<16xi1>
        %add3A_495 = arith.constant 1 : i32
        %add3A_496 = arith.addi %while3A_438, %add3A_495 : i32
        %eq3A_497 = arith.constant 128 : i32
        %eq3A_498 = arith.cmpi eq, %add3A_496, %eq3A_497 : i32
        %convert_element_type3A_499 = arith.extui %eq3A_498 : i1 to i32
        %cond3A_500 = arith.constant 0 : i32
        %cond3A_501 = arith.cmpi ne, %convert_element_type3A_499, %cond3A_500 : i32
        %cond3A_502 = scf.if %cond3A_501 -> (i32) {
          %dma_start3A = arith.constant 0 : i32
          %dma_start3A_503 = arith.constant 0 : i32
          %dma_start3A_504 = tpu.memref_slice %arg4[%dma_start3A, %dma_start3A_503] : memref<16416x128xf32, #tpu.memory_space<hbm>> -> memref<16416x128xf32, #tpu.memory_space<hbm>>
          tpu.enqueue_indirect_dma source(%arg13 : memref<128x128xf32, #tpu.memory_space<vmem>>) target(%dma_start3A_504 : memref<16416x128xf32, #tpu.memory_space<hbm>>) offsets(%arg14 : memref<128xi32, #tpu.memory_space<vmem>>) semaphore(%arg20 : memref<!tpu.dma_semaphore, #tpu.memory_space<semaphore_mem>>)
          %dma_wait3A_505 = arith.constant 0 : i32
          %dma_wait3A_506 = arith.constant 0 : i32
          %dma_wait3A_507 = tpu.memref_slice %arg4[%dma_wait3A_505, %dma_wait3A_506] : memref<16416x128xf32, #tpu.memory_space<hbm>> -> memref<16416x128xf32, #tpu.memory_space<hbm>>
          tpu.wait_indirect_dma semaphore(%arg20 : memref<!tpu.dma_semaphore, #tpu.memory_space<semaphore_mem>>) src(%arg13 : memref<128x128xf32, #tpu.memory_space<vmem>>) dst(%dma_wait3A_507 : memref<16416x128xf32, #tpu.memory_space<hbm>>)
          %cond3A_508 = arith.constant 0 : i32
          scf.yield %cond3A_508 : i32
        } else {
          scf.yield %add3A_496 : i32
        }
        scf.yield %cond3A_502 : i32
      }
      %while3A_381 = arith.constant 1 : i32
      %while3A_382 = scf.for %while3A_437 = %while3A_378 to %while3A_374 step %while3A_381 iter_args(%while3A_438 = %while3A_380) -> (i32)  : i32 {
        %broadcast_in_dim3A_439 = vector.broadcast %while3A_437 : i32 to vector<16xi32>
        %gather3A_440 = tpu.vector_load_idx %arg7[%broadcast_in_dim3A_439] : memref<16400xi32, #tpu.memory_space<vmem>>[vector<16xi32>], vector<16xi32>,
        %slice3A_441 = vector.extract_strided_slice %gather3A_440 {offsets = [0], sizes = [1], strides = [1]} : vector<16xi32> to vector<1xi32>
        %squeeze3A_442 = vector.extract %slice3A_441[0] : i32 from vector<1xi32>
        %and3A_443 = arith.constant 127 : i32
        %and3A_444 = arith.andi %squeeze3A_442, %and3A_443 : i32
        %broadcast_in_dim3A_445 = vector.broadcast %and3A_444 : i32 to vector<16xi32>
        %broadcast_in_dim3A_446 = vector.broadcast %while3A_438 : i32 to vector<16xi32>
        %add3A_447 = arith.constant 0 : i32
        %add3A_448 = vector.broadcast %add3A_447 : i32 to vector<16xi32>
        %add3A_449 = arith.addi %iota3A, %add3A_448 : vector<16xi32>
        %gather3A_450 = arith.constant 0 : i32
        %gather3A_451 = arith.constant 0 : i32
        %gather3A_452 = tpu.memref_slice %arg12[%while3A_372, %gather3A_450, %gather3A_451] : memref<5x64x128xf32, #tpu.memory_space<vmem>> -> memref<1x64x128xf32, #tpu.memory_space<vmem>>
        %gather3A_453 = tpu.memref_squeeze %gather3A_452 : memref<1x64x128xf32, #tpu.memory_space<vmem>> -> memref<64x128xf32, #tpu.memory_space<vmem>>
        %gather3A_454 = tpu.vector_load_idx %gather3A_453[%add3A_449, %broadcast_in_dim3A_445] : memref<64x128xf32, #tpu.memory_space<vmem>>[vector<16xi32>, vector<16xi32>], vector<16xf32>,
        %add3A_455 = arith.constant 0 : i32
        %add3A_456 = vector.broadcast %add3A_455 : i32 to vector<16xi32>
        %add3A_457 = arith.addi %iota3A, %add3A_456 : vector<16xi32>
        tpu.vector_store_idx %arg13[%broadcast_in_dim3A_446, %add3A_457], %gather3A_454 : memref<128x128xf32, #tpu.memory_space<vmem>>[vector<16xi32>, vector<16xi32>], vector<16xf32>,
        %add3A_458 = arith.constant 16 : i32
        %add3A_459 = vector.broadcast %add3A_458 : i32 to vector<16xi32>
        %add3A_460 = arith.addi %iota3A, %add3A_459 : vector<16xi32>
        %gather3A_461 = arith.constant 0 : i32
        %gather3A_462 = arith.constant 0 : i32
        %gather3A_463 = tpu.memref_slice %arg12[%while3A_372, %gather3A_461, %gather3A_462] : memref<5x64x128xf32, #tpu.memory_space<vmem>> -> memref<1x64x128xf32, #tpu.memory_space<vmem>>
        %gather3A_464 = tpu.memref_squeeze %gather3A_463 : memref<1x64x128xf32, #tpu.memory_space<vmem>> -> memref<64x128xf32, #tpu.memory_space<vmem>>
        %gather3A_465 = tpu.vector_load_idx %gather3A_464[%add3A_460, %broadcast_in_dim3A_445] : memref<64x128xf32, #tpu.memory_space<vmem>>[vector<16xi32>, vector<16xi32>], vector<16xf32>,
        %add3A_466 = arith.constant 16 : i32
        %add3A_467 = vector.broadcast %add3A_466 : i32 to vector<16xi32>
        %add3A_468 = arith.addi %iota3A, %add3A_467 : vector<16xi32>
        tpu.vector_store_idx %arg13[%broadcast_in_dim3A_446, %add3A_468], %gather3A_465 : memref<128x128xf32, #tpu.memory_space<vmem>>[vector<16xi32>, vector<16xi32>], vector<16xf32>,
        %add3A_469 = arith.constant 32 : i32
        %add3A_470 = vector.broadcast %add3A_469 : i32 to vector<16xi32>
        %add3A_471 = arith.addi %iota3A, %add3A_470 : vector<16xi32>
        %gather3A_472 = arith.constant 0 : i32
        %gather3A_473 = arith.constant 0 : i32
        %gather3A_474 = tpu.memref_slice %arg12[%while3A_372, %gather3A_472, %gather3A_473] : memref<5x64x128xf32, #tpu.memory_space<vmem>> -> memref<1x64x128xf32, #tpu.memory_space<vmem>>
        %gather3A_475 = tpu.memref_squeeze %gather3A_474 : memref<1x64x128xf32, #tpu.memory_space<vmem>> -> memref<64x128xf32, #tpu.memory_space<vmem>>
        %gather3A_476 = tpu.vector_load_idx %gather3A_475[%add3A_471, %broadcast_in_dim3A_445] : memref<64x128xf32, #tpu.memory_space<vmem>>[vector<16xi32>, vector<16xi32>], vector<16xf32>,
        %add3A_477 = arith.constant 32 : i32
        %add3A_478 = vector.broadcast %add3A_477 : i32 to vector<16xi32>
        %add3A_479 = arith.addi %iota3A, %add3A_478 : vector<16xi32>
        tpu.vector_store_idx %arg13[%broadcast_in_dim3A_446, %add3A_479], %gather3A_476 : memref<128x128xf32, #tpu.memory_space<vmem>>[vector<16xi32>, vector<16xi32>], vector<16xf32>,
        %add3A_480 = arith.constant 48 : i32
        %add3A_481 = vector.broadcast %add3A_480 : i32 to vector<16xi32>
        %add3A_482 = arith.addi %iota3A, %add3A_481 : vector<16xi32>
        %gather3A_483 = arith.constant 0 : i32
        %gather3A_484 = arith.constant 0 : i32
        %gather3A_485 = tpu.memref_slice %arg12[%while3A_372, %gather3A_483, %gather3A_484] : memref<5x64x128xf32, #tpu.memory_space<vmem>> -> memref<1x64x128xf32, #tpu.memory_space<vmem>>
        %gather3A_486 = tpu.memref_squeeze %gather3A_485 : memref<1x64x128xf32, #tpu.memory_space<vmem>> -> memref<64x128xf32, #tpu.memory_space<vmem>>
        %gather3A_487 = tpu.vector_load_idx %gather3A_486[%add3A_482, %broadcast_in_dim3A_445] : memref<64x128xf32, #tpu.memory_space<vmem>>[vector<16xi32>, vector<16xi32>], vector<16xf32>,
        %add3A_488 = arith.constant 48 : i32
        %add3A_489 = vector.broadcast %add3A_488 : i32 to vector<16xi32>
        %add3A_490 = arith.addi %iota3A, %add3A_489 : vector<16xi32>
        tpu.vector_store_idx %arg13[%broadcast_in_dim3A_446, %add3A_490], %gather3A_487 : memref<128x128xf32, #tpu.memory_space<vmem>>[vector<16xi32>, vector<16xi32>], vector<16xf32>,
        %shift_right_arithmetic3A = arith.constant 7 : i32
        %shift_right_arithmetic3A_491 = arith.shrsi %squeeze3A_442, %shift_right_arithmetic3A : i32
        %and3A_492 = arith.constant 16383 : i32
        %and3A_493 = arith.andi %shift_right_arithmetic3A_491, %and3A_492 : i32
        %broadcast_in_dim3A_494 = vector.broadcast %and3A_493 : i32 to vector<16xi32>
        tpu.vector_store_idx %arg14[%broadcast_in_dim3A_446], %broadcast_in_dim3A_494 masked %eq3A_21 : memref<128xi32, #tpu.memory_space<vmem>>[vector<16xi32>], vector<16xi32>, vector<16xi1>
        %add3A_495 = arith.constant 1 : i32
        %add3A_496 = arith.addi %while3A_438, %add3A_495 : i32
        %eq3A_497 = arith.constant 128 : i32
        %eq3A_498 = arith.cmpi eq, %add3A_496, %eq3A_497 : i32
        %convert_element_type3A_499 = arith.extui %eq3A_498 : i1 to i32
        %cond3A_500 = arith.constant 0 : i32
        %cond3A_501 = arith.cmpi ne, %convert_element_type3A_499, %cond3A_500 : i32
        %cond3A_502 = scf.if %cond3A_501 -> (i32) {
          %dma_start3A = arith.constant 0 : i32
          %dma_start3A_503 = arith.constant 0 : i32
          %dma_start3A_504 = tpu.memref_slice %arg4[%dma_start3A, %dma_start3A_503] : memref<16416x128xf32, #tpu.memory_space<hbm>> -> memref<16416x128xf32, #tpu.memory_space<hbm>>
          tpu.enqueue_indirect_dma source(%arg13 : memref<128x128xf32, #tpu.memory_space<vmem>>) target(%dma_start3A_504 : memref<16416x128xf32, #tpu.memory_space<hbm>>) offsets(%arg14 : memref<128xi32, #tpu.memory_space<vmem>>) semaphore(%arg20 : memref<!tpu.dma_semaphore, #tpu.memory_space<semaphore_mem>>)
          %dma_wait3A_505 = arith.constant 0 : i32
          %dma_wait3A_506 = arith.constant 0 : i32
          %dma_wait3A_507 = tpu.memref_slice %arg4[%dma_wait3A_505, %dma_wait3A_506] : memref<16416x128xf32, #tpu.memory_space<hbm>> -> memref<16416x128xf32, #tpu.memory_space<hbm>>
          tpu.wait_indirect_dma semaphore(%arg20 : memref<!tpu.dma_semaphore, #tpu.memory_space<semaphore_mem>>) src(%arg13 : memref<128x128xf32, #tpu.memory_space<vmem>>) dst(%dma_wait3A_507 : memref<16416x128xf32, #tpu.memory_space<hbm>>)
          %cond3A_508 = arith.constant 0 : i32
          scf.yield %cond3A_508 : i32
        } else {
          scf.yield %add3A_496 : i32
        }
        scf.yield %cond3A_502 : i32
      }
      %add3A_383 = arith.constant 5 : i32
      %add3A_384 = arith.addi %add3A_344, %add3A_383 : i32
      %lt3A_385 = arith.cmpi slt, %add3A_384, %mul3A_131 : i32
      %convert_element_type3A_386 = arith.extui %lt3A_385 : i1 to i32
      %cond3A_387 = arith.constant 0 : i32
      %cond3A_388 = arith.cmpi ne, %convert_element_type3A_386, %cond3A_387 : i32
      scf.if %cond3A_388 {
        %add3A_437 = arith.constant 5 : i32
        %add3A_438 = arith.addi %add3A_344, %add3A_437 : i32
        %broadcast_in_dim3A_439 = vector.broadcast %add3A_438 : i32 to vector<16xi32>
        %gather3A_440 = tpu.vector_load_idx %arg11[%broadcast_in_dim3A_439] : memref<304xi32, #tpu.memory_space<vmem>>[vector<16xi32>], vector<16xi32>,
        %slice3A_441 = vector.extract_strided_slice %gather3A_440 {offsets = [0], sizes = [1], strides = [1]} : vector<16xi32> to vector<1xi32>
        %squeeze3A_442 = vector.extract %slice3A_441[0] : i32 from vector<1xi32>
        %add3A_443 = arith.addi %squeeze3A_442, %select_n3A : i32
        %mul3A_444 = arith.constant 128 : i32
        %mul3A_445 = arith.muli %add3A_443, %mul3A_444 : i32
        %multiple_of3A = tpu.assume_multiple %mul3A_445, 128 : i32
        %dma_start3A = arith.constant 3 : i32
        %dma_start3A_446 = arith.constant 0 : i32
        %dma_start3A_447 = arith.constant 0 : i32
        %dma_start3A_448 = tpu.memref_slice %arg12[%dma_start3A, %dma_start3A_446, %dma_start3A_447] : memref<5x64x128xf32, #tpu.memory_space<vmem>> -> memref<1x64x128xf32, #tpu.memory_space<vmem>>
        %dma_start3A_449 = tpu.memref_squeeze %dma_start3A_448 : memref<1x64x128xf32, #tpu.memory_space<vmem>> -> memref<64x128xf32, #tpu.memory_space<vmem>>
        %dma_start3A_450 = arith.constant 0 : i32
        %dma_start3A_451 = tpu.memref_slice %arg3[%dma_start3A_450, %multiple_of3A] : memref<64x1000000xf32, #tpu.memory_space<hbm>> -> memref<64x128xf32, #tpu.memory_space<hbm>>
        %dma_start3A_452 = arith.constant 0 : i32
        %dma_start3A_453 = arith.constant 0 : i32
        %dma_start3A_454 = tpu.memref_slice %arg12[%dma_start3A, %dma_start3A_452, %dma_start3A_453] : memref<5x64x128xf32, #tpu.memory_space<vmem>> -> memref<1x64x128xf32, #tpu.memory_space<vmem>>
        %dma_start3A_455 = tpu.memref_squeeze %dma_start3A_454 : memref<1x64x128xf32, #tpu.memory_space<vmem>> -> memref<64x128xf32, #tpu.memory_space<vmem>>
        %dma_start3A_456 = arith.constant 0 : i32
        %dma_start3A_457 = tpu.memref_slice %arg3[%dma_start3A_456, %multiple_of3A] : memref<64x1000000xf32, #tpu.memory_space<hbm>> -> memref<64x128xf32, #tpu.memory_space<hbm>>
        tpu.enqueue_dma source(%dma_start3A_457 : memref<64x128xf32, #tpu.memory_space<hbm>>) target(%dma_start3A_455 : memref<64x128xf32, #tpu.memory_space<vmem>>) target_semaphore(%arg18 : memref<!tpu.dma_semaphore, #tpu.memory_space<semaphore_mem>>)
      } else {
      }
      %mul3A_389 = arith.constant 5 : i32
      %mul3A_390 = arith.muli %while3A_197, %mul3A_389 : i32
      %add3A_391 = arith.constant 4 : i32
      %add3A_392 = arith.addi %mul3A_390, %add3A_391 : i32
      %dma_wait3A_393 = arith.constant 4 : i32
      %dma_wait3A_394 = arith.constant 0 : i32
      %dma_wait3A_395 = arith.constant 0 : i32
      %dma_wait3A_396 = tpu.memref_slice %arg12[%dma_wait3A_393, %dma_wait3A_394, %dma_wait3A_395] : memref<5x64x128xf32, #tpu.memory_space<vmem>> -> memref<1x64x128xf32, #tpu.memory_space<vmem>>
      %dma_wait3A_397 = tpu.memref_squeeze %dma_wait3A_396 : memref<1x64x128xf32, #tpu.memory_space<vmem>> -> memref<64x128xf32, #tpu.memory_space<vmem>>
      %dma_wait3A_398 = arith.constant 0 : i32
      %dma_wait3A_399 = arith.constant 0 : i32
      %dma_wait3A_400 = tpu.memref_slice %arg3[%dma_wait3A_398, %dma_wait3A_399] : memref<64x1000000xf32, #tpu.memory_space<hbm>> -> memref<64x128xf32, #tpu.memory_space<hbm>>
      %dma_wait3A_401 = arith.constant 0 : i32
      %dma_wait3A_402 = arith.constant 0 : i32
      %dma_wait3A_403 = tpu.memref_slice %arg12[%dma_wait3A_393, %dma_wait3A_401, %dma_wait3A_402] : memref<5x64x128xf32, #tpu.memory_space<vmem>> -> memref<1x64x128xf32, #tpu.memory_space<vmem>>
      %dma_wait3A_404 = tpu.memref_squeeze %dma_wait3A_403 : memref<1x64x128xf32, #tpu.memory_space<vmem>> -> memref<64x128xf32, #tpu.memory_space<vmem>>
      %dma_wait3A_405 = arith.constant 0 : i32
      %dma_wait3A_406 = arith.constant 0 : i32
      %dma_wait3A_407 = tpu.memref_slice %arg3[%dma_wait3A_405, %dma_wait3A_406] : memref<64x1000000xf32, #tpu.memory_space<hbm>> -> memref<64x128xf32, #tpu.memory_space<hbm>>
      tpu.wait_dma2 semaphore(%arg19 : memref<!tpu.dma_semaphore, #tpu.memory_space<semaphore_mem>>) src(%dma_wait3A_407 : memref<64x128xf32, #tpu.memory_space<hbm>>) dst(%dma_wait3A_404 : memref<64x128xf32, #tpu.memory_space<vmem>>)
      %broadcast_in_dim3A_408 = vector.broadcast %add3A_392 : i32 to vector<16xi32>
      %gather3A_409 = tpu.vector_load_idx %arg11[%broadcast_in_dim3A_408] : memref<304xi32, #tpu.memory_space<vmem>>[vector<16xi32>], vector<16xi32>,
      %slice3A_410 = vector.extract_strided_slice %gather3A_409 {offsets = [0], sizes = [1], strides = [1]} : vector<16xi32> to vector<1xi32>
      %squeeze3A_411 = vector.extract %slice3A_410[0] : i32 from vector<1xi32>
      %broadcast_in_dim3A_412 = vector.broadcast %squeeze3A_411 : i32 to vector<16xi32>
      %gather3A_413 = tpu.vector_load_idx %arg9[%broadcast_in_dim3A_412] : memref<272xi32, #tpu.memory_space<vmem>>[vector<16xi32>], vector<16xi32>,
      %slice3A_414 = vector.extract_strided_slice %gather3A_413 {offsets = [0], sizes = [1], strides = [1]} : vector<16xi32> to vector<1xi32>
      %squeeze3A_415 = vector.extract %slice3A_414[0] : i32 from vector<1xi32>
      %broadcast_in_dim3A_416 = vector.broadcast %squeeze3A_411 : i32 to vector<16xi32>
      %gather3A_417 = tpu.vector_load_idx %arg10[%broadcast_in_dim3A_416] : memref<272xi32, #tpu.memory_space<vmem>>[vector<16xi32>], vector<16xi32>,
      %slice3A_418 = vector.extract_strided_slice %gather3A_417 {offsets = [0], sizes = [1], strides = [1]} : vector<16xi32> to vector<1xi32>
      %squeeze3A_419 = vector.extract %slice3A_418[0] : i32 from vector<1xi32>
      %while3A_420 = arith.constant 4 : i32
      %while3A_421 = arith.subi %squeeze3A_419, %squeeze3A_415 : i32
      %while3A_422 = arith.addi %squeeze3A_415, %while3A_421 : i32
      %while3A_423 = arith.constant 1 : i32
      %while3A_424 = arith.divsi %while3A_421, %while3A_423 : i32
      %while3A_425 = arith.muli %while3A_424, %while3A_423 : i32
      %while3A_426 = arith.addi %squeeze3A_415, %while3A_425 : i32
      %while3A_427 = arith.constant 1 : i32
      %while3A_428 = scf.for %while3A_437 = %squeeze3A_415 to %while3A_426 step %while3A_427 iter_args(%while3A_438 = %while3A_382) -> (i32)  : i32 {
        %broadcast_in_dim3A_439 = vector.broadcast %while3A_437 : i32 to vector<16xi32>
        %gather3A_440 = tpu.vector_load_idx %arg7[%broadcast_in_dim3A_439] : memref<16400xi32, #tpu.memory_space<vmem>>[vector<16xi32>], vector<16xi32>,
        %slice3A_441 = vector.extract_strided_slice %gather3A_440 {offsets = [0], sizes = [1], strides = [1]} : vector<16xi32> to vector<1xi32>
        %squeeze3A_442 = vector.extract %slice3A_441[0] : i32 from vector<1xi32>
        %and3A_443 = arith.constant 127 : i32
        %and3A_444 = arith.andi %squeeze3A_442, %and3A_443 : i32
        %broadcast_in_dim3A_445 = vector.broadcast %and3A_444 : i32 to vector<16xi32>
        %broadcast_in_dim3A_446 = vector.broadcast %while3A_438 : i32 to vector<16xi32>
        %add3A_447 = arith.constant 0 : i32
        %add3A_448 = vector.broadcast %add3A_447 : i32 to vector<16xi32>
        %add3A_449 = arith.addi %iota3A, %add3A_448 : vector<16xi32>
        %gather3A_450 = arith.constant 0 : i32
        %gather3A_451 = arith.constant 0 : i32
        %gather3A_452 = tpu.memref_slice %arg12[%while3A_420, %gather3A_450, %gather3A_451] : memref<5x64x128xf32, #tpu.memory_space<vmem>> -> memref<1x64x128xf32, #tpu.memory_space<vmem>>
        %gather3A_453 = tpu.memref_squeeze %gather3A_452 : memref<1x64x128xf32, #tpu.memory_space<vmem>> -> memref<64x128xf32, #tpu.memory_space<vmem>>
        %gather3A_454 = tpu.vector_load_idx %gather3A_453[%add3A_449, %broadcast_in_dim3A_445] : memref<64x128xf32, #tpu.memory_space<vmem>>[vector<16xi32>, vector<16xi32>], vector<16xf32>,
        %add3A_455 = arith.constant 0 : i32
        %add3A_456 = vector.broadcast %add3A_455 : i32 to vector<16xi32>
        %add3A_457 = arith.addi %iota3A, %add3A_456 : vector<16xi32>
        tpu.vector_store_idx %arg13[%broadcast_in_dim3A_446, %add3A_457], %gather3A_454 : memref<128x128xf32, #tpu.memory_space<vmem>>[vector<16xi32>, vector<16xi32>], vector<16xf32>,
        %add3A_458 = arith.constant 16 : i32
        %add3A_459 = vector.broadcast %add3A_458 : i32 to vector<16xi32>
        %add3A_460 = arith.addi %iota3A, %add3A_459 : vector<16xi32>
        %gather3A_461 = arith.constant 0 : i32
        %gather3A_462 = arith.constant 0 : i32
        %gather3A_463 = tpu.memref_slice %arg12[%while3A_420, %gather3A_461, %gather3A_462] : memref<5x64x128xf32, #tpu.memory_space<vmem>> -> memref<1x64x128xf32, #tpu.memory_space<vmem>>
        %gather3A_464 = tpu.memref_squeeze %gather3A_463 : memref<1x64x128xf32, #tpu.memory_space<vmem>> -> memref<64x128xf32, #tpu.memory_space<vmem>>
        %gather3A_465 = tpu.vector_load_idx %gather3A_464[%add3A_460, %broadcast_in_dim3A_445] : memref<64x128xf32, #tpu.memory_space<vmem>>[vector<16xi32>, vector<16xi32>], vector<16xf32>,
        %add3A_466 = arith.constant 16 : i32
        %add3A_467 = vector.broadcast %add3A_466 : i32 to vector<16xi32>
        %add3A_468 = arith.addi %iota3A, %add3A_467 : vector<16xi32>
        tpu.vector_store_idx %arg13[%broadcast_in_dim3A_446, %add3A_468], %gather3A_465 : memref<128x128xf32, #tpu.memory_space<vmem>>[vector<16xi32>, vector<16xi32>], vector<16xf32>,
        %add3A_469 = arith.constant 32 : i32
        %add3A_470 = vector.broadcast %add3A_469 : i32 to vector<16xi32>
        %add3A_471 = arith.addi %iota3A, %add3A_470 : vector<16xi32>
        %gather3A_472 = arith.constant 0 : i32
        %gather3A_473 = arith.constant 0 : i32
        %gather3A_474 = tpu.memref_slice %arg12[%while3A_420, %gather3A_472, %gather3A_473] : memref<5x64x128xf32, #tpu.memory_space<vmem>> -> memref<1x64x128xf32, #tpu.memory_space<vmem>>
        %gather3A_475 = tpu.memref_squeeze %gather3A_474 : memref<1x64x128xf32, #tpu.memory_space<vmem>> -> memref<64x128xf32, #tpu.memory_space<vmem>>
        %gather3A_476 = tpu.vector_load_idx %gather3A_475[%add3A_471, %broadcast_in_dim3A_445] : memref<64x128xf32, #tpu.memory_space<vmem>>[vector<16xi32>, vector<16xi32>], vector<16xf32>,
        %add3A_477 = arith.constant 32 : i32
        %add3A_478 = vector.broadcast %add3A_477 : i32 to vector<16xi32>
        %add3A_479 = arith.addi %iota3A, %add3A_478 : vector<16xi32>
        tpu.vector_store_idx %arg13[%broadcast_in_dim3A_446, %add3A_479], %gather3A_476 : memref<128x128xf32, #tpu.memory_space<vmem>>[vector<16xi32>, vector<16xi32>], vector<16xf32>,
        %add3A_480 = arith.constant 48 : i32
        %add3A_481 = vector.broadcast %add3A_480 : i32 to vector<16xi32>
        %add3A_482 = arith.addi %iota3A, %add3A_481 : vector<16xi32>
        %gather3A_483 = arith.constant 0 : i32
        %gather3A_484 = arith.constant 0 : i32
        %gather3A_485 = tpu.memref_slice %arg12[%while3A_420, %gather3A_483, %gather3A_484] : memref<5x64x128xf32, #tpu.memory_space<vmem>> -> memref<1x64x128xf32, #tpu.memory_space<vmem>>
        %gather3A_486 = tpu.memref_squeeze %gather3A_485 : memref<1x64x128xf32, #tpu.memory_space<vmem>> -> memref<64x128xf32, #tpu.memory_space<vmem>>
        %gather3A_487 = tpu.vector_load_idx %gather3A_486[%add3A_482, %broadcast_in_dim3A_445] : memref<64x128xf32, #tpu.memory_space<vmem>>[vector<16xi32>, vector<16xi32>], vector<16xf32>,
        %add3A_488 = arith.constant 48 : i32
        %add3A_489 = vector.broadcast %add3A_488 : i32 to vector<16xi32>
        %add3A_490 = arith.addi %iota3A, %add3A_489 : vector<16xi32>
        tpu.vector_store_idx %arg13[%broadcast_in_dim3A_446, %add3A_490], %gather3A_487 : memref<128x128xf32, #tpu.memory_space<vmem>>[vector<16xi32>, vector<16xi32>], vector<16xf32>,
        %shift_right_arithmetic3A = arith.constant 7 : i32
        %shift_right_arithmetic3A_491 = arith.shrsi %squeeze3A_442, %shift_right_arithmetic3A : i32
        %and3A_492 = arith.constant 16383 : i32
        %and3A_493 = arith.andi %shift_right_arithmetic3A_491, %and3A_492 : i32
        %broadcast_in_dim3A_494 = vector.broadcast %and3A_493 : i32 to vector<16xi32>
        tpu.vector_store_idx %arg14[%broadcast_in_dim3A_446], %broadcast_in_dim3A_494 masked %eq3A_21 : memref<128xi32, #tpu.memory_space<vmem>>[vector<16xi32>], vector<16xi32>, vector<16xi1>
        %add3A_495 = arith.constant 1 : i32
        %add3A_496 = arith.addi %while3A_438, %add3A_495 : i32
        %eq3A_497 = arith.constant 128 : i32
        %eq3A_498 = arith.cmpi eq, %add3A_496, %eq3A_497 : i32
        %convert_element_type3A_499 = arith.extui %eq3A_498 : i1 to i32
        %cond3A_500 = arith.constant 0 : i32
        %cond3A_501 = arith.cmpi ne, %convert_element_type3A_499, %cond3A_500 : i32
        %cond3A_502 = scf.if %cond3A_501 -> (i32) {
          %dma_start3A = arith.constant 0 : i32
          %dma_start3A_503 = arith.constant 0 : i32
          %dma_start3A_504 = tpu.memref_slice %arg4[%dma_start3A, %dma_start3A_503] : memref<16416x128xf32, #tpu.memory_space<hbm>> -> memref<16416x128xf32, #tpu.memory_space<hbm>>
          tpu.enqueue_indirect_dma source(%arg13 : memref<128x128xf32, #tpu.memory_space<vmem>>) target(%dma_start3A_504 : memref<16416x128xf32, #tpu.memory_space<hbm>>) offsets(%arg14 : memref<128xi32, #tpu.memory_space<vmem>>) semaphore(%arg20 : memref<!tpu.dma_semaphore, #tpu.memory_space<semaphore_mem>>)
          %dma_wait3A_505 = arith.constant 0 : i32
          %dma_wait3A_506 = arith.constant 0 : i32
          %dma_wait3A_507 = tpu.memref_slice %arg4[%dma_wait3A_505, %dma_wait3A_506] : memref<16416x128xf32, #tpu.memory_space<hbm>> -> memref<16416x128xf32, #tpu.memory_space<hbm>>
          tpu.wait_indirect_dma semaphore(%arg20 : memref<!tpu.dma_semaphore, #tpu.memory_space<semaphore_mem>>) src(%arg13 : memref<128x128xf32, #tpu.memory_space<vmem>>) dst(%dma_wait3A_507 : memref<16416x128xf32, #tpu.memory_space<hbm>>)
          %cond3A_508 = arith.constant 0 : i32
          scf.yield %cond3A_508 : i32
        } else {
          scf.yield %add3A_496 : i32
        }
        scf.yield %cond3A_502 : i32
      }
      %while3A_429 = arith.constant 1 : i32
      %while3A_430 = scf.for %while3A_437 = %while3A_426 to %while3A_422 step %while3A_429 iter_args(%while3A_438 = %while3A_428) -> (i32)  : i32 {
        %broadcast_in_dim3A_439 = vector.broadcast %while3A_437 : i32 to vector<16xi32>
        %gather3A_440 = tpu.vector_load_idx %arg7[%broadcast_in_dim3A_439] : memref<16400xi32, #tpu.memory_space<vmem>>[vector<16xi32>], vector<16xi32>,
        %slice3A_441 = vector.extract_strided_slice %gather3A_440 {offsets = [0], sizes = [1], strides = [1]} : vector<16xi32> to vector<1xi32>
        %squeeze3A_442 = vector.extract %slice3A_441[0] : i32 from vector<1xi32>
        %and3A_443 = arith.constant 127 : i32
        %and3A_444 = arith.andi %squeeze3A_442, %and3A_443 : i32
        %broadcast_in_dim3A_445 = vector.broadcast %and3A_444 : i32 to vector<16xi32>
        %broadcast_in_dim3A_446 = vector.broadcast %while3A_438 : i32 to vector<16xi32>
        %add3A_447 = arith.constant 0 : i32
        %add3A_448 = vector.broadcast %add3A_447 : i32 to vector<16xi32>
        %add3A_449 = arith.addi %iota3A, %add3A_448 : vector<16xi32>
        %gather3A_450 = arith.constant 0 : i32
        %gather3A_451 = arith.constant 0 : i32
        %gather3A_452 = tpu.memref_slice %arg12[%while3A_420, %gather3A_450, %gather3A_451] : memref<5x64x128xf32, #tpu.memory_space<vmem>> -> memref<1x64x128xf32, #tpu.memory_space<vmem>>
        %gather3A_453 = tpu.memref_squeeze %gather3A_452 : memref<1x64x128xf32, #tpu.memory_space<vmem>> -> memref<64x128xf32, #tpu.memory_space<vmem>>
        %gather3A_454 = tpu.vector_load_idx %gather3A_453[%add3A_449, %broadcast_in_dim3A_445] : memref<64x128xf32, #tpu.memory_space<vmem>>[vector<16xi32>, vector<16xi32>], vector<16xf32>,
        %add3A_455 = arith.constant 0 : i32
        %add3A_456 = vector.broadcast %add3A_455 : i32 to vector<16xi32>
        %add3A_457 = arith.addi %iota3A, %add3A_456 : vector<16xi32>
        tpu.vector_store_idx %arg13[%broadcast_in_dim3A_446, %add3A_457], %gather3A_454 : memref<128x128xf32, #tpu.memory_space<vmem>>[vector<16xi32>, vector<16xi32>], vector<16xf32>,
        %add3A_458 = arith.constant 16 : i32
        %add3A_459 = vector.broadcast %add3A_458 : i32 to vector<16xi32>
        %add3A_460 = arith.addi %iota3A, %add3A_459 : vector<16xi32>
        %gather3A_461 = arith.constant 0 : i32
        %gather3A_462 = arith.constant 0 : i32
        %gather3A_463 = tpu.memref_slice %arg12[%while3A_420, %gather3A_461, %gather3A_462] : memref<5x64x128xf32, #tpu.memory_space<vmem>> -> memref<1x64x128xf32, #tpu.memory_space<vmem>>
        %gather3A_464 = tpu.memref_squeeze %gather3A_463 : memref<1x64x128xf32, #tpu.memory_space<vmem>> -> memref<64x128xf32, #tpu.memory_space<vmem>>
        %gather3A_465 = tpu.vector_load_idx %gather3A_464[%add3A_460, %broadcast_in_dim3A_445] : memref<64x128xf32, #tpu.memory_space<vmem>>[vector<16xi32>, vector<16xi32>], vector<16xf32>,
        %add3A_466 = arith.constant 16 : i32
        %add3A_467 = vector.broadcast %add3A_466 : i32 to vector<16xi32>
        %add3A_468 = arith.addi %iota3A, %add3A_467 : vector<16xi32>
        tpu.vector_store_idx %arg13[%broadcast_in_dim3A_446, %add3A_468], %gather3A_465 : memref<128x128xf32, #tpu.memory_space<vmem>>[vector<16xi32>, vector<16xi32>], vector<16xf32>,
        %add3A_469 = arith.constant 32 : i32
        %add3A_470 = vector.broadcast %add3A_469 : i32 to vector<16xi32>
        %add3A_471 = arith.addi %iota3A, %add3A_470 : vector<16xi32>
        %gather3A_472 = arith.constant 0 : i32
        %gather3A_473 = arith.constant 0 : i32
        %gather3A_474 = tpu.memref_slice %arg12[%while3A_420, %gather3A_472, %gather3A_473] : memref<5x64x128xf32, #tpu.memory_space<vmem>> -> memref<1x64x128xf32, #tpu.memory_space<vmem>>
        %gather3A_475 = tpu.memref_squeeze %gather3A_474 : memref<1x64x128xf32, #tpu.memory_space<vmem>> -> memref<64x128xf32, #tpu.memory_space<vmem>>
        %gather3A_476 = tpu.vector_load_idx %gather3A_475[%add3A_471, %broadcast_in_dim3A_445] : memref<64x128xf32, #tpu.memory_space<vmem>>[vector<16xi32>, vector<16xi32>], vector<16xf32>,
        %add3A_477 = arith.constant 32 : i32
        %add3A_478 = vector.broadcast %add3A_477 : i32 to vector<16xi32>
        %add3A_479 = arith.addi %iota3A, %add3A_478 : vector<16xi32>
        tpu.vector_store_idx %arg13[%broadcast_in_dim3A_446, %add3A_479], %gather3A_476 : memref<128x128xf32, #tpu.memory_space<vmem>>[vector<16xi32>, vector<16xi32>], vector<16xf32>,
        %add3A_480 = arith.constant 48 : i32
        %add3A_481 = vector.broadcast %add3A_480 : i32 to vector<16xi32>
        %add3A_482 = arith.addi %iota3A, %add3A_481 : vector<16xi32>
        %gather3A_483 = arith.constant 0 : i32
        %gather3A_484 = arith.constant 0 : i32
        %gather3A_485 = tpu.memref_slice %arg12[%while3A_420, %gather3A_483, %gather3A_484] : memref<5x64x128xf32, #tpu.memory_space<vmem>> -> memref<1x64x128xf32, #tpu.memory_space<vmem>>
        %gather3A_486 = tpu.memref_squeeze %gather3A_485 : memref<1x64x128xf32, #tpu.memory_space<vmem>> -> memref<64x128xf32, #tpu.memory_space<vmem>>
        %gather3A_487 = tpu.vector_load_idx %gather3A_486[%add3A_482, %broadcast_in_dim3A_445] : memref<64x128xf32, #tpu.memory_space<vmem>>[vector<16xi32>, vector<16xi32>], vector<16xf32>,
        %add3A_488 = arith.constant 48 : i32
        %add3A_489 = vector.broadcast %add3A_488 : i32 to vector<16xi32>
        %add3A_490 = arith.addi %iota3A, %add3A_489 : vector<16xi32>
        tpu.vector_store_idx %arg13[%broadcast_in_dim3A_446, %add3A_490], %gather3A_487 : memref<128x128xf32, #tpu.memory_space<vmem>>[vector<16xi32>, vector<16xi32>], vector<16xf32>,
        %shift_right_arithmetic3A = arith.constant 7 : i32
        %shift_right_arithmetic3A_491 = arith.shrsi %squeeze3A_442, %shift_right_arithmetic3A : i32
        %and3A_492 = arith.constant 16383 : i32
        %and3A_493 = arith.andi %shift_right_arithmetic3A_491, %and3A_492 : i32
        %broadcast_in_dim3A_494 = vector.broadcast %and3A_493 : i32 to vector<16xi32>
        tpu.vector_store_idx %arg14[%broadcast_in_dim3A_446], %broadcast_in_dim3A_494 masked %eq3A_21 : memref<128xi32, #tpu.memory_space<vmem>>[vector<16xi32>], vector<16xi32>, vector<16xi1>
        %add3A_495 = arith.constant 1 : i32
        %add3A_496 = arith.addi %while3A_438, %add3A_495 : i32
        %eq3A_497 = arith.constant 128 : i32
        %eq3A_498 = arith.cmpi eq, %add3A_496, %eq3A_497 : i32
        %convert_element_type3A_499 = arith.extui %eq3A_498 : i1 to i32
        %cond3A_500 = arith.constant 0 : i32
        %cond3A_501 = arith.cmpi ne, %convert_element_type3A_499, %cond3A_500 : i32
        %cond3A_502 = scf.if %cond3A_501 -> (i32) {
          %dma_start3A = arith.constant 0 : i32
          %dma_start3A_503 = arith.constant 0 : i32
          %dma_start3A_504 = tpu.memref_slice %arg4[%dma_start3A, %dma_start3A_503] : memref<16416x128xf32, #tpu.memory_space<hbm>> -> memref<16416x128xf32, #tpu.memory_space<hbm>>
          tpu.enqueue_indirect_dma source(%arg13 : memref<128x128xf32, #tpu.memory_space<vmem>>) target(%dma_start3A_504 : memref<16416x128xf32, #tpu.memory_space<hbm>>) offsets(%arg14 : memref<128xi32, #tpu.memory_space<vmem>>) semaphore(%arg20 : memref<!tpu.dma_semaphore, #tpu.memory_space<semaphore_mem>>)
          %dma_wait3A_505 = arith.constant 0 : i32
          %dma_wait3A_506 = arith.constant 0 : i32
          %dma_wait3A_507 = tpu.memref_slice %arg4[%dma_wait3A_505, %dma_wait3A_506] : memref<16416x128xf32, #tpu.memory_space<hbm>> -> memref<16416x128xf32, #tpu.memory_space<hbm>>
          tpu.wait_indirect_dma semaphore(%arg20 : memref<!tpu.dma_semaphore, #tpu.memory_space<semaphore_mem>>) src(%arg13 : memref<128x128xf32, #tpu.memory_space<vmem>>) dst(%dma_wait3A_507 : memref<16416x128xf32, #tpu.memory_space<hbm>>)
          %cond3A_508 = arith.constant 0 : i32
          scf.yield %cond3A_508 : i32
        } else {
          scf.yield %add3A_496 : i32
        }
        scf.yield %cond3A_502 : i32
      }
      %add3A_431 = arith.constant 5 : i32
      %add3A_432 = arith.addi %add3A_392, %add3A_431 : i32
      %lt3A_433 = arith.cmpi slt, %add3A_432, %mul3A_131 : i32
      %convert_element_type3A_434 = arith.extui %lt3A_433 : i1 to i32
      %cond3A_435 = arith.constant 0 : i32
      %cond3A_436 = arith.cmpi ne, %convert_element_type3A_434, %cond3A_435 : i32
      scf.if %cond3A_436 {
        %add3A_437 = arith.constant 5 : i32
        %add3A_438 = arith.addi %add3A_392, %add3A_437 : i32
        %broadcast_in_dim3A_439 = vector.broadcast %add3A_438 : i32 to vector<16xi32>
        %gather3A_440 = tpu.vector_load_idx %arg11[%broadcast_in_dim3A_439] : memref<304xi32, #tpu.memory_space<vmem>>[vector<16xi32>], vector<16xi32>,
        %slice3A_441 = vector.extract_strided_slice %gather3A_440 {offsets = [0], sizes = [1], strides = [1]} : vector<16xi32> to vector<1xi32>
        %squeeze3A_442 = vector.extract %slice3A_441[0] : i32 from vector<1xi32>
        %add3A_443 = arith.addi %squeeze3A_442, %select_n3A : i32
        %mul3A_444 = arith.constant 128 : i32
        %mul3A_445 = arith.muli %add3A_443, %mul3A_444 : i32
        %multiple_of3A = tpu.assume_multiple %mul3A_445, 128 : i32
        %dma_start3A = arith.constant 4 : i32
        %dma_start3A_446 = arith.constant 0 : i32
        %dma_start3A_447 = arith.constant 0 : i32
        %dma_start3A_448 = tpu.memref_slice %arg12[%dma_start3A, %dma_start3A_446, %dma_start3A_447] : memref<5x64x128xf32, #tpu.memory_space<vmem>> -> memref<1x64x128xf32, #tpu.memory_space<vmem>>
        %dma_start3A_449 = tpu.memref_squeeze %dma_start3A_448 : memref<1x64x128xf32, #tpu.memory_space<vmem>> -> memref<64x128xf32, #tpu.memory_space<vmem>>
        %dma_start3A_450 = arith.constant 0 : i32
        %dma_start3A_451 = tpu.memref_slice %arg3[%dma_start3A_450, %multiple_of3A] : memref<64x1000000xf32, #tpu.memory_space<hbm>> -> memref<64x128xf32, #tpu.memory_space<hbm>>
        %dma_start3A_452 = arith.constant 0 : i32
        %dma_start3A_453 = arith.constant 0 : i32
        %dma_start3A_454 = tpu.memref_slice %arg12[%dma_start3A, %dma_start3A_452, %dma_start3A_453] : memref<5x64x128xf32, #tpu.memory_space<vmem>> -> memref<1x64x128xf32, #tpu.memory_space<vmem>>
        %dma_start3A_455 = tpu.memref_squeeze %dma_start3A_454 : memref<1x64x128xf32, #tpu.memory_space<vmem>> -> memref<64x128xf32, #tpu.memory_space<vmem>>
        %dma_start3A_456 = arith.constant 0 : i32
        %dma_start3A_457 = tpu.memref_slice %arg3[%dma_start3A_456, %multiple_of3A] : memref<64x1000000xf32, #tpu.memory_space<hbm>> -> memref<64x128xf32, #tpu.memory_space<hbm>>
        tpu.enqueue_dma source(%dma_start3A_457 : memref<64x128xf32, #tpu.memory_space<hbm>>) target(%dma_start3A_455 : memref<64x128xf32, #tpu.memory_space<vmem>>) target_semaphore(%arg19 : memref<!tpu.dma_semaphore, #tpu.memory_space<semaphore_mem>>)
      } else {
      }
      scf.yield %while3A_430 : i32
    }
    %gt3A_192 = arith.constant 0 : i32
    %gt3A_193 = arith.cmpi sgt, %while3A_191, %gt3A_192 : i32
    %convert_element_type3A_194 = arith.extui %gt3A_193 : i1 to i32
    %cond3A_195 = arith.constant 0 : i32
    %cond3A_196 = arith.cmpi ne, %convert_element_type3A_194, %cond3A_195 : i32
    scf.if %cond3A_196 {
      %dma_start3A = arith.constant 0 : i32
      %dma_start3A_197 = arith.constant 0 : i32
      %dma_start3A_198 = tpu.memref_slice %arg4[%dma_start3A, %dma_start3A_197] : memref<16416x128xf32, #tpu.memory_space<hbm>> -> memref<16416x128xf32, #tpu.memory_space<hbm>>
      tpu.enqueue_indirect_dma source(%arg13 : memref<128x128xf32, #tpu.memory_space<vmem>>) target(%dma_start3A_198 : memref<16416x128xf32, #tpu.memory_space<hbm>>) offsets(%arg14 : memref<128xi32, #tpu.memory_space<vmem>>) semaphore(%arg20 : memref<!tpu.dma_semaphore, #tpu.memory_space<semaphore_mem>>)
      %dma_wait3A = arith.constant 0 : i32
      %dma_wait3A_199 = arith.constant 0 : i32
      %dma_wait3A_200 = tpu.memref_slice %arg4[%dma_wait3A, %dma_wait3A_199] : memref<16416x128xf32, #tpu.memory_space<hbm>> -> memref<16416x128xf32, #tpu.memory_space<hbm>>
      tpu.wait_indirect_dma semaphore(%arg20 : memref<!tpu.dma_semaphore, #tpu.memory_space<semaphore_mem>>) src(%arg13 : memref<128x128xf32, #tpu.memory_space<vmem>>) dst(%dma_wait3A_200 : memref<16416x128xf32, #tpu.memory_space<hbm>>)
    } else {
    }
    return
  }
}

</mosaic_0001>

<sc_bundles>
// kernel: kernel.3.cloned.1.call-start
scs
__scs_entry_jumppad:
0x0: {  	(pc) =	sbr.rel $0x88, $3  }
0x1: {  	(tag) =	ssettag $0x0;
	lr =	simm.s32 $0x1  }
0x2: {  	[smem:$0x3F9F] =	sst lr;
	_ =	strace $0xD0000000  }
0x3: {  	_ = 	snop  }
0x4: {  	_ = 	snop  }
0x5: {  	_ = 	snop  }
0x6: {  	_ = 	snop  }
0x7: {  	_ = 	snop  }
__scs_overlays_trampoline_lowered:
0x8: {  	[smem:$0x3FAE] =	sst s0  }
0x9: {  	[smem:$0x3FAF] =	sst s1  }
0xa: {  	[smem:$0x3FB0] =	sst s2  }
0xb: {  	[smem:$0x3FB1] =	sst s3  }
0xc: {  	[smem:$0x3FB2] =	sst s4  }
0xd: {  	[smem:$0x3FB3] =	sst s5  }
0xe: {  	[smem:$0x3FB4] =	sst s6  }
0xf: {  	[smem:$0x3FB5] =	sst s7  }
0x10: {  	[smem:$0x3FB6] =	sst s8  }
0x11: {  	[smem:$0x3FB7] =	sst s9;
	s0 =	simm.s32 @!p0 $0x0  }
0x12: {  	s1 =	sld [smem:$0x3F9D];
	s0 =	simm.s32 @p0 $0x1  }
0x13: {  	[smem:$0x3FB8] =	sst s0;
	s0 =	simm.s32 @!p1 $0x0  }
0x14: {  	s2 =	sld [smem:$0x3F9C];
	s0 =	simm.s32 @p1 $0x1  }
0x15: {  	[smem:$0x3FB9] =	sst s0;
	s0 =	simm.s32 @!p2 $0x0  }
0x16: {  	s3 =	sld [smem:$0x3FDB];
	s0 =	simm.s32 @p2 $0x1  }
0x17: {  	s4 =	simm.s32 $0x1BF5;
	[smem:$0x3FBB] =	sst s0  }
0x18: {  	s0 =	sld [smem:$0x3F9E];
	_ =	swait.ge [sflag:s4], $0x0  }
0x19: {  	s7 =	sld [smem:$0x3F9F]  }
0x1a: {  	s8 =	sadd.s32 $0xFFFFE003, lr  }
0x1b: {  	s9 =	sadd.s32 $0xFFFFFEF7, lr;
	s5 =	simm.s32 $0xFFFFFFFF;
	p2 =	slt.u32 s8, $0xFFFFF086  }
0x1c: {  	p1 =	slt.u32 s9, $0xF7A;
	s5 =	simm.s32 @!p2 $0x0  }
0x1d: {  	s5 =	simm.s32 @p1 $0x1;
	p0 =	seq.s32 s7, s2  }
0x1e: {  	s7 =	smul.u32 @!p0 $0xF7A, s2;
	p2 =	seq.s32 @!p0 s5, $0x0  }
0x1f: {  	s9 =	smul.u32 $0xF7A, s1;
	s8 =	simm.s32 @!p0 $0x1BF5;
	p2 =	por !p2, p0  }
0x20: {  	[sflag:s8] =	ssyncset.s32 @!p0 $0xFFFFF086;
	s6 =	sadd.s32 @!p0 s3, s7;
	s7 =	simm.s32 @!p0 $0x108  }
0x21: {  	s3 =	sadd.s32 s3, s9;
	s6 =	sadd.s32 @!p0 $0x88, s6;
	s7 =	simm.s32 @p2 $0x1082  }
0x22: {  	[simem:s7], [sflag:s8] =	dma.local @!p0 [hbm:s6], $0xF7A  }
0x23: {  	s9 =	sor.u32 $0xD0000000, s2;
	s6 =	simm.s32 $0x108;
	_ =	swait.ge @!p0 [sflag:s8], $0x0  }
0x24: {  	s3 =	sadd.s32 $0x88, s3;
	s6 =	simm.s32 @!p1 $0x1082;
	[sflag:s4] =	ssyncset.s32 $0xFFFFF086  }
0x25: {  	[simem:s6], [sflag:s4] =	dma.local [hbm:s3], $0xF7A  }
0x26: {  	[smem:$0x3F9F] =	sst s1;
	(tag) =	ssettag s2;
	_ =	strace s9  }
0x27: {  	s1 =	sld [smem:$0x3FAF]  }
0x28: {  	s2 =	sld [smem:$0x3FB0]  }
0x29: {  	s4 =	sld [smem:$0x3FB2]  }
0x2a: {  	p0 =	seq.s32 s5, $0x0;
	s5 =	sld [smem:$0x3FB3]  }
0x2b: {  	s6 =	sld [smem:$0x3FB4]  }
0x2c: {  	s7 =	sld [smem:$0x3FB5]  }
0x2d: {  	s3 =	simm.s32 $0x108;
	s8 =	sld [smem:$0x3FB6]  }
0x2e: {  	s3 =	simm.s32 @!p0 $0x1082;
	s9 =	sld [smem:$0x3FB7]  }
0x2f: {  	lr =	sadd.s32 s0, s3;
	s0 =	sld [smem:$0x3FAE]  }
0x30: {  	s3 =	sld [smem:$0x3FB1]  }
0x31: {  	[smem:$0x3FBA] =	sst s10  }
0x32: {  	s10 =	sld [smem:$0x3FB8];
	_ =	sdelay $0x3  }
0x33: {  	p0 =	seq.s32 s10, $0x1;
	s10 =	sld [smem:$0x3FBA];
	_ =	sdelay $0x3  }
0x34: {  	[smem:$0x3FBA] =	sst s10  }
0x35: {  	s10 =	sld [smem:$0x3FB9];
	_ =	sdelay $0x3  }
0x36: {  	p1 =	seq.s32 s10, $0x1;
	s10 =	sld [smem:$0x3FBA];
	_ =	sdelay $0x3  }
0x37: {  	[smem:$0x3FBA] =	sst s10  }
0x38: {  	s10 =	sld [smem:$0x3FBB]  }
0x39: {  	_ = 	snop;
	(pc) =	sbr.ind lr, $3  }
0x3a: {  	_ = 	snop  }
0x3b: {  	_ = 	snop  }
0x3c: {  	p2 =	seq.s32 s10, $0x1;
	s10 =	sld [smem:$0x3FBA]  }
0x3d: {  	_ =	shalt  }
0x3e: {  	_ =	shalt  }
0x3f: {  	_ =	shalt  }
0x40: {  	_ =	shalt  }
0x41: {  	_ =	shalt  }
0x42: {  	_ =	shalt  }
0x43: {  	_ =	shalt  }
0x44: {  	_ =	shalt  }
0x45: {  	_ =	shalt  }
0x46: {  	_ =	shalt  }
0x47: {  	_ =	shalt  }
0x48: {  	_ =	shalt  }
0x49: {  	_ =	shalt  }
0x4a: {  	_ =	shalt  }
0x4b: {  	_ =	shalt  }
0x4c: {  	_ =	shalt  }
0x4d: {  	_ =	shalt  }
0x4e: {  	_ =	shalt  }
0x4f: {  	_ =	shalt  }
0x50: {  	_ =	shalt  }
0x51: {  	_ =	shalt  }
0x52: {  	_ =	shalt  }
0x53: {  	_ =	shalt  }
0x54: {  	_ =	shalt  }
0x55: {  	_ =	shalt  }
0x56: {  	_ =	shalt  }
0x57: {  	_ =	shalt  }
0x58: {  	_ =	shalt  }
0x59: {  	_ =	shalt  }
0x5a: {  	_ =	shalt  }
0x5b: {  	_ =	shalt  }
0x5c: {  	_ =	shalt  }
0x5d: {  	_ =	shalt  }
0x5e: {  	_ =	shalt  }
0x5f: {  	_ =	shalt  }
0x60: {  	_ =	shalt  }
0x61: {  	_ =	shalt  }
0x62: {  	_ =	shalt  }
0x63: {  	_ =	shalt  }
0x64: {  	_ =	shalt  }
0x65: {  	_ =	shalt  }
0x66: {  	_ =	shalt  }
0x67: {  	_ =	shalt  }
0x68: {  	_ =	shalt  }
0x69: {  	_ =	shalt  }
0x6a: {  	_ =	shalt  }
0x6b: {  	_ =	shalt  }
0x6c: {  	_ =	shalt  }
0x6d: {  	_ =	shalt  }
0x6e: {  	_ =	shalt  }
0x6f: {  	_ =	shalt  }
0x70: {  	_ =	shalt  }
0x71: {  	_ =	shalt  }
0x72: {  	_ =	shalt  }
0x73: {  	_ =	shalt  }
0x74: {  	_ =	shalt  }
0x75: {  	_ =	shalt  }
0x76: {  	_ =	shalt  }
0x77: {  	_ =	shalt  }
0x78: {  	_ =	shalt  }
0x79: {  	_ =	shalt  }
0x7a: {  	_ =	shalt  }
0x7b: {  	_ =	shalt  }
0x7c: {  	_ =	shalt  }
0x7d: {  	_ =	shalt  }
0x7e: {  	_ =	shalt  }
0x7f: {  	_ =	shalt  }
0x80: {  	_ =	shalt  }
0x81: {  	_ =	shalt  }
0x82: {  	_ =	shalt  }
0x83: {  	_ =	shalt  }
0x84: {  	_ =	shalt  }
0x85: {  	_ =	shalt  }
0x86: {  	_ =	shalt  }
0x87: {  	_ =	shalt  }
.Lfunc_end0:
.L_simem_size_0:
called_computation_lowered:
.L_overlay_start_0:
0x88: {  	s2 =	sld [smem:$0x3FD9]  }
0x89: {  	s3 =	sld [smem:$0x3FFE];
	_ =	sdelay $0x1  }
0x8a: {  	s1 =	srdreg.scid  }
0x8b: {  	s0 =	sand.u32 $0x1, s1  }
0x8c: {  	s17 =	sshll.u32 s0, $0xA;
	s2 =	sadd.s32 s3, s2  }
0x8d: {  	s2 =	sadd.s32 s2, s17  }
0x8e: {  	[smem:$0x3FC6] =	sst s2  }
0x8f: {  	_ = 	snop  }
0x90: {  	s2 =	sld [smem:$0x3FC9]  }
0x91: {  	s18 =	sld [smem:$0x3FC8];
	(tm) =	ssettm $0x1  }
0x92: {  	s4 =	sld [smem:$0x3FFB];
	_ =	sdelay $0x3  }
0x93: {  	_ =	strace s4  }
0x94: {  	s4 =	sld [smem:$0x3FFC];
	_ =	sdelay $0x3  }
0x95: {  	_ =	strace s4  }
0x96: {  	s4 =	sld [smem:$0x3FFD];
	_ =	sdelay $0x3  }
0x97: {  	_ =	strace s4  }
0x98: {  	_ =	strace $0x8FFFFFFF  }
0x99: {  	s19 =	sld [smem:$0x3FDB];
	_ =	sdelay $0x1  }
0x9a: {  	s5 =	simm.s32 $_scs_section_size  }
0x9b: {  	s6 =	simm.s32 $_size__tile_overlayer_lowered;
	s7 =	simm.s32 $_tile_overlayer_lowered  }
0x9c: {  	s22 =	simm.s32 $0x1BFF;
	s21 =	sshll.u32 s7, $0x1;
	s4 =	sadd.s32 s5, s19  }
0x9d: {  	s8 =	simm.s32 $0x0;
	s20 =	sshll.u32 s6, $0x1;
	s6 =	sadd.s32 s21, s4  }
0x9e: {  	[timem:s8], [sflag:s22] =	dma.local [hbm:s6], s20  }
0x9f: {  	_ =	swait.ge [sflag:s22], s20  }
0xa0: {  	s5 =	ssub.s32 $0x0, s20;
	[sflag:s22] =	ssyncset.done $0x0  }
0xa1: {  	[sflag:s22] =	ssyncadd.s32 s5;
	_ =	sdelay $0x1  }
0xa2: {  	s23 =	simm.s32 $0x1B8B  }
0xa3: {  	_ =	swait.ge [sflag:s23], $0x1  }
0xa4: {  	[sflag:s23] =	ssyncset.done $0x0  }
0xa5: {  	s25 =	simm.s32 $0x1B8E;
	s24 =	sld [smem:$0x3FFE];
	[sflag:s23] =	ssyncadd.s32 $0xFFFFFFFF  }
0xa6: {  	s26 =	simm.s32 $execute0_lowered;
	[smem:$0x3FD2] =	sst s25  }
0xa7: {  	s6 =	sshll.u32 s26, $0x1;
	_ =	strace $0x80000046;
	[dreg:$0x1] =	wrdreg $0xFFFFFFFF  }
0xa8: {  	s28 =	simm.s32 $_size_execute0_lowered;
	s4 =	sadd.s32 s4, s6;
	[dreg:$0x0] =	wrdreg $0x0  }
0xa9: {  	s6 =	sshll.u32 s28, $0x1;
	[dreg:$0x2] =	wrdreg s4  }
0xaa: {  	[dreg:$0x3] =	wrdreg s6  }
0xab: {  	[dreg:$0x4] =	wrdreg $0xC0  }
0xac: {  	_ =	task [dreg:s8], $0x5FFFF  }
0xad: {  	[dreg:$0x1] =	wrdreg $0xFFFFFFFF  }
0xae: {  	[dreg:$0x0] =	wrdreg $0x60  }
0xaf: {  	[dreg:$0x2] =	wrdreg s2  }
0xb0: {  	[dreg:$0x3] =	wrdreg s18  }
0xb1: {  	[dreg:$0x4] =	wrdreg s24  }
0xb2: {  	[dreg:$0x5] =	wrdreg $0x9  }
0xb3: {  	_ =	task.clear_ibuf [dreg:s8], $0x6FFFF;
	_ =	strace $0x90000046  }
0xb4: {  	s29 =	simm.s32 $0x9;
	_ =	strace $0x80000048  }
0xb5: {  	_ =	swait.ge [sflag:s29], $0x1  }
0xb6: {  	[sflag:s29] =	ssyncadd.s32 $0xFFFFFFFF  }
0xb7: {  	_ =	strace $0x90000048  }
0xb8: {  	_ =	sfence  }
0xb9: {  	s30 =	sld [smem:$0x0];
	_ =	sdelay $0x2  }
0xba: {  	s31 =	sshll.u32 s1, $0xD;
	s1 =	sshrl.u32 s1, $0x2  }
0xbb: {  	s3 =	sand.u32 $0x4000, s31;
	s1 =	sadd.s32 s1, s30  }
0xbc: {  	s0 =	sor.u32 s3, s0;
	s1 =	sshll.u32 s1, $0x11  }
0xbd: {  	s0 =	sor.u32 s1, s0  }
0xbe: {  	s0 =	sadd.s32 $0x8F2B, s0  }
0xbf: {  	[sflag:s0] =	ssyncadd.remote.s32 $0x1  }
0xc0: {  	_ =	sfence.sel $0xFFFF  }
0xc1: {  	[dreg:$0x0] =	wrdreg $0xFFFFFFFF;
	(pc) =	sbr.abs _section_cstart, $3  }
0xc2: {  	[dreg:$0x1] =	wrdreg $0xFFFFFFFF  }
0xc3: {  	_ =	task.clear_ibuf [dreg:s8], $0x2FFFF;
	_ =	strace $0x9FFFFFFF  }
0xc4: {  	(tm) =	ssettm $0x7FFFFFFF  }
0xc5: {  	_ =	shalt  }
tec
execute0_lowered:
.L_overlay_start_1:
0x0: {  	(tag) =	ssettag $0x1  }
0x1: {  	s0 =	srdreg.scid;
	s3 =	rddreg [dreg:$0x1]  }
0x2: {  	s1 =	stileid.u32;
	s2 =	rddreg [dreg:$0x2]  }
0x3: {  	s4 =	simm.s32 $0x0;
	s9 =	simm.s32 $0xC100;
	s10 =	simm.s32 $0x1  }
0x4: {  	s11 =	simm.s32 $0xC580;
	s14 =	simm.s32 $0xC700;
	s15 =	simm.s32 $0xE700  }
0x5: {  	s16 =	simm.s32 $0x10700;
	s0 =	sand.u32 $0x1, s0;
	s1 =	sshll.u32 s1, $0x1  }
0x6: {  	s17 =	simm.s32 $0x12700;
	s18 =	simm.s32 $0x14700;
	s1 =	sor.u32 s0, s1  }
0x7: {  	s19 =	simm.s32 $0xC400;
	s20 =	simm.s32 $0x8080;
	s5 =	smul.u32 $0x1D90, s1  }
0x8: {  	s21 =	simm.s32 $0xC280;
	s22 =	simm.s32 $0x16700;
	s23 =	simm.s32 $0x1A700  }
0x9: {  	v1 =	vlaneseq.u32;
	s24 =	simm.s32 $0x2;
	s25 =	simm.s32 $0x3;
	s5 =	smulhi.u32 $0x8421085, s5  }
.Ltmp0:
0xa: {  	s26 =	simm.s32 $0x4;
	v4 =	vmul.u32 $0x80, v1;
	s0 =	ssub.s32 $0x2, s0;
	(pc) =	sbr.rel .LBB2_1-.Ltmp0, $4  }
0xb: {  	v6 =	vimm.s32 $0x0;
	v7 =	vimm.s32 $0x1;
	s28 =	simm.s32 $0x5;
	[smem:$0x7FF] =	sst s4;
	v9 =	vor.u32 $0x10, v1;
	s7 =	sshrl.u32 s0, $0x1  }
0xc: {  	v11 =	vor.u32 $0x20, v1;
	v13 =	vor.u32 $0x30, v1;
	s1 =	sor.u32 $0x4000, s1;
	v8 =	vor.u32 $0x800, v4;
	s0 =	ssub.s32 s0, s7;
	s30 =	sshll.u32 s5, $0x7  }
0xd: {  	s6 =	sadd.s32 $0x400, s2;
	v10 =	vor.u32 $0x1000, v4;
	v12 =	vor.u32 $0x1800, v4;
	v0 =	vmov s1;
	s0 =	smax.u32 s0, $0x1;
	s31 =	sadd.s32 $0x7A80, s30  }
0xe: {  	s4 =	simm.s32 $0x0;
	_ =	strace $0x80000047;
	[dreg:$0x4] =	wrdreg s0;
	v5 =	vmov s5;
	v2 =	vmov s30;
	v3 =	vmov s31  }
.LBB2_54:
0xf: {  	p0 =	slt.s32 s2, $0x1  }
0x10: {  	s0 =	simm.s32 @!p0 $0x80;
	s1 =	simm.s32 @!p0 $0x1A700;
	s2 =	simm.s32 @!p0 $0x16700  }
0x11: {  	[hbm4b:s6+s0] =	stream.indirect.scatter @!p0 [tilespmem:s2], [sflag:$0x6], $0x80, s1, s0, $0xb8;
	[tilespmem:$0x1A780] =	vst v63  }
0x12: {  	s0 =	simm.s32 @!p0 $0x6  }
0x13: {  	_ =	swait.ge @!p0 [sflag:s0], $0x4000  }
0x14: {  	[sflag:s0] =	ssyncset.done @!p0 $0x0  }
0x15: {  	[sflag:s0] =	ssyncadd.s32 @!p0 $0xFFFFC000  }
.LBB2_55:
0x16: {  	s4 =	rddreg [dreg:$0x5]  }
0x17: {  	s0 =	rddreg [dreg:$0x4];
	s4 =	sadd.s32 $0x1, s4  }
0x18: {  	p0 =	sne.s32 s4, s0  }
.Ltmp1:
0x19: {  	_ = 	snop;
	(pc) =	sbr.rel @!p0 .LBB2_56-.Ltmp1, $1  }
0x1a: {  	_ =	sdelay $0x3  }
.LBB2_1:
0x1b: {  	s0 =	rddreg [dreg:$0x0];
	s1 =	simm.s32 $0x0;
	s31 =	simm.s32 $0x7  }
0x1c: {  	[tilespmem:s1], [sflag:$0x7] =	stream.linear.gather [hbm4b:s0+s1], $0x4000, $0x38;
	[tilespmem:$0x1A780] =	vst v63  }
0x1d: {  	_ =	swait.ge [sflag:s31], $0x4000  }
0x1e: {  	[sflag:s31] =	ssyncset.done $0x0  }
0x1f: {  	[sflag:s31] =	ssyncadd.s32 $0xFFFFC000  }
0x20: {  	[tilespmem:$0x1A700] =	vst v0  }
0x21: {  	[tilespmem:$0x1A710] =	vst v0  }
0x22: {  	[tilespmem:$0x1A720] =	vst v0  }
0x23: {  	[tilespmem:$0x1A730] =	vst v0  }
0x24: {  	[tilespmem:$0x1A740] =	vst v0  }
0x25: {  	[tilespmem:$0x1A750] =	vst v0  }
0x26: {  	[tilespmem:$0x1A760] =	vst v0  }
0x27: {  	[tilespmem:$0x1A770] =	vst v0  }
0x28: {  	[tilespmem:$0xC100] =	vst v6  }
0x29: {  	[tilespmem:$0xC110] =	vst v6  }
0x2a: {  	[tilespmem:$0xC120] =	vst v6  }
0x2b: {  	[tilespmem:$0xC130] =	vst v6  }
0x2c: {  	[tilespmem:$0xC140] =	vst v6  }
0x2d: {  	[tilespmem:$0xC150] =	vst v6  }
0x2e: {  	[tilespmem:$0xC160] =	vst v6  }
0x2f: {  	[tilespmem:$0xC170] =	vst v6  }
0x30: {  	[tilespmem:$0xC180] =	vst v6  }
0x31: {  	[tilespmem:$0xC190] =	vst v6  }
0x32: {  	[tilespmem:$0xC1A0] =	vst v6  }
0x33: {  	[tilespmem:$0xC1B0] =	vst v6  }
0x34: {  	[tilespmem:$0xC1C0] =	vst v6  }
0x35: {  	[tilespmem:$0xC1D0] =	vst v6  }
0x36: {  	[tilespmem:$0xC1E0] =	vst v6  }
0x37: {  	[tilespmem:$0xC1F0] =	vst v6  }
0x38: {  	[tilespmem:$0xC200] =	vst v6  }
0x39: {  	v14 =	vld [tilespmem:s1+$0x0];
	_ =	sdelay $0x4  }
0x3a: {  	vm0 =	vge.s32 v14, v2;
	vm1 =	vlt.s32 v14, v3  }
0x3b: {  	vm0 =	vmand vm0, vm1  }
0x3c: {  	v15 =	vshra.s32 v14, $0x7;
	v16 =	vmpcnt.ones.xlane vm0  }
0x3d: {  	v17 =	vmov s1;
	v15 =	vsub.s32 v15, v5  }
0x3e: {  	v17 =	vshll.u32 v17, $0x7;
	v18 =	vnsel vm0, $0x0, v15;
	(v2sf) =	vpush v16, $0x0  }
0x3f: {  	v15 =	vshll.u32 v15, $0x15;
	v16 =	vor.u32 v4, v17  }
0x40: {  	v14 =	vand.u32 $0x7F, v14;
	v15 =	vadd.s32 v16, v15  }
0x41: {  	v14 =	vor.u32 v14, v15  }
0x42: {  	[tilespmem:s1+$0x4000] =	vst.msk vm0, v14  }
0x43: {  	s0 =	simm.s32 $0x10;
	[tilespmem:v18+s9+$0x0] =	vst.idx.add.s32.msk vm0, v7  }
0x44: {  	v14 =	vld [tilespmem:s0+$0x0];
	_ =	sdelay $0x3  }
0x45: {  	v15 =	vmov s0  }
0x46: {  	vm0 =	vge.s32 v14, v2;
	vm1 =	vlt.s32 v14, v3;
	v16 =	vshra.s32 v14, $0x7  }
0x47: {  	v15 =	vshll.u32 v15, $0x7;
	vm0 =	vmand vm0, vm1;
	v16 =	vsub.s32 v16, v5  }
0x48: {  	v15 =	vor.u32 v4, v15;
	v17 =	vshll.u32 v16, $0x15;
	v63 =	vmpcnt.ones.xlane vm0  }
0x49: {  	v19 =	vand.u32 $0x7F, v14;
	v14 =	vnsel vm0, $0x0, v16;
	v15 =	vadd.s32 v15, v17  }
0x4a: {  	s2 =	simm.s32 $0x0;
	s1 =	simm.s32 $0x20;
	(v2sf) =	vpush v63, $0x0;
	v15 =	vor.u32 v19, v15;
	s7 =	spop (v2sf)  }
.LBB2_2:
0x4b: {  	p0 =	sne.s32 s1, $0x3FF0  }
0x4c: {  	s2 =	sadd.s32 s2, s7;
	s7 =	smov.u32 s1;
	s1 =	sadd.s32 $0x10, s1  }
0x4d: {  	[tilespmem:s2+$0x4000] =	vst.msk vm0, v15  }
0x4e: {  	s0 =	sadd.s32 $0x10, s0;
	[tilespmem:v14+s9+$0x0] =	vst.idx.add.s32.msk vm0, v7  }
0x4f: {  	v15 =	vld [tilespmem:s0+$0x0];
	_ =	sdelay $0x3  }
0x50: {  	v14 =	vmov s7  }
0x51: {  	vm0 =	vge.s32 v15, v2;
	vm1 =	vlt.s32 v15, v3;
	v16 =	vshra.s32 v15, $0x7  }
.Ltmp2:
0x52: {  	v17 =	vshll.u32 v14, $0x7;
	vm0 =	vmand vm0, vm1;
	v16 =	vsub.s32 v16, v5;
	(pc) =	sbr.rel @p0 .LBB2_2-.Ltmp2, $4  }
0x53: {  	v18 =	vshll.u32 v16, $0x15;
	v14 =	vnsel vm0, $0x0, v16;
	v16 =	vmpcnt.ones.xlane vm0  }
0x54: {  	v17 =	vor.u32 v4, v17;
	v15 =	vand.u32 $0x7F, v15  }
0x55: {  	v17 =	vadd.s32 v17, v18;
	(v2sf) =	vpush v16, $0x0  }
0x56: {  	v15 =	vor.u32 v15, v17;
	s7 =	spop (v2sf)  }
0x57: {  	_ =	sdelay $0x8  }
0x58: {  	p2 =	por $0x1, $0x1  }
.Ltmp3:
0x59: {  	_ = 	snop;
	(pc) =	sbr.rel @!p2 .LBB2_8-.Ltmp3, $4  }
0x5a: {  	_ = 	snop  }
0x5b: {  	s0 =	sadd.s32 s2, s7;
	s1 =	simm.s32 $0x0  }
0x5c: {  	s2 =	simm.s32 $0x40;
	p0 =	por $0x0, $0x0;
	[tilespmem:s0+$0x4000] =	vst.msk vm0, v15;
	s31 =	spop (v2sf)  }
0x5d: {  	s7 =	simm.s32 $0x0;
	p1 =	por $0x0, $0x0;
	[tilespmem:v14+s9+$0x0] =	vst.idx.add.s32.msk vm0, v7;
	s0 =	sadd.s32 s0, s31  }
0x5e: {  	s8 =	simm.s32 $0x0  }
0x5f: {  	v14 =	vld [tilespmem:s8+$0xC100];
	_ =	sdelay $0x4  }
0x60: {  	(xrf0) =	vadd.scan.msk.s32 $0xffff, v14;
	_ =	sdelay $0x4  }
0x61: {  	p2 =	por $0x1, $0x1  }
.Ltmp4:
0x62: {  	v15, _, _ =	vpop (xrf0);
	(pc) =	sbr.rel @!p2 .LBB2_5-.Ltmp4, $4  }
0x63: {  	v15 =	vadd.s32 s1, v15  }
0x64: {  	v14 =	vsub.s32 v15, v14;
	(v2sf) =	vpush v15, $0xF  }
0x65: {  	[tilespmem:s8+$0xC280] =	vst v14  }
0x66: {  	s7 =	simm.s32 $0x80;
	p1 =	por $0x1, $0x1;
	[tilespmem:s8+$0xC400] =	vst v14  }
.LBB2_6:
0x67: {  	p2 =	sne.s32 s7, $0x400;
	s8 =	sshra.s32 s2, $0x2;
	s2 =	smov.u32 s7  }
0x68: {  	v14 =	vld [tilespmem:s8+$0xC100];
	_ =	sdelay $0x4  }
0x69: {  	(xrf0) =	vadd.scan.msk.s32 $0xffff, v14;
	_ =	sdelay $0x5  }
.Ltmp5:
0x6a: {  	v15, _, _ =	vpop (xrf0);
	s12 =	spop (v2sf);
	(pc) =	sbr.rel @p2 .LBB2_6-.Ltmp5, $4  }
0x6b: {  	v15 =	vadd.s32 s12, v15  }
0x6c: {  	v14 =	vsub.s32 v15, v14;
	(v2sf) =	vpush v15, $0xF  }
0x6d: {  	[tilespmem:s8+$0xC280] =	vst v14  }
0x6e: {  	s7 =	sadd.s32 $0x40, s7;
	[tilespmem:s8+$0xC400] =	vst v14  }
0x6f: {  	s7 =	smov.u32 s2  }
.LBB2_8:
0x70: {  	s2 =	sshra.s32 s7, $0x2  }
0x71: {  	v14 =	vld [tilespmem:s2+$0xC100];
	_ =	sdelay $0x4  }
0x72: {  	(xrf0) =	vadd.scan.msk.s32 $0xffff, v14;
	_ =	sdelay $0x4  }
0x73: {  	s8 =	simm.s32 $0x0;
	s7 =	spop @p1 (v2sf)  }
0x74: {  	v15, _, _ =	vpop (xrf0);
	s8 =	smov.u32 @p1 s7  }
0x75: {  	v15 =	vadd.s32 s8, v15  }
0x76: {  	(v2sf) =	vpush v15, $0xF;
	_ =	sdelay $0x9  }
0x77: {  	p1 =	por $0x1, $0x1  }
.Ltmp6:
0x78: {  	_ = 	snop;
	(pc) =	sbr.rel @!p1 .LBB2_9-.Ltmp6, $4  }
0x79: {  	v14 =	vsub.s32 v15, v14  }
0x7a: {  	[tilespmem:s2+$0xC280] =	vst v14  }
0x7b: {  	s30 =	simm.s32 $0xC100;
	[tilespmem:s2+$0xC400] =	vst v14  }
0x7c: {  	[dreg:$0x5] =	wrdreg s4;
	s2 =	simm.s32 $0x10;
	v14 =	vld [tilespmem:s30+$0x0];
	s31 =	spop (v2sf)  }
0x7d: {  	_ =	sdelay $0x3  }
0x7e: {  	vm0 =	vgt.s32 v14, $0x0  }
0x7f: {  	v14 =	vmpcnt.ones.xlane vm0;
	_ =	sdelay $0x1  }
0x80: {  	(v2sf) =	vpush v14, $0x0;
	_ =	sdelay $0x2  }
0x81: {  	p1 =	por $0x1, $0x1  }
.Ltmp7:
0x82: {  	_ = 	snop;
	(pc) =	sbr.rel @!p1 .LBB2_11-.Ltmp7, $4  }
0x83: {  	_ = 	snop  }
0x84: {  	v15 =	vor.u32 s1, v1  }
0x85: {  	s8 =	simm.s32 $0xC110;
	[tilespmem:s1+$0xC580] =	vst.msk vm0, v15  }
0x86: {  	s12 =	simm.s32 $0x20;
	p0 =	por $0x1, $0x1;
	s7 =	simm.s32 $0x0;
	v14 =	vld [tilespmem:s8+$0x0]  }
.LBB2_12:
0x87: {  	p1 =	sne.s32 s12, $0x100;
	_ =	sdelay $0x3  }
0x88: {  	vm0 =	vgt.s32 v14, $0x0  }
0x89: {  	v14 =	vmpcnt.ones.xlane vm0  }
0x8a: {  	s13 =	spop (v2sf)  }
0x8b: {  	v15 =	vor.u32 s2, v1;
	s2 =	smov.u32 s12;
	(v2sf) =	vpush v14, $0x0;
	s7 =	sadd.s32 s7, s13  }
0x8c: {  	[tilespmem:s7+$0xC580] =	vst.msk vm0, v15;
	_ =	sdelay $0x2  }
.Ltmp8:
0x8d: {  	(pc) =	sbr.rel @p1 .LBB2_12-.Ltmp8, $3  }
0x8e: {  	_ =	sdelay $0x1  }
0x8f: {  	s8 =	sadd.s32 $0x10, s8  }
0x90: {  	s12 =	sadd.s32 $0x10, s12;
	v14 =	vld [tilespmem:s8+$0x0]  }
.LBB2_13:
0x91: {  	_ =	sdelay $0x3  }
0x92: {  	vm0 =	vgt.s32 v14, $0x0  }
0x93: {  	v14 =	vmpcnt.ones.xlane vm0;
	_ =	sdelay $0x1  }
0x94: {  	(v2sf) =	vpush v14, $0x0;
	_ =	sdelay $0xc  }
0x95: {  	s8 =	spop @p0 (v2sf)  }
0x96: {  	s7 =	sadd.s32 @p0 s7, s8  }
0x97: {  	s1 =	smov.u32 @p0 s7;
	s13 =	spop (v2sf)  }
0x98: {  	s7 =	sadd.s32 s1, s13  }
0x99: {  	s29 =	sadd.s32 $0x4, s7  }
0x9a: {  	s12 =	smulhi.u32 $0x66666667, s29;
	s13 =	sshra.s32 s29, $0x1F  }
0x9b: {  	s13 =	smul.u32 $0x66666667, s13;
	_ =	sdelay $0x1  }
0x9c: {  	s12 =	sadd.s32 s13, s12  }
0x9d: {  	s13 =	sshrl.u32 s12, $0x1F;
	s12 =	sshra.s32 s12, $0x1  }
0x9e: {  	s12 =	sadd.s32 s13, s12  }
0x9f: {  	s13 =	smul.u32 $0xFFFFFFFB, s12  }
0xa0: {  	s30 =	ssub.s32 $0xFFFFFFFC, s7  }
0xa1: {  	p1 =	slt.s32 s29, $0x1;
	p6 =	sne.s32 s13, s30  }
0xa2: {  	p0 =	por !p1, !p6  }
0xa3: {  	s8 =	simm.s32 $0x1;
	p0 =	por !p0, !p0  }
0xa4: {  	s8 =	simm.s32 @!p0 $0x0;
	p0 =	slt.s32 s7, $0x1  }
.Ltmp9:
0xa5: {  	_ = 	snop;
	(pc) =	sbr.rel @p0 .LBB2_15-.Ltmp9, $3  }
0xa6: {  	_ =	sdelay $0x1  }
0xa7: {  	v14 =	vor.u32 s2, v1;
	s30 =	ssub.s32 s12, s8  }
0xa8: {  	[tilespmem:s1+$0xC580] =	vst.msk vm0, v14;
	s31 =	smul.u32 $0x5, s30  }
0xa9: {  	s1 =	sadd.s32 $0xFFFFFFFF, s7  }
0xaa: {  	p0 =	sgt.s32 s1, $0x0  }
0xab: {  	s1 =	simm.s32 @!p0 $0x0  }
0xac: {  	v14 =	vmov s1  }
0xad: {  	v14 =	vbroadcast v14, $0x0;
	_ =	sdelay $0x5  }
0xae: {  	s1 =	sadd.s32 $0xFFFFFFFF, s31;
	v14 =	vld.idx.msk [tilespmem:v14+s11+$0x0], $0xffff  }
0xaf: {  	s2 =	sshra.s32 s1, $0x1F  }
0xb0: {  	v15 =	vadd.s32 s7, v1;
	s2 =	sand.u32 s2, s1  }
0xb1: {  	v16 =	vmov s2;
	_ =	sdelay $0x1  }
0xb2: {  	v14 =	vbroadcast v14, $0x0;
	_ =	sdelay $0x1  }
0xb3: {  	[tilespmem:v15+s11+$0x0] =	vst.idx.msk $0xffff, v14  }
0xb4: {  	v14 =	vld.idx.msk [tilespmem:v16+s11+$0x0], $0xffff;
	_ =	sdelay $0x4  }
0xb5: {  	(v2sf) =	vpush v14, $0x0;
	_ =	sdelay $0xd  }
0xb6: {  	p0 =	slt.s32 s1, $0x1;
	s2 =	smov.u32 s1  }
0xb7: {  	s2 =	simm.s32 @!p0 $0x1;
	s4 =	spop (v2sf)  }
0xb8: {  	v14 =	vmov s2;
	s7 =	sadd.s32 s5, s4  }
0xb9: {  	s8 =	sshll.u32 s7, $0x7  }
0xba: {  	s2 =	sand.u32 $0x1FFFFF80, s8  }
0xbb: {  	s4 =	simm.s32 $0x400;
	s8 =	simm.s32 $0x7A1400;
	s2 =	sadd.s32 s3, s2  }
0xbc: {  	[tilespmem:s14], [sflag:$0x1] =	stream.strided.gather [hbm4b:s2+s4], $0x2000, s8, s4, $0x38;
	[tilespmem:$0x1A780] =	vst v63  }
0xbd: {  	v14 =	vld.idx.msk [tilespmem:v14+s11+$0x0], $0xffff;
	_ =	sdelay $0x4  }
0xbe: {  	(v2sf) =	vpush v14, $0x0;
	_ =	sdelay $0xd  }
0xbf: {  	p0 =	slt.s32 s1, $0x2;
	s2 =	smov.u32 s1  }
0xc0: {  	s2 =	simm.s32 @!p0 $0x2;
	s12 =	spop (v2sf)  }
0xc1: {  	v14 =	vmov s2;
	s7 =	sadd.s32 s5, s12  }
0xc2: {  	s13 =	sshll.u32 s7, $0x7  }
0xc3: {  	s2 =	sand.u32 $0x1FFFFF80, s13  }
0xc4: {  	s2 =	sadd.s32 s3, s2  }
0xc5: {  	[tilespmem:s15], [sflag:$0x2] =	stream.strided.gather [hbm4b:s2+s4], $0x2000, s8, s4, $0x38;
	[tilespmem:$0x1A780] =	vst v63  }
0xc6: {  	v14 =	vld.idx.msk [tilespmem:v14+s11+$0x0], $0xffff;
	_ =	sdelay $0x4  }
0xc7: {  	(v2sf) =	vpush v14, $0x0;
	_ =	sdelay $0xd  }
0xc8: {  	p0 =	slt.s32 s1, $0x3;
	s2 =	smov.u32 s1  }
0xc9: {  	s2 =	simm.s32 @!p0 $0x3;
	s29 =	spop (v2sf)  }
0xca: {  	v14 =	vmov s2;
	s7 =	sadd.s32 s5, s29  }
0xcb: {  	s2 =	sshll.u32 s7, $0x7  }
0xcc: {  	s2 =	sand.u32 $0x1FFFFF80, s2  }
0xcd: {  	s2 =	sadd.s32 s3, s2  }
0xce: {  	[tilespmem:s16], [sflag:$0x3] =	stream.strided.gather [hbm4b:s2+s4], $0x2000, s8, s4, $0x38;
	[tilespmem:$0x1A780] =	vst v63  }
0xcf: {  	v14 =	vld.idx.msk [tilespmem:v14+s11+$0x0], $0xffff;
	_ =	sdelay $0x4  }
0xd0: {  	(v2sf) =	vpush v14, $0x0;
	_ =	sdelay $0xd  }
0xd1: {  	p0 =	slt.s32 s1, $0x4  }
0xd2: {  	s1 =	simm.s32 @!p0 $0x4;
	s12 =	spop (v2sf)  }
0xd3: {  	v14 =	vmov s1;
	s2 =	sadd.s32 s5, s12  }
0xd4: {  	s13 =	sshll.u32 s2, $0x7  }
0xd5: {  	s1 =	sand.u32 $0x1FFFFF80, s13  }
0xd6: {  	s1 =	sadd.s32 s3, s1  }
0xd7: {  	[tilespmem:s17], [sflag:$0x4] =	stream.strided.gather [hbm4b:s1+s4], $0x2000, s8, s4, $0x38;
	[tilespmem:$0x1A780] =	vst v63  }
0xd8: {  	v14 =	vld.idx.msk [tilespmem:v14+s11+$0x0], $0xffff;
	_ =	sdelay $0x4  }
0xd9: {  	(v2sf) =	vpush v14, $0x0;
	_ =	sdelay $0xe  }
0xda: {  	s29 =	spop (v2sf)  }
0xdb: {  	s1 =	sadd.s32 s5, s29  }
0xdc: {  	s1 =	sshll.u32 s1, $0x7  }
0xdd: {  	s1 =	sand.u32 $0x1FFFFF80, s1  }
0xde: {  	s1 =	sadd.s32 s3, s1  }
0xdf: {  	[tilespmem:s18], [sflag:$0x5] =	stream.strided.gather [hbm4b:s1+s4], $0x2000, s8, s4, $0x38;
	[tilespmem:$0x1A780] =	vst v63  }
.LBB2_15:
0xe0: {  	s1 =	sadd.s32 $0xF, s0  }
0xe1: {  	s2 =	sand.u32 $0xF, s1  }
0xe2: {  	s7 =	sshra.s32 s1, $0x1F;
	p0 =	slt.s32 s1, $0x1;
	p1 =	sne.s32 s2, $0x0  }
0xe3: {  	s29 =	sshrl.u32 s7, $0x1C;
	p0 =	por !p0, !p1  }
0xe4: {  	s2 =	simm.s32 $0x1;
	s1 =	sadd.s32 s29, s1;
	p0 =	por !p0, !p0  }
0xe5: {  	s1 =	sshra.s32 s1, $0x4;
	s2 =	simm.s32 @!p0 $0x0  }
0xe6: {  	s1 =	ssub.s32 s1, s2  }
0xe7: {  	p0 =	slt.s32 s1, $0x1  }
.Ltmp10:
0xe8: {  	_ = 	snop;
	(pc) =	sbr.rel @p0 .LBB2_22-.Ltmp10, $1  }
0xe9: {  	_ =	sdelay $0x3  }
0xea: {  	p1 =	seq.s32 s1, $0x1  }
.Ltmp11:
0xeb: {  	_ = 	snop;
	(pc) =	sbr.rel @p1 .LBB2_17-.Ltmp11, $3  }
0xec: {  	_ =	sdelay $0x1  }
0xed: {  	s2 =	simm.s32 $0x4000  }
0xee: {  	v14 =	vmov s0;
	s0 =	simm.s32 $0x0;
	s1 =	sadd.s32 $0xFFFFFFFF, s1;
	p0 =	por $0x0, $0x0;
	v15 =	vld [tilespmem:s2+$0x0]  }
0xef: {  	_ =	sdelay $0x2  }
0xf0: {  	v16 =	vor.u32 s0, v1  }
0xf1: {  	vm0 =	vlt.s32 v16, v14;
	v17 =	vshra.s32 v15, $0x15  }
0xf2: {  	(xrf1) =	vunique.msk.u32 vm0, v17;
	_ =	sdelay $0x4  }
0xf3: {  	v16 =	vnsel vm0, $0x0, v17;
	_ =	sdelay $0x4  }
0xf4: {  	v17 =	vld.idx.msk [tilespmem:v16+s19+$0x0], $0xffff;
	_ =	sdelay $0x3  }
0xf5: {  	_, v18, vm1 =	vpop (xrf1)  }
0xf6: {  	v17 =	vadd.s32 v17, v18  }
0xf7: {  	v18 =	vadd.s32 $0xFFFFFFFF, v17  }
0xf8: {  	vm1 =	vmand vm0, vm1;
	v18 =	vnsel vm0, $0x0, v18;
	_ =	sdelay $0x2  }
0xf9: {  	p1 =	seq.s32 s1, $0x1  }
.Ltmp12:
0xfa: {  	_ = 	snop;
	(pc) =	sbr.rel @p1 .LBB2_19-.Ltmp12, $4  }
0xfb: {  	[tilespmem:v18+s20+$0x0] =	vst.idx.msk vm0, v15  }
0xfc: {  	s2 =	simm.s32 $0x4010;
	[tilespmem:v16+s19+$0x0] =	vst.idx.msk vm1, v17  }
0xfd: {  	v15 =	vld [tilespmem:s2+$0x0]  }
0xfe: {  	s7 =	sadd.s32 $0xFFFFFFFF, s1;
	p0 =	por $0x1, $0x1;
	s1 =	simm.s32 $0x0  }
.LBB2_20:
0xff: {  	p1 =	seq.s32 s7, $0x1  }
0x100: {  	s1 =	sadd.s32 $0x10, s1  }
0x101: {  	v16 =	vor.u32 s1, v1  }
0x102: {  	vm0 =	vlt.s32 v16, v14;
	v17 =	vshra.s32 v15, $0x15  }
0x103: {  	(xrf1) =	vunique.msk.u32 vm0, v17;
	_ =	sdelay $0x3  }
0x104: {  	v16 =	vnsel vm0, $0x0, v17;
	_ =	sdelay $0x4  }
0x105: {  	v17 =	vld.idx.msk [tilespmem:v16+s19+$0x0], $0xffff;
	_ =	sdelay $0x4  }
0x106: {  	_, v18, vm1 =	vpop (xrf1)  }
0x107: {  	v17 =	vadd.s32 v17, v18;
	vm1 =	vmand vm0, vm1  }
0x108: {  	v18 =	vadd.s32 $0xFFFFFFFF, v17  }
0x109: {  	v18 =	vnsel vm0, $0x0, v18;
	_ =	sdelay $0x3  }
.Ltmp13:
0x10a: {  	(pc) =	sbr.rel @!p1 .LBB2_20-.Ltmp13, $4  }
0x10b: {  	[tilespmem:v18+s20+$0x0] =	vst.idx.msk vm0, v15  }
0x10c: {  	s2 =	sadd.s32 $0x10, s2;
	[tilespmem:v16+s19+$0x0] =	vst.idx.msk vm1, v17  }
0x10d: {  	v15 =	vld [tilespmem:s2+$0x0]  }
0x10e: {  	s7 =	sadd.s32 $0xFFFFFFFF, s7  }
.LBB2_21:
0x10f: {  	s1 =	sadd.s32 @p0 $0x10, s1  }
0x110: {  	s0 =	smov.u32 @p0 s1  }
0x111: {  	v16 =	vor.u32 s0, v1  }
0x112: {  	v17 =	vshra.s32 v15, $0x15;
	vm0 =	vlt.s32 v16, v14  }
0x113: {  	(xrf1) =	vunique.msk.u32 vm0, v17;
	_ =	sdelay $0x4  }
0x114: {  	v14 =	vnsel vm0, $0x0, v17;
	_ =	sdelay $0x4  }
0x115: {  	v62 =	vld.idx.msk [tilespmem:v14+s19+$0x0], $0xffff;
	_ =	sdelay $0x3  }
0x116: {  	_, v63, vm1 =	vpop (xrf1)  }
0x117: {  	v16 =	vadd.s32 v62, v63  }
0x118: {  	v17 =	vadd.s32 $0xFFFFFFFF, v16  }
0x119: {  	vm1 =	vmand vm0, vm1;
	v17 =	vnsel vm0, $0x0, v17;
	_ =	sdelay $0x4  }
0x11a: {  	[tilespmem:v17+s20+$0x0] =	vst.idx.msk vm0, v15  }
0x11b: {  	[tilespmem:v14+s19+$0x0] =	vst.idx.msk vm1, v16  }
.LBB2_22:
0x11c: {  	p0 =	sgt.s32 s30, $0x0  }
.Ltmp14:
0x11d: {  	_ = 	snop;
	(pc) =	sbr.rel @p0 .LBB2_23-.Ltmp14, $4  }
.Ltmp15:
0x11e: {  	_ = 	snop;
	(pc) =	sbr.rel @!p0 .LBB2_55-.Ltmp15, $4  }
0x11f: {  	_ = 	snop  }
0x120: {  	_ = 	snop  }
0x121: {  	s2 =	simm.s32 $0x0;
	s0 =	simm.s32 $0x0  }
0x122: {  	_ = 	snop  }
.LBB2_49:
0x123: {  	_ = 	snop  }
.LBB2_52:
0x124: {  	_ = 	snop  }
0x125: {  	p0 =	por p2, !p0  }
0x126: {  	[sflag:s13] =	ssyncset.done @!p0 $0x0  }
0x127: {  	[sflag:s13] =	ssyncadd.s32 @!p0 $0xFFFFC000  }
0x128: {  	v14 =	vld.idx.msk [tilespmem:v14+s20+$0x0], $0xffff;
	_ =	sdelay $0x4  }
0x129: {  	(v2sf) =	vpush v14, $0x0;
	_ =	sdelay $0xe  }
0x12a: {  	s4 =	spop (v2sf)  }
0x12b: {  	s7 =	sand.u32 $0x7F, s4  }
0x12c: {  	v14 =	vor.u32 s7, v4;
	_ =	sdelay $0x2  }
0x12d: {  	v15 =	vmov s2  }
0x12e: {  	v16 =	vshll.u32 v15, $0x7  }
0x12f: {  	v17 =	vor.u32 v1, v16;
	v14 =	vld.idx.msk [tilespmem:v14+s18+$0x0], $0xffff  }
0x130: {  	v18 =	vor.u32 s7, v8;
	_ =	sdelay $0x3  }
0x131: {  	[tilespmem:v17+s22+$0x0] =	vst.idx.msk $0xffff, v14  }
0x132: {  	v59 =	vor.u32 v9, v16;
	v14 =	vld.idx.msk [tilespmem:v18+s18+$0x0], $0xffff  }
0x133: {  	v60 =	vor.u32 s7, v10;
	_ =	sdelay $0x3  }
0x134: {  	[tilespmem:v59+s22+$0x0] =	vst.idx.msk $0xffff, v14  }
0x135: {  	v61 =	vor.u32 v11, v16;
	v14 =	vld.idx.msk [tilespmem:v60+s18+$0x0], $0xffff  }
0x136: {  	v62 =	vor.u32 s7, v12;
	_ =	sdelay $0x3  }
0x137: {  	[tilespmem:v61+s22+$0x0] =	vst.idx.msk $0xffff, v14  }
0x138: {  	v16 =	vor.u32 v13, v16;
	v14 =	vld.idx.msk [tilespmem:v62+s18+$0x0], $0xffff;
	_ =	sdelay $0x2  }
0x139: {  	s2 =	sadd.s32 $0x1, s2;
	s4 =	sshrl.u32 s4, $0x7  }
0x13a: {  	p0 =	sne.s32 s2, $0x80;
	s4 =	sand.u32 $0x3FFF, s4  }
0x13b: {  	s8 =	simm.s32 @!p0 $0x16700;
	v63 =	vmov s4;
	[tilespmem:v16+s22+$0x0] =	vst.idx.msk $0xffff, v14  }
0x13c: {  	s12 =	simm.s32 @!p0 $0x6;
	s7 =	simm.s32 @!p0 $0x1A700;
	s4 =	simm.s32 @!p0 $0x80;
	[tilespmem:v15+s23+$0x0] =	vst.idx.msk $0x1, v63  }
0x13d: {  	[hbm4b:s6+s4] =	stream.indirect.scatter @!p0 [tilespmem:s8], [sflag:$0x6], $0x80, s7, s4, $0xb8;
	[tilespmem:$0x1A780] =	vst v63  }
0x13e: {  	_ =	swait.ge @!p0 [sflag:s12], $0x4000  }
0x13f: {  	p1 =	seq.s32 s2, $0x80;
	[sflag:s12] =	ssyncset.done @!p0 $0x0  }
0x140: {  	s2 =	simm.s32 @p1 $0x0;
	[sflag:s12] =	ssyncadd.s32 @!p0 $0xFFFFC000  }
.LBB2_53:
0x141: {  	s1 =	sadd.s32 $0x9, s1  }
0x142: {  	p0 =	sge.s32 s1, s31  }
0x143: {  	v14 =	vmov @!p0 s1;
	_ =	sdelay $0x3  }
0x144: {  	s1 =	simm.s32 @!p0 $0xC580  }
0x145: {  	v14 =	vld.idx.msk @!p0 [tilespmem:v14+s1+$0x0], $0xffff;
	_ =	sdelay $0x4  }
0x146: {  	(v2sf) =	vpush @!p0 v14, $0x0;
	_ =	sdelay $0xe  }
0x147: {  	s1 =	spop @!p0 (v2sf)  }
0x148: {  	s1 =	sadd.s32 @!p0 s5, s1  }
0x149: {  	s1 =	sshll.u32 @!p0 s1, $0x7  }
0x14a: {  	s0 =	sadd.s32 $0x1, s0;
	s4 =	simm.s32 @!p0 $0x400;
	s1 =	sand.u32 @!p0 $0x1FFFFF80, s1  }
0x14b: {  	s7 =	simm.s32 @!p0 $0x7A1400;
	s8 =	simm.s32 @!p0 $0x14700;
	s1 =	sadd.s32 @!p0 s3, s1  }
0x14c: {  	[tilespmem:s8], [sflag:$0x5] =	stream.strided.gather @!p0 [hbm4b:s1+s4], $0x2000, s7, s4, $0x38;
	[tilespmem:$0x1A780] =	vst v63  }
0x14d: {  	p0 =	sne.s32 s0, s30  }
.Ltmp16:
0x14e: {  	_ = 	snop;
	(pc) =	sbr.rel @!p0 .LBB2_54-.Ltmp16, $1  }
0x14f: {  	_ =	sdelay $0x3  }
.LBB2_23:
0x150: {  	s1 =	smul.u32 $0x5, s0;
	_ =	sdelay $0x1  }
0x151: {  	v14 =	vmov s1;
	_ =	sdelay $0x1  }
0x152: {  	_ =	swait.ge [sflag:s10], $0x2000  }
0x153: {  	[sflag:s10] =	ssyncset.done $0x0  }
0x154: {  	[sflag:s10] =	ssyncadd.s32 $0xFFFFE000  }
0x155: {  	v14 =	vld.idx.msk [tilespmem:v14+s11+$0x0], $0xffff;
	_ =	sdelay $0x4  }
0x156: {  	v14 =	vbroadcast v14, $0x0;
	_ =	sdelay $0x5  }
0x157: {  	v15 =	vld.idx.msk [tilespmem:v14+s21+$0x0], $0xffff  }
0x158: {  	v14 =	vld.idx.msk [tilespmem:v14+s19+$0x0], $0xffff;
	_ =	sdelay $0x3  }
0x159: {  	(v2sf) =	vpush v15, $0x0  }
0x15a: {  	(v2sf) =	vpush v14, $0x0;
	_ =	sdelay $0xd  }
0x15b: {  	s8 =	spop (v2sf)  }
0x15c: {  	s7 =	spop (v2sf)  }
0x15d: {  	p0 =	sge.s32 s8, s7  }
.Ltmp17:
0x15e: {  	_ = 	snop;
	(pc) =	sbr.rel @p0 .LBB2_29-.Ltmp17, $1  }
0x15f: {  	_ =	sdelay $0x3  }
0x160: {  	s12 =	sadd.s32 $0x1, s8  }
0x161: {  	p1 =	sne.s32 s7, s12  }
.Ltmp18:
0x162: {  	_ = 	snop;
	(pc) =	sbr.rel @!p1 .LBB2_25-.Ltmp18, $2  }
0x163: {  	_ =	sdelay $0x2  }
0x164: {  	v14 =	vmov s8;
	p0 =	por $0x0, $0x0  }
0x165: {  	_ =	sdelay $0x3  }
0x166: {  	v14 =	vld.idx.msk [tilespmem:v14+s20+$0x0], $0xffff;
	_ =	sdelay $0x4  }
0x167: {  	(v2sf) =	vpush v14, $0x0;
	_ =	sdelay $0xe  }
0x168: {  	s8 =	spop (v2sf)  }
0x169: {  	s13 =	sand.u32 $0x7F, s8  }
0x16a: {  	v14 =	vor.u32 s13, v4;
	_ =	sdelay $0x2  }
0x16b: {  	v15 =	vmov s2  }
0x16c: {  	v16 =	vshll.u32 v15, $0x7  }
0x16d: {  	v17 =	vor.u32 v1, v16;
	v14 =	vld.idx.msk [tilespmem:v14+s14+$0x0], $0xffff  }
0x16e: {  	v18 =	vor.u32 s13, v8;
	_ =	sdelay $0x3  }
0x16f: {  	[tilespmem:v17+s22+$0x0] =	vst.idx.msk $0xffff, v14  }
0x170: {  	v59 =	vor.u32 v9, v16;
	v14 =	vld.idx.msk [tilespmem:v18+s14+$0x0], $0xffff  }
0x171: {  	v60 =	vor.u32 s13, v10;
	_ =	sdelay $0x3  }
0x172: {  	[tilespmem:v59+s22+$0x0] =	vst.idx.msk $0xffff, v14  }
0x173: {  	v61 =	vor.u32 v11, v16;
	v14 =	vld.idx.msk [tilespmem:v60+s14+$0x0], $0xffff  }
0x174: {  	v62 =	vor.u32 s13, v12;
	_ =	sdelay $0x3  }
0x175: {  	[tilespmem:v61+s22+$0x0] =	vst.idx.msk $0xffff, v14  }
0x176: {  	v16 =	vor.u32 v13, v16;
	v14 =	vld.idx.msk [tilespmem:v62+s14+$0x0], $0xffff;
	_ =	sdelay $0x1  }
0x177: {  	s8 =	sshrl.u32 s8, $0x7  }
0x178: {  	s29 =	sand.u32 $0x3FFF, s8;
	s8 =	sadd.s32 $0x1, s12  }
0x179: {  	s2 =	sadd.s32 $0x1, s2;
	p1 =	sne.s32 s7, s8  }
.Ltmp19:
0x17a: {  	p2 =	sne.s32 s2, $0x80;
	v63 =	vmov s29;
	[tilespmem:v16+s22+$0x0] =	vst.idx.msk $0xffff, v14;
	(pc) =	sbr.rel @!p1 .LBB2_28-.Ltmp19, $4  }
0x17b: {  	s4 =	simm.s32 @!p2 $0x1A700;
	s13 =	simm.s32 @!p2 $0x80;
	s29 =	simm.s32 @!p2 $0x16700;
	[tilespmem:v15+s23+$0x0] =	vst.idx.msk $0x1, v63  }
0x17c: {  	v14 =	vmov s12;
	[hbm4b:s6+s13] =	stream.indirect.scatter @!p2 [tilespmem:s29], [sflag:$0x6], $0x80, s4, s13, $0xb8;
	[tilespmem:$0x1A780] =	vst v63  }
0x17d: {  	p0 =	seq.s32 s2, $0x80;
	s13 =	simm.s32 @!p2 $0x6  }
0x17e: {  	s2 =	simm.s32 @p0 $0x0;
	p0 =	por $0x1, $0x1;
	_ =	swait.ge @!p2 [sflag:s13], $0x4000  }
.LBB2_27:
0x17f: {  	[sflag:s13] =	ssyncset.done @!p2 $0x0;
	s12 =	smov.u32 s8;
	s8 =	sadd.s32 $0x1, s8  }
0x180: {  	p1 =	sne.s32 s7, s8;
	[sflag:s13] =	ssyncadd.s32 @!p2 $0xFFFFC000  }
0x181: {  	v14 =	vld.idx.msk [tilespmem:v14+s20+$0x0], $0xffff;
	_ =	sdelay $0x5  }
0x182: {  	(v2sf) =	vpush v14, $0x0;
	_ =	sdelay $0xe  }
0x183: {  	s4 =	spop (v2sf)  }
0x184: {  	s13 =	sand.u32 $0x7F, s4;
	s4 =	sshrl.u32 s4, $0x7  }
0x185: {  	v14 =	vor.u32 s13, v4;
	_ =	sdelay $0x2  }
0x186: {  	v15 =	vmov s2  }
0x187: {  	v16 =	vshll.u32 v15, $0x7  }
0x188: {  	v17 =	vor.u32 v1, v16;
	v14 =	vld.idx.msk [tilespmem:v14+s14+$0x0], $0xffff  }
0x189: {  	v18 =	vor.u32 s13, v8;
	_ =	sdelay $0x4  }
0x18a: {  	[tilespmem:v17+s22+$0x0] =	vst.idx.msk $0xffff, v14  }
0x18b: {  	v17 =	vor.u32 v9, v16;
	v14 =	vld.idx.msk [tilespmem:v18+s14+$0x0], $0xffff  }
0x18c: {  	v18 =	vor.u32 s13, v10;
	_ =	sdelay $0x4  }
0x18d: {  	[tilespmem:v17+s22+$0x0] =	vst.idx.msk $0xffff, v14  }
0x18e: {  	v17 =	vor.u32 v11, v16;
	v14 =	vld.idx.msk [tilespmem:v18+s14+$0x0], $0xffff  }
0x18f: {  	v18 =	vor.u32 s13, v12;
	_ =	sdelay $0x4  }
0x190: {  	[tilespmem:v17+s22+$0x0] =	vst.idx.msk $0xffff, v14  }
0x191: {  	v16 =	vor.u32 v13, v16;
	v17 =	vld.idx.msk [tilespmem:v18+s14+$0x0], $0xffff;
	_ =	sdelay $0x3  }
0x192: {  	s2 =	sadd.s32 $0x1, s2;
	s4 =	sand.u32 $0x3FFF, s4  }
.Ltmp20:
0x193: {  	p2 =	sne.s32 s2, $0x80;
	p3 =	seq.s32 s2, $0x80;
	v18 =	vmov s4;
	(pc) =	sbr.rel @p1 .LBB2_27-.Ltmp20, $4  }
0x194: {  	s29 =	simm.s32 @!p2 $0x16700;
	v14 =	vmov s12;
	s12 =	simm.s32 @!p2 $0x1A700;
	s4 =	simm.s32 @!p2 $0x80;
	[tilespmem:v16+s22+$0x0] =	vst.idx.msk $0xffff, v17  }
0x195: {  	s2 =	simm.s32 @p3 $0x0;
	s13 =	simm.s32 @!p2 $0x6;
	[tilespmem:v15+s23+$0x0] =	vst.idx.msk $0x1, v18  }
0x196: {  	[hbm4b:s6+s4] =	stream.indirect.scatter @!p2 [tilespmem:s29], [sflag:$0x6], $0x80, s12, s4, $0xb8;
	[tilespmem:$0x1A780] =	vst v63  }
0x197: {  	_ =	swait.ge @!p2 [sflag:s13], $0x4000  }
.LBB2_28:
0x198: {  	_ = 	snop  }
0x199: {  	p0 =	por p2, !p0  }
0x19a: {  	[sflag:s13] =	ssyncset.done @!p0 $0x0  }
0x19b: {  	[sflag:s13] =	ssyncadd.s32 @!p0 $0xFFFFC000  }
0x19c: {  	v14 =	vld.idx.msk [tilespmem:v14+s20+$0x0], $0xffff;
	_ =	sdelay $0x4  }
0x19d: {  	(v2sf) =	vpush v14, $0x0;
	_ =	sdelay $0xe  }
0x19e: {  	s4 =	spop (v2sf)  }
0x19f: {  	s7 =	sand.u32 $0x7F, s4  }
0x1a0: {  	v14 =	vor.u32 s7, v4;
	_ =	sdelay $0x2  }
0x1a1: {  	v15 =	vmov s2  }
0x1a2: {  	v16 =	vshll.u32 v15, $0x7  }
0x1a3: {  	v17 =	vor.u32 v1, v16;
	v14 =	vld.idx.msk [tilespmem:v14+s14+$0x0], $0xffff  }
0x1a4: {  	v18 =	vor.u32 s7, v8;
	_ =	sdelay $0x3  }
0x1a5: {  	[tilespmem:v17+s22+$0x0] =	vst.idx.msk $0xffff, v14  }
0x1a6: {  	v59 =	vor.u32 v9, v16;
	v14 =	vld.idx.msk [tilespmem:v18+s14+$0x0], $0xffff  }
0x1a7: {  	v60 =	vor.u32 s7, v10;
	_ =	sdelay $0x3  }
0x1a8: {  	[tilespmem:v59+s22+$0x0] =	vst.idx.msk $0xffff, v14  }
0x1a9: {  	v61 =	vor.u32 v11, v16;
	v14 =	vld.idx.msk [tilespmem:v60+s14+$0x0], $0xffff  }
0x1aa: {  	v62 =	vor.u32 s7, v12;
	_ =	sdelay $0x3  }
0x1ab: {  	[tilespmem:v61+s22+$0x0] =	vst.idx.msk $0xffff, v14  }
0x1ac: {  	v16 =	vor.u32 v13, v16;
	v14 =	vld.idx.msk [tilespmem:v62+s14+$0x0], $0xffff;
	_ =	sdelay $0x2  }
0x1ad: {  	s2 =	sadd.s32 $0x1, s2;
	s4 =	sshrl.u32 s4, $0x7  }
0x1ae: {  	p0 =	sne.s32 s2, $0x80;
	s4 =	sand.u32 $0x3FFF, s4  }
0x1af: {  	s8 =	simm.s32 @!p0 $0x16700;
	v63 =	vmov s4;
	[tilespmem:v16+s22+$0x0] =	vst.idx.msk $0xffff, v14  }
0x1b0: {  	s12 =	simm.s32 @!p0 $0x6;
	s7 =	simm.s32 @!p0 $0x1A700;
	s4 =	simm.s32 @!p0 $0x80;
	[tilespmem:v15+s23+$0x0] =	vst.idx.msk $0x1, v63  }
0x1b1: {  	[hbm4b:s6+s4] =	stream.indirect.scatter @!p0 [tilespmem:s8], [sflag:$0x6], $0x80, s7, s4, $0xb8;
	[tilespmem:$0x1A780] =	vst v63  }
0x1b2: {  	_ =	swait.ge @!p0 [sflag:s12], $0x4000  }
0x1b3: {  	p1 =	seq.s32 s2, $0x80;
	[sflag:s12] =	ssyncset.done @!p0 $0x0  }
0x1b4: {  	s2 =	simm.s32 @p1 $0x0;
	[sflag:s12] =	ssyncadd.s32 @!p0 $0xFFFFC000  }
.LBB2_29:
0x1b5: {  	s4 =	sadd.s32 $0x5, s1  }
0x1b6: {  	p0 =	sge.s32 s4, s31  }
0x1b7: {  	v14 =	vmov @!p0 s4;
	_ =	sdelay $0x3  }
0x1b8: {  	s4 =	simm.s32 @!p0 $0xC580  }
0x1b9: {  	v14 =	vld.idx.msk @!p0 [tilespmem:v14+s4+$0x0], $0xffff;
	_ =	sdelay $0x4  }
0x1ba: {  	(v2sf) =	vpush @!p0 v14, $0x0;
	_ =	sdelay $0xe  }
0x1bb: {  	s4 =	spop @!p0 (v2sf)  }
0x1bc: {  	s4 =	sadd.s32 @!p0 s5, s4  }
0x1bd: {  	s4 =	sshll.u32 @!p0 s4, $0x7  }
0x1be: {  	s7 =	sadd.s32 $0x1, s1;
	s8 =	simm.s32 @!p0 $0x400;
	s4 =	sand.u32 @!p0 $0x1FFFFF80, s4  }
0x1bf: {  	s12 =	simm.s32 @!p0 $0x7A1400;
	v14 =	vmov s7;
	s7 =	simm.s32 @!p0 $0xC700;
	s4 =	sadd.s32 @!p0 s3, s4  }
0x1c0: {  	[tilespmem:s7], [sflag:$0x1] =	stream.strided.gather @!p0 [hbm4b:s4+s8], $0x2000, s12, s8, $0x38;
	[tilespmem:$0x1A780] =	vst v63  }
0x1c1: {  	_ =	swait.ge [sflag:s24], $0x2000  }
0x1c2: {  	[sflag:s24] =	ssyncset.done $0x0  }
0x1c3: {  	[sflag:s24] =	ssyncadd.s32 $0xFFFFE000  }
0x1c4: {  	v14 =	vld.idx.msk [tilespmem:v14+s11+$0x0], $0xffff;
	_ =	sdelay $0x4  }
0x1c5: {  	v14 =	vbroadcast v14, $0x0;
	_ =	sdelay $0x5  }
0x1c6: {  	v15 =	vld.idx.msk [tilespmem:v14+s21+$0x0], $0xffff  }
0x1c7: {  	v14 =	vld.idx.msk [tilespmem:v14+s19+$0x0], $0xffff;
	_ =	sdelay $0x3  }
0x1c8: {  	(v2sf) =	vpush v15, $0x0  }
0x1c9: {  	(v2sf) =	vpush v14, $0x0;
	_ =	sdelay $0xd  }
0x1ca: {  	s8 =	spop (v2sf)  }
0x1cb: {  	s7 =	spop (v2sf)  }
0x1cc: {  	p0 =	sge.s32 s8, s7  }
.Ltmp21:
0x1cd: {  	_ = 	snop;
	(pc) =	sbr.rel @p0 .LBB2_35-.Ltmp21, $1  }
0x1ce: {  	_ =	sdelay $0x3  }
0x1cf: {  	s12 =	sadd.s32 $0x1, s8  }
0x1d0: {  	p1 =	sne.s32 s7, s12  }
.Ltmp22:
0x1d1: {  	_ = 	snop;
	(pc) =	sbr.rel @!p1 .LBB2_31-.Ltmp22, $2  }
0x1d2: {  	_ =	sdelay $0x2  }
0x1d3: {  	v14 =	vmov s8;
	p0 =	por $0x0, $0x0  }
0x1d4: {  	_ =	sdelay $0x3  }
0x1d5: {  	v14 =	vld.idx.msk [tilespmem:v14+s20+$0x0], $0xffff;
	_ =	sdelay $0x4  }
0x1d6: {  	(v2sf) =	vpush v14, $0x0;
	_ =	sdelay $0xe  }
0x1d7: {  	s4 =	spop (v2sf)  }
0x1d8: {  	s8 =	sand.u32 $0x7F, s4  }
0x1d9: {  	v14 =	vor.u32 s8, v4;
	_ =	sdelay $0x2  }
0x1da: {  	v15 =	vmov s2  }
0x1db: {  	v16 =	vshll.u32 v15, $0x7  }
0x1dc: {  	v17 =	vor.u32 v1, v16;
	v14 =	vld.idx.msk [tilespmem:v14+s15+$0x0], $0xffff  }
0x1dd: {  	v18 =	vor.u32 s8, v8;
	_ =	sdelay $0x3  }
0x1de: {  	[tilespmem:v17+s22+$0x0] =	vst.idx.msk $0xffff, v14  }
0x1df: {  	v59 =	vor.u32 v9, v16;
	v14 =	vld.idx.msk [tilespmem:v18+s15+$0x0], $0xffff  }
0x1e0: {  	v60 =	vor.u32 s8, v10;
	_ =	sdelay $0x3  }
0x1e1: {  	[tilespmem:v59+s22+$0x0] =	vst.idx.msk $0xffff, v14  }
0x1e2: {  	v61 =	vor.u32 v11, v16;
	v14 =	vld.idx.msk [tilespmem:v60+s15+$0x0], $0xffff  }
0x1e3: {  	v62 =	vor.u32 s8, v12;
	_ =	sdelay $0x3  }
0x1e4: {  	[tilespmem:v61+s22+$0x0] =	vst.idx.msk $0xffff, v14  }
0x1e5: {  	v16 =	vor.u32 v13, v16;
	v14 =	vld.idx.msk [tilespmem:v62+s15+$0x0], $0xffff;
	_ =	sdelay $0x2  }
0x1e6: {  	s4 =	sshrl.u32 s4, $0x7;
	s8 =	sadd.s32 $0x1, s12  }
0x1e7: {  	s2 =	sadd.s32 $0x1, s2;
	s4 =	sand.u32 $0x3FFF, s4;
	p1 =	sne.s32 s7, s8  }
.Ltmp23:
0x1e8: {  	p2 =	sne.s32 s2, $0x80;
	v63 =	vmov s4;
	[tilespmem:v16+s22+$0x0] =	vst.idx.msk $0xffff, v14;
	(pc) =	sbr.rel @!p1 .LBB2_34-.Ltmp23, $4  }
0x1e9: {  	s13 =	simm.s32 @!p2 $0x1A700;
	s29 =	simm.s32 @!p2 $0x16700;
	s4 =	simm.s32 @!p2 $0x80;
	[tilespmem:v15+s23+$0x0] =	vst.idx.msk $0x1, v63  }
0x1ea: {  	v14 =	vmov s12;
	[hbm4b:s6+s4] =	stream.indirect.scatter @!p2 [tilespmem:s29], [sflag:$0x6], $0x80, s13, s4, $0xb8;
	[tilespmem:$0x1A780] =	vst v63  }
0x1eb: {  	p0 =	seq.s32 s2, $0x80;
	s13 =	simm.s32 @!p2 $0x6  }
0x1ec: {  	s2 =	simm.s32 @p0 $0x0;
	p0 =	por $0x1, $0x1;
	_ =	swait.ge @!p2 [sflag:s13], $0x4000  }
.LBB2_33:
0x1ed: {  	[sflag:s13] =	ssyncset.done @!p2 $0x0;
	s12 =	smov.u32 s8;
	s8 =	sadd.s32 $0x1, s8  }
0x1ee: {  	p1 =	sne.s32 s7, s8;
	[sflag:s13] =	ssyncadd.s32 @!p2 $0xFFFFC000  }
0x1ef: {  	v14 =	vld.idx.msk [tilespmem:v14+s20+$0x0], $0xffff;
	_ =	sdelay $0x5  }
0x1f0: {  	(v2sf) =	vpush v14, $0x0;
	_ =	sdelay $0xe  }
0x1f1: {  	s4 =	spop (v2sf)  }
0x1f2: {  	s13 =	sand.u32 $0x7F, s4;
	s4 =	sshrl.u32 s4, $0x7  }
0x1f3: {  	v14 =	vor.u32 s13, v4;
	_ =	sdelay $0x2  }
0x1f4: {  	v15 =	vmov s2  }
0x1f5: {  	v16 =	vshll.u32 v15, $0x7  }
0x1f6: {  	v17 =	vor.u32 v1, v16;
	v14 =	vld.idx.msk [tilespmem:v14+s15+$0x0], $0xffff  }
0x1f7: {  	v18 =	vor.u32 s13, v8;
	_ =	sdelay $0x4  }
0x1f8: {  	[tilespmem:v17+s22+$0x0] =	vst.idx.msk $0xffff, v14  }
0x1f9: {  	v17 =	vor.u32 v9, v16;
	v14 =	vld.idx.msk [tilespmem:v18+s15+$0x0], $0xffff  }
0x1fa: {  	v18 =	vor.u32 s13, v10;
	_ =	sdelay $0x4  }
0x1fb: {  	[tilespmem:v17+s22+$0x0] =	vst.idx.msk $0xffff, v14  }
0x1fc: {  	v17 =	vor.u32 v11, v16;
	v14 =	vld.idx.msk [tilespmem:v18+s15+$0x0], $0xffff  }
0x1fd: {  	v18 =	vor.u32 s13, v12;
	_ =	sdelay $0x4  }
0x1fe: {  	[tilespmem:v17+s22+$0x0] =	vst.idx.msk $0xffff, v14  }
0x1ff: {  	v16 =	vor.u32 v13, v16;
	v17 =	vld.idx.msk [tilespmem:v18+s15+$0x0], $0xffff;
	_ =	sdelay $0x3  }
0x200: {  	s2 =	sadd.s32 $0x1, s2;
	s4 =	sand.u32 $0x3FFF, s4  }
.Ltmp24:
0x201: {  	p2 =	sne.s32 s2, $0x80;
	p3 =	seq.s32 s2, $0x80;
	v18 =	vmov s4;
	(pc) =	sbr.rel @p1 .LBB2_33-.Ltmp24, $4  }
0x202: {  	s29 =	simm.s32 @!p2 $0x16700;
	v14 =	vmov s12;
	s12 =	simm.s32 @!p2 $0x1A700;
	s4 =	simm.s32 @!p2 $0x80;
	[tilespmem:v16+s22+$0x0] =	vst.idx.msk $0xffff, v17  }
0x203: {  	s2 =	simm.s32 @p3 $0x0;
	s13 =	simm.s32 @!p2 $0x6;
	[tilespmem:v15+s23+$0x0] =	vst.idx.msk $0x1, v18  }
0x204: {  	[hbm4b:s6+s4] =	stream.indirect.scatter @!p2 [tilespmem:s29], [sflag:$0x6], $0x80, s12, s4, $0xb8;
	[tilespmem:$0x1A780] =	vst v63  }
0x205: {  	_ =	swait.ge @!p2 [sflag:s13], $0x4000  }
.LBB2_34:
0x206: {  	_ = 	snop  }
0x207: {  	p0 =	por p2, !p0  }
0x208: {  	[sflag:s13] =	ssyncset.done @!p0 $0x0  }
0x209: {  	[sflag:s13] =	ssyncadd.s32 @!p0 $0xFFFFC000  }
0x20a: {  	v14 =	vld.idx.msk [tilespmem:v14+s20+$0x0], $0xffff;
	_ =	sdelay $0x4  }
0x20b: {  	(v2sf) =	vpush v14, $0x0;
	_ =	sdelay $0xe  }
0x20c: {  	s4 =	spop (v2sf)  }
0x20d: {  	s7 =	sand.u32 $0x7F, s4  }
0x20e: {  	v14 =	vor.u32 s7, v4;
	_ =	sdelay $0x2  }
0x20f: {  	v15 =	vmov s2  }
0x210: {  	v16 =	vshll.u32 v15, $0x7  }
0x211: {  	v17 =	vor.u32 v1, v16;
	v14 =	vld.idx.msk [tilespmem:v14+s15+$0x0], $0xffff  }
0x212: {  	v18 =	vor.u32 s7, v8;
	_ =	sdelay $0x3  }
0x213: {  	[tilespmem:v17+s22+$0x0] =	vst.idx.msk $0xffff, v14  }
0x214: {  	v59 =	vor.u32 v9, v16;
	v14 =	vld.idx.msk [tilespmem:v18+s15+$0x0], $0xffff  }
0x215: {  	v60 =	vor.u32 s7, v10;
	_ =	sdelay $0x3  }
0x216: {  	[tilespmem:v59+s22+$0x0] =	vst.idx.msk $0xffff, v14  }
0x217: {  	v61 =	vor.u32 v11, v16;
	v14 =	vld.idx.msk [tilespmem:v60+s15+$0x0], $0xffff  }
0x218: {  	v62 =	vor.u32 s7, v12;
	_ =	sdelay $0x3  }
0x219: {  	[tilespmem:v61+s22+$0x0] =	vst.idx.msk $0xffff, v14  }
0x21a: {  	v16 =	vor.u32 v13, v16;
	v14 =	vld.idx.msk [tilespmem:v62+s15+$0x0], $0xffff;
	_ =	sdelay $0x2  }
0x21b: {  	s2 =	sadd.s32 $0x1, s2;
	s4 =	sshrl.u32 s4, $0x7  }
0x21c: {  	p0 =	sne.s32 s2, $0x80;
	s4 =	sand.u32 $0x3FFF, s4  }
0x21d: {  	s8 =	simm.s32 @!p0 $0x16700;
	v63 =	vmov s4;
	[tilespmem:v16+s22+$0x0] =	vst.idx.msk $0xffff, v14  }
0x21e: {  	s12 =	simm.s32 @!p0 $0x6;
	s7 =	simm.s32 @!p0 $0x1A700;
	s4 =	simm.s32 @!p0 $0x80;
	[tilespmem:v15+s23+$0x0] =	vst.idx.msk $0x1, v63  }
0x21f: {  	[hbm4b:s6+s4] =	stream.indirect.scatter @!p0 [tilespmem:s8], [sflag:$0x6], $0x80, s7, s4, $0xb8;
	[tilespmem:$0x1A780] =	vst v63  }
0x220: {  	_ =	swait.ge @!p0 [sflag:s12], $0x4000  }
0x221: {  	p1 =	seq.s32 s2, $0x80;
	[sflag:s12] =	ssyncset.done @!p0 $0x0  }
0x222: {  	s2 =	simm.s32 @p1 $0x0;
	[sflag:s12] =	ssyncadd.s32 @!p0 $0xFFFFC000  }
.LBB2_35:
0x223: {  	s4 =	sadd.s32 $0x6, s1  }
0x224: {  	p0 =	sge.s32 s4, s31  }
0x225: {  	v14 =	vmov @!p0 s4;
	_ =	sdelay $0x3  }
0x226: {  	s4 =	simm.s32 @!p0 $0xC580  }
0x227: {  	v14 =	vld.idx.msk @!p0 [tilespmem:v14+s4+$0x0], $0xffff;
	_ =	sdelay $0x4  }
0x228: {  	(v2sf) =	vpush @!p0 v14, $0x0;
	_ =	sdelay $0xe  }
0x229: {  	s4 =	spop @!p0 (v2sf)  }
0x22a: {  	s4 =	sadd.s32 @!p0 s5, s4  }
0x22b: {  	s4 =	sshll.u32 @!p0 s4, $0x7  }
0x22c: {  	s7 =	sadd.s32 $0x2, s1;
	s8 =	simm.s32 @!p0 $0x400;
	s4 =	sand.u32 @!p0 $0x1FFFFF80, s4  }
0x22d: {  	s12 =	simm.s32 @!p0 $0x7A1400;
	v14 =	vmov s7;
	s7 =	simm.s32 @!p0 $0xE700;
	s4 =	sadd.s32 @!p0 s3, s4  }
0x22e: {  	[tilespmem:s7], [sflag:$0x2] =	stream.strided.gather @!p0 [hbm4b:s4+s8], $0x2000, s12, s8, $0x38;
	[tilespmem:$0x1A780] =	vst v63  }
0x22f: {  	_ =	swait.ge [sflag:s25], $0x2000  }
0x230: {  	[sflag:s25] =	ssyncset.done $0x0  }
0x231: {  	[sflag:s25] =	ssyncadd.s32 $0xFFFFE000  }
0x232: {  	v14 =	vld.idx.msk [tilespmem:v14+s11+$0x0], $0xffff;
	_ =	sdelay $0x4  }
0x233: {  	v14 =	vbroadcast v14, $0x0;
	_ =	sdelay $0x5  }
0x234: {  	v15 =	vld.idx.msk [tilespmem:v14+s21+$0x0], $0xffff  }
0x235: {  	v14 =	vld.idx.msk [tilespmem:v14+s19+$0x0], $0xffff;
	_ =	sdelay $0x3  }
0x236: {  	(v2sf) =	vpush v15, $0x0  }
0x237: {  	(v2sf) =	vpush v14, $0x0;
	_ =	sdelay $0xd  }
0x238: {  	s8 =	spop (v2sf)  }
0x239: {  	s7 =	spop (v2sf)  }
0x23a: {  	p0 =	sge.s32 s8, s7  }
.Ltmp25:
0x23b: {  	_ = 	snop;
	(pc) =	sbr.rel @p0 .LBB2_41-.Ltmp25, $1  }
0x23c: {  	_ =	sdelay $0x3  }
0x23d: {  	s12 =	sadd.s32 $0x1, s8  }
0x23e: {  	p1 =	sne.s32 s7, s12  }
.Ltmp26:
0x23f: {  	_ = 	snop;
	(pc) =	sbr.rel @!p1 .LBB2_37-.Ltmp26, $2  }
0x240: {  	_ =	sdelay $0x2  }
0x241: {  	v14 =	vmov s8;
	p0 =	por $0x0, $0x0  }
0x242: {  	_ =	sdelay $0x3  }
0x243: {  	v14 =	vld.idx.msk [tilespmem:v14+s20+$0x0], $0xffff;
	_ =	sdelay $0x4  }
0x244: {  	(v2sf) =	vpush v14, $0x0;
	_ =	sdelay $0xe  }
0x245: {  	s4 =	spop (v2sf)  }
0x246: {  	s8 =	sand.u32 $0x7F, s4  }
0x247: {  	v14 =	vor.u32 s8, v4;
	_ =	sdelay $0x2  }
0x248: {  	v15 =	vmov s2  }
0x249: {  	v16 =	vshll.u32 v15, $0x7  }
0x24a: {  	v17 =	vor.u32 v1, v16;
	v14 =	vld.idx.msk [tilespmem:v14+s16+$0x0], $0xffff  }
0x24b: {  	v18 =	vor.u32 s8, v8;
	_ =	sdelay $0x3  }
0x24c: {  	[tilespmem:v17+s22+$0x0] =	vst.idx.msk $0xffff, v14  }
0x24d: {  	v59 =	vor.u32 v9, v16;
	v14 =	vld.idx.msk [tilespmem:v18+s16+$0x0], $0xffff  }
0x24e: {  	v60 =	vor.u32 s8, v10;
	_ =	sdelay $0x3  }
0x24f: {  	[tilespmem:v59+s22+$0x0] =	vst.idx.msk $0xffff, v14  }
0x250: {  	v61 =	vor.u32 v11, v16;
	v14 =	vld.idx.msk [tilespmem:v60+s16+$0x0], $0xffff  }
0x251: {  	v62 =	vor.u32 s8, v12;
	_ =	sdelay $0x3  }
0x252: {  	[tilespmem:v61+s22+$0x0] =	vst.idx.msk $0xffff, v14  }
0x253: {  	v16 =	vor.u32 v13, v16;
	v14 =	vld.idx.msk [tilespmem:v62+s16+$0x0], $0xffff;
	_ =	sdelay $0x2  }
0x254: {  	s4 =	sshrl.u32 s4, $0x7;
	s8 =	sadd.s32 $0x1, s12  }
0x255: {  	s2 =	sadd.s32 $0x1, s2;
	s4 =	sand.u32 $0x3FFF, s4;
	p1 =	sne.s32 s7, s8  }
.Ltmp27:
0x256: {  	p2 =	sne.s32 s2, $0x80;
	v63 =	vmov s4;
	[tilespmem:v16+s22+$0x0] =	vst.idx.msk $0xffff, v14;
	(pc) =	sbr.rel @!p1 .LBB2_40-.Ltmp27, $4  }
0x257: {  	s13 =	simm.s32 @!p2 $0x1A700;
	s29 =	simm.s32 @!p2 $0x16700;
	s4 =	simm.s32 @!p2 $0x80;
	[tilespmem:v15+s23+$0x0] =	vst.idx.msk $0x1, v63  }
0x258: {  	v14 =	vmov s12;
	[hbm4b:s6+s4] =	stream.indirect.scatter @!p2 [tilespmem:s29], [sflag:$0x6], $0x80, s13, s4, $0xb8;
	[tilespmem:$0x1A780] =	vst v63  }
0x259: {  	p0 =	seq.s32 s2, $0x80;
	s13 =	simm.s32 @!p2 $0x6  }
0x25a: {  	s2 =	simm.s32 @p0 $0x0;
	p0 =	por $0x1, $0x1;
	_ =	swait.ge @!p2 [sflag:s13], $0x4000  }
.LBB2_39:
0x25b: {  	[sflag:s13] =	ssyncset.done @!p2 $0x0;
	s12 =	smov.u32 s8;
	s8 =	sadd.s32 $0x1, s8  }
0x25c: {  	p1 =	sne.s32 s7, s8;
	[sflag:s13] =	ssyncadd.s32 @!p2 $0xFFFFC000  }
0x25d: {  	v14 =	vld.idx.msk [tilespmem:v14+s20+$0x0], $0xffff;
	_ =	sdelay $0x5  }
0x25e: {  	(v2sf) =	vpush v14, $0x0;
	_ =	sdelay $0xe  }
0x25f: {  	s4 =	spop (v2sf)  }
0x260: {  	s13 =	sand.u32 $0x7F, s4;
	s4 =	sshrl.u32 s4, $0x7  }
0x261: {  	v14 =	vor.u32 s13, v4;
	_ =	sdelay $0x2  }
0x262: {  	v15 =	vmov s2  }
0x263: {  	v16 =	vshll.u32 v15, $0x7  }
0x264: {  	v17 =	vor.u32 v1, v16;
	v14 =	vld.idx.msk [tilespmem:v14+s16+$0x0], $0xffff  }
0x265: {  	v18 =	vor.u32 s13, v8;
	_ =	sdelay $0x4  }
0x266: {  	[tilespmem:v17+s22+$0x0] =	vst.idx.msk $0xffff, v14  }
0x267: {  	v17 =	vor.u32 v9, v16;
	v14 =	vld.idx.msk [tilespmem:v18+s16+$0x0], $0xffff  }
0x268: {  	v18 =	vor.u32 s13, v10;
	_ =	sdelay $0x4  }
0x269: {  	[tilespmem:v17+s22+$0x0] =	vst.idx.msk $0xffff, v14  }
0x26a: {  	v17 =	vor.u32 v11, v16;
	v14 =	vld.idx.msk [tilespmem:v18+s16+$0x0], $0xffff  }
0x26b: {  	v18 =	vor.u32 s13, v12;
	_ =	sdelay $0x4  }
0x26c: {  	[tilespmem:v17+s22+$0x0] =	vst.idx.msk $0xffff, v14  }
0x26d: {  	v16 =	vor.u32 v13, v16;
	v17 =	vld.idx.msk [tilespmem:v18+s16+$0x0], $0xffff;
	_ =	sdelay $0x3  }
0x26e: {  	s2 =	sadd.s32 $0x1, s2;
	s4 =	sand.u32 $0x3FFF, s4  }
.Ltmp28:
0x26f: {  	p2 =	sne.s32 s2, $0x80;
	p3 =	seq.s32 s2, $0x80;
	v18 =	vmov s4;
	(pc) =	sbr.rel @p1 .LBB2_39-.Ltmp28, $4  }
0x270: {  	s29 =	simm.s32 @!p2 $0x16700;
	v14 =	vmov s12;
	s12 =	simm.s32 @!p2 $0x1A700;
	s4 =	simm.s32 @!p2 $0x80;
	[tilespmem:v16+s22+$0x0] =	vst.idx.msk $0xffff, v17  }
0x271: {  	s2 =	simm.s32 @p3 $0x0;
	s13 =	simm.s32 @!p2 $0x6;
	[tilespmem:v15+s23+$0x0] =	vst.idx.msk $0x1, v18  }
0x272: {  	[hbm4b:s6+s4] =	stream.indirect.scatter @!p2 [tilespmem:s29], [sflag:$0x6], $0x80, s12, s4, $0xb8;
	[tilespmem:$0x1A780] =	vst v63  }
0x273: {  	_ =	swait.ge @!p2 [sflag:s13], $0x4000  }
.LBB2_40:
0x274: {  	_ = 	snop  }
0x275: {  	p0 =	por p2, !p0  }
0x276: {  	[sflag:s13] =	ssyncset.done @!p0 $0x0  }
0x277: {  	[sflag:s13] =	ssyncadd.s32 @!p0 $0xFFFFC000  }
0x278: {  	v14 =	vld.idx.msk [tilespmem:v14+s20+$0x0], $0xffff;
	_ =	sdelay $0x4  }
0x279: {  	(v2sf) =	vpush v14, $0x0;
	_ =	sdelay $0xe  }
0x27a: {  	s4 =	spop (v2sf)  }
0x27b: {  	s7 =	sand.u32 $0x7F, s4  }
0x27c: {  	v14 =	vor.u32 s7, v4;
	_ =	sdelay $0x2  }
0x27d: {  	v15 =	vmov s2  }
0x27e: {  	v16 =	vshll.u32 v15, $0x7  }
0x27f: {  	v17 =	vor.u32 v1, v16;
	v14 =	vld.idx.msk [tilespmem:v14+s16+$0x0], $0xffff  }
0x280: {  	v18 =	vor.u32 s7, v8;
	_ =	sdelay $0x3  }
0x281: {  	[tilespmem:v17+s22+$0x0] =	vst.idx.msk $0xffff, v14  }
0x282: {  	v59 =	vor.u32 v9, v16;
	v14 =	vld.idx.msk [tilespmem:v18+s16+$0x0], $0xffff  }
0x283: {  	v60 =	vor.u32 s7, v10;
	_ =	sdelay $0x3  }
0x284: {  	[tilespmem:v59+s22+$0x0] =	vst.idx.msk $0xffff, v14  }
0x285: {  	v61 =	vor.u32 v11, v16;
	v14 =	vld.idx.msk [tilespmem:v60+s16+$0x0], $0xffff  }
0x286: {  	v62 =	vor.u32 s7, v12;
	_ =	sdelay $0x3  }
0x287: {  	[tilespmem:v61+s22+$0x0] =	vst.idx.msk $0xffff, v14  }
0x288: {  	v16 =	vor.u32 v13, v16;
	v14 =	vld.idx.msk [tilespmem:v62+s16+$0x0], $0xffff;
	_ =	sdelay $0x2  }
0x289: {  	s2 =	sadd.s32 $0x1, s2;
	s4 =	sshrl.u32 s4, $0x7  }
0x28a: {  	p0 =	sne.s32 s2, $0x80;
	s4 =	sand.u32 $0x3FFF, s4  }
0x28b: {  	s8 =	simm.s32 @!p0 $0x16700;
	v63 =	vmov s4;
	[tilespmem:v16+s22+$0x0] =	vst.idx.msk $0xffff, v14  }
0x28c: {  	s12 =	simm.s32 @!p0 $0x6;
	s7 =	simm.s32 @!p0 $0x1A700;
	s4 =	simm.s32 @!p0 $0x80;
	[tilespmem:v15+s23+$0x0] =	vst.idx.msk $0x1, v63  }
0x28d: {  	[hbm4b:s6+s4] =	stream.indirect.scatter @!p0 [tilespmem:s8], [sflag:$0x6], $0x80, s7, s4, $0xb8;
	[tilespmem:$0x1A780] =	vst v63  }
0x28e: {  	_ =	swait.ge @!p0 [sflag:s12], $0x4000  }
0x28f: {  	p1 =	seq.s32 s2, $0x80;
	[sflag:s12] =	ssyncset.done @!p0 $0x0  }
0x290: {  	s2 =	simm.s32 @p1 $0x0;
	[sflag:s12] =	ssyncadd.s32 @!p0 $0xFFFFC000  }
.LBB2_41:
0x291: {  	s4 =	sadd.s32 $0x7, s1  }
0x292: {  	p0 =	sge.s32 s4, s31  }
0x293: {  	v14 =	vmov @!p0 s4;
	_ =	sdelay $0x3  }
0x294: {  	s4 =	simm.s32 @!p0 $0xC580  }
0x295: {  	v14 =	vld.idx.msk @!p0 [tilespmem:v14+s4+$0x0], $0xffff;
	_ =	sdelay $0x4  }
0x296: {  	(v2sf) =	vpush @!p0 v14, $0x0;
	_ =	sdelay $0xe  }
0x297: {  	s4 =	spop @!p0 (v2sf)  }
0x298: {  	s4 =	sadd.s32 @!p0 s5, s4  }
0x299: {  	s4 =	sshll.u32 @!p0 s4, $0x7  }
0x29a: {  	s7 =	sadd.s32 $0x3, s1;
	s8 =	simm.s32 @!p0 $0x400;
	s4 =	sand.u32 @!p0 $0x1FFFFF80, s4  }
0x29b: {  	s12 =	simm.s32 @!p0 $0x7A1400;
	v14 =	vmov s7;
	s7 =	simm.s32 @!p0 $0x10700;
	s4 =	sadd.s32 @!p0 s3, s4  }
0x29c: {  	[tilespmem:s7], [sflag:$0x3] =	stream.strided.gather @!p0 [hbm4b:s4+s8], $0x2000, s12, s8, $0x38;
	[tilespmem:$0x1A780] =	vst v63  }
0x29d: {  	_ =	swait.ge [sflag:s26], $0x2000  }
0x29e: {  	[sflag:s26] =	ssyncset.done $0x0  }
0x29f: {  	[sflag:s26] =	ssyncadd.s32 $0xFFFFE000  }
0x2a0: {  	v14 =	vld.idx.msk [tilespmem:v14+s11+$0x0], $0xffff;
	_ =	sdelay $0x4  }
0x2a1: {  	v14 =	vbroadcast v14, $0x0;
	_ =	sdelay $0x5  }
0x2a2: {  	v15 =	vld.idx.msk [tilespmem:v14+s21+$0x0], $0xffff  }
0x2a3: {  	v14 =	vld.idx.msk [tilespmem:v14+s19+$0x0], $0xffff;
	_ =	sdelay $0x3  }
0x2a4: {  	(v2sf) =	vpush v15, $0x0  }
0x2a5: {  	(v2sf) =	vpush v14, $0x0;
	_ =	sdelay $0xd  }
0x2a6: {  	s8 =	spop (v2sf)  }
0x2a7: {  	s7 =	spop (v2sf)  }
0x2a8: {  	p0 =	sge.s32 s8, s7  }
.Ltmp29:
0x2a9: {  	_ = 	snop;
	(pc) =	sbr.rel @p0 .LBB2_47-.Ltmp29, $1  }
0x2aa: {  	_ =	sdelay $0x3  }
0x2ab: {  	s12 =	sadd.s32 $0x1, s8  }
0x2ac: {  	p1 =	sne.s32 s7, s12  }
.Ltmp30:
0x2ad: {  	_ = 	snop;
	(pc) =	sbr.rel @!p1 .LBB2_43-.Ltmp30, $2  }
0x2ae: {  	_ =	sdelay $0x2  }
0x2af: {  	v14 =	vmov s8;
	p0 =	por $0x0, $0x0  }
0x2b0: {  	_ =	sdelay $0x3  }
0x2b1: {  	v14 =	vld.idx.msk [tilespmem:v14+s20+$0x0], $0xffff;
	_ =	sdelay $0x4  }
0x2b2: {  	(v2sf) =	vpush v14, $0x0;
	_ =	sdelay $0xe  }
0x2b3: {  	s4 =	spop (v2sf)  }
0x2b4: {  	s8 =	sand.u32 $0x7F, s4  }
0x2b5: {  	v14 =	vor.u32 s8, v4;
	_ =	sdelay $0x2  }
0x2b6: {  	v15 =	vmov s2  }
0x2b7: {  	v16 =	vshll.u32 v15, $0x7  }
0x2b8: {  	v17 =	vor.u32 v1, v16;
	v14 =	vld.idx.msk [tilespmem:v14+s17+$0x0], $0xffff  }
0x2b9: {  	v18 =	vor.u32 s8, v8;
	_ =	sdelay $0x3  }
0x2ba: {  	[tilespmem:v17+s22+$0x0] =	vst.idx.msk $0xffff, v14  }
0x2bb: {  	v59 =	vor.u32 v9, v16;
	v14 =	vld.idx.msk [tilespmem:v18+s17+$0x0], $0xffff  }
0x2bc: {  	v60 =	vor.u32 s8, v10;
	_ =	sdelay $0x3  }
0x2bd: {  	[tilespmem:v59+s22+$0x0] =	vst.idx.msk $0xffff, v14  }
0x2be: {  	v61 =	vor.u32 v11, v16;
	v14 =	vld.idx.msk [tilespmem:v60+s17+$0x0], $0xffff  }
0x2bf: {  	v62 =	vor.u32 s8, v12;
	_ =	sdelay $0x3  }
0x2c0: {  	[tilespmem:v61+s22+$0x0] =	vst.idx.msk $0xffff, v14  }
0x2c1: {  	v16 =	vor.u32 v13, v16;
	v14 =	vld.idx.msk [tilespmem:v62+s17+$0x0], $0xffff;
	_ =	sdelay $0x2  }
0x2c2: {  	s4 =	sshrl.u32 s4, $0x7;
	s8 =	sadd.s32 $0x1, s12  }
0x2c3: {  	s2 =	sadd.s32 $0x1, s2;
	s4 =	sand.u32 $0x3FFF, s4;
	p1 =	sne.s32 s7, s8  }
.Ltmp31:
0x2c4: {  	p2 =	sne.s32 s2, $0x80;
	v63 =	vmov s4;
	[tilespmem:v16+s22+$0x0] =	vst.idx.msk $0xffff, v14;
	(pc) =	sbr.rel @!p1 .LBB2_46-.Ltmp31, $4  }
0x2c5: {  	s13 =	simm.s32 @!p2 $0x1A700;
	s29 =	simm.s32 @!p2 $0x16700;
	s4 =	simm.s32 @!p2 $0x80;
	[tilespmem:v15+s23+$0x0] =	vst.idx.msk $0x1, v63  }
0x2c6: {  	v14 =	vmov s12;
	[hbm4b:s6+s4] =	stream.indirect.scatter @!p2 [tilespmem:s29], [sflag:$0x6], $0x80, s13, s4, $0xb8;
	[tilespmem:$0x1A780] =	vst v63  }
0x2c7: {  	p0 =	seq.s32 s2, $0x80;
	s13 =	simm.s32 @!p2 $0x6  }
0x2c8: {  	s2 =	simm.s32 @p0 $0x0;
	p0 =	por $0x1, $0x1;
	_ =	swait.ge @!p2 [sflag:s13], $0x4000  }
.LBB2_45:
0x2c9: {  	[sflag:s13] =	ssyncset.done @!p2 $0x0;
	s12 =	smov.u32 s8;
	s8 =	sadd.s32 $0x1, s8  }
0x2ca: {  	p1 =	sne.s32 s7, s8;
	[sflag:s13] =	ssyncadd.s32 @!p2 $0xFFFFC000  }
0x2cb: {  	v14 =	vld.idx.msk [tilespmem:v14+s20+$0x0], $0xffff;
	_ =	sdelay $0x5  }
0x2cc: {  	(v2sf) =	vpush v14, $0x0;
	_ =	sdelay $0xe  }
0x2cd: {  	s4 =	spop (v2sf)  }
0x2ce: {  	s13 =	sand.u32 $0x7F, s4;
	s4 =	sshrl.u32 s4, $0x7  }
0x2cf: {  	v14 =	vor.u32 s13, v4;
	_ =	sdelay $0x2  }
0x2d0: {  	v15 =	vmov s2  }
0x2d1: {  	v16 =	vshll.u32 v15, $0x7  }
0x2d2: {  	v17 =	vor.u32 v1, v16;
	v14 =	vld.idx.msk [tilespmem:v14+s17+$0x0], $0xffff  }
0x2d3: {  	v18 =	vor.u32 s13, v8;
	_ =	sdelay $0x4  }
0x2d4: {  	[tilespmem:v17+s22+$0x0] =	vst.idx.msk $0xffff, v14  }
0x2d5: {  	v17 =	vor.u32 v9, v16;
	v14 =	vld.idx.msk [tilespmem:v18+s17+$0x0], $0xffff  }
0x2d6: {  	v18 =	vor.u32 s13, v10;
	_ =	sdelay $0x4  }
0x2d7: {  	[tilespmem:v17+s22+$0x0] =	vst.idx.msk $0xffff, v14  }
0x2d8: {  	v17 =	vor.u32 v11, v16;
	v14 =	vld.idx.msk [tilespmem:v18+s17+$0x0], $0xffff  }
0x2d9: {  	v18 =	vor.u32 s13, v12;
	_ =	sdelay $0x4  }
0x2da: {  	[tilespmem:v17+s22+$0x0] =	vst.idx.msk $0xffff, v14  }
0x2db: {  	v16 =	vor.u32 v13, v16;
	v17 =	vld.idx.msk [tilespmem:v18+s17+$0x0], $0xffff;
	_ =	sdelay $0x3  }
0x2dc: {  	s2 =	sadd.s32 $0x1, s2;
	s4 =	sand.u32 $0x3FFF, s4  }
.Ltmp32:
0x2dd: {  	p2 =	sne.s32 s2, $0x80;
	p3 =	seq.s32 s2, $0x80;
	v18 =	vmov s4;
	(pc) =	sbr.rel @p1 .LBB2_45-.Ltmp32, $4  }
0x2de: {  	s29 =	simm.s32 @!p2 $0x16700;
	v14 =	vmov s12;
	s12 =	simm.s32 @!p2 $0x1A700;
	s4 =	simm.s32 @!p2 $0x80;
	[tilespmem:v16+s22+$0x0] =	vst.idx.msk $0xffff, v17  }
0x2df: {  	s2 =	simm.s32 @p3 $0x0;
	s13 =	simm.s32 @!p2 $0x6;
	[tilespmem:v15+s23+$0x0] =	vst.idx.msk $0x1, v18  }
0x2e0: {  	[hbm4b:s6+s4] =	stream.indirect.scatter @!p2 [tilespmem:s29], [sflag:$0x6], $0x80, s12, s4, $0xb8;
	[tilespmem:$0x1A780] =	vst v63  }
0x2e1: {  	_ =	swait.ge @!p2 [sflag:s13], $0x4000  }
.LBB2_46:
0x2e2: {  	_ = 	snop  }
0x2e3: {  	p0 =	por p2, !p0  }
0x2e4: {  	[sflag:s13] =	ssyncset.done @!p0 $0x0  }
0x2e5: {  	[sflag:s13] =	ssyncadd.s32 @!p0 $0xFFFFC000  }
0x2e6: {  	v14 =	vld.idx.msk [tilespmem:v14+s20+$0x0], $0xffff;
	_ =	sdelay $0x4  }
0x2e7: {  	(v2sf) =	vpush v14, $0x0;
	_ =	sdelay $0xe  }
0x2e8: {  	s4 =	spop (v2sf)  }
0x2e9: {  	s7 =	sand.u32 $0x7F, s4  }
0x2ea: {  	v14 =	vor.u32 s7, v4;
	_ =	sdelay $0x2  }
0x2eb: {  	v15 =	vmov s2  }
0x2ec: {  	v16 =	vshll.u32 v15, $0x7  }
0x2ed: {  	v17 =	vor.u32 v1, v16;
	v14 =	vld.idx.msk [tilespmem:v14+s17+$0x0], $0xffff  }
0x2ee: {  	v18 =	vor.u32 s7, v8;
	_ =	sdelay $0x3  }
0x2ef: {  	[tilespmem:v17+s22+$0x0] =	vst.idx.msk $0xffff, v14  }
0x2f0: {  	v59 =	vor.u32 v9, v16;
	v14 =	vld.idx.msk [tilespmem:v18+s17+$0x0], $0xffff  }
0x2f1: {  	v60 =	vor.u32 s7, v10;
	_ =	sdelay $0x3  }
0x2f2: {  	[tilespmem:v59+s22+$0x0] =	vst.idx.msk $0xffff, v14  }
0x2f3: {  	v61 =	vor.u32 v11, v16;
	v14 =	vld.idx.msk [tilespmem:v60+s17+$0x0], $0xffff  }
0x2f4: {  	v62 =	vor.u32 s7, v12;
	_ =	sdelay $0x3  }
0x2f5: {  	[tilespmem:v61+s22+$0x0] =	vst.idx.msk $0xffff, v14  }
0x2f6: {  	v16 =	vor.u32 v13, v16;
	v14 =	vld.idx.msk [tilespmem:v62+s17+$0x0], $0xffff;
	_ =	sdelay $0x2  }
0x2f7: {  	s2 =	sadd.s32 $0x1, s2;
	s4 =	sshrl.u32 s4, $0x7  }
0x2f8: {  	p0 =	sne.s32 s2, $0x80;
	s4 =	sand.u32 $0x3FFF, s4  }
0x2f9: {  	s8 =	simm.s32 @!p0 $0x16700;
	v63 =	vmov s4;
	[tilespmem:v16+s22+$0x0] =	vst.idx.msk $0xffff, v14  }
0x2fa: {  	s12 =	simm.s32 @!p0 $0x6;
	s7 =	simm.s32 @!p0 $0x1A700;
	s4 =	simm.s32 @!p0 $0x80;
	[tilespmem:v15+s23+$0x0] =	vst.idx.msk $0x1, v63  }
0x2fb: {  	[hbm4b:s6+s4] =	stream.indirect.scatter @!p0 [tilespmem:s8], [sflag:$0x6], $0x80, s7, s4, $0xb8;
	[tilespmem:$0x1A780] =	vst v63  }
0x2fc: {  	_ =	swait.ge @!p0 [sflag:s12], $0x4000  }
0x2fd: {  	p1 =	seq.s32 s2, $0x80;
	[sflag:s12] =	ssyncset.done @!p0 $0x0  }
0x2fe: {  	s2 =	simm.s32 @p1 $0x0;
	[sflag:s12] =	ssyncadd.s32 @!p0 $0xFFFFC000  }
.LBB2_47:
0x2ff: {  	s4 =	sadd.s32 $0x8, s1  }
0x300: {  	p0 =	sge.s32 s4, s31  }
0x301: {  	v14 =	vmov @!p0 s4;
	_ =	sdelay $0x3  }
0x302: {  	s4 =	simm.s32 @!p0 $0xC580  }
0x303: {  	v14 =	vld.idx.msk @!p0 [tilespmem:v14+s4+$0x0], $0xffff;
	_ =	sdelay $0x4  }
0x304: {  	(v2sf) =	vpush @!p0 v14, $0x0;
	_ =	sdelay $0xe  }
0x305: {  	s4 =	spop @!p0 (v2sf)  }
0x306: {  	s4 =	sadd.s32 @!p0 s5, s4  }
0x307: {  	s4 =	sshll.u32 @!p0 s4, $0x7  }
0x308: {  	s7 =	sadd.s32 $0x4, s1;
	s8 =	simm.s32 @!p0 $0x400;
	s4 =	sand.u32 @!p0 $0x1FFFFF80, s4  }
0x309: {  	s12 =	simm.s32 @!p0 $0x7A1400;
	v14 =	vmov s7;
	s7 =	simm.s32 @!p0 $0x12700;
	s4 =	sadd.s32 @!p0 s3, s4  }
0x30a: {  	[tilespmem:s7], [sflag:$0x4] =	stream.strided.gather @!p0 [hbm4b:s4+s8], $0x2000, s12, s8, $0x38;
	[tilespmem:$0x1A780] =	vst v63  }
0x30b: {  	_ =	swait.ge [sflag:s28], $0x2000  }
0x30c: {  	[sflag:s28] =	ssyncset.done $0x0  }
0x30d: {  	[sflag:s28] =	ssyncadd.s32 $0xFFFFE000  }
0x30e: {  	v14 =	vld.idx.msk [tilespmem:v14+s11+$0x0], $0xffff;
	_ =	sdelay $0x4  }
0x30f: {  	v14 =	vbroadcast v14, $0x0;
	_ =	sdelay $0x5  }
0x310: {  	v15 =	vld.idx.msk [tilespmem:v14+s21+$0x0], $0xffff  }
0x311: {  	v14 =	vld.idx.msk [tilespmem:v14+s19+$0x0], $0xffff;
	_ =	sdelay $0x3  }
0x312: {  	(v2sf) =	vpush v15, $0x0  }
0x313: {  	(v2sf) =	vpush v14, $0x0;
	_ =	sdelay $0xd  }
0x314: {  	s8 =	spop (v2sf)  }
0x315: {  	s7 =	spop (v2sf)  }
0x316: {  	p0 =	sge.s32 s8, s7  }
.Ltmp33:
0x317: {  	_ = 	snop;
	(pc) =	sbr.rel @p0 .LBB2_53-.Ltmp33, $1  }
0x318: {  	_ =	sdelay $0x3  }
0x319: {  	s12 =	sadd.s32 $0x1, s8  }
0x31a: {  	p1 =	sne.s32 s7, s12  }
.Ltmp34:
0x31b: {  	_ = 	snop;
	(pc) =	sbr.rel @!p1 .LBB2_49-.Ltmp34, $2  }
0x31c: {  	_ =	sdelay $0x2  }
0x31d: {  	v14 =	vmov s8;
	p0 =	por $0x0, $0x0  }
0x31e: {  	_ =	sdelay $0x3  }
0x31f: {  	v14 =	vld.idx.msk [tilespmem:v14+s20+$0x0], $0xffff;
	_ =	sdelay $0x4  }
0x320: {  	(v2sf) =	vpush v14, $0x0;
	_ =	sdelay $0xe  }
0x321: {  	s4 =	spop (v2sf)  }
0x322: {  	s8 =	sand.u32 $0x7F, s4  }
0x323: {  	v14 =	vor.u32 s8, v4;
	_ =	sdelay $0x2  }
0x324: {  	v15 =	vmov s2  }
0x325: {  	v16 =	vshll.u32 v15, $0x7  }
0x326: {  	v17 =	vor.u32 v1, v16;
	v14 =	vld.idx.msk [tilespmem:v14+s18+$0x0], $0xffff  }
0x327: {  	v18 =	vor.u32 s8, v8;
	_ =	sdelay $0x3  }
0x328: {  	[tilespmem:v17+s22+$0x0] =	vst.idx.msk $0xffff, v14  }
0x329: {  	v59 =	vor.u32 v9, v16;
	v14 =	vld.idx.msk [tilespmem:v18+s18+$0x0], $0xffff  }
0x32a: {  	v60 =	vor.u32 s8, v10;
	_ =	sdelay $0x3  }
0x32b: {  	[tilespmem:v59+s22+$0x0] =	vst.idx.msk $0xffff, v14  }
0x32c: {  	v61 =	vor.u32 v11, v16;
	v14 =	vld.idx.msk [tilespmem:v60+s18+$0x0], $0xffff  }
0x32d: {  	v62 =	vor.u32 s8, v12;
	_ =	sdelay $0x3  }
0x32e: {  	[tilespmem:v61+s22+$0x0] =	vst.idx.msk $0xffff, v14  }
0x32f: {  	v16 =	vor.u32 v13, v16;
	v14 =	vld.idx.msk [tilespmem:v62+s18+$0x0], $0xffff;
	_ =	sdelay $0x2  }
0x330: {  	s4 =	sshrl.u32 s4, $0x7;
	s8 =	sadd.s32 $0x1, s12  }
0x331: {  	s2 =	sadd.s32 $0x1, s2;
	s4 =	sand.u32 $0x3FFF, s4;
	p1 =	sne.s32 s7, s8  }
.Ltmp35:
0x332: {  	p2 =	sne.s32 s2, $0x80;
	v63 =	vmov s4;
	[tilespmem:v16+s22+$0x0] =	vst.idx.msk $0xffff, v14;
	(pc) =	sbr.rel @!p1 .LBB2_52-.Ltmp35, $4  }
0x333: {  	s13 =	simm.s32 @!p2 $0x1A700;
	s29 =	simm.s32 @!p2 $0x16700;
	s4 =	simm.s32 @!p2 $0x80;
	[tilespmem:v15+s23+$0x0] =	vst.idx.msk $0x1, v63  }
0x334: {  	v14 =	vmov s12;
	[hbm4b:s6+s4] =	stream.indirect.scatter @!p2 [tilespmem:s29], [sflag:$0x6], $0x80, s13, s4, $0xb8;
	[tilespmem:$0x1A780] =	vst v63  }
0x335: {  	p0 =	seq.s32 s2, $0x80;
	s13 =	simm.s32 @!p2 $0x6  }
0x336: {  	s2 =	simm.s32 @p0 $0x0;
	p0 =	por $0x1, $0x1;
	_ =	swait.ge @!p2 [sflag:s13], $0x4000  }
.LBB2_51:
0x337: {  	[sflag:s13] =	ssyncset.done @!p2 $0x0;
	s12 =	smov.u32 s8;
	s8 =	sadd.s32 $0x1, s8  }
0x338: {  	p1 =	sne.s32 s7, s8;
	[sflag:s13] =	ssyncadd.s32 @!p2 $0xFFFFC000  }
0x339: {  	v14 =	vld.idx.msk [tilespmem:v14+s20+$0x0], $0xffff;
	_ =	sdelay $0x5  }
0x33a: {  	(v2sf) =	vpush v14, $0x0;
	_ =	sdelay $0xe  }
0x33b: {  	s4 =	spop (v2sf)  }
0x33c: {  	s13 =	sand.u32 $0x7F, s4;
	s4 =	sshrl.u32 s4, $0x7  }
0x33d: {  	v14 =	vor.u32 s13, v4;
	_ =	sdelay $0x2  }
0x33e: {  	v15 =	vmov s2  }
0x33f: {  	v16 =	vshll.u32 v15, $0x7  }
0x340: {  	v17 =	vor.u32 v1, v16;
	v14 =	vld.idx.msk [tilespmem:v14+s18+$0x0], $0xffff  }
0x341: {  	v18 =	vor.u32 s13, v8;
	_ =	sdelay $0x4  }
0x342: {  	[tilespmem:v17+s22+$0x0] =	vst.idx.msk $0xffff, v14  }
0x343: {  	v17 =	vor.u32 v9, v16;
	v14 =	vld.idx.msk [tilespmem:v18+s18+$0x0], $0xffff  }
0x344: {  	v18 =	vor.u32 s13, v10;
	_ =	sdelay $0x4  }
0x345: {  	[tilespmem:v17+s22+$0x0] =	vst.idx.msk $0xffff, v14  }
0x346: {  	v17 =	vor.u32 v11, v16;
	v14 =	vld.idx.msk [tilespmem:v18+s18+$0x0], $0xffff  }
0x347: {  	v18 =	vor.u32 s13, v12;
	_ =	sdelay $0x4  }
0x348: {  	[tilespmem:v17+s22+$0x0] =	vst.idx.msk $0xffff, v14  }
0x349: {  	v16 =	vor.u32 v13, v16;
	v17 =	vld.idx.msk [tilespmem:v18+s18+$0x0], $0xffff;
	_ =	sdelay $0x3  }
0x34a: {  	s2 =	sadd.s32 $0x1, s2;
	s4 =	sand.u32 $0x3FFF, s4  }
.Ltmp36:
0x34b: {  	p2 =	sne.s32 s2, $0x80;
	p3 =	seq.s32 s2, $0x80;
	v18 =	vmov s4;
	(pc) =	sbr.rel @p1 .LBB2_51-.Ltmp36, $4  }
0x34c: {  	s29 =	simm.s32 @!p2 $0x16700;
	v14 =	vmov s12;
	s12 =	simm.s32 @!p2 $0x1A700;
	s4 =	simm.s32 @!p2 $0x80;
	[tilespmem:v16+s22+$0x0] =	vst.idx.msk $0xffff, v17  }
0x34d: {  	s2 =	simm.s32 @p3 $0x0;
	s13 =	simm.s32 @!p2 $0x6;
	[tilespmem:v15+s23+$0x0] =	vst.idx.msk $0x1, v18  }
0x34e: {  	[hbm4b:s6+s4] =	stream.indirect.scatter @!p2 [tilespmem:s29], [sflag:$0x6], $0x80, s12, s4, $0xb8;
	[tilespmem:$0x1A780] =	vst v63  }
0x34f: {  	_ =	swait.ge @!p2 [sflag:s13], $0x4000  }
.Ltmp37:
0x350: {  	_ = 	snop;
	(pc) =	sbr.rel .LBB2_52-.Ltmp37, $1  }
0x351: {  	_ =	sdelay $0x3  }
.LBB2_25:
.Ltmp38:
0x352: {  	(pc) =	sbr.rel .LBB2_28-.Ltmp38, $2  }
0x353: {  	_ =	sdelay $0x2  }
0x354: {  	_ = 	snop  }
.LBB2_31:
.Ltmp39:
0x355: {  	(pc) =	sbr.rel .LBB2_34-.Ltmp39, $2  }
0x356: {  	_ =	sdelay $0x2  }
0x357: {  	_ = 	snop  }
.LBB2_37:
.Ltmp40:
0x358: {  	(pc) =	sbr.rel .LBB2_40-.Ltmp40, $2  }
0x359: {  	_ =	sdelay $0x2  }
0x35a: {  	_ = 	snop  }
.LBB2_43:
.Ltmp41:
0x35b: {  	(pc) =	sbr.rel .LBB2_46-.Ltmp41, $2  }
0x35c: {  	_ =	sdelay $0x2  }
0x35d: {  	_ = 	snop  }
.LBB2_9:
.Ltmp42:
0x35e: {  	(pc) =	sbr.rel .LBB2_13-.Ltmp42, $2  }
0x35f: {  	_ =	sdelay $0x2  }
0x360: {  	s2 =	simm.s32 $0x0;
	s7 =	simm.s32 $0x0  }
.LBB2_5:
.Ltmp43:
0x361: {  	(pc) =	sbr.rel .LBB2_8-.Ltmp43, $2  }
0x362: {  	_ =	sdelay $0x2  }
0x363: {  	s7 =	simm.s32 $0x40  }
.LBB2_11:
.Ltmp44:
0x364: {  	(pc) =	sbr.rel .LBB2_13-.Ltmp44, $2  }
0x365: {  	_ =	sdelay $0x2  }
0x366: {  	s7 =	simm.s32 $0x0  }
.LBB2_17:
.Ltmp45:
0x367: {  	(pc) =	sbr.rel .LBB2_21-.Ltmp45, $2  }
0x368: {  	_ =	sdelay $0x2  }
0x369: {  	s1 =	simm.s32 $0x0  }
.LBB2_19:
.Ltmp46:
0x36a: {  	(pc) =	sbr.rel .LBB2_21-.Ltmp46, $2  }
0x36b: {  	_ =	sdelay $0x2  }
0x36c: {  	s1 =	simm.s32 $0x0  }
.LBB2_56:
0x36d: {  	_ =	sfence.sel $0x180000  }
0x36e: {  	[bflag:$0x0] =	sbarrier.arrive $0xFFFF  }
0x36f: {  	_ =	strace $0x90000047  }
0x370: {  	s0 =	stileid.u32;
	[bflag:$0x2] =	sbarrier.arrive $0xFFFF  }
0x371: {  	p0 =	sne.s32 s0, $0x0;
	s0 =	rddreg [dreg:$0x3]  }
0x372: {  	s0 =	sadd.s32 @!p0 $0x100000, s0  }
0x373: {  	[sflag:s0] =	ssyncadd.tile.s32 @!p0 $0x1;
	_ =	shalt  }
.Lfunc_end2:
_tile_overlayer_lowered:
.L_overlay_start_2:
0x374: {  	(tag) =	ssettag $0x2  }
0x375: {  	s0 =	rddreg [dreg:$0x0];
	s2 =	stileid.u32  }
0x376: {  	s1 =	rddreg [dreg:$0x1];
	p0 =	sne.s32 s2, $0x0  }
0x377: {  	s3 =	rddreg [dreg:$0x2];
	[bflag:$0x3] =	sbarrier.arrive $0xFFFF;
	s2 =	simm.s32 @!p0 $0x1C07  }
0x378: {  	[timem:s3], [sflag:s2] =	dma.local @!p0 [hbm:s0], s1  }
0x379: {  	s0 =	simm.s32 @!p0 $0x7  }
0x37a: {  	_ =	swait.ge @!p0 [sflag:s0], s1  }
0x37b: {  	s1 =	ssub.s32 @!p0 $0x0, s1;
	[sflag:s0] =	ssyncset.done @!p0 $0x0  }
0x37c: {  	[sflag:s0] =	ssyncadd.s32 @!p0 s1  }
0x37d: {  	[bflag:$0x3] =	sbarrier.arrive $0xFFFF  }
0x37e: {  	_ =	shalt  }

</sc_bundles>
